<compile_context>
chip_gen: v7x
topology: tpu7x:2x2x1
jax: 0.10.2.dev20260603
libtpu: 0.0.44.dev20260713+nightly
codegen_flags: <defaults>
</compile_context>

<pallas_src>
import functools

import jax
import jax.numpy as jnp
from jax import lax
from jax.experimental import pallas as pl
from jax.experimental.pallas import tpu as pltpu
from jax.experimental.pallas import tpu_sc as plsc

NPTS = 360
NGT = 360
NP_PAD = 384
N_CHUNKS = NP_PAD // 16
NLVL = 3
NPOLY = 32
WEIGHTS = (0.2, 0.3, 0.5)
GROUP = 8
SC_LEVELS = 1
TC_LEVELS = NLVL - SC_LEVELS
SC_LANES = 128
SC_CHUNKS = SC_LANES // 16
TC0_LANES = NP_PAD - SC_LANES

_mesh = plsc.VectorSubcoreMesh(core_axis_name="c", subcore_axis_name="s")


@functools.partial(
    pl.kernel,
    mesh=_mesh,
    out_type=jax.ShapeDtypeStruct((SC_LEVELS, NPOLY, SC_LANES), jnp.float32),
    scratch_types=[
        pltpu.VMEM((NP_PAD,), jnp.float32),
        pltpu.VMEM((NP_PAD,), jnp.float32),
        pltpu.VMEM((NGT * 2 + 48,), jnp.float32),
        pltpu.VMEM((NGT * 16,), jnp.float32),
        pltpu.VMEM((NGT * 16,), jnp.float32),
        pltpu.VMEM((NGT * 16,), jnp.float32),
        pltpu.VMEM((SC_LANES,), jnp.float32),
    ],
)
def _sc_min_d2(predx, predy, gxy, out,
               px_v, py_v, gxy_v, ax_v, ay_v, c_v, min_v):
    wid = lax.axis_index("s") * 2 + lax.axis_index("c")
    pltpu.sync_copy(gxy.at[wid], gxy_v)

    ones = jnp.full((16,), 1.0, jnp.float32)

    def prep(j, _):
        pair = gxy_v[pl.ds(j * 2, 16)]
        gx = pair[0]
        gy = pair[1]
        ax_v[pl.ds(j * 16, 16)] = ones * (gx * (-2.0))
        ay_v[pl.ds(j * 16, 16)] = ones * (gy * (-2.0))
        c_v[pl.ds(j * 16, 16)] = ones * (gx * gx + gy * gy)
        return 0

    lax.fori_loop(0, NGT, prep, 0, unroll=4)

    for n in range(SC_LEVELS):
        pltpu.sync_copy(predx.at[n, wid], px_v)
        pltpu.sync_copy(predy.at[n, wid], py_v)
        for g in range(0, SC_CHUNKS, GROUP):
            k = min(GROUP, SC_CHUNKS - g)
            pxs = [px_v[pl.ds((g + i) * 16, 16)] for i in range(k)]
            pys = [py_v[pl.ds((g + i) * 16, 16)] for i in range(k)]

            def body(j, accs, pxs=pxs, pys=pys, k=k):
                axj = ax_v[pl.ds(j * 16, 16)]
                ayj = ay_v[pl.ds(j * 16, 16)]
                cj = c_v[pl.ds(j * 16, 16)]
                new = []
                for i in range(k):
                    t = cj + axj * pxs[i] + ayj * pys[i]
                    new.append(jnp.minimum(accs[i], t))
                return tuple(new)

            acc0 = tuple(
                jnp.full((16,), jnp.inf, dtype=jnp.float32) for _ in range(k))
            accs = lax.fori_loop(0, NGT, body, acc0, unroll=6)
            for i in range(k):
                p2 = pxs[i] * pxs[i] + pys[i] * pys[i]
                min_v[pl.ds((g + i) * 16, 16)] = accs[i] + p2
        pltpu.sync_copy(min_v, out.at[n, wid])


SCALE = 1.0 / (NPTS * NPOLY * NLVL)
N_LVL0_BLKS = (NP_PAD - SC_LANES) // 128


def _tc_pair_body(*refs):
    lvl_refs = refs[0:2 * TC_LEVELS]
    lvl0_refs = refs[2 * TC_LEVELS:2 * TC_LEVELS + 2 * N_LVL0_BLKS]
    gx_ref, gy_ref = refs[-4], refs[-3]
    o_ref, o0_ref = refs[-2], refs[-1]

    gxt = jnp.transpose(gx_ref[...])
    gyt = jnp.transpose(gy_ref[...])

    def poly_min(px, py, gxc, gyc):
        dx = gxc - px
        dy = gyc - py
        d2 = dx * dx + dy * dy
        return jnp.min(d2, axis=0, keepdims=True)

    for p in range(NPOLY):
        gxc = gxt[:, p:p + 1]
        gyc = gyt[:, p:p + 1]
        for n in range(TC_LEVELS):
            pxb = lvl_refs[2 * n][0]
            pyb = lvl_refs[2 * n + 1][0]
            m = poly_min(pxb[p:p + 1], pyb[p:p + 1], gxc, gyc)
            o_ref[n, p:p + 1, :] = m
        for b in range(N_LVL0_BLKS):
            px0b = lvl0_refs[2 * b][0]
            py0b = lvl0_refs[2 * b + 1][0]
            m = poly_min(px0b[p:p + 1], py0b[p:p + 1], gxc, gyc)
            o0_ref[p:p + 1, pl.ds(b * 128, 128)] = m


_tc_pair = pl.pallas_call(
    _tc_pair_body,
    grid=(1,),
    in_specs=(
        [
            pl.BlockSpec((1, NPOLY, NP_PAD),
                         functools.partial(
                             lambda n, *_: (n + SC_LEVELS, 0, 0), n))
            for n in range(TC_LEVELS) for _ in range(2)
        ]
        + [
            pl.BlockSpec((1, NPOLY, 128),
                         functools.partial(
                             lambda b, *_: (0, 0, SC_LANES // 128 + b), b))
            for b in range(N_LVL0_BLKS) for _ in range(2)
        ]
        + [
            pl.BlockSpec((NPOLY, NGT), lambda *_: (0, 0)),
            pl.BlockSpec((NPOLY, NGT), lambda *_: (0, 0)),
        ]
    ),
    out_specs=[
        pl.BlockSpec((TC_LEVELS, NPOLY, NP_PAD), lambda *_: (0, 0, 0)),
        pl.BlockSpec((NPOLY, NP_PAD - SC_LANES), lambda *_: (0, 0)),
    ],
    out_shape=[
        jax.ShapeDtypeStruct((TC_LEVELS, NPOLY, NP_PAD), jnp.float32),
        jax.ShapeDtypeStruct((NPOLY, NP_PAD - SC_LANES), jnp.float32),
    ],
)


def _tc_reduce_body(dsc_ref, dtc_ref, dtc0_ref, o_ref):
    def weighted(d2, lvl0, lane0):
        d = jnp.sqrt(jnp.maximum(d2, 0.0))
        row = lax.broadcasted_iota(jnp.int32, d.shape, 0)
        lane = lax.broadcasted_iota(jnp.int32, d.shape, 1)
        lvl = row // NPOLY + lvl0
        w = jnp.where(lvl == 0, WEIGHTS[0] * SCALE,
                      jnp.where(lvl == 1, WEIGHTS[1] * SCALE,
                                WEIGHTS[2] * SCALE))
        return jnp.sum(jnp.where(lane + lane0 < NPTS, d * w, 0.0))

    o_ref[0, 0] = (weighted(dsc_ref[...], 0, 0) +
                   weighted(dtc_ref[...], SC_LEVELS, 0) +
                   weighted(dtc0_ref[...], 0, SC_LANES))


_tc_reduce = pl.pallas_call(
    _tc_reduce_body,
    out_shape=jax.ShapeDtypeStruct((1, 1), jnp.float32),
    out_specs=pl.BlockSpec(memory_space=pltpu.SMEM),
)


def kernel(pred, gt):
    pts = pred[:, 0, :, :, 1:]
    predx = jnp.pad(pts[..., 0], ((0, 0), (0, 0), (0, NP_PAD - NPTS)))
    predy = jnp.pad(pts[..., 1], ((0, 0), (0, 0), (0, NP_PAD - NPTS)))
    gtx = gt[0, :, :, 0]
    gty = gt[0, :, :, 1]
    gxy = jnp.pad(gt[0].reshape(NPOLY, NGT * 2),
                  ((0, 0), (0, 48)))
    d2_sc = _sc_min_d2(predx, predy, gxy)
    d2_tc, d2_tc0 = _tc_pair(*([predx, predy] * TC_LEVELS),
                             *([predx, predy] * N_LVL0_BLKS), gtx, gty)
    loss = _tc_reduce(d2_sc.reshape(NPOLY, SC_LANES),
                      d2_tc.reshape(TC_LEVELS * NPOLY, NP_PAD),
                      d2_tc0)
    return loss[0, 0]

# --- scband reference (transcript-rebuilt; emitter-appended) ---
"""Pipeline reference for scband-tomatch-22033182228987 (READ-ONLY COPY).

The authoritative reference and input builder live on the scoring server;
editing this copy changes nothing except your own understanding.
"""

import jax, jax.numpy as jnp
import numpy as np


def setup_inputs(seed: int = 0) -> dict:
    key = jax.random.key(seed)
    k1, k2 = jax.random.split(key)
    pred = jax.random.normal(k1, (3, 1, 32, 360, 3), dtype=jnp.float32)
    gt = jax.random.normal(k2, (1, 32, 360, 2), dtype=jnp.float32)
    return {"pred": pred, "gt": gt}


def reference(pred, gt):
    # Faithful vectorized translation of tomatch.forward.
    # Original: for each level n (weight [0.2,0.3,0.5]), for each polygon i,
    # for each pred point p: loss += min_j ||gt_poly[j] - p[1:]||_2
    #                                / Np / P / L * weight[n]
    weight = [0.2, 0.3, 0.5]
    L = pred.shape[0]
    gts = jnp.squeeze(gt, axis=0)                     # [P, G, 2]
    loss = jnp.float32(0.0)
    for n in range(L):
        preds = jnp.squeeze(pred[n], axis=0)          # [P, Np, 3]
        pts = preds[..., 1:]                          # [P, Np, 2]  (pred_point[1:])
        P = pts.shape[0]
        Np = pts.shape[1]
        diff = pts[:, :, None, :] - gts[:, None, :, :]  # [P, Np, G, 2]
        dist = jnp.sqrt(jnp.sum(diff * diff, axis=-1))  # [P, Np, G]  torch.norm p=2 dim=1
        mins = jnp.min(dist, axis=-1)                   # [P, Np]
        loss = loss + jnp.sum(mins) / Np / P / L * weight[n]
    return loss

if __name__ == "__main__":
    import jax
    _d = setup_inputs()
    print(jax.jit(kernel)(*tuple(_d.values())))

</pallas_src>

<mosaic_0001>
#map = affine_map<(d0, d1) -> (0, 0, 0)>
#map1 = affine_map<(d0, d1) -> (0, 0)>
module attributes {stable_mosaic.version = 14 : i64} {
  func.func @_sc_min_d2(%arg0: i32, %arg1: i32, %arg2: memref<3x32x384xf32, #tpu.memory_space<hbm>>, %arg3: memref<3x32x384xf32, #tpu.memory_space<hbm>>, %arg4: memref<32x768xf32, #tpu.memory_space<hbm>>, %arg5: memref<1x32x128xf32, #tpu.memory_space<hbm>>, %arg6: memref<384xf32, #tpu.memory_space<vmem>>, %arg7: memref<384xf32, #tpu.memory_space<vmem>>, %arg8: memref<768xf32, #tpu.memory_space<vmem>>, %arg9: memref<5760xf32, #tpu.memory_space<vmem>>, %arg10: memref<5760xf32, #tpu.memory_space<vmem>>, %arg11: memref<5760xf32, #tpu.memory_space<vmem>>, %arg12: memref<128xf32, #tpu.memory_space<vmem>>) attributes {dimension_semantics = [#tpu.dimension_semantics<core_parallel>, #tpu.dimension_semantics<subcore_parallel>], iteration_bounds = array<i64: 2, 16>, scalar_prefetch = 0 : i64, scratch_operands = 7 : i64, tpu.core_type = #tpu.core_type<sc_vector_subcore>, window_params = [{transform_indices = #map}, {transform_indices = #map}, {transform_indices = #map1}, {transform_indices = #map}]} {
    %mul3A = arith.constant 2 : i32
    %mul3A_0 = arith.muli %arg1, %mul3A : i32
    %add3A = arith.addi %mul3A_0, %arg0 : i32
    "tpu.region"() ({
      %run_scoped3A_142 = tpu.sem_alloc : memref<!tpu.dma_semaphore, #tpu.memory_space<semaphore_mem>>
      %dma_start3A = arith.constant 0 : i32
      %dma_start3A_143 = tpu.memref_slice %arg4[%add3A, %dma_start3A] : memref<32x768xf32, #tpu.memory_space<hbm>> -> memref<1x768xf32, #tpu.memory_space<hbm>>
      %dma_start3A_144 = tpu.memref_squeeze %dma_start3A_143 : memref<1x768xf32, #tpu.memory_space<hbm>> -> memref<768xf32, #tpu.memory_space<hbm>>
      %dma_start3A_145 = arith.constant 0 : i32
      %dma_start3A_146 = tpu.memref_slice %arg4[%add3A, %dma_start3A_145] : memref<32x768xf32, #tpu.memory_space<hbm>> -> memref<1x768xf32, #tpu.memory_space<hbm>>
      %dma_start3A_147 = tpu.memref_squeeze %dma_start3A_146 : memref<1x768xf32, #tpu.memory_space<hbm>> -> memref<768xf32, #tpu.memory_space<hbm>>
      tpu.enqueue_dma source(%dma_start3A_147 : memref<768xf32, #tpu.memory_space<hbm>>) target(%arg8 : memref<768xf32, #tpu.memory_space<vmem>>) target_semaphore(%run_scoped3A_142 : memref<!tpu.dma_semaphore, #tpu.memory_space<semaphore_mem>>)
      %dma_wait3A = arith.constant 0 : i32
      %dma_wait3A_148 = tpu.memref_slice %arg4[%add3A, %dma_wait3A] : memref<32x768xf32, #tpu.memory_space<hbm>> -> memref<1x768xf32, #tpu.memory_space<hbm>>
      %dma_wait3A_149 = tpu.memref_squeeze %dma_wait3A_148 : memref<1x768xf32, #tpu.memory_space<hbm>> -> memref<768xf32, #tpu.memory_space<hbm>>
      %dma_wait3A_150 = arith.constant 0 : i32
      %dma_wait3A_151 = tpu.memref_slice %arg4[%add3A, %dma_wait3A_150] : memref<32x768xf32, #tpu.memory_space<hbm>> -> memref<1x768xf32, #tpu.memory_space<hbm>>
      %dma_wait3A_152 = tpu.memref_squeeze %dma_wait3A_151 : memref<1x768xf32, #tpu.memory_space<hbm>> -> memref<768xf32, #tpu.memory_space<hbm>>
      tpu.wait_dma2 semaphore(%run_scoped3A_142 : memref<!tpu.dma_semaphore, #tpu.memory_space<semaphore_mem>>) src(%dma_wait3A_152 : memref<768xf32, #tpu.memory_space<hbm>>) dst(%arg8 : memref<768xf32, #tpu.memory_space<vmem>>)
      tpu.yield
    }) : () -> ()
    %broadcast_in_dim3A = arith.constant 1.000000e+00 : f32
    %broadcast_in_dim3A_1 = vector.broadcast %broadcast_in_dim3A : f32 to vector<16xf32>
    %scan3A = arith.constant 0 : i32
    %scan3A_2 = arith.constant 0 : i32
    %scan3A_3 = arith.constant 360 : i32
    %scan3A_4 = arith.addi %scan3A_2, %scan3A_3 : i32
    %scan3A_5 = arith.constant 4 : i32
    %scan3A_6 = scf.for %scan3A_142 = %scan3A_2 to %scan3A_4 step %scan3A_5 iter_args(%scan3A_143 = %scan3A) -> (i32)  : i32 {
      %mul3A_144 = arith.constant 2 : i32
      %mul3A_145 = arith.muli %scan3A_142, %mul3A_144 : i32
      %get3A_146 = arith.index_cast %mul3A_145 : i32 to index
      %get3A_147 = tpu.vector_load %arg8[%get3A_146] {strides = array<i32>} : memref<768xf32, #tpu.memory_space<vmem>>, vector<16xf32>,
      %get3A_148 = vector.shape_cast %get3A_147 : vector<16xf32> to vector<16xf32>
      %slice3A = vector.extract_strided_slice %get3A_148 {offsets = [0], sizes = [1], strides = [1]} : vector<16xf32> to vector<1xf32>
      %squeeze3A = vector.extract %slice3A[0] : f32 from vector<1xf32>
      %slice3A_149 = vector.extract_strided_slice %get3A_148 {offsets = [1], sizes = [1], strides = [1]} : vector<16xf32> to vector<1xf32>
      %squeeze3A_150 = vector.extract %slice3A_149[0] : f32 from vector<1xf32>
      %mul3A_151 = arith.constant -2.000000e+00 : f32
      %mul3A_152 = arith.mulf %squeeze3A, %mul3A_151 : f32
      %mul3A_153 = vector.broadcast %mul3A_152 : f32 to vector<16xf32>
      %mul3A_154 = arith.mulf %broadcast_in_dim3A_1, %mul3A_153 : vector<16xf32>
      %mul3A_155 = arith.constant 16 : i32
      %mul3A_156 = arith.muli %scan3A_142, %mul3A_155 : i32
      %swap3A_157 = arith.index_cast %mul3A_156 : i32 to index
      %swap3A_158 = tpu.vector_load %arg9[%swap3A_157] {strides = array<i32>} : memref<5760xf32, #tpu.memory_space<vmem>>, vector<16xf32>,
      %swap3A_159 = vector.shape_cast %swap3A_158 : vector<16xf32> to vector<16xf32>
      %swap3A_160 = vector.shape_cast %mul3A_154 : vector<16xf32> to vector<16xf32>
      tpu.vector_store %arg9[%swap3A_157], %swap3A_160 {strides = array<i32>} : memref<5760xf32, #tpu.memory_space<vmem>>, vector<16xf32>,
      %mul3A_161 = arith.constant -2.000000e+00 : f32
      %mul3A_162 = arith.mulf %squeeze3A_150, %mul3A_161 : f32
      %mul3A_163 = vector.broadcast %mul3A_162 : f32 to vector<16xf32>
      %mul3A_164 = arith.mulf %broadcast_in_dim3A_1, %mul3A_163 : vector<16xf32>
      %mul3A_165 = arith.constant 16 : i32
      %mul3A_166 = arith.muli %scan3A_142, %mul3A_165 : i32
      %swap3A_167 = arith.index_cast %mul3A_166 : i32 to index
      %swap3A_168 = tpu.vector_load %arg10[%swap3A_167] {strides = array<i32>} : memref<5760xf32, #tpu.memory_space<vmem>>, vector<16xf32>,
      %swap3A_169 = vector.shape_cast %swap3A_168 : vector<16xf32> to vector<16xf32>
      %swap3A_170 = vector.shape_cast %mul3A_164 : vector<16xf32> to vector<16xf32>
      tpu.vector_store %arg10[%swap3A_167], %swap3A_170 {strides = array<i32>} : memref<5760xf32, #tpu.memory_space<vmem>>, vector<16xf32>,
      %mul3A_171 = arith.mulf %squeeze3A, %squeeze3A : f32
      %mul3A_172 = arith.mulf %squeeze3A_150, %squeeze3A_150 : f32
      %add3A_173 = arith.addf %mul3A_171, %mul3A_172 : f32
      %mul3A_174 = vector.broadcast %add3A_173 : f32 to vector<16xf32>
      %mul3A_175 = arith.mulf %broadcast_in_dim3A_1, %mul3A_174 : vector<16xf32>
      %mul3A_176 = arith.constant 16 : i32
      %mul3A_177 = arith.muli %scan3A_142, %mul3A_176 : i32
      %swap3A_178 = arith.index_cast %mul3A_177 : i32 to index
      %swap3A_179 = tpu.vector_load %arg11[%swap3A_178] {strides = array<i32>} : memref<5760xf32, #tpu.memory_space<vmem>>, vector<16xf32>,
      %swap3A_180 = vector.shape_cast %swap3A_179 : vector<16xf32> to vector<16xf32>
      %swap3A_181 = vector.shape_cast %mul3A_175 : vector<16xf32> to vector<16xf32>
      tpu.vector_store %arg11[%swap3A_178], %swap3A_181 {strides = array<i32>} : memref<5760xf32, #tpu.memory_space<vmem>>, vector<16xf32>,
      %scan3A_182 = arith.constant 0 : i32
      %scan3A_183 = arith.constant 1 : i32
      %scan3A_184 = arith.addi %scan3A_142, %scan3A_183 : i32
      %mul3A_185 = arith.constant 2 : i32
      %mul3A_186 = arith.muli %scan3A_184, %mul3A_185 : i32
      %get3A_187 = arith.index_cast %mul3A_186 : i32 to index
      %get3A_188 = tpu.vector_load %arg8[%get3A_187] {strides = array<i32>} : memref<768xf32, #tpu.memory_space<vmem>>, vector<16xf32>,
      %get3A_189 = vector.shape_cast %get3A_188 : vector<16xf32> to vector<16xf32>
      %slice3A_190 = vector.extract_strided_slice %get3A_189 {offsets = [0], sizes = [1], strides = [1]} : vector<16xf32> to vector<1xf32>
      %squeeze3A_191 = vector.extract %slice3A_190[0] : f32 from vector<1xf32>
      %slice3A_192 = vector.extract_strided_slice %get3A_189 {offsets = [1], sizes = [1], strides = [1]} : vector<16xf32> to vector<1xf32>
      %squeeze3A_193 = vector.extract %slice3A_192[0] : f32 from vector<1xf32>
      %mul3A_194 = arith.constant -2.000000e+00 : f32
      %mul3A_195 = arith.mulf %squeeze3A_191, %mul3A_194 : f32
      %mul3A_196 = vector.broadcast %mul3A_195 : f32 to vector<16xf32>
      %mul3A_197 = arith.mulf %broadcast_in_dim3A_1, %mul3A_196 : vector<16xf32>
      %mul3A_198 = arith.constant 16 : i32
      %mul3A_199 = arith.muli %scan3A_184, %mul3A_198 : i32
      %swap3A_200 = arith.index_cast %mul3A_199 : i32 to index
      %swap3A_201 = tpu.vector_load %arg9[%swap3A_200] {strides = array<i32>} : memref<5760xf32, #tpu.memory_space<vmem>>, vector<16xf32>,
      %swap3A_202 = vector.shape_cast %swap3A_201 : vector<16xf32> to vector<16xf32>
      %swap3A_203 = vector.shape_cast %mul3A_197 : vector<16xf32> to vector<16xf32>
      tpu.vector_store %arg9[%swap3A_200], %swap3A_203 {strides = array<i32>} : memref<5760xf32, #tpu.memory_space<vmem>>, vector<16xf32>,
      %mul3A_204 = arith.constant -2.000000e+00 : f32
      %mul3A_205 = arith.mulf %squeeze3A_193, %mul3A_204 : f32
      %mul3A_206 = vector.broadcast %mul3A_205 : f32 to vector<16xf32>
      %mul3A_207 = arith.mulf %broadcast_in_dim3A_1, %mul3A_206 : vector<16xf32>
      %mul3A_208 = arith.constant 16 : i32
      %mul3A_209 = arith.muli %scan3A_184, %mul3A_208 : i32
      %swap3A_210 = arith.index_cast %mul3A_209 : i32 to index
      %swap3A_211 = tpu.vector_load %arg10[%swap3A_210] {strides = array<i32>} : memref<5760xf32, #tpu.memory_space<vmem>>, vector<16xf32>,
      %swap3A_212 = vector.shape_cast %swap3A_211 : vector<16xf32> to vector<16xf32>
      %swap3A_213 = vector.shape_cast %mul3A_207 : vector<16xf32> to vector<16xf32>
      tpu.vector_store %arg10[%swap3A_210], %swap3A_213 {strides = array<i32>} : memref<5760xf32, #tpu.memory_space<vmem>>, vector<16xf32>,
      %mul3A_214 = arith.mulf %squeeze3A_191, %squeeze3A_191 : f32
      %mul3A_215 = arith.mulf %squeeze3A_193, %squeeze3A_193 : f32
      %add3A_216 = arith.addf %mul3A_214, %mul3A_215 : f32
      %mul3A_217 = vector.broadcast %add3A_216 : f32 to vector<16xf32>
      %mul3A_218 = arith.mulf %broadcast_in_dim3A_1, %mul3A_217 : vector<16xf32>
      %mul3A_219 = arith.constant 16 : i32
      %mul3A_220 = arith.muli %scan3A_184, %mul3A_219 : i32
      %swap3A_221 = arith.index_cast %mul3A_220 : i32 to index
      %swap3A_222 = tpu.vector_load %arg11[%swap3A_221] {strides = array<i32>} : memref<5760xf32, #tpu.memory_space<vmem>>, vector<16xf32>,
      %swap3A_223 = vector.shape_cast %swap3A_222 : vector<16xf32> to vector<16xf32>
      %swap3A_224 = vector.shape_cast %mul3A_218 : vector<16xf32> to vector<16xf32>
      tpu.vector_store %arg11[%swap3A_221], %swap3A_224 {strides = array<i32>} : memref<5760xf32, #tpu.memory_space<vmem>>, vector<16xf32>,
      %scan3A_225 = arith.constant 0 : i32
      %scan3A_226 = arith.constant 2 : i32
      %scan3A_227 = arith.addi %scan3A_142, %scan3A_226 : i32
      %mul3A_228 = arith.constant 2 : i32
      %mul3A_229 = arith.muli %scan3A_227, %mul3A_228 : i32
      %get3A_230 = arith.index_cast %mul3A_229 : i32 to index
      %get3A_231 = tpu.vector_load %arg8[%get3A_230] {strides = array<i32>} : memref<768xf32, #tpu.memory_space<vmem>>, vector<16xf32>,
      %get3A_232 = vector.shape_cast %get3A_231 : vector<16xf32> to vector<16xf32>
      %slice3A_233 = vector.extract_strided_slice %get3A_232 {offsets = [0], sizes = [1], strides = [1]} : vector<16xf32> to vector<1xf32>
      %squeeze3A_234 = vector.extract %slice3A_233[0] : f32 from vector<1xf32>
      %slice3A_235 = vector.extract_strided_slice %get3A_232 {offsets = [1], sizes = [1], strides = [1]} : vector<16xf32> to vector<1xf32>
      %squeeze3A_236 = vector.extract %slice3A_235[0] : f32 from vector<1xf32>
      %mul3A_237 = arith.constant -2.000000e+00 : f32
      %mul3A_238 = arith.mulf %squeeze3A_234, %mul3A_237 : f32
      %mul3A_239 = vector.broadcast %mul3A_238 : f32 to vector<16xf32>
      %mul3A_240 = arith.mulf %broadcast_in_dim3A_1, %mul3A_239 : vector<16xf32>
      %mul3A_241 = arith.constant 16 : i32
      %mul3A_242 = arith.muli %scan3A_227, %mul3A_241 : i32
      %swap3A_243 = arith.index_cast %mul3A_242 : i32 to index
      %swap3A_244 = tpu.vector_load %arg9[%swap3A_243] {strides = array<i32>} : memref<5760xf32, #tpu.memory_space<vmem>>, vector<16xf32>,
      %swap3A_245 = vector.shape_cast %swap3A_244 : vector<16xf32> to vector<16xf32>
      %swap3A_246 = vector.shape_cast %mul3A_240 : vector<16xf32> to vector<16xf32>
      tpu.vector_store %arg9[%swap3A_243], %swap3A_246 {strides = array<i32>} : memref<5760xf32, #tpu.memory_space<vmem>>, vector<16xf32>,
      %mul3A_247 = arith.constant -2.000000e+00 : f32
      %mul3A_248 = arith.mulf %squeeze3A_236, %mul3A_247 : f32
      %mul3A_249 = vector.broadcast %mul3A_248 : f32 to vector<16xf32>
      %mul3A_250 = arith.mulf %broadcast_in_dim3A_1, %mul3A_249 : vector<16xf32>
      %mul3A_251 = arith.constant 16 : i32
      %mul3A_252 = arith.muli %scan3A_227, %mul3A_251 : i32
      %swap3A_253 = arith.index_cast %mul3A_252 : i32 to index
      %swap3A_254 = tpu.vector_load %arg10[%swap3A_253] {strides = array<i32>} : memref<5760xf32, #tpu.memory_space<vmem>>, vector<16xf32>,
      %swap3A_255 = vector.shape_cast %swap3A_254 : vector<16xf32> to vector<16xf32>
      %swap3A_256 = vector.shape_cast %mul3A_250 : vector<16xf32> to vector<16xf32>
      tpu.vector_store %arg10[%swap3A_253], %swap3A_256 {strides = array<i32>} : memref<5760xf32, #tpu.memory_space<vmem>>, vector<16xf32>,
      %mul3A_257 = arith.mulf %squeeze3A_234, %squeeze3A_234 : f32
      %mul3A_258 = arith.mulf %squeeze3A_236, %squeeze3A_236 : f32
      %add3A_259 = arith.addf %mul3A_257, %mul3A_258 : f32
      %mul3A_260 = vector.broadcast %add3A_259 : f32 to vector<16xf32>
      %mul3A_261 = arith.mulf %broadcast_in_dim3A_1, %mul3A_260 : vector<16xf32>
      %mul3A_262 = arith.constant 16 : i32
      %mul3A_263 = arith.muli %scan3A_227, %mul3A_262 : i32
      %swap3A_264 = arith.index_cast %mul3A_263 : i32 to index
      %swap3A_265 = tpu.vector_load %arg11[%swap3A_264] {strides = array<i32>} : memref<5760xf32, #tpu.memory_space<vmem>>, vector<16xf32>,
      %swap3A_266 = vector.shape_cast %swap3A_265 : vector<16xf32> to vector<16xf32>
      %swap3A_267 = vector.shape_cast %mul3A_261 : vector<16xf32> to vector<16xf32>
      tpu.vector_store %arg11[%swap3A_264], %swap3A_267 {strides = array<i32>} : memref<5760xf32, #tpu.memory_space<vmem>>, vector<16xf32>,
      %scan3A_268 = arith.constant 0 : i32
      %scan3A_269 = arith.constant 3 : i32
      %scan3A_270 = arith.addi %scan3A_142, %scan3A_269 : i32
      %mul3A_271 = arith.constant 2 : i32
      %mul3A_272 = arith.muli %scan3A_270, %mul3A_271 : i32
      %get3A_273 = arith.index_cast %mul3A_272 : i32 to index
      %get3A_274 = tpu.vector_load %arg8[%get3A_273] {strides = array<i32>} : memref<768xf32, #tpu.memory_space<vmem>>, vector<16xf32>,
      %get3A_275 = vector.shape_cast %get3A_274 : vector<16xf32> to vector<16xf32>
      %slice3A_276 = vector.extract_strided_slice %get3A_275 {offsets = [0], sizes = [1], strides = [1]} : vector<16xf32> to vector<1xf32>
      %squeeze3A_277 = vector.extract %slice3A_276[0] : f32 from vector<1xf32>
      %slice3A_278 = vector.extract_strided_slice %get3A_275 {offsets = [1], sizes = [1], strides = [1]} : vector<16xf32> to vector<1xf32>
      %squeeze3A_279 = vector.extract %slice3A_278[0] : f32 from vector<1xf32>
      %mul3A_280 = arith.constant -2.000000e+00 : f32
      %mul3A_281 = arith.mulf %squeeze3A_277, %mul3A_280 : f32
      %mul3A_282 = vector.broadcast %mul3A_281 : f32 to vector<16xf32>
      %mul3A_283 = arith.mulf %broadcast_in_dim3A_1, %mul3A_282 : vector<16xf32>
      %mul3A_284 = arith.constant 16 : i32
      %mul3A_285 = arith.muli %scan3A_270, %mul3A_284 : i32
      %swap3A_286 = arith.index_cast %mul3A_285 : i32 to index
      %swap3A_287 = tpu.vector_load %arg9[%swap3A_286] {strides = array<i32>} : memref<5760xf32, #tpu.memory_space<vmem>>, vector<16xf32>,
      %swap3A_288 = vector.shape_cast %swap3A_287 : vector<16xf32> to vector<16xf32>
      %swap3A_289 = vector.shape_cast %mul3A_283 : vector<16xf32> to vector<16xf32>
      tpu.vector_store %arg9[%swap3A_286], %swap3A_289 {strides = array<i32>} : memref<5760xf32, #tpu.memory_space<vmem>>, vector<16xf32>,
      %mul3A_290 = arith.constant -2.000000e+00 : f32
      %mul3A_291 = arith.mulf %squeeze3A_279, %mul3A_290 : f32
      %mul3A_292 = vector.broadcast %mul3A_291 : f32 to vector<16xf32>
      %mul3A_293 = arith.mulf %broadcast_in_dim3A_1, %mul3A_292 : vector<16xf32>
      %mul3A_294 = arith.constant 16 : i32
      %mul3A_295 = arith.muli %scan3A_270, %mul3A_294 : i32
      %swap3A_296 = arith.index_cast %mul3A_295 : i32 to index
      %swap3A_297 = tpu.vector_load %arg10[%swap3A_296] {strides = array<i32>} : memref<5760xf32, #tpu.memory_space<vmem>>, vector<16xf32>,
      %swap3A_298 = vector.shape_cast %swap3A_297 : vector<16xf32> to vector<16xf32>
      %swap3A_299 = vector.shape_cast %mul3A_293 : vector<16xf32> to vector<16xf32>
      tpu.vector_store %arg10[%swap3A_296], %swap3A_299 {strides = array<i32>} : memref<5760xf32, #tpu.memory_space<vmem>>, vector<16xf32>,
      %mul3A_300 = arith.mulf %squeeze3A_277, %squeeze3A_277 : f32
      %mul3A_301 = arith.mulf %squeeze3A_279, %squeeze3A_279 : f32
      %add3A_302 = arith.addf %mul3A_300, %mul3A_301 : f32
      %mul3A_303 = vector.broadcast %add3A_302 : f32 to vector<16xf32>
      %mul3A_304 = arith.mulf %broadcast_in_dim3A_1, %mul3A_303 : vector<16xf32>
      %mul3A_305 = arith.constant 16 : i32
      %mul3A_306 = arith.muli %scan3A_270, %mul3A_305 : i32
      %swap3A_307 = arith.index_cast %mul3A_306 : i32 to index
      %swap3A_308 = tpu.vector_load %arg11[%swap3A_307] {strides = array<i32>} : memref<5760xf32, #tpu.memory_space<vmem>>, vector<16xf32>,
      %swap3A_309 = vector.shape_cast %swap3A_308 : vector<16xf32> to vector<16xf32>
      %swap3A_310 = vector.shape_cast %mul3A_304 : vector<16xf32> to vector<16xf32>
      tpu.vector_store %arg11[%swap3A_307], %swap3A_310 {strides = array<i32>} : memref<5760xf32, #tpu.memory_space<vmem>>, vector<16xf32>,
      %scan3A_311 = arith.constant 0 : i32
      scf.yield %scan3A_311 : i32
    }
    %scan3A_7 = arith.constant 360 : i32
    %run_scoped3A = arith.constant 0 : i32
    "tpu.region"() ({
      %run_scoped3A_142 = tpu.sem_alloc : memref<!tpu.dma_semaphore, #tpu.memory_space<semaphore_mem>>
      %dma_start3A = arith.constant 0 : i32
      %dma_start3A_143 = tpu.memref_slice %arg2[%run_scoped3A, %add3A, %dma_start3A] : memref<3x32x384xf32, #tpu.memory_space<hbm>> -> memref<1x1x384xf32, #tpu.memory_space<hbm>>
      %dma_start3A_144 = tpu.memref_squeeze %dma_start3A_143 : memref<1x1x384xf32, #tpu.memory_space<hbm>> -> memref<384xf32, #tpu.memory_space<hbm>>
      %dma_start3A_145 = arith.constant 0 : i32
      %dma_start3A_146 = tpu.memref_slice %arg2[%run_scoped3A, %add3A, %dma_start3A_145] : memref<3x32x384xf32, #tpu.memory_space<hbm>> -> memref<1x1x384xf32, #tpu.memory_space<hbm>>
      %dma_start3A_147 = tpu.memref_squeeze %dma_start3A_146 : memref<1x1x384xf32, #tpu.memory_space<hbm>> -> memref<384xf32, #tpu.memory_space<hbm>>
      tpu.enqueue_dma source(%dma_start3A_147 : memref<384xf32, #tpu.memory_space<hbm>>) target(%arg6 : memref<384xf32, #tpu.memory_space<vmem>>) target_semaphore(%run_scoped3A_142 : memref<!tpu.dma_semaphore, #tpu.memory_space<semaphore_mem>>)
      %dma_wait3A = arith.constant 0 : i32
      %dma_wait3A_148 = tpu.memref_slice %arg2[%run_scoped3A, %add3A, %dma_wait3A] : memref<3x32x384xf32, #tpu.memory_space<hbm>> -> memref<1x1x384xf32, #tpu.memory_space<hbm>>
      %dma_wait3A_149 = tpu.memref_squeeze %dma_wait3A_148 : memref<1x1x384xf32, #tpu.memory_space<hbm>> -> memref<384xf32, #tpu.memory_space<hbm>>
      %dma_wait3A_150 = arith.constant 0 : i32
      %dma_wait3A_151 = tpu.memref_slice %arg2[%run_scoped3A, %add3A, %dma_wait3A_150] : memref<3x32x384xf32, #tpu.memory_space<hbm>> -> memref<1x1x384xf32, #tpu.memory_space<hbm>>
      %dma_wait3A_152 = tpu.memref_squeeze %dma_wait3A_151 : memref<1x1x384xf32, #tpu.memory_space<hbm>> -> memref<384xf32, #tpu.memory_space<hbm>>
      tpu.wait_dma2 semaphore(%run_scoped3A_142 : memref<!tpu.dma_semaphore, #tpu.memory_space<semaphore_mem>>) src(%dma_wait3A_152 : memref<384xf32, #tpu.memory_space<hbm>>) dst(%arg6 : memref<384xf32, #tpu.memory_space<vmem>>)
      tpu.yield
    }) : () -> ()
    %run_scoped3A_8 = arith.constant 0 : i32
    "tpu.region"() ({
      %run_scoped3A_142 = tpu.sem_alloc : memref<!tpu.dma_semaphore, #tpu.memory_space<semaphore_mem>>
      %dma_start3A = arith.constant 0 : i32
      %dma_start3A_143 = tpu.memref_slice %arg3[%run_scoped3A_8, %add3A, %dma_start3A] : memref<3x32x384xf32, #tpu.memory_space<hbm>> -> memref<1x1x384xf32, #tpu.memory_space<hbm>>
      %dma_start3A_144 = tpu.memref_squeeze %dma_start3A_143 : memref<1x1x384xf32, #tpu.memory_space<hbm>> -> memref<384xf32, #tpu.memory_space<hbm>>
      %dma_start3A_145 = arith.constant 0 : i32
      %dma_start3A_146 = tpu.memref_slice %arg3[%run_scoped3A_8, %add3A, %dma_start3A_145] : memref<3x32x384xf32, #tpu.memory_space<hbm>> -> memref<1x1x384xf32, #tpu.memory_space<hbm>>
      %dma_start3A_147 = tpu.memref_squeeze %dma_start3A_146 : memref<1x1x384xf32, #tpu.memory_space<hbm>> -> memref<384xf32, #tpu.memory_space<hbm>>
      tpu.enqueue_dma source(%dma_start3A_147 : memref<384xf32, #tpu.memory_space<hbm>>) target(%arg7 : memref<384xf32, #tpu.memory_space<vmem>>) target_semaphore(%run_scoped3A_142 : memref<!tpu.dma_semaphore, #tpu.memory_space<semaphore_mem>>)
      %dma_wait3A = arith.constant 0 : i32
      %dma_wait3A_148 = tpu.memref_slice %arg3[%run_scoped3A_8, %add3A, %dma_wait3A] : memref<3x32x384xf32, #tpu.memory_space<hbm>> -> memref<1x1x384xf32, #tpu.memory_space<hbm>>
      %dma_wait3A_149 = tpu.memref_squeeze %dma_wait3A_148 : memref<1x1x384xf32, #tpu.memory_space<hbm>> -> memref<384xf32, #tpu.memory_space<hbm>>
      %dma_wait3A_150 = arith.constant 0 : i32
      %dma_wait3A_151 = tpu.memref_slice %arg3[%run_scoped3A_8, %add3A, %dma_wait3A_150] : memref<3x32x384xf32, #tpu.memory_space<hbm>> -> memref<1x1x384xf32, #tpu.memory_space<hbm>>
      %dma_wait3A_152 = tpu.memref_squeeze %dma_wait3A_151 : memref<1x1x384xf32, #tpu.memory_space<hbm>> -> memref<384xf32, #tpu.memory_space<hbm>>
      tpu.wait_dma2 semaphore(%run_scoped3A_142 : memref<!tpu.dma_semaphore, #tpu.memory_space<semaphore_mem>>) src(%dma_wait3A_152 : memref<384xf32, #tpu.memory_space<hbm>>) dst(%arg7 : memref<384xf32, #tpu.memory_space<vmem>>)
      tpu.yield
    }) : () -> ()
    %get3A = arith.constant 0 : index
    %get3A_9 = tpu.vector_load %arg6[%get3A] {strides = array<i32>} : memref<384xf32, #tpu.memory_space<vmem>>, vector<16xf32>,
    %get3A_10 = vector.shape_cast %get3A_9 : vector<16xf32> to vector<16xf32>
    %get3A_11 = arith.constant 16 : index
    %get3A_12 = tpu.vector_load %arg6[%get3A_11] {strides = array<i32>} : memref<384xf32, #tpu.memory_space<vmem>>, vector<16xf32>,
    %get3A_13 = vector.shape_cast %get3A_12 : vector<16xf32> to vector<16xf32>
    %get3A_14 = arith.constant 32 : index
    %get3A_15 = tpu.vector_load %arg6[%get3A_14] {strides = array<i32>} : memref<384xf32, #tpu.memory_space<vmem>>, vector<16xf32>,
    %get3A_16 = vector.shape_cast %get3A_15 : vector<16xf32> to vector<16xf32>
    %get3A_17 = arith.constant 48 : index
    %get3A_18 = tpu.vector_load %arg6[%get3A_17] {strides = array<i32>} : memref<384xf32, #tpu.memory_space<vmem>>, vector<16xf32>,
    %get3A_19 = vector.shape_cast %get3A_18 : vector<16xf32> to vector<16xf32>
    %get3A_20 = arith.constant 64 : index
    %get3A_21 = tpu.vector_load %arg6[%get3A_20] {strides = array<i32>} : memref<384xf32, #tpu.memory_space<vmem>>, vector<16xf32>,
    %get3A_22 = vector.shape_cast %get3A_21 : vector<16xf32> to vector<16xf32>
    %get3A_23 = arith.constant 80 : index
    %get3A_24 = tpu.vector_load %arg6[%get3A_23] {strides = array<i32>} : memref<384xf32, #tpu.memory_space<vmem>>, vector<16xf32>,
    %get3A_25 = vector.shape_cast %get3A_24 : vector<16xf32> to vector<16xf32>
    %get3A_26 = arith.constant 96 : index
    %get3A_27 = tpu.vector_load %arg6[%get3A_26] {strides = array<i32>} : memref<384xf32, #tpu.memory_space<vmem>>, vector<16xf32>,
    %get3A_28 = vector.shape_cast %get3A_27 : vector<16xf32> to vector<16xf32>
    %get3A_29 = arith.constant 112 : index
    %get3A_30 = tpu.vector_load %arg6[%get3A_29] {strides = array<i32>} : memref<384xf32, #tpu.memory_space<vmem>>, vector<16xf32>,
    %get3A_31 = vector.shape_cast %get3A_30 : vector<16xf32> to vector<16xf32>
    %get3A_32 = arith.constant 0 : index
    %get3A_33 = tpu.vector_load %arg7[%get3A_32] {strides = array<i32>} : memref<384xf32, #tpu.memory_space<vmem>>, vector<16xf32>,
    %get3A_34 = vector.shape_cast %get3A_33 : vector<16xf32> to vector<16xf32>
    %get3A_35 = arith.constant 16 : index
    %get3A_36 = tpu.vector_load %arg7[%get3A_35] {strides = array<i32>} : memref<384xf32, #tpu.memory_space<vmem>>, vector<16xf32>,
    %get3A_37 = vector.shape_cast %get3A_36 : vector<16xf32> to vector<16xf32>
    %get3A_38 = arith.constant 32 : index
    %get3A_39 = tpu.vector_load %arg7[%get3A_38] {strides = array<i32>} : memref<384xf32, #tpu.memory_space<vmem>>, vector<16xf32>,
    %get3A_40 = vector.shape_cast %get3A_39 : vector<16xf32> to vector<16xf32>
    %get3A_41 = arith.constant 48 : index
    %get3A_42 = tpu.vector_load %arg7[%get3A_41] {strides = array<i32>} : memref<384xf32, #tpu.memory_space<vmem>>, vector<16xf32>,
    %get3A_43 = vector.shape_cast %get3A_42 : vector<16xf32> to vector<16xf32>
    %get3A_44 = arith.constant 64 : index
    %get3A_45 = tpu.vector_load %arg7[%get3A_44] {strides = array<i32>} : memref<384xf32, #tpu.memory_space<vmem>>, vector<16xf32>,
    %get3A_46 = vector.shape_cast %get3A_45 : vector<16xf32> to vector<16xf32>
    %get3A_47 = arith.constant 80 : index
    %get3A_48 = tpu.vector_load %arg7[%get3A_47] {strides = array<i32>} : memref<384xf32, #tpu.memory_space<vmem>>, vector<16xf32>,
    %get3A_49 = vector.shape_cast %get3A_48 : vector<16xf32> to vector<16xf32>
    %get3A_50 = arith.constant 96 : index
    %get3A_51 = tpu.vector_load %arg7[%get3A_50] {strides = array<i32>} : memref<384xf32, #tpu.memory_space<vmem>>, vector<16xf32>,
    %get3A_52 = vector.shape_cast %get3A_51 : vector<16xf32> to vector<16xf32>
    %get3A_53 = arith.constant 112 : index
    %get3A_54 = tpu.vector_load %arg7[%get3A_53] {strides = array<i32>} : memref<384xf32, #tpu.memory_space<vmem>>, vector<16xf32>,
    %get3A_55 = vector.shape_cast %get3A_54 : vector<16xf32> to vector<16xf32>
    %broadcast_in_dim3A_56 = arith.constant 0x7F800000 : f32
    %broadcast_in_dim3A_57 = vector.broadcast %broadcast_in_dim3A_56 : f32 to vector<16xf32>
    %broadcast_in_dim3A_58 = arith.constant 0x7F800000 : f32
    %broadcast_in_dim3A_59 = vector.broadcast %broadcast_in_dim3A_58 : f32 to vector<16xf32>
    %broadcast_in_dim3A_60 = arith.constant 0x7F800000 : f32
    %broadcast_in_dim3A_61 = vector.broadcast %broadcast_in_dim3A_60 : f32 to vector<16xf32>
    %broadcast_in_dim3A_62 = arith.constant 0x7F800000 : f32
    %broadcast_in_dim3A_63 = vector.broadcast %broadcast_in_dim3A_62 : f32 to vector<16xf32>
    %broadcast_in_dim3A_64 = arith.constant 0x7F800000 : f32
    %broadcast_in_dim3A_65 = vector.broadcast %broadcast_in_dim3A_64 : f32 to vector<16xf32>
    %broadcast_in_dim3A_66 = arith.constant 0x7F800000 : f32
    %broadcast_in_dim3A_67 = vector.broadcast %broadcast_in_dim3A_66 : f32 to vector<16xf32>
    %broadcast_in_dim3A_68 = arith.constant 0x7F800000 : f32
    %broadcast_in_dim3A_69 = vector.broadcast %broadcast_in_dim3A_68 : f32 to vector<16xf32>
    %broadcast_in_dim3A_70 = arith.constant 0x7F800000 : f32
    %broadcast_in_dim3A_71 = vector.broadcast %broadcast_in_dim3A_70 : f32 to vector<16xf32>
    %scan3A_72 = arith.constant 0 : i32
    %scan3A_73 = arith.constant 360 : i32
    %scan3A_74 = arith.addi %scan3A_72, %scan3A_73 : i32
    %scan3A_75 = arith.constant 6 : i32
    %scan3A_76:8 = scf.for %scan3A_142 = %scan3A_72 to %scan3A_74 step %scan3A_75 iter_args(%scan3A_143 = %broadcast_in_dim3A_57, %scan3A_144 = %broadcast_in_dim3A_59, %scan3A_145 = %broadcast_in_dim3A_61, %scan3A_146 = %broadcast_in_dim3A_63, %scan3A_147 = %broadcast_in_dim3A_65, %scan3A_148 = %broadcast_in_dim3A_67, %scan3A_149 = %broadcast_in_dim3A_69, %scan3A_150 = %broadcast_in_dim3A_71) -> (vector<16xf32>, vector<16xf32>, vector<16xf32>, vector<16xf32>, vector<16xf32>, vector<16xf32>, vector<16xf32>, vector<16xf32>)  : i32 {
      %mul3A_151 = arith.constant 16 : i32
      %mul3A_152 = arith.muli %scan3A_142, %mul3A_151 : i32
      %get3A_153 = arith.index_cast %mul3A_152 : i32 to index
      %get3A_154 = tpu.vector_load %arg9[%get3A_153] {strides = array<i32>} : memref<5760xf32, #tpu.memory_space<vmem>>, vector<16xf32>,
      %get3A_155 = vector.shape_cast %get3A_154 : vector<16xf32> to vector<16xf32>
      %mul3A_156 = arith.constant 16 : i32
      %mul3A_157 = arith.muli %scan3A_142, %mul3A_156 : i32
      %get3A_158 = arith.index_cast %mul3A_157 : i32 to index
      %get3A_159 = tpu.vector_load %arg10[%get3A_158] {strides = array<i32>} : memref<5760xf32, #tpu.memory_space<vmem>>, vector<16xf32>,
      %get3A_160 = vector.shape_cast %get3A_159 : vector<16xf32> to vector<16xf32>
      %mul3A_161 = arith.constant 16 : i32
      %mul3A_162 = arith.muli %scan3A_142, %mul3A_161 : i32
      %get3A_163 = arith.index_cast %mul3A_162 : i32 to index
      %get3A_164 = tpu.vector_load %arg11[%get3A_163] {strides = array<i32>} : memref<5760xf32, #tpu.memory_space<vmem>>, vector<16xf32>,
      %get3A_165 = vector.shape_cast %get3A_164 : vector<16xf32> to vector<16xf32>
      %mul3A_166 = arith.mulf %get3A_155, %get3A_10 : vector<16xf32>
      %add3A_167 = arith.addf %get3A_165, %mul3A_166 : vector<16xf32>
      %mul3A_168 = arith.mulf %get3A_160, %get3A_34 : vector<16xf32>
      %add3A_169 = arith.addf %add3A_167, %mul3A_168 : vector<16xf32>
      %min3A = arith.minimumf %scan3A_143, %add3A_169 : vector<16xf32>
      %mul3A_170 = arith.mulf %get3A_155, %get3A_13 : vector<16xf32>
      %add3A_171 = arith.addf %get3A_165, %mul3A_170 : vector<16xf32>
      %mul3A_172 = arith.mulf %get3A_160, %get3A_37 : vector<16xf32>
      %add3A_173 = arith.addf %add3A_171, %mul3A_172 : vector<16xf32>
      %min3A_174 = arith.minimumf %scan3A_144, %add3A_173 : vector<16xf32>
      %mul3A_175 = arith.mulf %get3A_155, %get3A_16 : vector<16xf32>
      %add3A_176 = arith.addf %get3A_165, %mul3A_175 : vector<16xf32>
      %mul3A_177 = arith.mulf %get3A_160, %get3A_40 : vector<16xf32>
      %add3A_178 = arith.addf %add3A_176, %mul3A_177 : vector<16xf32>
      %min3A_179 = arith.minimumf %scan3A_145, %add3A_178 : vector<16xf32>
      %mul3A_180 = arith.mulf %get3A_155, %get3A_19 : vector<16xf32>
      %add3A_181 = arith.addf %get3A_165, %mul3A_180 : vector<16xf32>
      %mul3A_182 = arith.mulf %get3A_160, %get3A_43 : vector<16xf32>
      %add3A_183 = arith.addf %add3A_181, %mul3A_182 : vector<16xf32>
      %min3A_184 = arith.minimumf %scan3A_146, %add3A_183 : vector<16xf32>
      %mul3A_185 = arith.mulf %get3A_155, %get3A_22 : vector<16xf32>
      %add3A_186 = arith.addf %get3A_165, %mul3A_185 : vector<16xf32>
      %mul3A_187 = arith.mulf %get3A_160, %get3A_46 : vector<16xf32>
      %add3A_188 = arith.addf %add3A_186, %mul3A_187 : vector<16xf32>
      %min3A_189 = arith.minimumf %scan3A_147, %add3A_188 : vector<16xf32>
      %mul3A_190 = arith.mulf %get3A_155, %get3A_25 : vector<16xf32>
      %add3A_191 = arith.addf %get3A_165, %mul3A_190 : vector<16xf32>
      %mul3A_192 = arith.mulf %get3A_160, %get3A_49 : vector<16xf32>
      %add3A_193 = arith.addf %add3A_191, %mul3A_192 : vector<16xf32>
      %min3A_194 = arith.minimumf %scan3A_148, %add3A_193 : vector<16xf32>
      %mul3A_195 = arith.mulf %get3A_155, %get3A_28 : vector<16xf32>
      %add3A_196 = arith.addf %get3A_165, %mul3A_195 : vector<16xf32>
      %mul3A_197 = arith.mulf %get3A_160, %get3A_52 : vector<16xf32>
      %add3A_198 = arith.addf %add3A_196, %mul3A_197 : vector<16xf32>
      %min3A_199 = arith.minimumf %scan3A_149, %add3A_198 : vector<16xf32>
      %mul3A_200 = arith.mulf %get3A_155, %get3A_31 : vector<16xf32>
      %add3A_201 = arith.addf %get3A_165, %mul3A_200 : vector<16xf32>
      %mul3A_202 = arith.mulf %get3A_160, %get3A_55 : vector<16xf32>
      %add3A_203 = arith.addf %add3A_201, %mul3A_202 : vector<16xf32>
      %min3A_204 = arith.minimumf %scan3A_150, %add3A_203 : vector<16xf32>
      %scan3A_205 = arith.constant 1 : i32
      %scan3A_206 = arith.addi %scan3A_142, %scan3A_205 : i32
      %mul3A_207 = arith.constant 16 : i32
      %mul3A_208 = arith.muli %scan3A_206, %mul3A_207 : i32
      %get3A_209 = arith.index_cast %mul3A_208 : i32 to index
      %get3A_210 = tpu.vector_load %arg9[%get3A_209] {strides = array<i32>} : memref<5760xf32, #tpu.memory_space<vmem>>, vector<16xf32>,
      %get3A_211 = vector.shape_cast %get3A_210 : vector<16xf32> to vector<16xf32>
      %mul3A_212 = arith.constant 16 : i32
      %mul3A_213 = arith.muli %scan3A_206, %mul3A_212 : i32
      %get3A_214 = arith.index_cast %mul3A_213 : i32 to index
      %get3A_215 = tpu.vector_load %arg10[%get3A_214] {strides = array<i32>} : memref<5760xf32, #tpu.memory_space<vmem>>, vector<16xf32>,
      %get3A_216 = vector.shape_cast %get3A_215 : vector<16xf32> to vector<16xf32>
      %mul3A_217 = arith.constant 16 : i32
      %mul3A_218 = arith.muli %scan3A_206, %mul3A_217 : i32
      %get3A_219 = arith.index_cast %mul3A_218 : i32 to index
      %get3A_220 = tpu.vector_load %arg11[%get3A_219] {strides = array<i32>} : memref<5760xf32, #tpu.memory_space<vmem>>, vector<16xf32>,
      %get3A_221 = vector.shape_cast %get3A_220 : vector<16xf32> to vector<16xf32>
      %mul3A_222 = arith.mulf %get3A_211, %get3A_10 : vector<16xf32>
      %add3A_223 = arith.addf %get3A_221, %mul3A_222 : vector<16xf32>
      %mul3A_224 = arith.mulf %get3A_216, %get3A_34 : vector<16xf32>
      %add3A_225 = arith.addf %add3A_223, %mul3A_224 : vector<16xf32>
      %min3A_226 = arith.minimumf %min3A, %add3A_225 : vector<16xf32>
      %mul3A_227 = arith.mulf %get3A_211, %get3A_13 : vector<16xf32>
      %add3A_228 = arith.addf %get3A_221, %mul3A_227 : vector<16xf32>
      %mul3A_229 = arith.mulf %get3A_216, %get3A_37 : vector<16xf32>
      %add3A_230 = arith.addf %add3A_228, %mul3A_229 : vector<16xf32>
      %min3A_231 = arith.minimumf %min3A_174, %add3A_230 : vector<16xf32>
      %mul3A_232 = arith.mulf %get3A_211, %get3A_16 : vector<16xf32>
      %add3A_233 = arith.addf %get3A_221, %mul3A_232 : vector<16xf32>
      %mul3A_234 = arith.mulf %get3A_216, %get3A_40 : vector<16xf32>
      %add3A_235 = arith.addf %add3A_233, %mul3A_234 : vector<16xf32>
      %min3A_236 = arith.minimumf %min3A_179, %add3A_235 : vector<16xf32>
      %mul3A_237 = arith.mulf %get3A_211, %get3A_19 : vector<16xf32>
      %add3A_238 = arith.addf %get3A_221, %mul3A_237 : vector<16xf32>
      %mul3A_239 = arith.mulf %get3A_216, %get3A_43 : vector<16xf32>
      %add3A_240 = arith.addf %add3A_238, %mul3A_239 : vector<16xf32>
      %min3A_241 = arith.minimumf %min3A_184, %add3A_240 : vector<16xf32>
      %mul3A_242 = arith.mulf %get3A_211, %get3A_22 : vector<16xf32>
      %add3A_243 = arith.addf %get3A_221, %mul3A_242 : vector<16xf32>
      %mul3A_244 = arith.mulf %get3A_216, %get3A_46 : vector<16xf32>
      %add3A_245 = arith.addf %add3A_243, %mul3A_244 : vector<16xf32>
      %min3A_246 = arith.minimumf %min3A_189, %add3A_245 : vector<16xf32>
      %mul3A_247 = arith.mulf %get3A_211, %get3A_25 : vector<16xf32>
      %add3A_248 = arith.addf %get3A_221, %mul3A_247 : vector<16xf32>
      %mul3A_249 = arith.mulf %get3A_216, %get3A_49 : vector<16xf32>
      %add3A_250 = arith.addf %add3A_248, %mul3A_249 : vector<16xf32>
      %min3A_251 = arith.minimumf %min3A_194, %add3A_250 : vector<16xf32>
      %mul3A_252 = arith.mulf %get3A_211, %get3A_28 : vector<16xf32>
      %add3A_253 = arith.addf %get3A_221, %mul3A_252 : vector<16xf32>
      %mul3A_254 = arith.mulf %get3A_216, %get3A_52 : vector<16xf32>
      %add3A_255 = arith.addf %add3A_253, %mul3A_254 : vector<16xf32>
      %min3A_256 = arith.minimumf %min3A_199, %add3A_255 : vector<16xf32>
      %mul3A_257 = arith.mulf %get3A_211, %get3A_31 : vector<16xf32>
      %add3A_258 = arith.addf %get3A_221, %mul3A_257 : vector<16xf32>
      %mul3A_259 = arith.mulf %get3A_216, %get3A_55 : vector<16xf32>
      %add3A_260 = arith.addf %add3A_258, %mul3A_259 : vector<16xf32>
      %min3A_261 = arith.minimumf %min3A_204, %add3A_260 : vector<16xf32>
      %scan3A_262 = arith.constant 2 : i32
      %scan3A_263 = arith.addi %scan3A_142, %scan3A_262 : i32
      %mul3A_264 = arith.constant 16 : i32
      %mul3A_265 = arith.muli %scan3A_263, %mul3A_264 : i32
      %get3A_266 = arith.index_cast %mul3A_265 : i32 to index
      %get3A_267 = tpu.vector_load %arg9[%get3A_266] {strides = array<i32>} : memref<5760xf32, #tpu.memory_space<vmem>>, vector<16xf32>,
      %get3A_268 = vector.shape_cast %get3A_267 : vector<16xf32> to vector<16xf32>
      %mul3A_269 = arith.constant 16 : i32
      %mul3A_270 = arith.muli %scan3A_263, %mul3A_269 : i32
      %get3A_271 = arith.index_cast %mul3A_270 : i32 to index
      %get3A_272 = tpu.vector_load %arg10[%get3A_271] {strides = array<i32>} : memref<5760xf32, #tpu.memory_space<vmem>>, vector<16xf32>,
      %get3A_273 = vector.shape_cast %get3A_272 : vector<16xf32> to vector<16xf32>
      %mul3A_274 = arith.constant 16 : i32
      %mul3A_275 = arith.muli %scan3A_263, %mul3A_274 : i32
      %get3A_276 = arith.index_cast %mul3A_275 : i32 to index
      %get3A_277 = tpu.vector_load %arg11[%get3A_276] {strides = array<i32>} : memref<5760xf32, #tpu.memory_space<vmem>>, vector<16xf32>,
      %get3A_278 = vector.shape_cast %get3A_277 : vector<16xf32> to vector<16xf32>
      %mul3A_279 = arith.mulf %get3A_268, %get3A_10 : vector<16xf32>
      %add3A_280 = arith.addf %get3A_278, %mul3A_279 : vector<16xf32>
      %mul3A_281 = arith.mulf %get3A_273, %get3A_34 : vector<16xf32>
      %add3A_282 = arith.addf %add3A_280, %mul3A_281 : vector<16xf32>
      %min3A_283 = arith.minimumf %min3A_226, %add3A_282 : vector<16xf32>
      %mul3A_284 = arith.mulf %get3A_268, %get3A_13 : vector<16xf32>
      %add3A_285 = arith.addf %get3A_278, %mul3A_284 : vector<16xf32>
      %mul3A_286 = arith.mulf %get3A_273, %get3A_37 : vector<16xf32>
      %add3A_287 = arith.addf %add3A_285, %mul3A_286 : vector<16xf32>
      %min3A_288 = arith.minimumf %min3A_231, %add3A_287 : vector<16xf32>
      %mul3A_289 = arith.mulf %get3A_268, %get3A_16 : vector<16xf32>
      %add3A_290 = arith.addf %get3A_278, %mul3A_289 : vector<16xf32>
      %mul3A_291 = arith.mulf %get3A_273, %get3A_40 : vector<16xf32>
      %add3A_292 = arith.addf %add3A_290, %mul3A_291 : vector<16xf32>
      %min3A_293 = arith.minimumf %min3A_236, %add3A_292 : vector<16xf32>
      %mul3A_294 = arith.mulf %get3A_268, %get3A_19 : vector<16xf32>
      %add3A_295 = arith.addf %get3A_278, %mul3A_294 : vector<16xf32>
      %mul3A_296 = arith.mulf %get3A_273, %get3A_43 : vector<16xf32>
      %add3A_297 = arith.addf %add3A_295, %mul3A_296 : vector<16xf32>
      %min3A_298 = arith.minimumf %min3A_241, %add3A_297 : vector<16xf32>
      %mul3A_299 = arith.mulf %get3A_268, %get3A_22 : vector<16xf32>
      %add3A_300 = arith.addf %get3A_278, %mul3A_299 : vector<16xf32>
      %mul3A_301 = arith.mulf %get3A_273, %get3A_46 : vector<16xf32>
      %add3A_302 = arith.addf %add3A_300, %mul3A_301 : vector<16xf32>
      %min3A_303 = arith.minimumf %min3A_246, %add3A_302 : vector<16xf32>
      %mul3A_304 = arith.mulf %get3A_268, %get3A_25 : vector<16xf32>
      %add3A_305 = arith.addf %get3A_278, %mul3A_304 : vector<16xf32>
      %mul3A_306 = arith.mulf %get3A_273, %get3A_49 : vector<16xf32>
      %add3A_307 = arith.addf %add3A_305, %mul3A_306 : vector<16xf32>
      %min3A_308 = arith.minimumf %min3A_251, %add3A_307 : vector<16xf32>
      %mul3A_309 = arith.mulf %get3A_268, %get3A_28 : vector<16xf32>
      %add3A_310 = arith.addf %get3A_278, %mul3A_309 : vector<16xf32>
      %mul3A_311 = arith.mulf %get3A_273, %get3A_52 : vector<16xf32>
      %add3A_312 = arith.addf %add3A_310, %mul3A_311 : vector<16xf32>
      %min3A_313 = arith.minimumf %min3A_256, %add3A_312 : vector<16xf32>
      %mul3A_314 = arith.mulf %get3A_268, %get3A_31 : vector<16xf32>
      %add3A_315 = arith.addf %get3A_278, %mul3A_314 : vector<16xf32>
      %mul3A_316 = arith.mulf %get3A_273, %get3A_55 : vector<16xf32>
      %add3A_317 = arith.addf %add3A_315, %mul3A_316 : vector<16xf32>
      %min3A_318 = arith.minimumf %min3A_261, %add3A_317 : vector<16xf32>
      %scan3A_319 = arith.constant 3 : i32
      %scan3A_320 = arith.addi %scan3A_142, %scan3A_319 : i32
      %mul3A_321 = arith.constant 16 : i32
      %mul3A_322 = arith.muli %scan3A_320, %mul3A_321 : i32
      %get3A_323 = arith.index_cast %mul3A_322 : i32 to index
      %get3A_324 = tpu.vector_load %arg9[%get3A_323] {strides = array<i32>} : memref<5760xf32, #tpu.memory_space<vmem>>, vector<16xf32>,
      %get3A_325 = vector.shape_cast %get3A_324 : vector<16xf32> to vector<16xf32>
      %mul3A_326 = arith.constant 16 : i32
      %mul3A_327 = arith.muli %scan3A_320, %mul3A_326 : i32
      %get3A_328 = arith.index_cast %mul3A_327 : i32 to index
      %get3A_329 = tpu.vector_load %arg10[%get3A_328] {strides = array<i32>} : memref<5760xf32, #tpu.memory_space<vmem>>, vector<16xf32>,
      %get3A_330 = vector.shape_cast %get3A_329 : vector<16xf32> to vector<16xf32>
      %mul3A_331 = arith.constant 16 : i32
      %mul3A_332 = arith.muli %scan3A_320, %mul3A_331 : i32
      %get3A_333 = arith.index_cast %mul3A_332 : i32 to index
      %get3A_334 = tpu.vector_load %arg11[%get3A_333] {strides = array<i32>} : memref<5760xf32, #tpu.memory_space<vmem>>, vector<16xf32>,
      %get3A_335 = vector.shape_cast %get3A_334 : vector<16xf32> to vector<16xf32>
      %mul3A_336 = arith.mulf %get3A_325, %get3A_10 : vector<16xf32>
      %add3A_337 = arith.addf %get3A_335, %mul3A_336 : vector<16xf32>
      %mul3A_338 = arith.mulf %get3A_330, %get3A_34 : vector<16xf32>
      %add3A_339 = arith.addf %add3A_337, %mul3A_338 : vector<16xf32>
      %min3A_340 = arith.minimumf %min3A_283, %add3A_339 : vector<16xf32>
      %mul3A_341 = arith.mulf %get3A_325, %get3A_13 : vector<16xf32>
      %add3A_342 = arith.addf %get3A_335, %mul3A_341 : vector<16xf32>
      %mul3A_343 = arith.mulf %get3A_330, %get3A_37 : vector<16xf32>
      %add3A_344 = arith.addf %add3A_342, %mul3A_343 : vector<16xf32>
      %min3A_345 = arith.minimumf %min3A_288, %add3A_344 : vector<16xf32>
      %mul3A_346 = arith.mulf %get3A_325, %get3A_16 : vector<16xf32>
      %add3A_347 = arith.addf %get3A_335, %mul3A_346 : vector<16xf32>
      %mul3A_348 = arith.mulf %get3A_330, %get3A_40 : vector<16xf32>
      %add3A_349 = arith.addf %add3A_347, %mul3A_348 : vector<16xf32>
      %min3A_350 = arith.minimumf %min3A_293, %add3A_349 : vector<16xf32>
      %mul3A_351 = arith.mulf %get3A_325, %get3A_19 : vector<16xf32>
      %add3A_352 = arith.addf %get3A_335, %mul3A_351 : vector<16xf32>
      %mul3A_353 = arith.mulf %get3A_330, %get3A_43 : vector<16xf32>
      %add3A_354 = arith.addf %add3A_352, %mul3A_353 : vector<16xf32>
      %min3A_355 = arith.minimumf %min3A_298, %add3A_354 : vector<16xf32>
      %mul3A_356 = arith.mulf %get3A_325, %get3A_22 : vector<16xf32>
      %add3A_357 = arith.addf %get3A_335, %mul3A_356 : vector<16xf32>
      %mul3A_358 = arith.mulf %get3A_330, %get3A_46 : vector<16xf32>
      %add3A_359 = arith.addf %add3A_357, %mul3A_358 : vector<16xf32>
      %min3A_360 = arith.minimumf %min3A_303, %add3A_359 : vector<16xf32>
      %mul3A_361 = arith.mulf %get3A_325, %get3A_25 : vector<16xf32>
      %add3A_362 = arith.addf %get3A_335, %mul3A_361 : vector<16xf32>
      %mul3A_363 = arith.mulf %get3A_330, %get3A_49 : vector<16xf32>
      %add3A_364 = arith.addf %add3A_362, %mul3A_363 : vector<16xf32>
      %min3A_365 = arith.minimumf %min3A_308, %add3A_364 : vector<16xf32>
      %mul3A_366 = arith.mulf %get3A_325, %get3A_28 : vector<16xf32>
      %add3A_367 = arith.addf %get3A_335, %mul3A_366 : vector<16xf32>
      %mul3A_368 = arith.mulf %get3A_330, %get3A_52 : vector<16xf32>
      %add3A_369 = arith.addf %add3A_367, %mul3A_368 : vector<16xf32>
      %min3A_370 = arith.minimumf %min3A_313, %add3A_369 : vector<16xf32>
      %mul3A_371 = arith.mulf %get3A_325, %get3A_31 : vector<16xf32>
      %add3A_372 = arith.addf %get3A_335, %mul3A_371 : vector<16xf32>
      %mul3A_373 = arith.mulf %get3A_330, %get3A_55 : vector<16xf32>
      %add3A_374 = arith.addf %add3A_372, %mul3A_373 : vector<16xf32>
      %min3A_375 = arith.minimumf %min3A_318, %add3A_374 : vector<16xf32>
      %scan3A_376 = arith.constant 4 : i32
      %scan3A_377 = arith.addi %scan3A_142, %scan3A_376 : i32
      %mul3A_378 = arith.constant 16 : i32
      %mul3A_379 = arith.muli %scan3A_377, %mul3A_378 : i32
      %get3A_380 = arith.index_cast %mul3A_379 : i32 to index
      %get3A_381 = tpu.vector_load %arg9[%get3A_380] {strides = array<i32>} : memref<5760xf32, #tpu.memory_space<vmem>>, vector<16xf32>,
      %get3A_382 = vector.shape_cast %get3A_381 : vector<16xf32> to vector<16xf32>
      %mul3A_383 = arith.constant 16 : i32
      %mul3A_384 = arith.muli %scan3A_377, %mul3A_383 : i32
      %get3A_385 = arith.index_cast %mul3A_384 : i32 to index
      %get3A_386 = tpu.vector_load %arg10[%get3A_385] {strides = array<i32>} : memref<5760xf32, #tpu.memory_space<vmem>>, vector<16xf32>,
      %get3A_387 = vector.shape_cast %get3A_386 : vector<16xf32> to vector<16xf32>
      %mul3A_388 = arith.constant 16 : i32
      %mul3A_389 = arith.muli %scan3A_377, %mul3A_388 : i32
      %get3A_390 = arith.index_cast %mul3A_389 : i32 to index
      %get3A_391 = tpu.vector_load %arg11[%get3A_390] {strides = array<i32>} : memref<5760xf32, #tpu.memory_space<vmem>>, vector<16xf32>,
      %get3A_392 = vector.shape_cast %get3A_391 : vector<16xf32> to vector<16xf32>
      %mul3A_393 = arith.mulf %get3A_382, %get3A_10 : vector<16xf32>
      %add3A_394 = arith.addf %get3A_392, %mul3A_393 : vector<16xf32>
      %mul3A_395 = arith.mulf %get3A_387, %get3A_34 : vector<16xf32>
      %add3A_396 = arith.addf %add3A_394, %mul3A_395 : vector<16xf32>
      %min3A_397 = arith.minimumf %min3A_340, %add3A_396 : vector<16xf32>
      %mul3A_398 = arith.mulf %get3A_382, %get3A_13 : vector<16xf32>
      %add3A_399 = arith.addf %get3A_392, %mul3A_398 : vector<16xf32>
      %mul3A_400 = arith.mulf %get3A_387, %get3A_37 : vector<16xf32>
      %add3A_401 = arith.addf %add3A_399, %mul3A_400 : vector<16xf32>
      %min3A_402 = arith.minimumf %min3A_345, %add3A_401 : vector<16xf32>
      %mul3A_403 = arith.mulf %get3A_382, %get3A_16 : vector<16xf32>
      %add3A_404 = arith.addf %get3A_392, %mul3A_403 : vector<16xf32>
      %mul3A_405 = arith.mulf %get3A_387, %get3A_40 : vector<16xf32>
      %add3A_406 = arith.addf %add3A_404, %mul3A_405 : vector<16xf32>
      %min3A_407 = arith.minimumf %min3A_350, %add3A_406 : vector<16xf32>
      %mul3A_408 = arith.mulf %get3A_382, %get3A_19 : vector<16xf32>
      %add3A_409 = arith.addf %get3A_392, %mul3A_408 : vector<16xf32>
      %mul3A_410 = arith.mulf %get3A_387, %get3A_43 : vector<16xf32>
      %add3A_411 = arith.addf %add3A_409, %mul3A_410 : vector<16xf32>
      %min3A_412 = arith.minimumf %min3A_355, %add3A_411 : vector<16xf32>
      %mul3A_413 = arith.mulf %get3A_382, %get3A_22 : vector<16xf32>
      %add3A_414 = arith.addf %get3A_392, %mul3A_413 : vector<16xf32>
      %mul3A_415 = arith.mulf %get3A_387, %get3A_46 : vector<16xf32>
      %add3A_416 = arith.addf %add3A_414, %mul3A_415 : vector<16xf32>
      %min3A_417 = arith.minimumf %min3A_360, %add3A_416 : vector<16xf32>
      %mul3A_418 = arith.mulf %get3A_382, %get3A_25 : vector<16xf32>
      %add3A_419 = arith.addf %get3A_392, %mul3A_418 : vector<16xf32>
      %mul3A_420 = arith.mulf %get3A_387, %get3A_49 : vector<16xf32>
      %add3A_421 = arith.addf %add3A_419, %mul3A_420 : vector<16xf32>
      %min3A_422 = arith.minimumf %min3A_365, %add3A_421 : vector<16xf32>
      %mul3A_423 = arith.mulf %get3A_382, %get3A_28 : vector<16xf32>
      %add3A_424 = arith.addf %get3A_392, %mul3A_423 : vector<16xf32>
      %mul3A_425 = arith.mulf %get3A_387, %get3A_52 : vector<16xf32>
      %add3A_426 = arith.addf %add3A_424, %mul3A_425 : vector<16xf32>
      %min3A_427 = arith.minimumf %min3A_370, %add3A_426 : vector<16xf32>
      %mul3A_428 = arith.mulf %get3A_382, %get3A_31 : vector<16xf32>
      %add3A_429 = arith.addf %get3A_392, %mul3A_428 : vector<16xf32>
      %mul3A_430 = arith.mulf %get3A_387, %get3A_55 : vector<16xf32>
      %add3A_431 = arith.addf %add3A_429, %mul3A_430 : vector<16xf32>
      %min3A_432 = arith.minimumf %min3A_375, %add3A_431 : vector<16xf32>
      %scan3A_433 = arith.constant 5 : i32
      %scan3A_434 = arith.addi %scan3A_142, %scan3A_433 : i32
      %mul3A_435 = arith.constant 16 : i32
      %mul3A_436 = arith.muli %scan3A_434, %mul3A_435 : i32
      %get3A_437 = arith.index_cast %mul3A_436 : i32 to index
      %get3A_438 = tpu.vector_load %arg9[%get3A_437] {strides = array<i32>} : memref<5760xf32, #tpu.memory_space<vmem>>, vector<16xf32>,
      %get3A_439 = vector.shape_cast %get3A_438 : vector<16xf32> to vector<16xf32>
      %mul3A_440 = arith.constant 16 : i32
      %mul3A_441 = arith.muli %scan3A_434, %mul3A_440 : i32
      %get3A_442 = arith.index_cast %mul3A_441 : i32 to index
      %get3A_443 = tpu.vector_load %arg10[%get3A_442] {strides = array<i32>} : memref<5760xf32, #tpu.memory_space<vmem>>, vector<16xf32>,
      %get3A_444 = vector.shape_cast %get3A_443 : vector<16xf32> to vector<16xf32>
      %mul3A_445 = arith.constant 16 : i32
      %mul3A_446 = arith.muli %scan3A_434, %mul3A_445 : i32
      %get3A_447 = arith.index_cast %mul3A_446 : i32 to index
      %get3A_448 = tpu.vector_load %arg11[%get3A_447] {strides = array<i32>} : memref<5760xf32, #tpu.memory_space<vmem>>, vector<16xf32>,
      %get3A_449 = vector.shape_cast %get3A_448 : vector<16xf32> to vector<16xf32>
      %mul3A_450 = arith.mulf %get3A_439, %get3A_10 : vector<16xf32>
      %add3A_451 = arith.addf %get3A_449, %mul3A_450 : vector<16xf32>
      %mul3A_452 = arith.mulf %get3A_444, %get3A_34 : vector<16xf32>
      %add3A_453 = arith.addf %add3A_451, %mul3A_452 : vector<16xf32>
      %min3A_454 = arith.minimumf %min3A_397, %add3A_453 : vector<16xf32>
      %mul3A_455 = arith.mulf %get3A_439, %get3A_13 : vector<16xf32>
      %add3A_456 = arith.addf %get3A_449, %mul3A_455 : vector<16xf32>
      %mul3A_457 = arith.mulf %get3A_444, %get3A_37 : vector<16xf32>
      %add3A_458 = arith.addf %add3A_456, %mul3A_457 : vector<16xf32>
      %min3A_459 = arith.minimumf %min3A_402, %add3A_458 : vector<16xf32>
      %mul3A_460 = arith.mulf %get3A_439, %get3A_16 : vector<16xf32>
      %add3A_461 = arith.addf %get3A_449, %mul3A_460 : vector<16xf32>
      %mul3A_462 = arith.mulf %get3A_444, %get3A_40 : vector<16xf32>
      %add3A_463 = arith.addf %add3A_461, %mul3A_462 : vector<16xf32>
      %min3A_464 = arith.minimumf %min3A_407, %add3A_463 : vector<16xf32>
      %mul3A_465 = arith.mulf %get3A_439, %get3A_19 : vector<16xf32>
      %add3A_466 = arith.addf %get3A_449, %mul3A_465 : vector<16xf32>
      %mul3A_467 = arith.mulf %get3A_444, %get3A_43 : vector<16xf32>
      %add3A_468 = arith.addf %add3A_466, %mul3A_467 : vector<16xf32>
      %min3A_469 = arith.minimumf %min3A_412, %add3A_468 : vector<16xf32>
      %mul3A_470 = arith.mulf %get3A_439, %get3A_22 : vector<16xf32>
      %add3A_471 = arith.addf %get3A_449, %mul3A_470 : vector<16xf32>
      %mul3A_472 = arith.mulf %get3A_444, %get3A_46 : vector<16xf32>
      %add3A_473 = arith.addf %add3A_471, %mul3A_472 : vector<16xf32>
      %min3A_474 = arith.minimumf %min3A_417, %add3A_473 : vector<16xf32>
      %mul3A_475 = arith.mulf %get3A_439, %get3A_25 : vector<16xf32>
      %add3A_476 = arith.addf %get3A_449, %mul3A_475 : vector<16xf32>
      %mul3A_477 = arith.mulf %get3A_444, %get3A_49 : vector<16xf32>
      %add3A_478 = arith.addf %add3A_476, %mul3A_477 : vector<16xf32>
      %min3A_479 = arith.minimumf %min3A_422, %add3A_478 : vector<16xf32>
      %mul3A_480 = arith.mulf %get3A_439, %get3A_28 : vector<16xf32>
      %add3A_481 = arith.addf %get3A_449, %mul3A_480 : vector<16xf32>
      %mul3A_482 = arith.mulf %get3A_444, %get3A_52 : vector<16xf32>
      %add3A_483 = arith.addf %add3A_481, %mul3A_482 : vector<16xf32>
      %min3A_484 = arith.minimumf %min3A_427, %add3A_483 : vector<16xf32>
      %mul3A_485 = arith.mulf %get3A_439, %get3A_31 : vector<16xf32>
      %add3A_486 = arith.addf %get3A_449, %mul3A_485 : vector<16xf32>
      %mul3A_487 = arith.mulf %get3A_444, %get3A_55 : vector<16xf32>
      %add3A_488 = arith.addf %add3A_486, %mul3A_487 : vector<16xf32>
      %min3A_489 = arith.minimumf %min3A_432, %add3A_488 : vector<16xf32>
      scf.yield %min3A_454, %min3A_459, %min3A_464, %min3A_469, %min3A_474, %min3A_479, %min3A_484, %min3A_489 : vector<16xf32>, vector<16xf32>, vector<16xf32>, vector<16xf32>, vector<16xf32>, vector<16xf32>, vector<16xf32>, vector<16xf32>
    }
    %scan3A_77 = arith.constant 360 : i32
    %mul3A_78 = arith.mulf %get3A_10, %get3A_10 : vector<16xf32>
    %mul3A_79 = arith.mulf %get3A_34, %get3A_34 : vector<16xf32>
    %add3A_80 = arith.addf %mul3A_78, %mul3A_79 : vector<16xf32>
    %add3A_81 = arith.addf %scan3A_76#0, %add3A_80 : vector<16xf32>
    %swap3A = arith.constant 0 : index
    %swap3A_82 = tpu.vector_load %arg12[%swap3A] {strides = array<i32>} : memref<128xf32, #tpu.memory_space<vmem>>, vector<16xf32>,
    %swap3A_83 = vector.shape_cast %swap3A_82 : vector<16xf32> to vector<16xf32>
    %swap3A_84 = vector.shape_cast %add3A_81 : vector<16xf32> to vector<16xf32>
    tpu.vector_store %arg12[%swap3A], %swap3A_84 {strides = array<i32>} : memref<128xf32, #tpu.memory_space<vmem>>, vector<16xf32>,
    %mul3A_85 = arith.mulf %get3A_13, %get3A_13 : vector<16xf32>
    %mul3A_86 = arith.mulf %get3A_37, %get3A_37 : vector<16xf32>
    %add3A_87 = arith.addf %mul3A_85, %mul3A_86 : vector<16xf32>
    %add3A_88 = arith.addf %scan3A_76#1, %add3A_87 : vector<16xf32>
    %swap3A_89 = arith.constant 16 : index
    %swap3A_90 = tpu.vector_load %arg12[%swap3A_89] {strides = array<i32>} : memref<128xf32, #tpu.memory_space<vmem>>, vector<16xf32>,
    %swap3A_91 = vector.shape_cast %swap3A_90 : vector<16xf32> to vector<16xf32>
    %swap3A_92 = vector.shape_cast %add3A_88 : vector<16xf32> to vector<16xf32>
    tpu.vector_store %arg12[%swap3A_89], %swap3A_92 {strides = array<i32>} : memref<128xf32, #tpu.memory_space<vmem>>, vector<16xf32>,
    %mul3A_93 = arith.mulf %get3A_16, %get3A_16 : vector<16xf32>
    %mul3A_94 = arith.mulf %get3A_40, %get3A_40 : vector<16xf32>
    %add3A_95 = arith.addf %mul3A_93, %mul3A_94 : vector<16xf32>
    %add3A_96 = arith.addf %scan3A_76#2, %add3A_95 : vector<16xf32>
    %swap3A_97 = arith.constant 32 : index
    %swap3A_98 = tpu.vector_load %arg12[%swap3A_97] {strides = array<i32>} : memref<128xf32, #tpu.memory_space<vmem>>, vector<16xf32>,
    %swap3A_99 = vector.shape_cast %swap3A_98 : vector<16xf32> to vector<16xf32>
    %swap3A_100 = vector.shape_cast %add3A_96 : vector<16xf32> to vector<16xf32>
    tpu.vector_store %arg12[%swap3A_97], %swap3A_100 {strides = array<i32>} : memref<128xf32, #tpu.memory_space<vmem>>, vector<16xf32>,
    %mul3A_101 = arith.mulf %get3A_19, %get3A_19 : vector<16xf32>
    %mul3A_102 = arith.mulf %get3A_43, %get3A_43 : vector<16xf32>
    %add3A_103 = arith.addf %mul3A_101, %mul3A_102 : vector<16xf32>
    %add3A_104 = arith.addf %scan3A_76#3, %add3A_103 : vector<16xf32>
    %swap3A_105 = arith.constant 48 : index
    %swap3A_106 = tpu.vector_load %arg12[%swap3A_105] {strides = array<i32>} : memref<128xf32, #tpu.memory_space<vmem>>, vector<16xf32>,
    %swap3A_107 = vector.shape_cast %swap3A_106 : vector<16xf32> to vector<16xf32>
    %swap3A_108 = vector.shape_cast %add3A_104 : vector<16xf32> to vector<16xf32>
    tpu.vector_store %arg12[%swap3A_105], %swap3A_108 {strides = array<i32>} : memref<128xf32, #tpu.memory_space<vmem>>, vector<16xf32>,
    %mul3A_109 = arith.mulf %get3A_22, %get3A_22 : vector<16xf32>
    %mul3A_110 = arith.mulf %get3A_46, %get3A_46 : vector<16xf32>
    %add3A_111 = arith.addf %mul3A_109, %mul3A_110 : vector<16xf32>
    %add3A_112 = arith.addf %scan3A_76#4, %add3A_111 : vector<16xf32>
    %swap3A_113 = arith.constant 64 : index
    %swap3A_114 = tpu.vector_load %arg12[%swap3A_113] {strides = array<i32>} : memref<128xf32, #tpu.memory_space<vmem>>, vector<16xf32>,
    %swap3A_115 = vector.shape_cast %swap3A_114 : vector<16xf32> to vector<16xf32>
    %swap3A_116 = vector.shape_cast %add3A_112 : vector<16xf32> to vector<16xf32>
    tpu.vector_store %arg12[%swap3A_113], %swap3A_116 {strides = array<i32>} : memref<128xf32, #tpu.memory_space<vmem>>, vector<16xf32>,
    %mul3A_117 = arith.mulf %get3A_25, %get3A_25 : vector<16xf32>
    %mul3A_118 = arith.mulf %get3A_49, %get3A_49 : vector<16xf32>
    %add3A_119 = arith.addf %mul3A_117, %mul3A_118 : vector<16xf32>
    %add3A_120 = arith.addf %scan3A_76#5, %add3A_119 : vector<16xf32>
    %swap3A_121 = arith.constant 80 : index
    %swap3A_122 = tpu.vector_load %arg12[%swap3A_121] {strides = array<i32>} : memref<128xf32, #tpu.memory_space<vmem>>, vector<16xf32>,
    %swap3A_123 = vector.shape_cast %swap3A_122 : vector<16xf32> to vector<16xf32>
    %swap3A_124 = vector.shape_cast %add3A_120 : vector<16xf32> to vector<16xf32>
    tpu.vector_store %arg12[%swap3A_121], %swap3A_124 {strides = array<i32>} : memref<128xf32, #tpu.memory_space<vmem>>, vector<16xf32>,
    %mul3A_125 = arith.mulf %get3A_28, %get3A_28 : vector<16xf32>
    %mul3A_126 = arith.mulf %get3A_52, %get3A_52 : vector<16xf32>
    %add3A_127 = arith.addf %mul3A_125, %mul3A_126 : vector<16xf32>
    %add3A_128 = arith.addf %scan3A_76#6, %add3A_127 : vector<16xf32>
    %swap3A_129 = arith.constant 96 : index
    %swap3A_130 = tpu.vector_load %arg12[%swap3A_129] {strides = array<i32>} : memref<128xf32, #tpu.memory_space<vmem>>, vector<16xf32>,
    %swap3A_131 = vector.shape_cast %swap3A_130 : vector<16xf32> to vector<16xf32>
    %swap3A_132 = vector.shape_cast %add3A_128 : vector<16xf32> to vector<16xf32>
    tpu.vector_store %arg12[%swap3A_129], %swap3A_132 {strides = array<i32>} : memref<128xf32, #tpu.memory_space<vmem>>, vector<16xf32>,
    %mul3A_133 = arith.mulf %get3A_31, %get3A_31 : vector<16xf32>
    %mul3A_134 = arith.mulf %get3A_55, %get3A_55 : vector<16xf32>
    %add3A_135 = arith.addf %mul3A_133, %mul3A_134 : vector<16xf32>
    %add3A_136 = arith.addf %scan3A_76#7, %add3A_135 : vector<16xf32>
    %swap3A_137 = arith.constant 112 : index
    %swap3A_138 = tpu.vector_load %arg12[%swap3A_137] {strides = array<i32>} : memref<128xf32, #tpu.memory_space<vmem>>, vector<16xf32>,
    %swap3A_139 = vector.shape_cast %swap3A_138 : vector<16xf32> to vector<16xf32>
    %swap3A_140 = vector.shape_cast %add3A_136 : vector<16xf32> to vector<16xf32>
    tpu.vector_store %arg12[%swap3A_137], %swap3A_140 {strides = array<i32>} : memref<128xf32, #tpu.memory_space<vmem>>, vector<16xf32>,
    %run_scoped3A_141 = arith.constant 0 : i32
    "tpu.region"() ({
      %run_scoped3A_142 = tpu.sem_alloc : memref<!tpu.dma_semaphore, #tpu.memory_space<semaphore_mem>>
      %dma_start3A = arith.constant 0 : i32
      %dma_start3A_143 = tpu.memref_slice %arg5[%run_scoped3A_141, %add3A, %dma_start3A] : memref<1x32x128xf32, #tpu.memory_space<hbm>> -> memref<1x1x128xf32, #tpu.memory_space<hbm>>
      %dma_start3A_144 = tpu.memref_squeeze %dma_start3A_143 : memref<1x1x128xf32, #tpu.memory_space<hbm>> -> memref<128xf32, #tpu.memory_space<hbm>>
      %dma_start3A_145 = arith.constant 0 : i32
      %dma_start3A_146 = tpu.memref_slice %arg5[%run_scoped3A_141, %add3A, %dma_start3A_145] : memref<1x32x128xf32, #tpu.memory_space<hbm>> -> memref<1x1x128xf32, #tpu.memory_space<hbm>>
      %dma_start3A_147 = tpu.memref_squeeze %dma_start3A_146 : memref<1x1x128xf32, #tpu.memory_space<hbm>> -> memref<128xf32, #tpu.memory_space<hbm>>
      tpu.enqueue_dma source(%arg12 : memref<128xf32, #tpu.memory_space<vmem>>) target(%dma_start3A_147 : memref<128xf32, #tpu.memory_space<hbm>>) target_semaphore(%run_scoped3A_142 : memref<!tpu.dma_semaphore, #tpu.memory_space<semaphore_mem>>)
      %dma_wait3A = arith.constant 0 : i32
      %dma_wait3A_148 = tpu.memref_slice %arg5[%run_scoped3A_141, %add3A, %dma_wait3A] : memref<1x32x128xf32, #tpu.memory_space<hbm>> -> memref<1x1x128xf32, #tpu.memory_space<hbm>>
      %dma_wait3A_149 = tpu.memref_squeeze %dma_wait3A_148 : memref<1x1x128xf32, #tpu.memory_space<hbm>> -> memref<128xf32, #tpu.memory_space<hbm>>
      %dma_wait3A_150 = arith.constant 0 : i32
      %dma_wait3A_151 = tpu.memref_slice %arg5[%run_scoped3A_141, %add3A, %dma_wait3A_150] : memref<1x32x128xf32, #tpu.memory_space<hbm>> -> memref<1x1x128xf32, #tpu.memory_space<hbm>>
      %dma_wait3A_152 = tpu.memref_squeeze %dma_wait3A_151 : memref<1x1x128xf32, #tpu.memory_space<hbm>> -> memref<128xf32, #tpu.memory_space<hbm>>
      tpu.wait_dma2 semaphore(%run_scoped3A_142 : memref<!tpu.dma_semaphore, #tpu.memory_space<semaphore_mem>>) src(%arg12 : memref<128xf32, #tpu.memory_space<vmem>>) dst(%dma_wait3A_152 : memref<128xf32, #tpu.memory_space<hbm>>)
      tpu.yield
    }) : () -> ()
    return
  }
}

module attributes {stable_mosaic.version = 14 : i64} {
  func.func @_tc_reduce_body(%arg0: memref<32x128xf32, #tpu.memory_space<vmem>>, %arg1: memref<64x384xf32, #tpu.memory_space<vmem>>, %arg2: memref<32x256xf32, #tpu.memory_space<vmem>>, %arg3: memref<1x1xf32, #tpu.memory_space<smem>>) attributes {dimension_semantics = [], scalar_prefetch = 0 : i64, scratch_operands = 0 : i64, tpu.core_type = #tpu.core_type<tc>} {
    %get3A = arith.constant 0 : index
    %get3A_0 = arith.constant 0 : index
    %get3A_1 = vector.load %arg0[%get3A, %get3A_0] : memref<32x128xf32, #tpu.memory_space<vmem>>, vector<32x128xf32>
    %max3A = arith.constant 0.000000e+00 : f32
    %max3A_2 = vector.broadcast %max3A : f32 to vector<32x128xf32>
    %max3A_3 = arith.maximumf %get3A_1, %max3A_2 : vector<32x128xf32>
    %sqrt3A = math.sqrt %max3A_3 : vector<32x128xf32>
    %iota3A = tpu.iota {dimensions = array<i32: 0>} : vector<32x128xi32>
    %iota3A_4 = tpu.iota {dimensions = array<i32: 1>} : vector<32x128xi32>
    %jit3A = arith.constant 32 : i32
    %div3A = vector.broadcast %jit3A : i32 to vector<32x128xi32>
    %div3A_5 = arith.divsi %iota3A, %div3A : vector<32x128xi32>
    %sign3A = arith.constant 0 : i32
    %sign3A_6 = vector.broadcast %sign3A : i32 to vector<32x128xi32>
    %sign3A_7 = arith.cmpi sgt, %iota3A, %sign3A_6 : vector<32x128xi32>
    %sign3A_8 = arith.extui %sign3A_7 : vector<32x128xi1> to vector<32x128xi32>
    %sign3A_9 = arith.constant 0 : i32
    %sign3A_10 = vector.broadcast %sign3A_9 : i32 to vector<32x128xi32>
    %sign3A_11 = arith.cmpi slt, %iota3A, %sign3A_10 : vector<32x128xi32>
    %sign3A_12 = arith.extui %sign3A_11 : vector<32x128xi1> to vector<32x128xi32>
    %sign3A_13 = arith.subi %sign3A_8, %sign3A_12 : vector<32x128xi32>
    %sign3A_14 = arith.constant 0 : i32
    %sign3A_15 = arith.cmpi sgt, %jit3A, %sign3A_14 : i32
    %sign3A_16 = arith.extui %sign3A_15 : i1 to i32
    %sign3A_17 = arith.constant 0 : i32
    %sign3A_18 = arith.cmpi slt, %jit3A, %sign3A_17 : i32
    %sign3A_19 = arith.extui %sign3A_18 : i1 to i32
    %sign3A_20 = arith.subi %sign3A_16, %sign3A_19 : i32
    %ne3A = vector.broadcast %sign3A_20 : i32 to vector<32x128xi32>
    %ne3A_21 = arith.cmpi ne, %sign3A_13, %ne3A : vector<32x128xi32>
    %rem3A = vector.broadcast %jit3A : i32 to vector<32x128xi32>
    %rem3A_22 = arith.remsi %iota3A, %rem3A : vector<32x128xi32>
    %ne3A_23 = arith.constant 0 : i32
    %ne3A_24 = vector.broadcast %ne3A_23 : i32 to vector<32x128xi32>
    %ne3A_25 = arith.cmpi ne, %rem3A_22, %ne3A_24 : vector<32x128xi32>
    %and3A = arith.andi %ne3A_21, %ne3A_25 : vector<32x128xi1>
    %sub3A = arith.constant 1 : i32
    %sub3A_26 = vector.broadcast %sub3A : i32 to vector<32x128xi32>
    %sub3A_27 = arith.subi %div3A_5, %sub3A_26 : vector<32x128xi32>
    %select_n3A = arith.select %and3A, %sub3A_27, %div3A_5 : vector<32x128xi1>, vector<32x128xi32>
    %add3A = arith.constant 0 : i32
    %add3A_28 = vector.broadcast %add3A : i32 to vector<32x128xi32>
    %add3A_29 = arith.addi %select_n3A, %add3A_28 : vector<32x128xi32>
    %eq3A = arith.constant 0 : i32
    %eq3A_30 = vector.broadcast %eq3A : i32 to vector<32x128xi32>
    %eq3A_31 = arith.cmpi eq, %add3A_29, %eq3A_30 : vector<32x128xi32>
    %eq3A_32 = arith.constant 1 : i32
    %eq3A_33 = vector.broadcast %eq3A_32 : i32 to vector<32x128xi32>
    %eq3A_34 = arith.cmpi eq, %add3A_29, %eq3A_33 : vector<32x128xi32>
    %jit3A_35 = arith.constant 8.68055576E-6 : f32
    %jit3A_36 = arith.constant 1.44675923E-5 : f32
    %broadcast_in_dim3A = vector.broadcast %jit3A_35 : f32 to vector<32x128xf32>
    %broadcast_in_dim3A_37 = vector.broadcast %jit3A_36 : f32 to vector<32x128xf32>
    %select_n3A_38 = arith.select %eq3A_34, %broadcast_in_dim3A, %broadcast_in_dim3A_37 : vector<32x128xi1>, vector<32x128xf32>
    %jit3A_39 = arith.constant 5.78703703E-6 : f32
    %broadcast_in_dim3A_40 = vector.broadcast %jit3A_39 : f32 to vector<32x128xf32>
    %select_n3A_41 = arith.select %eq3A_31, %broadcast_in_dim3A_40, %select_n3A_38 : vector<32x128xi1>, vector<32x128xf32>
    %add3A_42 = arith.constant 0 : i32
    %add3A_43 = vector.broadcast %add3A_42 : i32 to vector<32x128xi32>
    %add3A_44 = arith.addi %iota3A_4, %add3A_43 : vector<32x128xi32>
    %lt3A = arith.constant 360 : i32
    %lt3A_45 = vector.broadcast %lt3A : i32 to vector<32x128xi32>
    %lt3A_46 = arith.cmpi slt, %add3A_44, %lt3A_45 : vector<32x128xi32>
    %mul3A = arith.mulf %sqrt3A, %select_n3A_41 : vector<32x128xf32>
    %jit3A_47 = arith.constant 0.000000e+00 : f32
    %broadcast_in_dim3A_48 = vector.broadcast %jit3A_47 : f32 to vector<32x128xf32>
    %select_n3A_49 = arith.select %lt3A_46, %mul3A, %broadcast_in_dim3A_48 : vector<32x128xi1>, vector<32x128xf32>
    %reduce_sum3A = vector.shape_cast %select_n3A_49 : vector<32x128xf32> to vector<1x32x128xf32>
    %reduce_sum3A_50 = arith.constant dense<0.000000e+00> : vector<1xf32>
    %reduce_sum3A_51 = vector.multi_reduction <add>, %reduce_sum3A, %reduce_sum3A_50 [1, 2] : vector<1x32x128xf32> to vector<1xf32>
    %reduce_sum3A_52 = vector.shape_cast %reduce_sum3A_51 : vector<1xf32> to vector<1x1x1xf32>
    %reduce_sum3A_53 = vector.extract %reduce_sum3A_52[0, 0, 0] : f32 from vector<1x1x1xf32>
    %get3A_54 = arith.constant 0 : index
    %get3A_55 = arith.constant 0 : index
    %get3A_56 = vector.load %arg1[%get3A_54, %get3A_55] : memref<64x384xf32, #tpu.memory_space<vmem>>, vector<64x384xf32>
    %max3A_57 = arith.constant 0.000000e+00 : f32
    %max3A_58 = vector.broadcast %max3A_57 : f32 to vector<64x384xf32>
    %max3A_59 = arith.maximumf %get3A_56, %max3A_58 : vector<64x384xf32>
    %sqrt3A_60 = math.sqrt %max3A_59 : vector<64x384xf32>
    %iota3A_61 = tpu.iota {dimensions = array<i32: 0>} : vector<64x384xi32>
    %iota3A_62 = tpu.iota {dimensions = array<i32: 1>} : vector<64x384xi32>
    %jit3A_63 = arith.constant 32 : i32
    %div3A_64 = vector.broadcast %jit3A_63 : i32 to vector<64x384xi32>
    %div3A_65 = arith.divsi %iota3A_61, %div3A_64 : vector<64x384xi32>
    %sign3A_66 = arith.constant 0 : i32
    %sign3A_67 = vector.broadcast %sign3A_66 : i32 to vector<64x384xi32>
    %sign3A_68 = arith.cmpi sgt, %iota3A_61, %sign3A_67 : vector<64x384xi32>
    %sign3A_69 = arith.extui %sign3A_68 : vector<64x384xi1> to vector<64x384xi32>
    %sign3A_70 = arith.constant 0 : i32
    %sign3A_71 = vector.broadcast %sign3A_70 : i32 to vector<64x384xi32>
    %sign3A_72 = arith.cmpi slt, %iota3A_61, %sign3A_71 : vector<64x384xi32>
    %sign3A_73 = arith.extui %sign3A_72 : vector<64x384xi1> to vector<64x384xi32>
    %sign3A_74 = arith.subi %sign3A_69, %sign3A_73 : vector<64x384xi32>
    %sign3A_75 = arith.constant 0 : i32
    %sign3A_76 = arith.cmpi sgt, %jit3A_63, %sign3A_75 : i32
    %sign3A_77 = arith.extui %sign3A_76 : i1 to i32
    %sign3A_78 = arith.constant 0 : i32
    %sign3A_79 = arith.cmpi slt, %jit3A_63, %sign3A_78 : i32
    %sign3A_80 = arith.extui %sign3A_79 : i1 to i32
    %sign3A_81 = arith.subi %sign3A_77, %sign3A_80 : i32
    %ne3A_82 = vector.broadcast %sign3A_81 : i32 to vector<64x384xi32>
    %ne3A_83 = arith.cmpi ne, %sign3A_74, %ne3A_82 : vector<64x384xi32>
    %rem3A_84 = vector.broadcast %jit3A_63 : i32 to vector<64x384xi32>
    %rem3A_85 = arith.remsi %iota3A_61, %rem3A_84 : vector<64x384xi32>
    %ne3A_86 = arith.constant 0 : i32
    %ne3A_87 = vector.broadcast %ne3A_86 : i32 to vector<64x384xi32>
    %ne3A_88 = arith.cmpi ne, %rem3A_85, %ne3A_87 : vector<64x384xi32>
    %and3A_89 = arith.andi %ne3A_83, %ne3A_88 : vector<64x384xi1>
    %sub3A_90 = arith.constant 1 : i32
    %sub3A_91 = vector.broadcast %sub3A_90 : i32 to vector<64x384xi32>
    %sub3A_92 = arith.subi %div3A_65, %sub3A_91 : vector<64x384xi32>
    %select_n3A_93 = arith.select %and3A_89, %sub3A_92, %div3A_65 : vector<64x384xi1>, vector<64x384xi32>
    %add3A_94 = arith.constant 1 : i32
    %add3A_95 = vector.broadcast %add3A_94 : i32 to vector<64x384xi32>
    %add3A_96 = arith.addi %select_n3A_93, %add3A_95 : vector<64x384xi32>
    %eq3A_97 = arith.constant 0 : i32
    %eq3A_98 = vector.broadcast %eq3A_97 : i32 to vector<64x384xi32>
    %eq3A_99 = arith.cmpi eq, %add3A_96, %eq3A_98 : vector<64x384xi32>
    %eq3A_100 = arith.constant 1 : i32
    %eq3A_101 = vector.broadcast %eq3A_100 : i32 to vector<64x384xi32>
    %eq3A_102 = arith.cmpi eq, %add3A_96, %eq3A_101 : vector<64x384xi32>
    %jit3A_103 = arith.constant 8.68055576E-6 : f32
    %jit3A_104 = arith.constant 1.44675923E-5 : f32
    %broadcast_in_dim3A_105 = vector.broadcast %jit3A_103 : f32 to vector<64x384xf32>
    %broadcast_in_dim3A_106 = vector.broadcast %jit3A_104 : f32 to vector<64x384xf32>
    %select_n3A_107 = arith.select %eq3A_102, %broadcast_in_dim3A_105, %broadcast_in_dim3A_106 : vector<64x384xi1>, vector<64x384xf32>
    %jit3A_108 = arith.constant 5.78703703E-6 : f32
    %broadcast_in_dim3A_109 = vector.broadcast %jit3A_108 : f32 to vector<64x384xf32>
    %select_n3A_110 = arith.select %eq3A_99, %broadcast_in_dim3A_109, %select_n3A_107 : vector<64x384xi1>, vector<64x384xf32>
    %add3A_111 = arith.constant 0 : i32
    %add3A_112 = vector.broadcast %add3A_111 : i32 to vector<64x384xi32>
    %add3A_113 = arith.addi %iota3A_62, %add3A_112 : vector<64x384xi32>
    %lt3A_114 = arith.constant 360 : i32
    %lt3A_115 = vector.broadcast %lt3A_114 : i32 to vector<64x384xi32>
    %lt3A_116 = arith.cmpi slt, %add3A_113, %lt3A_115 : vector<64x384xi32>
    %mul3A_117 = arith.mulf %sqrt3A_60, %select_n3A_110 : vector<64x384xf32>
    %jit3A_118 = arith.constant 0.000000e+00 : f32
    %broadcast_in_dim3A_119 = vector.broadcast %jit3A_118 : f32 to vector<64x384xf32>
    %select_n3A_120 = arith.select %lt3A_116, %mul3A_117, %broadcast_in_dim3A_119 : vector<64x384xi1>, vector<64x384xf32>
    %reduce_sum3A_121 = vector.shape_cast %select_n3A_120 : vector<64x384xf32> to vector<1x64x384xf32>
    %reduce_sum3A_122 = arith.constant dense<0.000000e+00> : vector<1xf32>
    %reduce_sum3A_123 = vector.multi_reduction <add>, %reduce_sum3A_121, %reduce_sum3A_122 [1, 2] : vector<1x64x384xf32> to vector<1xf32>
    %reduce_sum3A_124 = vector.shape_cast %reduce_sum3A_123 : vector<1xf32> to vector<1x1x1xf32>
    %reduce_sum3A_125 = vector.extract %reduce_sum3A_124[0, 0, 0] : f32 from vector<1x1x1xf32>
    %add3A_126 = arith.addf %reduce_sum3A_53, %reduce_sum3A_125 : f32
    %get3A_127 = arith.constant 0 : index
    %get3A_128 = arith.constant 0 : index
    %get3A_129 = vector.load %arg2[%get3A_127, %get3A_128] : memref<32x256xf32, #tpu.memory_space<vmem>>, vector<32x256xf32>
    %max3A_130 = arith.constant 0.000000e+00 : f32
    %max3A_131 = vector.broadcast %max3A_130 : f32 to vector<32x256xf32>
    %max3A_132 = arith.maximumf %get3A_129, %max3A_131 : vector<32x256xf32>
    %sqrt3A_133 = math.sqrt %max3A_132 : vector<32x256xf32>
    %iota3A_134 = tpu.iota {dimensions = array<i32: 0>} : vector<32x256xi32>
    %iota3A_135 = tpu.iota {dimensions = array<i32: 1>} : vector<32x256xi32>
    %jit3A_136 = arith.constant 32 : i32
    %div3A_137 = vector.broadcast %jit3A_136 : i32 to vector<32x256xi32>
    %div3A_138 = arith.divsi %iota3A_134, %div3A_137 : vector<32x256xi32>
    %sign3A_139 = arith.constant 0 : i32
    %sign3A_140 = vector.broadcast %sign3A_139 : i32 to vector<32x256xi32>
    %sign3A_141 = arith.cmpi sgt, %iota3A_134, %sign3A_140 : vector<32x256xi32>
    %sign3A_142 = arith.extui %sign3A_141 : vector<32x256xi1> to vector<32x256xi32>
    %sign3A_143 = arith.constant 0 : i32
    %sign3A_144 = vector.broadcast %sign3A_143 : i32 to vector<32x256xi32>
    %sign3A_145 = arith.cmpi slt, %iota3A_134, %sign3A_144 : vector<32x256xi32>
    %sign3A_146 = arith.extui %sign3A_145 : vector<32x256xi1> to vector<32x256xi32>
    %sign3A_147 = arith.subi %sign3A_142, %sign3A_146 : vector<32x256xi32>
    %sign3A_148 = arith.constant 0 : i32
    %sign3A_149 = arith.cmpi sgt, %jit3A_136, %sign3A_148 : i32
    %sign3A_150 = arith.extui %sign3A_149 : i1 to i32
    %sign3A_151 = arith.constant 0 : i32
    %sign3A_152 = arith.cmpi slt, %jit3A_136, %sign3A_151 : i32
    %sign3A_153 = arith.extui %sign3A_152 : i1 to i32
    %sign3A_154 = arith.subi %sign3A_150, %sign3A_153 : i32
    %ne3A_155 = vector.broadcast %sign3A_154 : i32 to vector<32x256xi32>
    %ne3A_156 = arith.cmpi ne, %sign3A_147, %ne3A_155 : vector<32x256xi32>
    %rem3A_157 = vector.broadcast %jit3A_136 : i32 to vector<32x256xi32>
    %rem3A_158 = arith.remsi %iota3A_134, %rem3A_157 : vector<32x256xi32>
    %ne3A_159 = arith.constant 0 : i32
    %ne3A_160 = vector.broadcast %ne3A_159 : i32 to vector<32x256xi32>
    %ne3A_161 = arith.cmpi ne, %rem3A_158, %ne3A_160 : vector<32x256xi32>
    %and3A_162 = arith.andi %ne3A_156, %ne3A_161 : vector<32x256xi1>
    %sub3A_163 = arith.constant 1 : i32
    %sub3A_164 = vector.broadcast %sub3A_163 : i32 to vector<32x256xi32>
    %sub3A_165 = arith.subi %div3A_138, %sub3A_164 : vector<32x256xi32>
    %select_n3A_166 = arith.select %and3A_162, %sub3A_165, %div3A_138 : vector<32x256xi1>, vector<32x256xi32>
    %add3A_167 = arith.constant 0 : i32
    %add3A_168 = vector.broadcast %add3A_167 : i32 to vector<32x256xi32>
    %add3A_169 = arith.addi %select_n3A_166, %add3A_168 : vector<32x256xi32>
    %eq3A_170 = arith.constant 0 : i32
    %eq3A_171 = vector.broadcast %eq3A_170 : i32 to vector<32x256xi32>
    %eq3A_172 = arith.cmpi eq, %add3A_169, %eq3A_171 : vector<32x256xi32>
    %eq3A_173 = arith.constant 1 : i32
    %eq3A_174 = vector.broadcast %eq3A_173 : i32 to vector<32x256xi32>
    %eq3A_175 = arith.cmpi eq, %add3A_169, %eq3A_174 : vector<32x256xi32>
    %jit3A_176 = arith.constant 8.68055576E-6 : f32
    %jit3A_177 = arith.constant 1.44675923E-5 : f32
    %broadcast_in_dim3A_178 = vector.broadcast %jit3A_176 : f32 to vector<32x256xf32>
    %broadcast_in_dim3A_179 = vector.broadcast %jit3A_177 : f32 to vector<32x256xf32>
    %select_n3A_180 = arith.select %eq3A_175, %broadcast_in_dim3A_178, %broadcast_in_dim3A_179 : vector<32x256xi1>, vector<32x256xf32>
    %jit3A_181 = arith.constant 5.78703703E-6 : f32
    %broadcast_in_dim3A_182 = vector.broadcast %jit3A_181 : f32 to vector<32x256xf32>
    %select_n3A_183 = arith.select %eq3A_172, %broadcast_in_dim3A_182, %select_n3A_180 : vector<32x256xi1>, vector<32x256xf32>
    %add3A_184 = arith.constant 128 : i32
    %add3A_185 = vector.broadcast %add3A_184 : i32 to vector<32x256xi32>
    %add3A_186 = arith.addi %iota3A_135, %add3A_185 : vector<32x256xi32>
    %lt3A_187 = arith.constant 360 : i32
    %lt3A_188 = vector.broadcast %lt3A_187 : i32 to vector<32x256xi32>
    %lt3A_189 = arith.cmpi slt, %add3A_186, %lt3A_188 : vector<32x256xi32>
    %mul3A_190 = arith.mulf %sqrt3A_133, %select_n3A_183 : vector<32x256xf32>
    %jit3A_191 = arith.constant 0.000000e+00 : f32
    %broadcast_in_dim3A_192 = vector.broadcast %jit3A_191 : f32 to vector<32x256xf32>
    %select_n3A_193 = arith.select %lt3A_189, %mul3A_190, %broadcast_in_dim3A_192 : vector<32x256xi1>, vector<32x256xf32>
    %reduce_sum3A_194 = vector.shape_cast %select_n3A_193 : vector<32x256xf32> to vector<1x32x256xf32>
    %reduce_sum3A_195 = arith.constant dense<0.000000e+00> : vector<1xf32>
    %reduce_sum3A_196 = vector.multi_reduction <add>, %reduce_sum3A_194, %reduce_sum3A_195 [1, 2] : vector<1x32x256xf32> to vector<1xf32>
    %reduce_sum3A_197 = vector.shape_cast %reduce_sum3A_196 : vector<1xf32> to vector<1x1x1xf32>
    %reduce_sum3A_198 = vector.extract %reduce_sum3A_197[0, 0, 0] : f32 from vector<1x1x1xf32>
    %add3A_199 = arith.addf %add3A_126, %reduce_sum3A_198 : f32
    %swap3A = arith.constant 0 : index
    %swap3A_200 = arith.constant 0 : index
    %swap3A_201 = memref.load %arg3[%swap3A, %swap3A_200] : memref<1x1xf32, #tpu.memory_space<smem>>
    memref.store %add3A_199, %arg3[%swap3A, %swap3A_200] : memref<1x1xf32, #tpu.memory_space<smem>>
    return
  }
}

module attributes {stable_mosaic.version = 14 : i64} {
  func.func @_tc_pair_body(%arg0: i32, %arg1: memref<1x32x384xf32, #tpu.memory_space<vmem>>, %arg2: memref<1x32x384xf32, #tpu.memory_space<vmem>>, %arg3: memref<1x32x384xf32, #tpu.memory_space<vmem>>, %arg4: memref<1x32x384xf32, #tpu.memory_space<vmem>>, %arg5: memref<1x32x128xf32, #tpu.memory_space<vmem>>, %arg6: memref<1x32x128xf32, #tpu.memory_space<vmem>>, %arg7: memref<1x32x128xf32, #tpu.memory_space<vmem>>, %arg8: memref<1x32x128xf32, #tpu.memory_space<vmem>>, %arg9: memref<32x360xf32, #tpu.memory_space<vmem>>, %arg10: memref<32x360xf32, #tpu.memory_space<vmem>>, %arg11: memref<2x32x384xf32, #tpu.memory_space<vmem>>, %arg12: memref<32x256xf32, #tpu.memory_space<vmem>>) attributes {dimension_semantics = [#tpu.dimension_semantics<arbitrary>], iteration_bounds = array<i64: 1>, scalar_prefetch = 0 : i64, scratch_operands = 0 : i64, tpu.core_type = #tpu.core_type<tc>, window_params = [{transform_indices = @transform_0, window_bounds = array<i64: 1, 32, 384>}, {transform_indices = @transform_1, window_bounds = array<i64: 1, 32, 384>}, {transform_indices = @transform_2, window_bounds = array<i64: 1, 32, 384>}, {transform_indices = @transform_3, window_bounds = array<i64: 1, 32, 384>}, {transform_indices = @transform_4, window_bounds = array<i64: 1, 32, 128>}, {transform_indices = @transform_5, window_bounds = array<i64: 1, 32, 128>}, {transform_indices = @transform_6, window_bounds = array<i64: 1, 32, 128>}, {transform_indices = @transform_7, window_bounds = array<i64: 1, 32, 128>}, {pipeline_mode = #tpu.pipeline_mode<synchronous>, transform_indices = @transform_8, window_bounds = array<i64: 32, 360>}, {pipeline_mode = #tpu.pipeline_mode<synchronous>, transform_indices = @transform_9, window_bounds = array<i64: 32, 360>}, {pipeline_mode = #tpu.pipeline_mode<synchronous>, transform_indices = @transform_10, window_bounds = array<i64: 2, 32, 384>}, {pipeline_mode = #tpu.pipeline_mode<synchronous>, transform_indices = @transform_11, window_bounds = array<i64: 32, 256>}]} {
    %get3A = arith.constant 0 : index
    %get3A_0 = arith.constant 0 : index
    %get3A_1 = vector.load %arg9[%get3A, %get3A_0] : memref<32x360xf32, #tpu.memory_space<vmem>>, vector<32x360xf32>
    %transpose3A = tpu.transpose %get3A_1, [1, 0] : vector<32x360xf32> -> vector<360x32xf32>
    %get3A_2 = arith.constant 0 : index
    %get3A_3 = arith.constant 0 : index
    %get3A_4 = vector.load %arg10[%get3A_2, %get3A_3] : memref<32x360xf32, #tpu.memory_space<vmem>>, vector<32x360xf32>
    %transpose3A_5 = tpu.transpose %get3A_4, [1, 0] : vector<32x360xf32> -> vector<360x32xf32>
    %slice3A = vector.extract_strided_slice %transpose3A {offsets = [0, 0], sizes = [360, 1], strides = [1, 1]} : vector<360x32xf32> to vector<360x1xf32>
    %slice3A_6 = vector.extract_strided_slice %transpose3A_5 {offsets = [0, 0], sizes = [360, 1], strides = [1, 1]} : vector<360x32xf32> to vector<360x1xf32>
    %get3A_7 = arith.constant 0 : index
    %get3A_8 = arith.constant 0 : index
    %get3A_9 = arith.constant 0 : index
    %get3A_10 = vector.load %arg1[%get3A_7, %get3A_8, %get3A_9] : memref<1x32x384xf32, #tpu.memory_space<vmem>>, vector<1x32x384xf32>
    %get3A_11 = vector.shape_cast %get3A_10 : vector<1x32x384xf32> to vector<32x384xf32>
    %get3A_12 = arith.constant 0 : index
    %get3A_13 = arith.constant 0 : index
    %get3A_14 = arith.constant 0 : index
    %get3A_15 = vector.load %arg2[%get3A_12, %get3A_13, %get3A_14] : memref<1x32x384xf32, #tpu.memory_space<vmem>>, vector<1x32x384xf32>
    %get3A_16 = vector.shape_cast %get3A_15 : vector<1x32x384xf32> to vector<32x384xf32>
    %slice3A_17 = vector.extract_strided_slice %get3A_11 {offsets = [0, 0], sizes = [1, 384], strides = [1, 1]} : vector<32x384xf32> to vector<1x384xf32>
    %slice3A_18 = vector.extract_strided_slice %get3A_16 {offsets = [0, 0], sizes = [1, 384], strides = [1, 1]} : vector<32x384xf32> to vector<1x384xf32>
    %sub3A = vector.broadcast %slice3A : vector<360x1xf32> to vector<360x384xf32>
    %sub3A_19 = vector.broadcast %slice3A_17 : vector<1x384xf32> to vector<360x384xf32>
    %sub3A_20 = arith.subf %sub3A, %sub3A_19 : vector<360x384xf32>
    %sub3A_21 = vector.broadcast %slice3A_6 : vector<360x1xf32> to vector<360x384xf32>
    %sub3A_22 = vector.broadcast %slice3A_18 : vector<1x384xf32> to vector<360x384xf32>
    %sub3A_23 = arith.subf %sub3A_21, %sub3A_22 : vector<360x384xf32>
    %mul3A = arith.mulf %sub3A_20, %sub3A_20 : vector<360x384xf32>
    %mul3A_24 = arith.mulf %sub3A_23, %sub3A_23 : vector<360x384xf32>
    %add3A = arith.addf %mul3A, %mul3A_24 : vector<360x384xf32>
    %reduce_min3A = arith.constant dense<0x7F800000> : vector<384xf32>
    %reduce_min3A_25 = vector.multi_reduction <minimumf>, %add3A, %reduce_min3A [0] : vector<360x384xf32> to vector<384xf32>
    %broadcast_in_dim3A = vector.shape_cast %reduce_min3A_25 : vector<384xf32> to vector<1x384xf32>
    %swap3A = arith.constant 0 : index
    %swap3A_26 = arith.constant 0 : index
    %swap3A_27 = arith.constant 0 : index
    %swap3A_28 = vector.load %arg11[%swap3A, %swap3A_26, %swap3A_27] : memref<2x32x384xf32, #tpu.memory_space<vmem>>, vector<1x1x384xf32>
    %swap3A_29 = vector.shape_cast %swap3A_28 : vector<1x1x384xf32> to vector<1x384xf32>
    %swap3A_30 = vector.shape_cast %broadcast_in_dim3A : vector<1x384xf32> to vector<1x1x384xf32>
    tpu.vector_store %arg11[%swap3A, %swap3A_26, %swap3A_27], %swap3A_30 {strides = array<i32>} : memref<2x32x384xf32, #tpu.memory_space<vmem>>, vector<1x1x384xf32>,
    %get3A_31 = arith.constant 0 : index
    %get3A_32 = arith.constant 0 : index
    %get3A_33 = arith.constant 0 : index
    %get3A_34 = vector.load %arg3[%get3A_31, %get3A_32, %get3A_33] : memref<1x32x384xf32, #tpu.memory_space<vmem>>, vector<1x32x384xf32>
    %get3A_35 = vector.shape_cast %get3A_34 : vector<1x32x384xf32> to vector<32x384xf32>
    %get3A_36 = arith.constant 0 : index
    %get3A_37 = arith.constant 0 : index
    %get3A_38 = arith.constant 0 : index
    %get3A_39 = vector.load %arg4[%get3A_36, %get3A_37, %get3A_38] : memref<1x32x384xf32, #tpu.memory_space<vmem>>, vector<1x32x384xf32>
    %get3A_40 = vector.shape_cast %get3A_39 : vector<1x32x384xf32> to vector<32x384xf32>
    %slice3A_41 = vector.extract_strided_slice %get3A_35 {offsets = [0, 0], sizes = [1, 384], strides = [1, 1]} : vector<32x384xf32> to vector<1x384xf32>
    %slice3A_42 = vector.extract_strided_slice %get3A_40 {offsets = [0, 0], sizes = [1, 384], strides = [1, 1]} : vector<32x384xf32> to vector<1x384xf32>
    %sub3A_43 = vector.broadcast %slice3A : vector<360x1xf32> to vector<360x384xf32>
    %sub3A_44 = vector.broadcast %slice3A_41 : vector<1x384xf32> to vector<360x384xf32>
    %sub3A_45 = arith.subf %sub3A_43, %sub3A_44 : vector<360x384xf32>
    %sub3A_46 = vector.broadcast %slice3A_6 : vector<360x1xf32> to vector<360x384xf32>
    %sub3A_47 = vector.broadcast %slice3A_42 : vector<1x384xf32> to vector<360x384xf32>
    %sub3A_48 = arith.subf %sub3A_46, %sub3A_47 : vector<360x384xf32>
    %mul3A_49 = arith.mulf %sub3A_45, %sub3A_45 : vector<360x384xf32>
    %mul3A_50 = arith.mulf %sub3A_48, %sub3A_48 : vector<360x384xf32>
    %add3A_51 = arith.addf %mul3A_49, %mul3A_50 : vector<360x384xf32>
    %reduce_min3A_52 = arith.constant dense<0x7F800000> : vector<384xf32>
    %reduce_min3A_53 = vector.multi_reduction <minimumf>, %add3A_51, %reduce_min3A_52 [0] : vector<360x384xf32> to vector<384xf32>
    %broadcast_in_dim3A_54 = vector.shape_cast %reduce_min3A_53 : vector<384xf32> to vector<1x384xf32>
    %swap3A_55 = arith.constant 1 : index
    %swap3A_56 = arith.constant 0 : index
    %swap3A_57 = arith.constant 0 : index
    %swap3A_58 = vector.load %arg11[%swap3A_55, %swap3A_56, %swap3A_57] : memref<2x32x384xf32, #tpu.memory_space<vmem>>, vector<1x1x384xf32>
    %swap3A_59 = vector.shape_cast %swap3A_58 : vector<1x1x384xf32> to vector<1x384xf32>
    %swap3A_60 = vector.shape_cast %broadcast_in_dim3A_54 : vector<1x384xf32> to vector<1x1x384xf32>
    tpu.vector_store %arg11[%swap3A_55, %swap3A_56, %swap3A_57], %swap3A_60 {strides = array<i32>} : memref<2x32x384xf32, #tpu.memory_space<vmem>>, vector<1x1x384xf32>,
    %get3A_61 = arith.constant 0 : index
    %get3A_62 = arith.constant 0 : index
    %get3A_63 = arith.constant 0 : index
    %get3A_64 = vector.load %arg5[%get3A_61, %get3A_62, %get3A_63] : memref<1x32x128xf32, #tpu.memory_space<vmem>>, vector<1x32x128xf32>
    %get3A_65 = vector.shape_cast %get3A_64 : vector<1x32x128xf32> to vector<32x128xf32>
    %get3A_66 = arith.constant 0 : index
    %get3A_67 = arith.constant 0 : index
    %get3A_68 = arith.constant 0 : index
    %get3A_69 = vector.load %arg6[%get3A_66, %get3A_67, %get3A_68] : memref<1x32x128xf32, #tpu.memory_space<vmem>>, vector<1x32x128xf32>
    %get3A_70 = vector.shape_cast %get3A_69 : vector<1x32x128xf32> to vector<32x128xf32>
    %slice3A_71 = vector.extract_strided_slice %get3A_65 {offsets = [0, 0], sizes = [1, 128], strides = [1, 1]} : vector<32x128xf32> to vector<1x128xf32>
    %slice3A_72 = vector.extract_strided_slice %get3A_70 {offsets = [0, 0], sizes = [1, 128], strides = [1, 1]} : vector<32x128xf32> to vector<1x128xf32>
    %sub3A_73 = vector.broadcast %slice3A : vector<360x1xf32> to vector<360x128xf32>
    %sub3A_74 = vector.broadcast %slice3A_71 : vector<1x128xf32> to vector<360x128xf32>
    %sub3A_75 = arith.subf %sub3A_73, %sub3A_74 : vector<360x128xf32>
    %sub3A_76 = vector.broadcast %slice3A_6 : vector<360x1xf32> to vector<360x128xf32>
    %sub3A_77 = vector.broadcast %slice3A_72 : vector<1x128xf32> to vector<360x128xf32>
    %sub3A_78 = arith.subf %sub3A_76, %sub3A_77 : vector<360x128xf32>
    %mul3A_79 = arith.mulf %sub3A_75, %sub3A_75 : vector<360x128xf32>
    %mul3A_80 = arith.mulf %sub3A_78, %sub3A_78 : vector<360x128xf32>
    %add3A_81 = arith.addf %mul3A_79, %mul3A_80 : vector<360x128xf32>
    %reduce_min3A_82 = arith.constant dense<0x7F800000> : vector<128xf32>
    %reduce_min3A_83 = vector.multi_reduction <minimumf>, %add3A_81, %reduce_min3A_82 [0] : vector<360x128xf32> to vector<128xf32>
    %broadcast_in_dim3A_84 = vector.shape_cast %reduce_min3A_83 : vector<128xf32> to vector<1x128xf32>
    %swap3A_85 = arith.constant 0 : index
    %swap3A_86 = arith.constant 0 : index
    %swap3A_87 = vector.load %arg12[%swap3A_85, %swap3A_86] : memref<32x256xf32, #tpu.memory_space<vmem>>, vector<1x128xf32>
    tpu.vector_store %arg12[%swap3A_85, %swap3A_86], %broadcast_in_dim3A_84 {strides = array<i32>} : memref<32x256xf32, #tpu.memory_space<vmem>>, vector<1x128xf32>,
    %get3A_88 = arith.constant 0 : index
    %get3A_89 = arith.constant 0 : index
    %get3A_90 = arith.constant 0 : index
    %get3A_91 = vector.load %arg7[%get3A_88, %get3A_89, %get3A_90] : memref<1x32x128xf32, #tpu.memory_space<vmem>>, vector<1x32x128xf32>
    %get3A_92 = vector.shape_cast %get3A_91 : vector<1x32x128xf32> to vector<32x128xf32>
    %get3A_93 = arith.constant 0 : index
    %get3A_94 = arith.constant 0 : index
    %get3A_95 = arith.constant 0 : index
    %get3A_96 = vector.load %arg8[%get3A_93, %get3A_94, %get3A_95] : memref<1x32x128xf32, #tpu.memory_space<vmem>>, vector<1x32x128xf32>
    %get3A_97 = vector.shape_cast %get3A_96 : vector<1x32x128xf32> to vector<32x128xf32>
    %slice3A_98 = vector.extract_strided_slice %get3A_92 {offsets = [0, 0], sizes = [1, 128], strides = [1, 1]} : vector<32x128xf32> to vector<1x128xf32>
    %slice3A_99 = vector.extract_strided_slice %get3A_97 {offsets = [0, 0], sizes = [1, 128], strides = [1, 1]} : vector<32x128xf32> to vector<1x128xf32>
    %sub3A_100 = vector.broadcast %slice3A : vector<360x1xf32> to vector<360x128xf32>
    %sub3A_101 = vector.broadcast %slice3A_98 : vector<1x128xf32> to vector<360x128xf32>
    %sub3A_102 = arith.subf %sub3A_100, %sub3A_101 : vector<360x128xf32>
    %sub3A_103 = vector.broadcast %slice3A_6 : vector<360x1xf32> to vector<360x128xf32>
    %sub3A_104 = vector.broadcast %slice3A_99 : vector<1x128xf32> to vector<360x128xf32>
    %sub3A_105 = arith.subf %sub3A_103, %sub3A_104 : vector<360x128xf32>
    %mul3A_106 = arith.mulf %sub3A_102, %sub3A_102 : vector<360x128xf32>
    %mul3A_107 = arith.mulf %sub3A_105, %sub3A_105 : vector<360x128xf32>
    %add3A_108 = arith.addf %mul3A_106, %mul3A_107 : vector<360x128xf32>
    %reduce_min3A_109 = arith.constant dense<0x7F800000> : vector<128xf32>
    %reduce_min3A_110 = vector.multi_reduction <minimumf>, %add3A_108, %reduce_min3A_109 [0] : vector<360x128xf32> to vector<128xf32>
    %broadcast_in_dim3A_111 = vector.shape_cast %reduce_min3A_110 : vector<128xf32> to vector<1x128xf32>
    %swap3A_112 = arith.constant 0 : index
    %swap3A_113 = arith.constant 128 : index
    %swap3A_114 = vector.load %arg12[%swap3A_112, %swap3A_113] : memref<32x256xf32, #tpu.memory_space<vmem>>, vector<1x128xf32>
    tpu.vector_store %arg12[%swap3A_112, %swap3A_113], %broadcast_in_dim3A_111 {strides = array<i32>} : memref<32x256xf32, #tpu.memory_space<vmem>>, vector<1x128xf32>,
    %slice3A_115 = vector.extract_strided_slice %transpose3A {offsets = [0, 1], sizes = [360, 1], strides = [1, 1]} : vector<360x32xf32> to vector<360x1xf32>
    %slice3A_116 = vector.extract_strided_slice %transpose3A_5 {offsets = [0, 1], sizes = [360, 1], strides = [1, 1]} : vector<360x32xf32> to vector<360x1xf32>
    %get3A_117 = arith.constant 0 : index
    %get3A_118 = arith.constant 0 : index
    %get3A_119 = arith.constant 0 : index
    %get3A_120 = vector.load %arg1[%get3A_117, %get3A_118, %get3A_119] : memref<1x32x384xf32, #tpu.memory_space<vmem>>, vector<1x32x384xf32>
    %get3A_121 = vector.shape_cast %get3A_120 : vector<1x32x384xf32> to vector<32x384xf32>
    %get3A_122 = arith.constant 0 : index
    %get3A_123 = arith.constant 0 : index
    %get3A_124 = arith.constant 0 : index
    %get3A_125 = vector.load %arg2[%get3A_122, %get3A_123, %get3A_124] : memref<1x32x384xf32, #tpu.memory_space<vmem>>, vector<1x32x384xf32>
    %get3A_126 = vector.shape_cast %get3A_125 : vector<1x32x384xf32> to vector<32x384xf32>
    %slice3A_127 = vector.extract_strided_slice %get3A_121 {offsets = [1, 0], sizes = [1, 384], strides = [1, 1]} : vector<32x384xf32> to vector<1x384xf32>
    %slice3A_128 = vector.extract_strided_slice %get3A_126 {offsets = [1, 0], sizes = [1, 384], strides = [1, 1]} : vector<32x384xf32> to vector<1x384xf32>
    %sub3A_129 = vector.broadcast %slice3A_115 : vector<360x1xf32> to vector<360x384xf32>
    %sub3A_130 = vector.broadcast %slice3A_127 : vector<1x384xf32> to vector<360x384xf32>
    %sub3A_131 = arith.subf %sub3A_129, %sub3A_130 : vector<360x384xf32>
    %sub3A_132 = vector.broadcast %slice3A_116 : vector<360x1xf32> to vector<360x384xf32>
    %sub3A_133 = vector.broadcast %slice3A_128 : vector<1x384xf32> to vector<360x384xf32>
    %sub3A_134 = arith.subf %sub3A_132, %sub3A_133 : vector<360x384xf32>
    %mul3A_135 = arith.mulf %sub3A_131, %sub3A_131 : vector<360x384xf32>
    %mul3A_136 = arith.mulf %sub3A_134, %sub3A_134 : vector<360x384xf32>
    %add3A_137 = arith.addf %mul3A_135, %mul3A_136 : vector<360x384xf32>
    %reduce_min3A_138 = arith.constant dense<0x7F800000> : vector<384xf32>
    %reduce_min3A_139 = vector.multi_reduction <minimumf>, %add3A_137, %reduce_min3A_138 [0] : vector<360x384xf32> to vector<384xf32>
    %broadcast_in_dim3A_140 = vector.shape_cast %reduce_min3A_139 : vector<384xf32> to vector<1x384xf32>
    %swap3A_141 = arith.constant 0 : index
    %swap3A_142 = arith.constant 1 : index
    %swap3A_143 = arith.constant 0 : index
    %swap3A_144 = vector.load %arg11[%swap3A_141, %swap3A_142, %swap3A_143] : memref<2x32x384xf32, #tpu.memory_space<vmem>>, vector<1x1x384xf32>
    %swap3A_145 = vector.shape_cast %swap3A_144 : vector<1x1x384xf32> to vector<1x384xf32>
    %swap3A_146 = vector.shape_cast %broadcast_in_dim3A_140 : vector<1x384xf32> to vector<1x1x384xf32>
    tpu.vector_store %arg11[%swap3A_141, %swap3A_142, %swap3A_143], %swap3A_146 {strides = array<i32>} : memref<2x32x384xf32, #tpu.memory_space<vmem>>, vector<1x1x384xf32>,
    %get3A_147 = arith.constant 0 : index
    %get3A_148 = arith.constant 0 : index
    %get3A_149 = arith.constant 0 : index
    %get3A_150 = vector.load %arg3[%get3A_147, %get3A_148, %get3A_149] : memref<1x32x384xf32, #tpu.memory_space<vmem>>, vector<1x32x384xf32>
    %get3A_151 = vector.shape_cast %get3A_150 : vector<1x32x384xf32> to vector<32x384xf32>
    %get3A_152 = arith.constant 0 : index
    %get3A_153 = arith.constant 0 : index
    %get3A_154 = arith.constant 0 : index
    %get3A_155 = vector.load %arg4[%get3A_152, %get3A_153, %get3A_154] : memref<1x32x384xf32, #tpu.memory_space<vmem>>, vector<1x32x384xf32>
    %get3A_156 = vector.shape_cast %get3A_155 : vector<1x32x384xf32> to vector<32x384xf32>
    %slice3A_157 = vector.extract_strided_slice %get3A_151 {offsets = [1, 0], sizes = [1, 384], strides = [1, 1]} : vector<32x384xf32> to vector<1x384xf32>
    %slice3A_158 = vector.extract_strided_slice %get3A_156 {offsets = [1, 0], sizes = [1, 384], strides = [1, 1]} : vector<32x384xf32> to vector<1x384xf32>
    %sub3A_159 = vector.broadcast %slice3A_115 : vector<360x1xf32> to vector<360x384xf32>
    %sub3A_160 = vector.broadcast %slice3A_157 : vector<1x384xf32> to vector<360x384xf32>
    %sub3A_161 = arith.subf %sub3A_159, %sub3A_160 : vector<360x384xf32>
    %sub3A_162 = vector.broadcast %slice3A_116 : vector<360x1xf32> to vector<360x384xf32>
    %sub3A_163 = vector.broadcast %slice3A_158 : vector<1x384xf32> to vector<360x384xf32>
    %sub3A_164 = arith.subf %sub3A_162, %sub3A_163 : vector<360x384xf32>
    %mul3A_165 = arith.mulf %sub3A_161, %sub3A_161 : vector<360x384xf32>
    %mul3A_166 = arith.mulf %sub3A_164, %sub3A_164 : vector<360x384xf32>
    %add3A_167 = arith.addf %mul3A_165, %mul3A_166 : vector<360x384xf32>
    %reduce_min3A_168 = arith.constant dense<0x7F800000> : vector<384xf32>
    %reduce_min3A_169 = vector.multi_reduction <minimumf>, %add3A_167, %reduce_min3A_168 [0] : vector<360x384xf32> to vector<384xf32>
    %broadcast_in_dim3A_170 = vector.shape_cast %reduce_min3A_169 : vector<384xf32> to vector<1x384xf32>
    %swap3A_171 = arith.constant 1 : index
    %swap3A_172 = arith.constant 1 : index
    %swap3A_173 = arith.constant 0 : index
    %swap3A_174 = vector.load %arg11[%swap3A_171, %swap3A_172, %swap3A_173] : memref<2x32x384xf32, #tpu.memory_space<vmem>>, vector<1x1x384xf32>
    %swap3A_175 = vector.shape_cast %swap3A_174 : vector<1x1x384xf32> to vector<1x384xf32>
    %swap3A_176 = vector.shape_cast %broadcast_in_dim3A_170 : vector<1x384xf32> to vector<1x1x384xf32>
    tpu.vector_store %arg11[%swap3A_171, %swap3A_172, %swap3A_173], %swap3A_176 {strides = array<i32>} : memref<2x32x384xf32, #tpu.memory_space<vmem>>, vector<1x1x384xf32>,
    %get3A_177 = arith.constant 0 : index
    %get3A_178 = arith.constant 0 : index
    %get3A_179 = arith.constant 0 : index
    %get3A_180 = vector.load %arg5[%get3A_177, %get3A_178, %get3A_179] : memref<1x32x128xf32, #tpu.memory_space<vmem>>, vector<1x32x128xf32>
    %get3A_181 = vector.shape_cast %get3A_180 : vector<1x32x128xf32> to vector<32x128xf32>
    %get3A_182 = arith.constant 0 : index
    %get3A_183 = arith.constant 0 : index
    %get3A_184 = arith.constant 0 : index
    %get3A_185 = vector.load %arg6[%get3A_182, %get3A_183, %get3A_184] : memref<1x32x128xf32, #tpu.memory_space<vmem>>, vector<1x32x128xf32>
    %get3A_186 = vector.shape_cast %get3A_185 : vector<1x32x128xf32> to vector<32x128xf32>
    %slice3A_187 = vector.extract_strided_slice %get3A_181 {offsets = [1, 0], sizes = [1, 128], strides = [1, 1]} : vector<32x128xf32> to vector<1x128xf32>
    %slice3A_188 = vector.extract_strided_slice %get3A_186 {offsets = [1, 0], sizes = [1, 128], strides = [1, 1]} : vector<32x128xf32> to vector<1x128xf32>
    %sub3A_189 = vector.broadcast %slice3A_115 : vector<360x1xf32> to vector<360x128xf32>
    %sub3A_190 = vector.broadcast %slice3A_187 : vector<1x128xf32> to vector<360x128xf32>
    %sub3A_191 = arith.subf %sub3A_189, %sub3A_190 : vector<360x128xf32>
    %sub3A_192 = vector.broadcast %slice3A_116 : vector<360x1xf32> to vector<360x128xf32>
    %sub3A_193 = vector.broadcast %slice3A_188 : vector<1x128xf32> to vector<360x128xf32>
    %sub3A_194 = arith.subf %sub3A_192, %sub3A_193 : vector<360x128xf32>
    %mul3A_195 = arith.mulf %sub3A_191, %sub3A_191 : vector<360x128xf32>
    %mul3A_196 = arith.mulf %sub3A_194, %sub3A_194 : vector<360x128xf32>
    %add3A_197 = arith.addf %mul3A_195, %mul3A_196 : vector<360x128xf32>
    %reduce_min3A_198 = arith.constant dense<0x7F800000> : vector<128xf32>
    %reduce_min3A_199 = vector.multi_reduction <minimumf>, %add3A_197, %reduce_min3A_198 [0] : vector<360x128xf32> to vector<128xf32>
    %broadcast_in_dim3A_200 = vector.shape_cast %reduce_min3A_199 : vector<128xf32> to vector<1x128xf32>
    %swap3A_201 = arith.constant 1 : index
    %swap3A_202 = arith.constant 0 : index
    %swap3A_203 = vector.load %arg12[%swap3A_201, %swap3A_202] : memref<32x256xf32, #tpu.memory_space<vmem>>, vector<1x128xf32>
    tpu.vector_store %arg12[%swap3A_201, %swap3A_202], %broadcast_in_dim3A_200 {strides = array<i32>} : memref<32x256xf32, #tpu.memory_space<vmem>>, vector<1x128xf32>,
    %get3A_204 = arith.constant 0 : index
    %get3A_205 = arith.constant 0 : index
    %get3A_206 = arith.constant 0 : index
    %get3A_207 = vector.load %arg7[%get3A_204, %get3A_205, %get3A_206] : memref<1x32x128xf32, #tpu.memory_space<vmem>>, vector<1x32x128xf32>
    %get3A_208 = vector.shape_cast %get3A_207 : vector<1x32x128xf32> to vector<32x128xf32>
    %get3A_209 = arith.constant 0 : index
    %get3A_210 = arith.constant 0 : index
    %get3A_211 = arith.constant 0 : index
    %get3A_212 = vector.load %arg8[%get3A_209, %get3A_210, %get3A_211] : memref<1x32x128xf32, #tpu.memory_space<vmem>>, vector<1x32x128xf32>
    %get3A_213 = vector.shape_cast %get3A_212 : vector<1x32x128xf32> to vector<32x128xf32>
    %slice3A_214 = vector.extract_strided_slice %get3A_208 {offsets = [1, 0], sizes = [1, 128], strides = [1, 1]} : vector<32x128xf32> to vector<1x128xf32>
    %slice3A_215 = vector.extract_strided_slice %get3A_213 {offsets = [1, 0], sizes = [1, 128], strides = [1, 1]} : vector<32x128xf32> to vector<1x128xf32>
    %sub3A_216 = vector.broadcast %slice3A_115 : vector<360x1xf32> to vector<360x128xf32>
    %sub3A_217 = vector.broadcast %slice3A_214 : vector<1x128xf32> to vector<360x128xf32>
    %sub3A_218 = arith.subf %sub3A_216, %sub3A_217 : vector<360x128xf32>
    %sub3A_219 = vector.broadcast %slice3A_116 : vector<360x1xf32> to vector<360x128xf32>
    %sub3A_220 = vector.broadcast %slice3A_215 : vector<1x128xf32> to vector<360x128xf32>
    %sub3A_221 = arith.subf %sub3A_219, %sub3A_220 : vector<360x128xf32>
    %mul3A_222 = arith.mulf %sub3A_218, %sub3A_218 : vector<360x128xf32>
    %mul3A_223 = arith.mulf %sub3A_221, %sub3A_221 : vector<360x128xf32>
    %add3A_224 = arith.addf %mul3A_222, %mul3A_223 : vector<360x128xf32>
    %reduce_min3A_225 = arith.constant dense<0x7F800000> : vector<128xf32>
    %reduce_min3A_226 = vector.multi_reduction <minimumf>, %add3A_224, %reduce_min3A_225 [0] : vector<360x128xf32> to vector<128xf32>
    %broadcast_in_dim3A_227 = vector.shape_cast %reduce_min3A_226 : vector<128xf32> to vector<1x128xf32>
    %swap3A_228 = arith.constant 1 : index
    %swap3A_229 = arith.constant 128 : index
    %swap3A_230 = vector.load %arg12[%swap3A_228, %swap3A_229] : memref<32x256xf32, #tpu.memory_space<vmem>>, vector<1x128xf32>
    tpu.vector_store %arg12[%swap3A_228, %swap3A_229], %broadcast_in_dim3A_227 {strides = array<i32>} : memref<32x256xf32, #tpu.memory_space<vmem>>, vector<1x128xf32>,
    %slice3A_231 = vector.extract_strided_slice %transpose3A {offsets = [0, 2], sizes = [360, 1], strides = [1, 1]} : vector<360x32xf32> to vector<360x1xf32>
    %slice3A_232 = vector.extract_strided_slice %transpose3A_5 {offsets = [0, 2], sizes = [360, 1], strides = [1, 1]} : vector<360x32xf32> to vector<360x1xf32>
    %get3A_233 = arith.constant 0 : index
    %get3A_234 = arith.constant 0 : index
    %get3A_235 = arith.constant 0 : index
    %get3A_236 = vector.load %arg1[%get3A_233, %get3A_234, %get3A_235] : memref<1x32x384xf32, #tpu.memory_space<vmem>>, vector<1x32x384xf32>
    %get3A_237 = vector.shape_cast %get3A_236 : vector<1x32x384xf32> to vector<32x384xf32>
    %get3A_238 = arith.constant 0 : index
    %get3A_239 = arith.constant 0 : index
    %get3A_240 = arith.constant 0 : index
    %get3A_241 = vector.load %arg2[%get3A_238, %get3A_239, %get3A_240] : memref<1x32x384xf32, #tpu.memory_space<vmem>>, vector<1x32x384xf32>
    %get3A_242 = vector.shape_cast %get3A_241 : vector<1x32x384xf32> to vector<32x384xf32>
    %slice3A_243 = vector.extract_strided_slice %get3A_237 {offsets = [2, 0], sizes = [1, 384], strides = [1, 1]} : vector<32x384xf32> to vector<1x384xf32>
    %slice3A_244 = vector.extract_strided_slice %get3A_242 {offsets = [2, 0], sizes = [1, 384], strides = [1, 1]} : vector<32x384xf32> to vector<1x384xf32>
    %sub3A_245 = vector.broadcast %slice3A_231 : vector<360x1xf32> to vector<360x384xf32>
    %sub3A_246 = vector.broadcast %slice3A_243 : vector<1x384xf32> to vector<360x384xf32>
    %sub3A_247 = arith.subf %sub3A_245, %sub3A_246 : vector<360x384xf32>
    %sub3A_248 = vector.broadcast %slice3A_232 : vector<360x1xf32> to vector<360x384xf32>
    %sub3A_249 = vector.broadcast %slice3A_244 : vector<1x384xf32> to vector<360x384xf32>
    %sub3A_250 = arith.subf %sub3A_248, %sub3A_249 : vector<360x384xf32>
    %mul3A_251 = arith.mulf %sub3A_247, %sub3A_247 : vector<360x384xf32>
    %mul3A_252 = arith.mulf %sub3A_250, %sub3A_250 : vector<360x384xf32>
    %add3A_253 = arith.addf %mul3A_251, %mul3A_252 : vector<360x384xf32>
    %reduce_min3A_254 = arith.constant dense<0x7F800000> : vector<384xf32>
    %reduce_min3A_255 = vector.multi_reduction <minimumf>, %add3A_253, %reduce_min3A_254 [0] : vector<360x384xf32> to vector<384xf32>
    %broadcast_in_dim3A_256 = vector.shape_cast %reduce_min3A_255 : vector<384xf32> to vector<1x384xf32>
    %swap3A_257 = arith.constant 0 : index
    %swap3A_258 = arith.constant 2 : index
    %swap3A_259 = arith.constant 0 : index
    %swap3A_260 = vector.load %arg11[%swap3A_257, %swap3A_258, %swap3A_259] : memref<2x32x384xf32, #tpu.memory_space<vmem>>, vector<1x1x384xf32>
    %swap3A_261 = vector.shape_cast %swap3A_260 : vector<1x1x384xf32> to vector<1x384xf32>
    %swap3A_262 = vector.shape_cast %broadcast_in_dim3A_256 : vector<1x384xf32> to vector<1x1x384xf32>
    tpu.vector_store %arg11[%swap3A_257, %swap3A_258, %swap3A_259], %swap3A_262 {strides = array<i32>} : memref<2x32x384xf32, #tpu.memory_space<vmem>>, vector<1x1x384xf32>,
    %get3A_263 = arith.constant 0 : index
    %get3A_264 = arith.constant 0 : index
    %get3A_265 = arith.constant 0 : index
    %get3A_266 = vector.load %arg3[%get3A_263, %get3A_264, %get3A_265] : memref<1x32x384xf32, #tpu.memory_space<vmem>>, vector<1x32x384xf32>
    %get3A_267 = vector.shape_cast %get3A_266 : vector<1x32x384xf32> to vector<32x384xf32>
    %get3A_268 = arith.constant 0 : index
    %get3A_269 = arith.constant 0 : index
    %get3A_270 = arith.constant 0 : index
    %get3A_271 = vector.load %arg4[%get3A_268, %get3A_269, %get3A_270] : memref<1x32x384xf32, #tpu.memory_space<vmem>>, vector<1x32x384xf32>
    %get3A_272 = vector.shape_cast %get3A_271 : vector<1x32x384xf32> to vector<32x384xf32>
    %slice3A_273 = vector.extract_strided_slice %get3A_267 {offsets = [2, 0], sizes = [1, 384], strides = [1, 1]} : vector<32x384xf32> to vector<1x384xf32>
    %slice3A_274 = vector.extract_strided_slice %get3A_272 {offsets = [2, 0], sizes = [1, 384], strides = [1, 1]} : vector<32x384xf32> to vector<1x384xf32>
    %sub3A_275 = vector.broadcast %slice3A_231 : vector<360x1xf32> to vector<360x384xf32>
    %sub3A_276 = vector.broadcast %slice3A_273 : vector<1x384xf32> to vector<360x384xf32>
    %sub3A_277 = arith.subf %sub3A_275, %sub3A_276 : vector<360x384xf32>
    %sub3A_278 = vector.broadcast %slice3A_232 : vector<360x1xf32> to vector<360x384xf32>
    %sub3A_279 = vector.broadcast %slice3A_274 : vector<1x384xf32> to vector<360x384xf32>
    %sub3A_280 = arith.subf %sub3A_278, %sub3A_279 : vector<360x384xf32>
    %mul3A_281 = arith.mulf %sub3A_277, %sub3A_277 : vector<360x384xf32>
    %mul3A_282 = arith.mulf %sub3A_280, %sub3A_280 : vector<360x384xf32>
    %add3A_283 = arith.addf %mul3A_281, %mul3A_282 : vector<360x384xf32>
    %reduce_min3A_284 = arith.constant dense<0x7F800000> : vector<384xf32>
    %reduce_min3A_285 = vector.multi_reduction <minimumf>, %add3A_283, %reduce_min3A_284 [0] : vector<360x384xf32> to vector<384xf32>
    %broadcast_in_dim3A_286 = vector.shape_cast %reduce_min3A_285 : vector<384xf32> to vector<1x384xf32>
    %swap3A_287 = arith.constant 1 : index
    %swap3A_288 = arith.constant 2 : index
    %swap3A_289 = arith.constant 0 : index
    %swap3A_290 = vector.load %arg11[%swap3A_287, %swap3A_288, %swap3A_289] : memref<2x32x384xf32, #tpu.memory_space<vmem>>, vector<1x1x384xf32>
    %swap3A_291 = vector.shape_cast %swap3A_290 : vector<1x1x384xf32> to vector<1x384xf32>
    %swap3A_292 = vector.shape_cast %broadcast_in_dim3A_286 : vector<1x384xf32> to vector<1x1x384xf32>
    tpu.vector_store %arg11[%swap3A_287, %swap3A_288, %swap3A_289], %swap3A_292 {strides = array<i32>} : memref<2x32x384xf32, #tpu.memory_space<vmem>>, vector<1x1x384xf32>,
    %get3A_293 = arith.constant 0 : index
    %get3A_294 = arith.constant 0 : index
    %get3A_295 = arith.constant 0 : index
    %get3A_296 = vector.load %arg5[%get3A_293, %get3A_294, %get3A_295] : memref<1x32x128xf32, #tpu.memory_space<vmem>>, vector<1x32x128xf32>
    %get3A_297 = vector.shape_cast %get3A_296 : vector<1x32x128xf32> to vector<32x128xf32>
    %get3A_298 = arith.constant 0 : index
    %get3A_299 = arith.constant 0 : index
    %get3A_300 = arith.constant 0 : index
    %get3A_301 = vector.load %arg6[%get3A_298, %get3A_299, %get3A_300] : memref<1x32x128xf32, #tpu.memory_space<vmem>>, vector<1x32x128xf32>
    %get3A_302 = vector.shape_cast %get3A_301 : vector<1x32x128xf32> to vector<32x128xf32>
    %slice3A_303 = vector.extract_strided_slice %get3A_297 {offsets = [2, 0], sizes = [1, 128], strides = [1, 1]} : vector<32x128xf32> to vector<1x128xf32>
    %slice3A_304 = vector.extract_strided_slice %get3A_302 {offsets = [2, 0], sizes = [1, 128], strides = [1, 1]} : vector<32x128xf32> to vector<1x128xf32>
    %sub3A_305 = vector.broadcast %slice3A_231 : vector<360x1xf32> to vector<360x128xf32>
    %sub3A_306 = vector.broadcast %slice3A_303 : vector<1x128xf32> to vector<360x128xf32>
    %sub3A_307 = arith.subf %sub3A_305, %sub3A_306 : vector<360x128xf32>
    %sub3A_308 = vector.broadcast %slice3A_232 : vector<360x1xf32> to vector<360x128xf32>
    %sub3A_309 = vector.broadcast %slice3A_304 : vector<1x128xf32> to vector<360x128xf32>
    %sub3A_310 = arith.subf %sub3A_308, %sub3A_309 : vector<360x128xf32>
    %mul3A_311 = arith.mulf %sub3A_307, %sub3A_307 : vector<360x128xf32>
    %mul3A_312 = arith.mulf %sub3A_310, %sub3A_310 : vector<360x128xf32>
    %add3A_313 = arith.addf %mul3A_311, %mul3A_312 : vector<360x128xf32>
    %reduce_min3A_314 = arith.constant dense<0x7F800000> : vector<128xf32>
    %reduce_min3A_315 = vector.multi_reduction <minimumf>, %add3A_313, %reduce_min3A_314 [0] : vector<360x128xf32> to vector<128xf32>
    %broadcast_in_dim3A_316 = vector.shape_cast %reduce_min3A_315 : vector<128xf32> to vector<1x128xf32>
    %swap3A_317 = arith.constant 2 : index
    %swap3A_318 = arith.constant 0 : index
    %swap3A_319 = vector.load %arg12[%swap3A_317, %swap3A_318] : memref<32x256xf32, #tpu.memory_space<vmem>>, vector<1x128xf32>
    tpu.vector_store %arg12[%swap3A_317, %swap3A_318], %broadcast_in_dim3A_316 {strides = array<i32>} : memref<32x256xf32, #tpu.memory_space<vmem>>, vector<1x128xf32>,
    %get3A_320 = arith.constant 0 : index
    %get3A_321 = arith.constant 0 : index
    %get3A_322 = arith.constant 0 : index
    %get3A_323 = vector.load %arg7[%get3A_320, %get3A_321, %get3A_322] : memref<1x32x128xf32, #tpu.memory_space<vmem>>, vector<1x32x128xf32>
    %get3A_324 = vector.shape_cast %get3A_323 : vector<1x32x128xf32> to vector<32x128xf32>
    %get3A_325 = arith.constant 0 : index
    %get3A_326 = arith.constant 0 : index
    %get3A_327 = arith.constant 0 : index
    %get3A_328 = vector.load %arg8[%get3A_325, %get3A_326, %get3A_327] : memref<1x32x128xf32, #tpu.memory_space<vmem>>, vector<1x32x128xf32>
    %get3A_329 = vector.shape_cast %get3A_328 : vector<1x32x128xf32> to vector<32x128xf32>
    %slice3A_330 = vector.extract_strided_slice %get3A_324 {offsets = [2, 0], sizes = [1, 128], strides = [1, 1]} : vector<32x128xf32> to vector<1x128xf32>
    %slice3A_331 = vector.extract_strided_slice %get3A_329 {offsets = [2, 0], sizes = [1, 128], strides = [1, 1]} : vector<32x128xf32> to vector<1x128xf32>
    %sub3A_332 = vector.broadcast %slice3A_231 : vector<360x1xf32> to vector<360x128xf32>
    %sub3A_333 = vector.broadcast %slice3A_330 : vector<1x128xf32> to vector<360x128xf32>
    %sub3A_334 = arith.subf %sub3A_332, %sub3A_333 : vector<360x128xf32>
    %sub3A_335 = vector.broadcast %slice3A_232 : vector<360x1xf32> to vector<360x128xf32>
    %sub3A_336 = vector.broadcast %slice3A_331 : vector<1x128xf32> to vector<360x128xf32>
    %sub3A_337 = arith.subf %sub3A_335, %sub3A_336 : vector<360x128xf32>
    %mul3A_338 = arith.mulf %sub3A_334, %sub3A_334 : vector<360x128xf32>
    %mul3A_339 = arith.mulf %sub3A_337, %sub3A_337 : vector<360x128xf32>
    %add3A_340 = arith.addf %mul3A_338, %mul3A_339 : vector<360x128xf32>
    %reduce_min3A_341 = arith.constant dense<0x7F800000> : vector<128xf32>
    %reduce_min3A_342 = vector.multi_reduction <minimumf>, %add3A_340, %reduce_min3A_341 [0] : vector<360x128xf32> to vector<128xf32>
    %broadcast_in_dim3A_343 = vector.shape_cast %reduce_min3A_342 : vector<128xf32> to vector<1x128xf32>
    %swap3A_344 = arith.constant 2 : index
    %swap3A_345 = arith.constant 128 : index
    %swap3A_346 = vector.load %arg12[%swap3A_344, %swap3A_345] : memref<32x256xf32, #tpu.memory_space<vmem>>, vector<1x128xf32>
    tpu.vector_store %arg12[%swap3A_344, %swap3A_345], %broadcast_in_dim3A_343 {strides = array<i32>} : memref<32x256xf32, #tpu.memory_space<vmem>>, vector<1x128xf32>,
    %slice3A_347 = vector.extract_strided_slice %transpose3A {offsets = [0, 3], sizes = [360, 1], strides = [1, 1]} : vector<360x32xf32> to vector<360x1xf32>
    %slice3A_348 = vector.extract_strided_slice %transpose3A_5 {offsets = [0, 3], sizes = [360, 1], strides = [1, 1]} : vector<360x32xf32> to vector<360x1xf32>
    %get3A_349 = arith.constant 0 : index
    %get3A_350 = arith.constant 0 : index
    %get3A_351 = arith.constant 0 : index
    %get3A_352 = vector.load %arg1[%get3A_349, %get3A_350, %get3A_351] : memref<1x32x384xf32, #tpu.memory_space<vmem>>, vector<1x32x384xf32>
    %get3A_353 = vector.shape_cast %get3A_352 : vector<1x32x384xf32> to vector<32x384xf32>
    %get3A_354 = arith.constant 0 : index
    %get3A_355 = arith.constant 0 : index
    %get3A_356 = arith.constant 0 : index
    %get3A_357 = vector.load %arg2[%get3A_354, %get3A_355, %get3A_356] : memref<1x32x384xf32, #tpu.memory_space<vmem>>, vector<1x32x384xf32>
    %get3A_358 = vector.shape_cast %get3A_357 : vector<1x32x384xf32> to vector<32x384xf32>
    %slice3A_359 = vector.extract_strided_slice %get3A_353 {offsets = [3, 0], sizes = [1, 384], strides = [1, 1]} : vector<32x384xf32> to vector<1x384xf32>
    %slice3A_360 = vector.extract_strided_slice %get3A_358 {offsets = [3, 0], sizes = [1, 384], strides = [1, 1]} : vector<32x384xf32> to vector<1x384xf32>
    %sub3A_361 = vector.broadcast %slice3A_347 : vector<360x1xf32> to vector<360x384xf32>
    %sub3A_362 = vector.broadcast %slice3A_359 : vector<1x384xf32> to vector<360x384xf32>
    %sub3A_363 = arith.subf %sub3A_361, %sub3A_362 : vector<360x384xf32>
    %sub3A_364 = vector.broadcast %slice3A_348 : vector<360x1xf32> to vector<360x384xf32>
    %sub3A_365 = vector.broadcast %slice3A_360 : vector<1x384xf32> to vector<360x384xf32>
    %sub3A_366 = arith.subf %sub3A_364, %sub3A_365 : vector<360x384xf32>
    %mul3A_367 = arith.mulf %sub3A_363, %sub3A_363 : vector<360x384xf32>
    %mul3A_368 = arith.mulf %sub3A_366, %sub3A_366 : vector<360x384xf32>
    %add3A_369 = arith.addf %mul3A_367, %mul3A_368 : vector<360x384xf32>
    %reduce_min3A_370 = arith.constant dense<0x7F800000> : vector<384xf32>
    %reduce_min3A_371 = vector.multi_reduction <minimumf>, %add3A_369, %reduce_min3A_370 [0] : vector<360x384xf32> to vector<384xf32>
    %broadcast_in_dim3A_372 = vector.shape_cast %reduce_min3A_371 : vector<384xf32> to vector<1x384xf32>
    %swap3A_373 = arith.constant 0 : index
    %swap3A_374 = arith.constant 3 : index
    %swap3A_375 = arith.constant 0 : index
    %swap3A_376 = vector.load %arg11[%swap3A_373, %swap3A_374, %swap3A_375] : memref<2x32x384xf32, #tpu.memory_space<vmem>>, vector<1x1x384xf32>
    %swap3A_377 = vector.shape_cast %swap3A_376 : vector<1x1x384xf32> to vector<1x384xf32>
    %swap3A_378 = vector.shape_cast %broadcast_in_dim3A_372 : vector<1x384xf32> to vector<1x1x384xf32>
    tpu.vector_store %arg11[%swap3A_373, %swap3A_374, %swap3A_375], %swap3A_378 {strides = array<i32>} : memref<2x32x384xf32, #tpu.memory_space<vmem>>, vector<1x1x384xf32>,
    %get3A_379 = arith.constant 0 : index
    %get3A_380 = arith.constant 0 : index
    %get3A_381 = arith.constant 0 : index
    %get3A_382 = vector.load %arg3[%get3A_379, %get3A_380, %get3A_381] : memref<1x32x384xf32, #tpu.memory_space<vmem>>, vector<1x32x384xf32>
    %get3A_383 = vector.shape_cast %get3A_382 : vector<1x32x384xf32> to vector<32x384xf32>
    %get3A_384 = arith.constant 0 : index
    %get3A_385 = arith.constant 0 : index
    %get3A_386 = arith.constant 0 : index
    %get3A_387 = vector.load %arg4[%get3A_384, %get3A_385, %get3A_386] : memref<1x32x384xf32, #tpu.memory_space<vmem>>, vector<1x32x384xf32>
    %get3A_388 = vector.shape_cast %get3A_387 : vector<1x32x384xf32> to vector<32x384xf32>
    %slice3A_389 = vector.extract_strided_slice %get3A_383 {offsets = [3, 0], sizes = [1, 384], strides = [1, 1]} : vector<32x384xf32> to vector<1x384xf32>
    %slice3A_390 = vector.extract_strided_slice %get3A_388 {offsets = [3, 0], sizes = [1, 384], strides = [1, 1]} : vector<32x384xf32> to vector<1x384xf32>
    %sub3A_391 = vector.broadcast %slice3A_347 : vector<360x1xf32> to vector<360x384xf32>
    %sub3A_392 = vector.broadcast %slice3A_389 : vector<1x384xf32> to vector<360x384xf32>
    %sub3A_393 = arith.subf %sub3A_391, %sub3A_392 : vector<360x384xf32>
    %sub3A_394 = vector.broadcast %slice3A_348 : vector<360x1xf32> to vector<360x384xf32>
    %sub3A_395 = vector.broadcast %slice3A_390 : vector<1x384xf32> to vector<360x384xf32>
    %sub3A_396 = arith.subf %sub3A_394, %sub3A_395 : vector<360x384xf32>
    %mul3A_397 = arith.mulf %sub3A_393, %sub3A_393 : vector<360x384xf32>
    %mul3A_398 = arith.mulf %sub3A_396, %sub3A_396 : vector<360x384xf32>
    %add3A_399 = arith.addf %mul3A_397, %mul3A_398 : vector<360x384xf32>
    %reduce_min3A_400 = arith.constant dense<0x7F800000> : vector<384xf32>
    %reduce_min3A_401 = vector.multi_reduction <minimumf>, %add3A_399, %reduce_min3A_400 [0] : vector<360x384xf32> to vector<384xf32>
    %broadcast_in_dim3A_402 = vector.shape_cast %reduce_min3A_401 : vector<384xf32> to vector<1x384xf32>
    %swap3A_403 = arith.constant 1 : index
    %swap3A_404 = arith.constant 3 : index
    %swap3A_405 = arith.constant 0 : index
    %swap3A_406 = vector.load %arg11[%swap3A_403, %swap3A_404, %swap3A_405] : memref<2x32x384xf32, #tpu.memory_space<vmem>>, vector<1x1x384xf32>
    %swap3A_407 = vector.shape_cast %swap3A_406 : vector<1x1x384xf32> to vector<1x384xf32>
    %swap3A_408 = vector.shape_cast %broadcast_in_dim3A_402 : vector<1x384xf32> to vector<1x1x384xf32>
    tpu.vector_store %arg11[%swap3A_403, %swap3A_404, %swap3A_405], %swap3A_408 {strides = array<i32>} : memref<2x32x384xf32, #tpu.memory_space<vmem>>, vector<1x1x384xf32>,
    %get3A_409 = arith.constant 0 : index
    %get3A_410 = arith.constant 0 : index
    %get3A_411 = arith.constant 0 : index
    %get3A_412 = vector.load %arg5[%get3A_409, %get3A_410, %get3A_411] : memref<1x32x128xf32, #tpu.memory_space<vmem>>, vector<1x32x128xf32>
    %get3A_413 = vector.shape_cast %get3A_412 : vector<1x32x128xf32> to vector<32x128xf32>
    %get3A_414 = arith.constant 0 : index
    %get3A_415 = arith.constant 0 : index
    %get3A_416 = arith.constant 0 : index
    %get3A_417 = vector.load %arg6[%get3A_414, %get3A_415, %get3A_416] : memref<1x32x128xf32, #tpu.memory_space<vmem>>, vector<1x32x128xf32>
    %get3A_418 = vector.shape_cast %get3A_417 : vector<1x32x128xf32> to vector<32x128xf32>
    %slice3A_419 = vector.extract_strided_slice %get3A_413 {offsets = [3, 0], sizes = [1, 128], strides = [1, 1]} : vector<32x128xf32> to vector<1x128xf32>
    %slice3A_420 = vector.extract_strided_slice %get3A_418 {offsets = [3, 0], sizes = [1, 128], strides = [1, 1]} : vector<32x128xf32> to vector<1x128xf32>
    %sub3A_421 = vector.broadcast %slice3A_347 : vector<360x1xf32> to vector<360x128xf32>
    %sub3A_422 = vector.broadcast %slice3A_419 : vector<1x128xf32> to vector<360x128xf32>
    %sub3A_423 = arith.subf %sub3A_421, %sub3A_422 : vector<360x128xf32>
    %sub3A_424 = vector.broadcast %slice3A_348 : vector<360x1xf32> to vector<360x128xf32>
    %sub3A_425 = vector.broadcast %slice3A_420 : vector<1x128xf32> to vector<360x128xf32>
    %sub3A_426 = arith.subf %sub3A_424, %sub3A_425 : vector<360x128xf32>
    %mul3A_427 = arith.mulf %sub3A_423, %sub3A_423 : vector<360x128xf32>
    %mul3A_428 = arith.mulf %sub3A_426, %sub3A_426 : vector<360x128xf32>
    %add3A_429 = arith.addf %mul3A_427, %mul3A_428 : vector<360x128xf32>
    %reduce_min3A_430 = arith.constant dense<0x7F800000> : vector<128xf32>
    %reduce_min3A_431 = vector.multi_reduction <minimumf>, %add3A_429, %reduce_min3A_430 [0] : vector<360x128xf32> to vector<128xf32>
    %broadcast_in_dim3A_432 = vector.shape_cast %reduce_min3A_431 : vector<128xf32> to vector<1x128xf32>
    %swap3A_433 = arith.constant 3 : index
    %swap3A_434 = arith.constant 0 : index
    %swap3A_435 = vector.load %arg12[%swap3A_433, %swap3A_434] : memref<32x256xf32, #tpu.memory_space<vmem>>, vector<1x128xf32>
    tpu.vector_store %arg12[%swap3A_433, %swap3A_434], %broadcast_in_dim3A_432 {strides = array<i32>} : memref<32x256xf32, #tpu.memory_space<vmem>>, vector<1x128xf32>,
    %get3A_436 = arith.constant 0 : index
    %get3A_437 = arith.constant 0 : index
    %get3A_438 = arith.constant 0 : index
    %get3A_439 = vector.load %arg7[%get3A_436, %get3A_437, %get3A_438] : memref<1x32x128xf32, #tpu.memory_space<vmem>>, vector<1x32x128xf32>
    %get3A_440 = vector.shape_cast %get3A_439 : vector<1x32x128xf32> to vector<32x128xf32>
    %get3A_441 = arith.constant 0 : index
    %get3A_442 = arith.constant 0 : index
    %get3A_443 = arith.constant 0 : index
    %get3A_444 = vector.load %arg8[%get3A_441, %get3A_442, %get3A_443] : memref<1x32x128xf32, #tpu.memory_space<vmem>>, vector<1x32x128xf32>
    %get3A_445 = vector.shape_cast %get3A_444 : vector<1x32x128xf32> to vector<32x128xf32>
    %slice3A_446 = vector.extract_strided_slice %get3A_440 {offsets = [3, 0], sizes = [1, 128], strides = [1, 1]} : vector<32x128xf32> to vector<1x128xf32>
    %slice3A_447 = vector.extract_strided_slice %get3A_445 {offsets = [3, 0], sizes = [1, 128], strides = [1, 1]} : vector<32x128xf32> to vector<1x128xf32>
    %sub3A_448 = vector.broadcast %slice3A_347 : vector<360x1xf32> to vector<360x128xf32>
    %sub3A_449 = vector.broadcast %slice3A_446 : vector<1x128xf32> to vector<360x128xf32>
    %sub3A_450 = arith.subf %sub3A_448, %sub3A_449 : vector<360x128xf32>
    %sub3A_451 = vector.broadcast %slice3A_348 : vector<360x1xf32> to vector<360x128xf32>
    %sub3A_452 = vector.broadcast %slice3A_447 : vector<1x128xf32> to vector<360x128xf32>
    %sub3A_453 = arith.subf %sub3A_451, %sub3A_452 : vector<360x128xf32>
    %mul3A_454 = arith.mulf %sub3A_450, %sub3A_450 : vector<360x128xf32>
    %mul3A_455 = arith.mulf %sub3A_453, %sub3A_453 : vector<360x128xf32>
    %add3A_456 = arith.addf %mul3A_454, %mul3A_455 : vector<360x128xf32>
    %reduce_min3A_457 = arith.constant dense<0x7F800000> : vector<128xf32>
    %reduce_min3A_458 = vector.multi_reduction <minimumf>, %add3A_456, %reduce_min3A_457 [0] : vector<360x128xf32> to vector<128xf32>
    %broadcast_in_dim3A_459 = vector.shape_cast %reduce_min3A_458 : vector<128xf32> to vector<1x128xf32>
    %swap3A_460 = arith.constant 3 : index
    %swap3A_461 = arith.constant 128 : index
    %swap3A_462 = vector.load %arg12[%swap3A_460, %swap3A_461] : memref<32x256xf32, #tpu.memory_space<vmem>>, vector<1x128xf32>
    tpu.vector_store %arg12[%swap3A_460, %swap3A_461], %broadcast_in_dim3A_459 {strides = array<i32>} : memref<32x256xf32, #tpu.memory_space<vmem>>, vector<1x128xf32>,
    %slice3A_463 = vector.extract_strided_slice %transpose3A {offsets = [0, 4], sizes = [360, 1], strides = [1, 1]} : vector<360x32xf32> to vector<360x1xf32>
    %slice3A_464 = vector.extract_strided_slice %transpose3A_5 {offsets = [0, 4], sizes = [360, 1], strides = [1, 1]} : vector<360x32xf32> to vector<360x1xf32>
    %get3A_465 = arith.constant 0 : index
    %get3A_466 = arith.constant 0 : index
    %get3A_467 = arith.constant 0 : index
    %get3A_468 = vector.load %arg1[%get3A_465, %get3A_466, %get3A_467] : memref<1x32x384xf32, #tpu.memory_space<vmem>>, vector<1x32x384xf32>
    %get3A_469 = vector.shape_cast %get3A_468 : vector<1x32x384xf32> to vector<32x384xf32>
    %get3A_470 = arith.constant 0 : index
    %get3A_471 = arith.constant 0 : index
    %get3A_472 = arith.constant 0 : index
    %get3A_473 = vector.load %arg2[%get3A_470, %get3A_471, %get3A_472] : memref<1x32x384xf32, #tpu.memory_space<vmem>>, vector<1x32x384xf32>
    %get3A_474 = vector.shape_cast %get3A_473 : vector<1x32x384xf32> to vector<32x384xf32>
    %slice3A_475 = vector.extract_strided_slice %get3A_469 {offsets = [4, 0], sizes = [1, 384], strides = [1, 1]} : vector<32x384xf32> to vector<1x384xf32>
    %slice3A_476 = vector.extract_strided_slice %get3A_474 {offsets = [4, 0], sizes = [1, 384], strides = [1, 1]} : vector<32x384xf32> to vector<1x384xf32>
    %sub3A_477 = vector.broadcast %slice3A_463 : vector<360x1xf32> to vector<360x384xf32>
    %sub3A_478 = vector.broadcast %slice3A_475 : vector<1x384xf32> to vector<360x384xf32>
    %sub3A_479 = arith.subf %sub3A_477, %sub3A_478 : vector<360x384xf32>
    %sub3A_480 = vector.broadcast %slice3A_464 : vector<360x1xf32> to vector<360x384xf32>
    %sub3A_481 = vector.broadcast %slice3A_476 : vector<1x384xf32> to vector<360x384xf32>
    %sub3A_482 = arith.subf %sub3A_480, %sub3A_481 : vector<360x384xf32>
    %mul3A_483 = arith.mulf %sub3A_479, %sub3A_479 : vector<360x384xf32>
    %mul3A_484 = arith.mulf %sub3A_482, %sub3A_482 : vector<360x384xf32>
    %add3A_485 = arith.addf %mul3A_483, %mul3A_484 : vector<360x384xf32>
    %reduce_min3A_486 = arith.constant dense<0x7F800000> : vector<384xf32>
    %reduce_min3A_487 = vector.multi_reduction <minimumf>, %add3A_485, %reduce_min3A_486 [0] : vector<360x384xf32> to vector<384xf32>
    %broadcast_in_dim3A_488 = vector.shape_cast %reduce_min3A_487 : vector<384xf32> to vector<1x384xf32>
    %swap3A_489 = arith.constant 0 : index
    %swap3A_490 = arith.constant 4 : index
    %swap3A_491 = arith.constant 0 : index
    %swap3A_492 = vector.load %arg11[%swap3A_489, %swap3A_490, %swap3A_491] : memref<2x32x384xf32, #tpu.memory_space<vmem>>, vector<1x1x384xf32>
    %swap3A_493 = vector.shape_cast %swap3A_492 : vector<1x1x384xf32> to vector<1x384xf32>
    %swap3A_494 = vector.shape_cast %broadcast_in_dim3A_488 : vector<1x384xf32> to vector<1x1x384xf32>
    tpu.vector_store %arg11[%swap3A_489, %swap3A_490, %swap3A_491], %swap3A_494 {strides = array<i32>} : memref<2x32x384xf32, #tpu.memory_space<vmem>>, vector<1x1x384xf32>,
    %get3A_495 = arith.constant 0 : index
    %get3A_496 = arith.constant 0 : index
    %get3A_497 = arith.constant 0 : index
    %get3A_498 = vector.load %arg3[%get3A_495, %get3A_496, %get3A_497] : memref<1x32x384xf32, #tpu.memory_space<vmem>>, vector<1x32x384xf32>
    %get3A_499 = vector.shape_cast %get3A_498 : vector<1x32x384xf32> to vector<32x384xf32>
    %get3A_500 = arith.constant 0 : index
    %get3A_501 = arith.constant 0 : index
    %get3A_502 = arith.constant 0 : index
    %get3A_503 = vector.load %arg4[%get3A_500, %get3A_501, %get3A_502] : memref<1x32x384xf32, #tpu.memory_space<vmem>>, vector<1x32x384xf32>
    %get3A_504 = vector.shape_cast %get3A_503 : vector<1x32x384xf32> to vector<32x384xf32>
    %slice3A_505 = vector.extract_strided_slice %get3A_499 {offsets = [4, 0], sizes = [1, 384], strides = [1, 1]} : vector<32x384xf32> to vector<1x384xf32>
    %slice3A_506 = vector.extract_strided_slice %get3A_504 {offsets = [4, 0], sizes = [1, 384], strides = [1, 1]} : vector<32x384xf32> to vector<1x384xf32>
    %sub3A_507 = vector.broadcast %slice3A_463 : vector<360x1xf32> to vector<360x384xf32>
    %sub3A_508 = vector.broadcast %slice3A_505 : vector<1x384xf32> to vector<360x384xf32>
    %sub3A_509 = arith.subf %sub3A_507, %sub3A_508 : vector<360x384xf32>
    %sub3A_510 = vector.broadcast %slice3A_464 : vector<360x1xf32> to vector<360x384xf32>
    %sub3A_511 = vector.broadcast %slice3A_506 : vector<1x384xf32> to vector<360x384xf32>
    %sub3A_512 = arith.subf %sub3A_510, %sub3A_511 : vector<360x384xf32>
    %mul3A_513 = arith.mulf %sub3A_509, %sub3A_509 : vector<360x384xf32>
    %mul3A_514 = arith.mulf %sub3A_512, %sub3A_512 : vector<360x384xf32>
    %add3A_515 = arith.addf %mul3A_513, %mul3A_514 : vector<360x384xf32>
    %reduce_min3A_516 = arith.constant dense<0x7F800000> : vector<384xf32>
    %reduce_min3A_517 = vector.multi_reduction <minimumf>, %add3A_515, %reduce_min3A_516 [0] : vector<360x384xf32> to vector<384xf32>
    %broadcast_in_dim3A_518 = vector.shape_cast %reduce_min3A_517 : vector<384xf32> to vector<1x384xf32>
    %swap3A_519 = arith.constant 1 : index
    %swap3A_520 = arith.constant 4 : index
    %swap3A_521 = arith.constant 0 : index
    %swap3A_522 = vector.load %arg11[%swap3A_519, %swap3A_520, %swap3A_521] : memref<2x32x384xf32, #tpu.memory_space<vmem>>, vector<1x1x384xf32>
    %swap3A_523 = vector.shape_cast %swap3A_522 : vector<1x1x384xf32> to vector<1x384xf32>
    %swap3A_524 = vector.shape_cast %broadcast_in_dim3A_518 : vector<1x384xf32> to vector<1x1x384xf32>
    tpu.vector_store %arg11[%swap3A_519, %swap3A_520, %swap3A_521], %swap3A_524 {strides = array<i32>} : memref<2x32x384xf32, #tpu.memory_space<vmem>>, vector<1x1x384xf32>,
    %get3A_525 = arith.constant 0 : index
    %get3A_526 = arith.constant 0 : index
    %get3A_527 = arith.constant 0 : index
    %get3A_528 = vector.load %arg5[%get3A_525, %get3A_526, %get3A_527] : memref<1x32x128xf32, #tpu.memory_space<vmem>>, vector<1x32x128xf32>
    %get3A_529 = vector.shape_cast %get3A_528 : vector<1x32x128xf32> to vector<32x128xf32>
    %get3A_530 = arith.constant 0 : index
    %get3A_531 = arith.constant 0 : index
    %get3A_532 = arith.constant 0 : index
    %get3A_533 = vector.load %arg6[%get3A_530, %get3A_531, %get3A_532] : memref<1x32x128xf32, #tpu.memory_space<vmem>>, vector<1x32x128xf32>
    %get3A_534 = vector.shape_cast %get3A_533 : vector<1x32x128xf32> to vector<32x128xf32>
    %slice3A_535 = vector.extract_strided_slice %get3A_529 {offsets = [4, 0], sizes = [1, 128], strides = [1, 1]} : vector<32x128xf32> to vector<1x128xf32>
    %slice3A_536 = vector.extract_strided_slice %get3A_534 {offsets = [4, 0], sizes = [1, 128], strides = [1, 1]} : vector<32x128xf32> to vector<1x128xf32>
    %sub3A_537 = vector.broadcast %slice3A_463 : vector<360x1xf32> to vector<360x128xf32>
    %sub3A_538 = vector.broadcast %slice3A_535 : vector<1x128xf32> to vector<360x128xf32>
    %sub3A_539 = arith.subf %sub3A_537, %sub3A_538 : vector<360x128xf32>
    %sub3A_540 = vector.broadcast %slice3A_464 : vector<360x1xf32> to vector<360x128xf32>
    %sub3A_541 = vector.broadcast %slice3A_536 : vector<1x128xf32> to vector<360x128xf32>
    %sub3A_542 = arith.subf %sub3A_540, %sub3A_541 : vector<360x128xf32>
    %mul3A_543 = arith.mulf %sub3A_539, %sub3A_539 : vector<360x128xf32>
    %mul3A_544 = arith.mulf %sub3A_542, %sub3A_542 : vector<360x128xf32>
    %add3A_545 = arith.addf %mul3A_543, %mul3A_544 : vector<360x128xf32>
    %reduce_min3A_546 = arith.constant dense<0x7F800000> : vector<128xf32>
    %reduce_min3A_547 = vector.multi_reduction <minimumf>, %add3A_545, %reduce_min3A_546 [0] : vector<360x128xf32> to vector<128xf32>
    %broadcast_in_dim3A_548 = vector.shape_cast %reduce_min3A_547 : vector<128xf32> to vector<1x128xf32>
    %swap3A_549 = arith.constant 4 : index
    %swap3A_550 = arith.constant 0 : index
    %swap3A_551 = vector.load %arg12[%swap3A_549, %swap3A_550] : memref<32x256xf32, #tpu.memory_space<vmem>>, vector<1x128xf32>
    tpu.vector_store %arg12[%swap3A_549, %swap3A_550], %broadcast_in_dim3A_548 {strides = array<i32>} : memref<32x256xf32, #tpu.memory_space<vmem>>, vector<1x128xf32>,
    %get3A_552 = arith.constant 0 : index
    %get3A_553 = arith.constant 0 : index
    %get3A_554 = arith.constant 0 : index
    %get3A_555 = vector.load %arg7[%get3A_552, %get3A_553, %get3A_554] : memref<1x32x128xf32, #tpu.memory_space<vmem>>, vector<1x32x128xf32>
    %get3A_556 = vector.shape_cast %get3A_555 : vector<1x32x128xf32> to vector<32x128xf32>
    %get3A_557 = arith.constant 0 : index
    %get3A_558 = arith.constant 0 : index
    %get3A_559 = arith.constant 0 : index
    %get3A_560 = vector.load %arg8[%get3A_557, %get3A_558, %get3A_559] : memref<1x32x128xf32, #tpu.memory_space<vmem>>, vector<1x32x128xf32>
    %get3A_561 = vector.shape_cast %get3A_560 : vector<1x32x128xf32> to vector<32x128xf32>
    %slice3A_562 = vector.extract_strided_slice %get3A_556 {offsets = [4, 0], sizes = [1, 128], strides = [1, 1]} : vector<32x128xf32> to vector<1x128xf32>
    %slice3A_563 = vector.extract_strided_slice %get3A_561 {offsets = [4, 0], sizes = [1, 128], strides = [1, 1]} : vector<32x128xf32> to vector<1x128xf32>
    %sub3A_564 = vector.broadcast %slice3A_463 : vector<360x1xf32> to vector<360x128xf32>
    %sub3A_565 = vector.broadcast %slice3A_562 : vector<1x128xf32> to vector<360x128xf32>
    %sub3A_566 = arith.subf %sub3A_564, %sub3A_565 : vector<360x128xf32>
    %sub3A_567 = vector.broadcast %slice3A_464 : vector<360x1xf32> to vector<360x128xf32>
    %sub3A_568 = vector.broadcast %slice3A_563 : vector<1x128xf32> to vector<360x128xf32>
    %sub3A_569 = arith.subf %sub3A_567, %sub3A_568 : vector<360x128xf32>
    %mul3A_570 = arith.mulf %sub3A_566, %sub3A_566 : vector<360x128xf32>
    %mul3A_571 = arith.mulf %sub3A_569, %sub3A_569 : vector<360x128xf32>
    %add3A_572 = arith.addf %mul3A_570, %mul3A_571 : vector<360x128xf32>
    %reduce_min3A_573 = arith.constant dense<0x7F800000> : vector<128xf32>
    %reduce_min3A_574 = vector.multi_reduction <minimumf>, %add3A_572, %reduce_min3A_573 [0] : vector<360x128xf32> to vector<128xf32>
    %broadcast_in_dim3A_575 = vector.shape_cast %reduce_min3A_574 : vector<128xf32> to vector<1x128xf32>
    %swap3A_576 = arith.constant 4 : index
    %swap3A_577 = arith.constant 128 : index
    %swap3A_578 = vector.load %arg12[%swap3A_576, %swap3A_577] : memref<32x256xf32, #tpu.memory_space<vmem>>, vector<1x128xf32>
    tpu.vector_store %arg12[%swap3A_576, %swap3A_577], %broadcast_in_dim3A_575 {strides = array<i32>} : memref<32x256xf32, #tpu.memory_space<vmem>>, vector<1x128xf32>,
    %slice3A_579 = vector.extract_strided_slice %transpose3A {offsets = [0, 5], sizes = [360, 1], strides = [1, 1]} : vector<360x32xf32> to vector<360x1xf32>
    %slice3A_580 = vector.extract_strided_slice %transpose3A_5 {offsets = [0, 5], sizes = [360, 1], strides = [1, 1]} : vector<360x32xf32> to vector<360x1xf32>
    %get3A_581 = arith.constant 0 : index
    %get3A_582 = arith.constant 0 : index
    %get3A_583 = arith.constant 0 : index
    %get3A_584 = vector.load %arg1[%get3A_581, %get3A_582, %get3A_583] : memref<1x32x384xf32, #tpu.memory_space<vmem>>, vector<1x32x384xf32>
    %get3A_585 = vector.shape_cast %get3A_584 : vector<1x32x384xf32> to vector<32x384xf32>
    %get3A_586 = arith.constant 0 : index
    %get3A_587 = arith.constant 0 : index
    %get3A_588 = arith.constant 0 : index
    %get3A_589 = vector.load %arg2[%get3A_586, %get3A_587, %get3A_588] : memref<1x32x384xf32, #tpu.memory_space<vmem>>, vector<1x32x384xf32>
    %get3A_590 = vector.shape_cast %get3A_589 : vector<1x32x384xf32> to vector<32x384xf32>
    %slice3A_591 = vector.extract_strided_slice %get3A_585 {offsets = [5, 0], sizes = [1, 384], strides = [1, 1]} : vector<32x384xf32> to vector<1x384xf32>
    %slice3A_592 = vector.extract_strided_slice %get3A_590 {offsets = [5, 0], sizes = [1, 384], strides = [1, 1]} : vector<32x384xf32> to vector<1x384xf32>
    %sub3A_593 = vector.broadcast %slice3A_579 : vector<360x1xf32> to vector<360x384xf32>
    %sub3A_594 = vector.broadcast %slice3A_591 : vector<1x384xf32> to vector<360x384xf32>
    %sub3A_595 = arith.subf %sub3A_593, %sub3A_594 : vector<360x384xf32>
    %sub3A_596 = vector.broadcast %slice3A_580 : vector<360x1xf32> to vector<360x384xf32>
    %sub3A_597 = vector.broadcast %slice3A_592 : vector<1x384xf32> to vector<360x384xf32>
    %sub3A_598 = arith.subf %sub3A_596, %sub3A_597 : vector<360x384xf32>
    %mul3A_599 = arith.mulf %sub3A_595, %sub3A_595 : vector<360x384xf32>
    %mul3A_600 = arith.mulf %sub3A_598, %sub3A_598 : vector<360x384xf32>
    %add3A_601 = arith.addf %mul3A_599, %mul3A_600 : vector<360x384xf32>
    %reduce_min3A_602 = arith.constant dense<0x7F800000> : vector<384xf32>
    %reduce_min3A_603 = vector.multi_reduction <minimumf>, %add3A_601, %reduce_min3A_602 [0] : vector<360x384xf32> to vector<384xf32>
    %broadcast_in_dim3A_604 = vector.shape_cast %reduce_min3A_603 : vector<384xf32> to vector<1x384xf32>
    %swap3A_605 = arith.constant 0 : index
    %swap3A_606 = arith.constant 5 : index
    %swap3A_607 = arith.constant 0 : index
    %swap3A_608 = vector.load %arg11[%swap3A_605, %swap3A_606, %swap3A_607] : memref<2x32x384xf32, #tpu.memory_space<vmem>>, vector<1x1x384xf32>
    %swap3A_609 = vector.shape_cast %swap3A_608 : vector<1x1x384xf32> to vector<1x384xf32>
    %swap3A_610 = vector.shape_cast %broadcast_in_dim3A_604 : vector<1x384xf32> to vector<1x1x384xf32>
    tpu.vector_store %arg11[%swap3A_605, %swap3A_606, %swap3A_607], %swap3A_610 {strides = array<i32>} : memref<2x32x384xf32, #tpu.memory_space<vmem>>, vector<1x1x384xf32>,
    %get3A_611 = arith.constant 0 : index
    %get3A_612 = arith.constant 0 : index
    %get3A_613 = arith.constant 0 : index
    %get3A_614 = vector.load %arg3[%get3A_611, %get3A_612, %get3A_613] : memref<1x32x384xf32, #tpu.memory_space<vmem>>, vector<1x32x384xf32>
    %get3A_615 = vector.shape_cast %get3A_614 : vector<1x32x384xf32> to vector<32x384xf32>
    %get3A_616 = arith.constant 0 : index
    %get3A_617 = arith.constant 0 : index
    %get3A_618 = arith.constant 0 : index
    %get3A_619 = vector.load %arg4[%get3A_616, %get3A_617, %get3A_618] : memref<1x32x384xf32, #tpu.memory_space<vmem>>, vector<1x32x384xf32>
    %get3A_620 = vector.shape_cast %get3A_619 : vector<1x32x384xf32> to vector<32x384xf32>
    %slice3A_621 = vector.extract_strided_slice %get3A_615 {offsets = [5, 0], sizes = [1, 384], strides = [1, 1]} : vector<32x384xf32> to vector<1x384xf32>
    %slice3A_622 = vector.extract_strided_slice %get3A_620 {offsets = [5, 0], sizes = [1, 384], strides = [1, 1]} : vector<32x384xf32> to vector<1x384xf32>
    %sub3A_623 = vector.broadcast %slice3A_579 : vector<360x1xf32> to vector<360x384xf32>
    %sub3A_624 = vector.broadcast %slice3A_621 : vector<1x384xf32> to vector<360x384xf32>
    %sub3A_625 = arith.subf %sub3A_623, %sub3A_624 : vector<360x384xf32>
    %sub3A_626 = vector.broadcast %slice3A_580 : vector<360x1xf32> to vector<360x384xf32>
    %sub3A_627 = vector.broadcast %slice3A_622 : vector<1x384xf32> to vector<360x384xf32>
    %sub3A_628 = arith.subf %sub3A_626, %sub3A_627 : vector<360x384xf32>
    %mul3A_629 = arith.mulf %sub3A_625, %sub3A_625 : vector<360x384xf32>
    %mul3A_630 = arith.mulf %sub3A_628, %sub3A_628 : vector<360x384xf32>
    %add3A_631 = arith.addf %mul3A_629, %mul3A_630 : vector<360x384xf32>
    %reduce_min3A_632 = arith.constant dense<0x7F800000> : vector<384xf32>
    %reduce_min3A_633 = vector.multi_reduction <minimumf>, %add3A_631, %reduce_min3A_632 [0] : vector<360x384xf32> to vector<384xf32>
    %broadcast_in_dim3A_634 = vector.shape_cast %reduce_min3A_633 : vector<384xf32> to vector<1x384xf32>
    %swap3A_635 = arith.constant 1 : index
    %swap3A_636 = arith.constant 5 : index
    %swap3A_637 = arith.constant 0 : index
    %swap3A_638 = vector.load %arg11[%swap3A_635, %swap3A_636, %swap3A_637] : memref<2x32x384xf32, #tpu.memory_space<vmem>>, vector<1x1x384xf32>
    %swap3A_639 = vector.shape_cast %swap3A_638 : vector<1x1x384xf32> to vector<1x384xf32>
    %swap3A_640 = vector.shape_cast %broadcast_in_dim3A_634 : vector<1x384xf32> to vector<1x1x384xf32>
    tpu.vector_store %arg11[%swap3A_635, %swap3A_636, %swap3A_637], %swap3A_640 {strides = array<i32>} : memref<2x32x384xf32, #tpu.memory_space<vmem>>, vector<1x1x384xf32>,
    %get3A_641 = arith.constant 0 : index
    %get3A_642 = arith.constant 0 : index
    %get3A_643 = arith.constant 0 : index
    %get3A_644 = vector.load %arg5[%get3A_641, %get3A_642, %get3A_643] : memref<1x32x128xf32, #tpu.memory_space<vmem>>, vector<1x32x128xf32>
    %get3A_645 = vector.shape_cast %get3A_644 : vector<1x32x128xf32> to vector<32x128xf32>
    %get3A_646 = arith.constant 0 : index
    %get3A_647 = arith.constant 0 : index
    %get3A_648 = arith.constant 0 : index
    %get3A_649 = vector.load %arg6[%get3A_646, %get3A_647, %get3A_648] : memref<1x32x128xf32, #tpu.memory_space<vmem>>, vector<1x32x128xf32>
    %get3A_650 = vector.shape_cast %get3A_649 : vector<1x32x128xf32> to vector<32x128xf32>
    %slice3A_651 = vector.extract_strided_slice %get3A_645 {offsets = [5, 0], sizes = [1, 128], strides = [1, 1]} : vector<32x128xf32> to vector<1x128xf32>
    %slice3A_652 = vector.extract_strided_slice %get3A_650 {offsets = [5, 0], sizes = [1, 128], strides = [1, 1]} : vector<32x128xf32> to vector<1x128xf32>
    %sub3A_653 = vector.broadcast %slice3A_579 : vector<360x1xf32> to vector<360x128xf32>
    %sub3A_654 = vector.broadcast %slice3A_651 : vector<1x128xf32> to vector<360x128xf32>
    %sub3A_655 = arith.subf %sub3A_653, %sub3A_654 : vector<360x128xf32>
    %sub3A_656 = vector.broadcast %slice3A_580 : vector<360x1xf32> to vector<360x128xf32>
    %sub3A_657 = vector.broadcast %slice3A_652 : vector<1x128xf32> to vector<360x128xf32>
    %sub3A_658 = arith.subf %sub3A_656, %sub3A_657 : vector<360x128xf32>
    %mul3A_659 = arith.mulf %sub3A_655, %sub3A_655 : vector<360x128xf32>
    %mul3A_660 = arith.mulf %sub3A_658, %sub3A_658 : vector<360x128xf32>
    %add3A_661 = arith.addf %mul3A_659, %mul3A_660 : vector<360x128xf32>
    %reduce_min3A_662 = arith.constant dense<0x7F800000> : vector<128xf32>
    %reduce_min3A_663 = vector.multi_reduction <minimumf>, %add3A_661, %reduce_min3A_662 [0] : vector<360x128xf32> to vector<128xf32>
    %broadcast_in_dim3A_664 = vector.shape_cast %reduce_min3A_663 : vector<128xf32> to vector<1x128xf32>
    %swap3A_665 = arith.constant 5 : index
    %swap3A_666 = arith.constant 0 : index
    %swap3A_667 = vector.load %arg12[%swap3A_665, %swap3A_666] : memref<32x256xf32, #tpu.memory_space<vmem>>, vector<1x128xf32>
    tpu.vector_store %arg12[%swap3A_665, %swap3A_666], %broadcast_in_dim3A_664 {strides = array<i32>} : memref<32x256xf32, #tpu.memory_space<vmem>>, vector<1x128xf32>,
    %get3A_668 = arith.constant 0 : index
    %get3A_669 = arith.constant 0 : index
    %get3A_670 = arith.constant 0 : index
    %get3A_671 = vector.load %arg7[%get3A_668, %get3A_669, %get3A_670] : memref<1x32x128xf32, #tpu.memory_space<vmem>>, vector<1x32x128xf32>
    %get3A_672 = vector.shape_cast %get3A_671 : vector<1x32x128xf32> to vector<32x128xf32>
    %get3A_673 = arith.constant 0 : index
    %get3A_674 = arith.constant 0 : index
    %get3A_675 = arith.constant 0 : index
    %get3A_676 = vector.load %arg8[%get3A_673, %get3A_674, %get3A_675] : memref<1x32x128xf32, #tpu.memory_space<vmem>>, vector<1x32x128xf32>
    %get3A_677 = vector.shape_cast %get3A_676 : vector<1x32x128xf32> to vector<32x128xf32>
    %slice3A_678 = vector.extract_strided_slice %get3A_672 {offsets = [5, 0], sizes = [1, 128], strides = [1, 1]} : vector<32x128xf32> to vector<1x128xf32>
    %slice3A_679 = vector.extract_strided_slice %get3A_677 {offsets = [5, 0], sizes = [1, 128], strides = [1, 1]} : vector<32x128xf32> to vector<1x128xf32>
    %sub3A_680 = vector.broadcast %slice3A_579 : vector<360x1xf32> to vector<360x128xf32>
    %sub3A_681 = vector.broadcast %slice3A_678 : vector<1x128xf32> to vector<360x128xf32>
    %sub3A_682 = arith.subf %sub3A_680, %sub3A_681 : vector<360x128xf32>
    %sub3A_683 = vector.broadcast %slice3A_580 : vector<360x1xf32> to vector<360x128xf32>
    %sub3A_684 = vector.broadcast %slice3A_679 : vector<1x128xf32> to vector<360x128xf32>
    %sub3A_685 = arith.subf %sub3A_683, %sub3A_684 : vector<360x128xf32>
    %mul3A_686 = arith.mulf %sub3A_682, %sub3A_682 : vector<360x128xf32>
    %mul3A_687 = arith.mulf %sub3A_685, %sub3A_685 : vector<360x128xf32>
    %add3A_688 = arith.addf %mul3A_686, %mul3A_687 : vector<360x128xf32>
    %reduce_min3A_689 = arith.constant dense<0x7F800000> : vector<128xf32>
    %reduce_min3A_690 = vector.multi_reduction <minimumf>, %add3A_688, %reduce_min3A_689 [0] : vector<360x128xf32> to vector<128xf32>
    %broadcast_in_dim3A_691 = vector.shape_cast %reduce_min3A_690 : vector<128xf32> to vector<1x128xf32>
    %swap3A_692 = arith.constant 5 : index
    %swap3A_693 = arith.constant 128 : index
    %swap3A_694 = vector.load %arg12[%swap3A_692, %swap3A_693] : memref<32x256xf32, #tpu.memory_space<vmem>>, vector<1x128xf32>
    tpu.vector_store %arg12[%swap3A_692, %swap3A_693], %broadcast_in_dim3A_691 {strides = array<i32>} : memref<32x256xf32, #tpu.memory_space<vmem>>, vector<1x128xf32>,
    %slice3A_695 = vector.extract_strided_slice %transpose3A {offsets = [0, 6], sizes = [360, 1], strides = [1, 1]} : vector<360x32xf32> to vector<360x1xf32>
    %slice3A_696 = vector.extract_strided_slice %transpose3A_5 {offsets = [0, 6], sizes = [360, 1], strides = [1, 1]} : vector<360x32xf32> to vector<360x1xf32>
    %get3A_697 = arith.constant 0 : index
    %get3A_698 = arith.constant 0 : index
    %get3A_699 = arith.constant 0 : index
    %get3A_700 = vector.load %arg1[%get3A_697, %get3A_698, %get3A_699] : memref<1x32x384xf32, #tpu.memory_space<vmem>>, vector<1x32x384xf32>
    %get3A_701 = vector.shape_cast %get3A_700 : vector<1x32x384xf32> to vector<32x384xf32>
    %get3A_702 = arith.constant 0 : index
    %get3A_703 = arith.constant 0 : index
    %get3A_704 = arith.constant 0 : index
    %get3A_705 = vector.load %arg2[%get3A_702, %get3A_703, %get3A_704] : memref<1x32x384xf32, #tpu.memory_space<vmem>>, vector<1x32x384xf32>
    %get3A_706 = vector.shape_cast %get3A_705 : vector<1x32x384xf32> to vector<32x384xf32>
    %slice3A_707 = vector.extract_strided_slice %get3A_701 {offsets = [6, 0], sizes = [1, 384], strides = [1, 1]} : vector<32x384xf32> to vector<1x384xf32>
    %slice3A_708 = vector.extract_strided_slice %get3A_706 {offsets = [6, 0], sizes = [1, 384], strides = [1, 1]} : vector<32x384xf32> to vector<1x384xf32>
    %sub3A_709 = vector.broadcast %slice3A_695 : vector<360x1xf32> to vector<360x384xf32>
    %sub3A_710 = vector.broadcast %slice3A_707 : vector<1x384xf32> to vector<360x384xf32>
    %sub3A_711 = arith.subf %sub3A_709, %sub3A_710 : vector<360x384xf32>
    %sub3A_712 = vector.broadcast %slice3A_696 : vector<360x1xf32> to vector<360x384xf32>
    %sub3A_713 = vector.broadcast %slice3A_708 : vector<1x384xf32> to vector<360x384xf32>
    %sub3A_714 = arith.subf %sub3A_712, %sub3A_713 : vector<360x384xf32>
    %mul3A_715 = arith.mulf %sub3A_711, %sub3A_711 : vector<360x384xf32>
    %mul3A_716 = arith.mulf %sub3A_714, %sub3A_714 : vector<360x384xf32>
    %add3A_717 = arith.addf %mul3A_715, %mul3A_716 : vector<360x384xf32>
    %reduce_min3A_718 = arith.constant dense<0x7F800000> : vector<384xf32>
    %reduce_min3A_719 = vector.multi_reduction <minimumf>, %add3A_717, %reduce_min3A_718 [0] : vector<360x384xf32> to vector<384xf32>
    %broadcast_in_dim3A_720 = vector.shape_cast %reduce_min3A_719 : vector<384xf32> to vector<1x384xf32>
    %swap3A_721 = arith.constant 0 : index
    %swap3A_722 = arith.constant 6 : index
    %swap3A_723 = arith.constant 0 : index
    %swap3A_724 = vector.load %arg11[%swap3A_721, %swap3A_722, %swap3A_723] : memref<2x32x384xf32, #tpu.memory_space<vmem>>, vector<1x1x384xf32>
    %swap3A_725 = vector.shape_cast %swap3A_724 : vector<1x1x384xf32> to vector<1x384xf32>
    %swap3A_726 = vector.shape_cast %broadcast_in_dim3A_720 : vector<1x384xf32> to vector<1x1x384xf32>
    tpu.vector_store %arg11[%swap3A_721, %swap3A_722, %swap3A_723], %swap3A_726 {strides = array<i32>} : memref<2x32x384xf32, #tpu.memory_space<vmem>>, vector<1x1x384xf32>,
    %get3A_727 = arith.constant 0 : index
    %get3A_728 = arith.constant 0 : index
    %get3A_729 = arith.constant 0 : index
    %get3A_730 = vector.load %arg3[%get3A_727, %get3A_728, %get3A_729] : memref<1x32x384xf32, #tpu.memory_space<vmem>>, vector<1x32x384xf32>
    %get3A_731 = vector.shape_cast %get3A_730 : vector<1x32x384xf32> to vector<32x384xf32>
    %get3A_732 = arith.constant 0 : index
    %get3A_733 = arith.constant 0 : index
    %get3A_734 = arith.constant 0 : index
    %get3A_735 = vector.load %arg4[%get3A_732, %get3A_733, %get3A_734] : memref<1x32x384xf32, #tpu.memory_space<vmem>>, vector<1x32x384xf32>
    %get3A_736 = vector.shape_cast %get3A_735 : vector<1x32x384xf32> to vector<32x384xf32>
    %slice3A_737 = vector.extract_strided_slice %get3A_731 {offsets = [6, 0], sizes = [1, 384], strides = [1, 1]} : vector<32x384xf32> to vector<1x384xf32>
    %slice3A_738 = vector.extract_strided_slice %get3A_736 {offsets = [6, 0], sizes = [1, 384], strides = [1, 1]} : vector<32x384xf32> to vector<1x384xf32>
    %sub3A_739 = vector.broadcast %slice3A_695 : vector<360x1xf32> to vector<360x384xf32>
    %sub3A_740 = vector.broadcast %slice3A_737 : vector<1x384xf32> to vector<360x384xf32>
    %sub3A_741 = arith.subf %sub3A_739, %sub3A_740 : vector<360x384xf32>
    %sub3A_742 = vector.broadcast %slice3A_696 : vector<360x1xf32> to vector<360x384xf32>
    %sub3A_743 = vector.broadcast %slice3A_738 : vector<1x384xf32> to vector<360x384xf32>
    %sub3A_744 = arith.subf %sub3A_742, %sub3A_743 : vector<360x384xf32>
    %mul3A_745 = arith.mulf %sub3A_741, %sub3A_741 : vector<360x384xf32>
    %mul3A_746 = arith.mulf %sub3A_744, %sub3A_744 : vector<360x384xf32>
    %add3A_747 = arith.addf %mul3A_745, %mul3A_746 : vector<360x384xf32>
    %reduce_min3A_748 = arith.constant dense<0x7F800000> : vector<384xf32>
    %reduce_min3A_749 = vector.multi_reduction <minimumf>, %add3A_747, %reduce_min3A_748 [0] : vector<360x384xf32> to vector<384xf32>
    %broadcast_in_dim3A_750 = vector.shape_cast %reduce_min3A_749 : vector<384xf32> to vector<1x384xf32>
    %swap3A_751 = arith.constant 1 : index
    %swap3A_752 = arith.constant 6 : index
    %swap3A_753 = arith.constant 0 : index
    %swap3A_754 = vector.load %arg11[%swap3A_751, %swap3A_752, %swap3A_753] : memref<2x32x384xf32, #tpu.memory_space<vmem>>, vector<1x1x384xf32>
    %swap3A_755 = vector.shape_cast %swap3A_754 : vector<1x1x384xf32> to vector<1x384xf32>
    %swap3A_756 = vector.shape_cast %broadcast_in_dim3A_750 : vector<1x384xf32> to vector<1x1x384xf32>
    tpu.vector_store %arg11[%swap3A_751, %swap3A_752, %swap3A_753], %swap3A_756 {strides = array<i32>} : memref<2x32x384xf32, #tpu.memory_space<vmem>>, vector<1x1x384xf32>,
    %get3A_757 = arith.constant 0 : index
    %get3A_758 = arith.constant 0 : index
    %get3A_759 = arith.constant 0 : index
    %get3A_760 = vector.load %arg5[%get3A_757, %get3A_758, %get3A_759] : memref<1x32x128xf32, #tpu.memory_space<vmem>>, vector<1x32x128xf32>
    %get3A_761 = vector.shape_cast %get3A_760 : vector<1x32x128xf32> to vector<32x128xf32>
    %get3A_762 = arith.constant 0 : index
    %get3A_763 = arith.constant 0 : index
    %get3A_764 = arith.constant 0 : index
    %get3A_765 = vector.load %arg6[%get3A_762, %get3A_763, %get3A_764] : memref<1x32x128xf32, #tpu.memory_space<vmem>>, vector<1x32x128xf32>
    %get3A_766 = vector.shape_cast %get3A_765 : vector<1x32x128xf32> to vector<32x128xf32>
    %slice3A_767 = vector.extract_strided_slice %get3A_761 {offsets = [6, 0], sizes = [1, 128], strides = [1, 1]} : vector<32x128xf32> to vector<1x128xf32>
    %slice3A_768 = vector.extract_strided_slice %get3A_766 {offsets = [6, 0], sizes = [1, 128], strides = [1, 1]} : vector<32x128xf32> to vector<1x128xf32>
    %sub3A_769 = vector.broadcast %slice3A_695 : vector<360x1xf32> to vector<360x128xf32>
    %sub3A_770 = vector.broadcast %slice3A_767 : vector<1x128xf32> to vector<360x128xf32>
    %sub3A_771 = arith.subf %sub3A_769, %sub3A_770 : vector<360x128xf32>
    %sub3A_772 = vector.broadcast %slice3A_696 : vector<360x1xf32> to vector<360x128xf32>
    %sub3A_773 = vector.broadcast %slice3A_768 : vector<1x128xf32> to vector<360x128xf32>
    %sub3A_774 = arith.subf %sub3A_772, %sub3A_773 : vector<360x128xf32>
    %mul3A_775 = arith.mulf %sub3A_771, %sub3A_771 : vector<360x128xf32>
    %mul3A_776 = arith.mulf %sub3A_774, %sub3A_774 : vector<360x128xf32>
    %add3A_777 = arith.addf %mul3A_775, %mul3A_776 : vector<360x128xf32>
    %reduce_min3A_778 = arith.constant dense<0x7F800000> : vector<128xf32>
    %reduce_min3A_779 = vector.multi_reduction <minimumf>, %add3A_777, %reduce_min3A_778 [0] : vector<360x128xf32> to vector<128xf32>
    %broadcast_in_dim3A_780 = vector.shape_cast %reduce_min3A_779 : vector<128xf32> to vector<1x128xf32>
    %swap3A_781 = arith.constant 6 : index
    %swap3A_782 = arith.constant 0 : index
    %swap3A_783 = vector.load %arg12[%swap3A_781, %swap3A_782] : memref<32x256xf32, #tpu.memory_space<vmem>>, vector<1x128xf32>
    tpu.vector_store %arg12[%swap3A_781, %swap3A_782], %broadcast_in_dim3A_780 {strides = array<i32>} : memref<32x256xf32, #tpu.memory_space<vmem>>, vector<1x128xf32>,
    %get3A_784 = arith.constant 0 : index
    %get3A_785 = arith.constant 0 : index
    %get3A_786 = arith.constant 0 : index
    %get3A_787 = vector.load %arg7[%get3A_784, %get3A_785, %get3A_786] : memref<1x32x128xf32, #tpu.memory_space<vmem>>, vector<1x32x128xf32>
    %get3A_788 = vector.shape_cast %get3A_787 : vector<1x32x128xf32> to vector<32x128xf32>
    %get3A_789 = arith.constant 0 : index
    %get3A_790 = arith.constant 0 : index
    %get3A_791 = arith.constant 0 : index
    %get3A_792 = vector.load %arg8[%get3A_789, %get3A_790, %get3A_791] : memref<1x32x128xf32, #tpu.memory_space<vmem>>, vector<1x32x128xf32>
    %get3A_793 = vector.shape_cast %get3A_792 : vector<1x32x128xf32> to vector<32x128xf32>
    %slice3A_794 = vector.extract_strided_slice %get3A_788 {offsets = [6, 0], sizes = [1, 128], strides = [1, 1]} : vector<32x128xf32> to vector<1x128xf32>
    %slice3A_795 = vector.extract_strided_slice %get3A_793 {offsets = [6, 0], sizes = [1, 128], strides = [1, 1]} : vector<32x128xf32> to vector<1x128xf32>
    %sub3A_796 = vector.broadcast %slice3A_695 : vector<360x1xf32> to vector<360x128xf32>
    %sub3A_797 = vector.broadcast %slice3A_794 : vector<1x128xf32> to vector<360x128xf32>
    %sub3A_798 = arith.subf %sub3A_796, %sub3A_797 : vector<360x128xf32>
    %sub3A_799 = vector.broadcast %slice3A_696 : vector<360x1xf32> to vector<360x128xf32>
    %sub3A_800 = vector.broadcast %slice3A_795 : vector<1x128xf32> to vector<360x128xf32>
    %sub3A_801 = arith.subf %sub3A_799, %sub3A_800 : vector<360x128xf32>
    %mul3A_802 = arith.mulf %sub3A_798, %sub3A_798 : vector<360x128xf32>
    %mul3A_803 = arith.mulf %sub3A_801, %sub3A_801 : vector<360x128xf32>
    %add3A_804 = arith.addf %mul3A_802, %mul3A_803 : vector<360x128xf32>
    %reduce_min3A_805 = arith.constant dense<0x7F800000> : vector<128xf32>
    %reduce_min3A_806 = vector.multi_reduction <minimumf>, %add3A_804, %reduce_min3A_805 [0] : vector<360x128xf32> to vector<128xf32>
    %broadcast_in_dim3A_807 = vector.shape_cast %reduce_min3A_806 : vector<128xf32> to vector<1x128xf32>
    %swap3A_808 = arith.constant 6 : index
    %swap3A_809 = arith.constant 128 : index
    %swap3A_810 = vector.load %arg12[%swap3A_808, %swap3A_809] : memref<32x256xf32, #tpu.memory_space<vmem>>, vector<1x128xf32>
    tpu.vector_store %arg12[%swap3A_808, %swap3A_809], %broadcast_in_dim3A_807 {strides = array<i32>} : memref<32x256xf32, #tpu.memory_space<vmem>>, vector<1x128xf32>,
    %slice3A_811 = vector.extract_strided_slice %transpose3A {offsets = [0, 7], sizes = [360, 1], strides = [1, 1]} : vector<360x32xf32> to vector<360x1xf32>
    %slice3A_812 = vector.extract_strided_slice %transpose3A_5 {offsets = [0, 7], sizes = [360, 1], strides = [1, 1]} : vector<360x32xf32> to vector<360x1xf32>
    %get3A_813 = arith.constant 0 : index
    %get3A_814 = arith.constant 0 : index
    %get3A_815 = arith.constant 0 : index
    %get3A_816 = vector.load %arg1[%get3A_813, %get3A_814, %get3A_815] : memref<1x32x384xf32, #tpu.memory_space<vmem>>, vector<1x32x384xf32>
    %get3A_817 = vector.shape_cast %get3A_816 : vector<1x32x384xf32> to vector<32x384xf32>
    %get3A_818 = arith.constant 0 : index
    %get3A_819 = arith.constant 0 : index
    %get3A_820 = arith.constant 0 : index
    %get3A_821 = vector.load %arg2[%get3A_818, %get3A_819, %get3A_820] : memref<1x32x384xf32, #tpu.memory_space<vmem>>, vector<1x32x384xf32>
    %get3A_822 = vector.shape_cast %get3A_821 : vector<1x32x384xf32> to vector<32x384xf32>
    %slice3A_823 = vector.extract_strided_slice %get3A_817 {offsets = [7, 0], sizes = [1, 384], strides = [1, 1]} : vector<32x384xf32> to vector<1x384xf32>
    %slice3A_824 = vector.extract_strided_slice %get3A_822 {offsets = [7, 0], sizes = [1, 384], strides = [1, 1]} : vector<32x384xf32> to vector<1x384xf32>
    %sub3A_825 = vector.broadcast %slice3A_811 : vector<360x1xf32> to vector<360x384xf32>
    %sub3A_826 = vector.broadcast %slice3A_823 : vector<1x384xf32> to vector<360x384xf32>
    %sub3A_827 = arith.subf %sub3A_825, %sub3A_826 : vector<360x384xf32>
    %sub3A_828 = vector.broadcast %slice3A_812 : vector<360x1xf32> to vector<360x384xf32>
    %sub3A_829 = vector.broadcast %slice3A_824 : vector<1x384xf32> to vector<360x384xf32>
    %sub3A_830 = arith.subf %sub3A_828, %sub3A_829 : vector<360x384xf32>
    %mul3A_831 = arith.mulf %sub3A_827, %sub3A_827 : vector<360x384xf32>
    %mul3A_832 = arith.mulf %sub3A_830, %sub3A_830 : vector<360x384xf32>
    %add3A_833 = arith.addf %mul3A_831, %mul3A_832 : vector<360x384xf32>
    %reduce_min3A_834 = arith.constant dense<0x7F800000> : vector<384xf32>
    %reduce_min3A_835 = vector.multi_reduction <minimumf>, %add3A_833, %reduce_min3A_834 [0] : vector<360x384xf32> to vector<384xf32>
    %broadcast_in_dim3A_836 = vector.shape_cast %reduce_min3A_835 : vector<384xf32> to vector<1x384xf32>
    %swap3A_837 = arith.constant 0 : index
    %swap3A_838 = arith.constant 7 : index
    %swap3A_839 = arith.constant 0 : index
    %swap3A_840 = vector.load %arg11[%swap3A_837, %swap3A_838, %swap3A_839] : memref<2x32x384xf32, #tpu.memory_space<vmem>>, vector<1x1x384xf32>
    %swap3A_841 = vector.shape_cast %swap3A_840 : vector<1x1x384xf32> to vector<1x384xf32>
    %swap3A_842 = vector.shape_cast %broadcast_in_dim3A_836 : vector<1x384xf32> to vector<1x1x384xf32>
    tpu.vector_store %arg11[%swap3A_837, %swap3A_838, %swap3A_839], %swap3A_842 {strides = array<i32>} : memref<2x32x384xf32, #tpu.memory_space<vmem>>, vector<1x1x384xf32>,
    %get3A_843 = arith.constant 0 : index
    %get3A_844 = arith.constant 0 : index
    %get3A_845 = arith.constant 0 : index
    %get3A_846 = vector.load %arg3[%get3A_843, %get3A_844, %get3A_845] : memref<1x32x384xf32, #tpu.memory_space<vmem>>, vector<1x32x384xf32>
    %get3A_847 = vector.shape_cast %get3A_846 : vector<1x32x384xf32> to vector<32x384xf32>
    %get3A_848 = arith.constant 0 : index
    %get3A_849 = arith.constant 0 : index
    %get3A_850 = arith.constant 0 : index
    %get3A_851 = vector.load %arg4[%get3A_848, %get3A_849, %get3A_850] : memref<1x32x384xf32, #tpu.memory_space<vmem>>, vector<1x32x384xf32>
    %get3A_852 = vector.shape_cast %get3A_851 : vector<1x32x384xf32> to vector<32x384xf32>
    %slice3A_853 = vector.extract_strided_slice %get3A_847 {offsets = [7, 0], sizes = [1, 384], strides = [1, 1]} : vector<32x384xf32> to vector<1x384xf32>
    %slice3A_854 = vector.extract_strided_slice %get3A_852 {offsets = [7, 0], sizes = [1, 384], strides = [1, 1]} : vector<32x384xf32> to vector<1x384xf32>
    %sub3A_855 = vector.broadcast %slice3A_811 : vector<360x1xf32> to vector<360x384xf32>
    %sub3A_856 = vector.broadcast %slice3A_853 : vector<1x384xf32> to vector<360x384xf32>
    %sub3A_857 = arith.subf %sub3A_855, %sub3A_856 : vector<360x384xf32>
    %sub3A_858 = vector.broadcast %slice3A_812 : vector<360x1xf32> to vector<360x384xf32>
    %sub3A_859 = vector.broadcast %slice3A_854 : vector<1x384xf32> to vector<360x384xf32>
    %sub3A_860 = arith.subf %sub3A_858, %sub3A_859 : vector<360x384xf32>
    %mul3A_861 = arith.mulf %sub3A_857, %sub3A_857 : vector<360x384xf32>
    %mul3A_862 = arith.mulf %sub3A_860, %sub3A_860 : vector<360x384xf32>
    %add3A_863 = arith.addf %mul3A_861, %mul3A_862 : vector<360x384xf32>
    %reduce_min3A_864 = arith.constant dense<0x7F800000> : vector<384xf32>
    %reduce_min3A_865 = vector.multi_reduction <minimumf>, %add3A_863, %reduce_min3A_864 [0] : vector<360x384xf32> to vector<384xf32>
    %broadcast_in_dim3A_866 = vector.shape_cast %reduce_min3A_865 : vector<384xf32> to vector<1x384xf32>
    %swap3A_867 = arith.constant 1 : index
    %swap3A_868 = arith.constant 7 : index
    %swap3A_869 = arith.constant 0 : index
    %swap3A_870 = vector.load %arg11[%swap3A_867, %swap3A_868, %swap3A_869] : memref<2x32x384xf32, #tpu.memory_space<vmem>>, vector<1x1x384xf32>
    %swap3A_871 = vector.shape_cast %swap3A_870 : vector<1x1x384xf32> to vector<1x384xf32>
    %swap3A_872 = vector.shape_cast %broadcast_in_dim3A_866 : vector<1x384xf32> to vector<1x1x384xf32>
    tpu.vector_store %arg11[%swap3A_867, %swap3A_868, %swap3A_869], %swap3A_872 {strides = array<i32>} : memref<2x32x384xf32, #tpu.memory_space<vmem>>, vector<1x1x384xf32>,
    %get3A_873 = arith.constant 0 : index
    %get3A_874 = arith.constant 0 : index
    %get3A_875 = arith.constant 0 : index
    %get3A_876 = vector.load %arg5[%get3A_873, %get3A_874, %get3A_875] : memref<1x32x128xf32, #tpu.memory_space<vmem>>, vector<1x32x128xf32>
    %get3A_877 = vector.shape_cast %get3A_876 : vector<1x32x128xf32> to vector<32x128xf32>
    %get3A_878 = arith.constant 0 : index
    %get3A_879 = arith.constant 0 : index
    %get3A_880 = arith.constant 0 : index
    %get3A_881 = vector.load %arg6[%get3A_878, %get3A_879, %get3A_880] : memref<1x32x128xf32, #tpu.memory_space<vmem>>, vector<1x32x128xf32>
    %get3A_882 = vector.shape_cast %get3A_881 : vector<1x32x128xf32> to vector<32x128xf32>
    %slice3A_883 = vector.extract_strided_slice %get3A_877 {offsets = [7, 0], sizes = [1, 128], strides = [1, 1]} : vector<32x128xf32> to vector<1x128xf32>
    %slice3A_884 = vector.extract_strided_slice %get3A_882 {offsets = [7, 0], sizes = [1, 128], strides = [1, 1]} : vector<32x128xf32> to vector<1x128xf32>
    %sub3A_885 = vector.broadcast %slice3A_811 : vector<360x1xf32> to vector<360x128xf32>
    %sub3A_886 = vector.broadcast %slice3A_883 : vector<1x128xf32> to vector<360x128xf32>
    %sub3A_887 = arith.subf %sub3A_885, %sub3A_886 : vector<360x128xf32>
    %sub3A_888 = vector.broadcast %slice3A_812 : vector<360x1xf32> to vector<360x128xf32>
    %sub3A_889 = vector.broadcast %slice3A_884 : vector<1x128xf32> to vector<360x128xf32>
    %sub3A_890 = arith.subf %sub3A_888, %sub3A_889 : vector<360x128xf32>
    %mul3A_891 = arith.mulf %sub3A_887, %sub3A_887 : vector<360x128xf32>
    %mul3A_892 = arith.mulf %sub3A_890, %sub3A_890 : vector<360x128xf32>
    %add3A_893 = arith.addf %mul3A_891, %mul3A_892 : vector<360x128xf32>
    %reduce_min3A_894 = arith.constant dense<0x7F800000> : vector<128xf32>
    %reduce_min3A_895 = vector.multi_reduction <minimumf>, %add3A_893, %reduce_min3A_894 [0] : vector<360x128xf32> to vector<128xf32>
    %broadcast_in_dim3A_896 = vector.shape_cast %reduce_min3A_895 : vector<128xf32> to vector<1x128xf32>
    %swap3A_897 = arith.constant 7 : index
    %swap3A_898 = arith.constant 0 : index
    %swap3A_899 = vector.load %arg12[%swap3A_897, %swap3A_898] : memref<32x256xf32, #tpu.memory_space<vmem>>, vector<1x128xf32>
    tpu.vector_store %arg12[%swap3A_897, %swap3A_898], %broadcast_in_dim3A_896 {strides = array<i32>} : memref<32x256xf32, #tpu.memory_space<vmem>>, vector<1x128xf32>,
    %get3A_900 = arith.constant 0 : index
    %get3A_901 = arith.constant 0 : index
    %get3A_902 = arith.constant 0 : index
    %get3A_903 = vector.load %arg7[%get3A_900, %get3A_901, %get3A_902] : memref<1x32x128xf32, #tpu.memory_space<vmem>>, vector<1x32x128xf32>
    %get3A_904 = vector.shape_cast %get3A_903 : vector<1x32x128xf32> to vector<32x128xf32>
    %get3A_905 = arith.constant 0 : index
    %get3A_906 = arith.constant 0 : index
    %get3A_907 = arith.constant 0 : index
    %get3A_908 = vector.load %arg8[%get3A_905, %get3A_906, %get3A_907] : memref<1x32x128xf32, #tpu.memory_space<vmem>>, vector<1x32x128xf32>
    %get3A_909 = vector.shape_cast %get3A_908 : vector<1x32x128xf32> to vector<32x128xf32>
    %slice3A_910 = vector.extract_strided_slice %get3A_904 {offsets = [7, 0], sizes = [1, 128], strides = [1, 1]} : vector<32x128xf32> to vector<1x128xf32>
    %slice3A_911 = vector.extract_strided_slice %get3A_909 {offsets = [7, 0], sizes = [1, 128], strides = [1, 1]} : vector<32x128xf32> to vector<1x128xf32>
    %sub3A_912 = vector.broadcast %slice3A_811 : vector<360x1xf32> to vector<360x128xf32>
    %sub3A_913 = vector.broadcast %slice3A_910 : vector<1x128xf32> to vector<360x128xf32>
    %sub3A_914 = arith.subf %sub3A_912, %sub3A_913 : vector<360x128xf32>
    %sub3A_915 = vector.broadcast %slice3A_812 : vector<360x1xf32> to vector<360x128xf32>
    %sub3A_916 = vector.broadcast %slice3A_911 : vector<1x128xf32> to vector<360x128xf32>
    %sub3A_917 = arith.subf %sub3A_915, %sub3A_916 : vector<360x128xf32>
    %mul3A_918 = arith.mulf %sub3A_914, %sub3A_914 : vector<360x128xf32>
    %mul3A_919 = arith.mulf %sub3A_917, %sub3A_917 : vector<360x128xf32>
    %add3A_920 = arith.addf %mul3A_918, %mul3A_919 : vector<360x128xf32>
    %reduce_min3A_921 = arith.constant dense<0x7F800000> : vector<128xf32>
    %reduce_min3A_922 = vector.multi_reduction <minimumf>, %add3A_920, %reduce_min3A_921 [0] : vector<360x128xf32> to vector<128xf32>
    %broadcast_in_dim3A_923 = vector.shape_cast %reduce_min3A_922 : vector<128xf32> to vector<1x128xf32>
    %swap3A_924 = arith.constant 7 : index
    %swap3A_925 = arith.constant 128 : index
    %swap3A_926 = vector.load %arg12[%swap3A_924, %swap3A_925] : memref<32x256xf32, #tpu.memory_space<vmem>>, vector<1x128xf32>
    tpu.vector_store %arg12[%swap3A_924, %swap3A_925], %broadcast_in_dim3A_923 {strides = array<i32>} : memref<32x256xf32, #tpu.memory_space<vmem>>, vector<1x128xf32>,
    %slice3A_927 = vector.extract_strided_slice %transpose3A {offsets = [0, 8], sizes = [360, 1], strides = [1, 1]} : vector<360x32xf32> to vector<360x1xf32>
    %slice3A_928 = vector.extract_strided_slice %transpose3A_5 {offsets = [0, 8], sizes = [360, 1], strides = [1, 1]} : vector<360x32xf32> to vector<360x1xf32>
    %get3A_929 = arith.constant 0 : index
    %get3A_930 = arith.constant 0 : index
    %get3A_931 = arith.constant 0 : index
    %get3A_932 = vector.load %arg1[%get3A_929, %get3A_930, %get3A_931] : memref<1x32x384xf32, #tpu.memory_space<vmem>>, vector<1x32x384xf32>
    %get3A_933 = vector.shape_cast %get3A_932 : vector<1x32x384xf32> to vector<32x384xf32>
    %get3A_934 = arith.constant 0 : index
    %get3A_935 = arith.constant 0 : index
    %get3A_936 = arith.constant 0 : index
    %get3A_937 = vector.load %arg2[%get3A_934, %get3A_935, %get3A_936] : memref<1x32x384xf32, #tpu.memory_space<vmem>>, vector<1x32x384xf32>
    %get3A_938 = vector.shape_cast %get3A_937 : vector<1x32x384xf32> to vector<32x384xf32>
    %slice3A_939 = vector.extract_strided_slice %get3A_933 {offsets = [8, 0], sizes = [1, 384], strides = [1, 1]} : vector<32x384xf32> to vector<1x384xf32>
    %slice3A_940 = vector.extract_strided_slice %get3A_938 {offsets = [8, 0], sizes = [1, 384], strides = [1, 1]} : vector<32x384xf32> to vector<1x384xf32>
    %sub3A_941 = vector.broadcast %slice3A_927 : vector<360x1xf32> to vector<360x384xf32>
    %sub3A_942 = vector.broadcast %slice3A_939 : vector<1x384xf32> to vector<360x384xf32>
    %sub3A_943 = arith.subf %sub3A_941, %sub3A_942 : vector<360x384xf32>
    %sub3A_944 = vector.broadcast %slice3A_928 : vector<360x1xf32> to vector<360x384xf32>
    %sub3A_945 = vector.broadcast %slice3A_940 : vector<1x384xf32> to vector<360x384xf32>
    %sub3A_946 = arith.subf %sub3A_944, %sub3A_945 : vector<360x384xf32>
    %mul3A_947 = arith.mulf %sub3A_943, %sub3A_943 : vector<360x384xf32>
    %mul3A_948 = arith.mulf %sub3A_946, %sub3A_946 : vector<360x384xf32>
    %add3A_949 = arith.addf %mul3A_947, %mul3A_948 : vector<360x384xf32>
    %reduce_min3A_950 = arith.constant dense<0x7F800000> : vector<384xf32>
    %reduce_min3A_951 = vector.multi_reduction <minimumf>, %add3A_949, %reduce_min3A_950 [0] : vector<360x384xf32> to vector<384xf32>
    %broadcast_in_dim3A_952 = vector.shape_cast %reduce_min3A_951 : vector<384xf32> to vector<1x384xf32>
    %swap3A_953 = arith.constant 0 : index
    %swap3A_954 = arith.constant 8 : index
    %swap3A_955 = arith.constant 0 : index
    %swap3A_956 = vector.load %arg11[%swap3A_953, %swap3A_954, %swap3A_955] : memref<2x32x384xf32, #tpu.memory_space<vmem>>, vector<1x1x384xf32>
    %swap3A_957 = vector.shape_cast %swap3A_956 : vector<1x1x384xf32> to vector<1x384xf32>
    %swap3A_958 = vector.shape_cast %broadcast_in_dim3A_952 : vector<1x384xf32> to vector<1x1x384xf32>
    tpu.vector_store %arg11[%swap3A_953, %swap3A_954, %swap3A_955], %swap3A_958 {strides = array<i32>} : memref<2x32x384xf32, #tpu.memory_space<vmem>>, vector<1x1x384xf32>,
    %get3A_959 = arith.constant 0 : index
    %get3A_960 = arith.constant 0 : index
    %get3A_961 = arith.constant 0 : index
    %get3A_962 = vector.load %arg3[%get3A_959, %get3A_960, %get3A_961] : memref<1x32x384xf32, #tpu.memory_space<vmem>>, vector<1x32x384xf32>
    %get3A_963 = vector.shape_cast %get3A_962 : vector<1x32x384xf32> to vector<32x384xf32>
    %get3A_964 = arith.constant 0 : index
    %get3A_965 = arith.constant 0 : index
    %get3A_966 = arith.constant 0 : index
    %get3A_967 = vector.load %arg4[%get3A_964, %get3A_965, %get3A_966] : memref<1x32x384xf32, #tpu.memory_space<vmem>>, vector<1x32x384xf32>
    %get3A_968 = vector.shape_cast %get3A_967 : vector<1x32x384xf32> to vector<32x384xf32>
    %slice3A_969 = vector.extract_strided_slice %get3A_963 {offsets = [8, 0], sizes = [1, 384], strides = [1, 1]} : vector<32x384xf32> to vector<1x384xf32>
    %slice3A_970 = vector.extract_strided_slice %get3A_968 {offsets = [8, 0], sizes = [1, 384], strides = [1, 1]} : vector<32x384xf32> to vector<1x384xf32>
    %sub3A_971 = vector.broadcast %slice3A_927 : vector<360x1xf32> to vector<360x384xf32>
    %sub3A_972 = vector.broadcast %slice3A_969 : vector<1x384xf32> to vector<360x384xf32>
    %sub3A_973 = arith.subf %sub3A_971, %sub3A_972 : vector<360x384xf32>
    %sub3A_974 = vector.broadcast %slice3A_928 : vector<360x1xf32> to vector<360x384xf32>
    %sub3A_975 = vector.broadcast %slice3A_970 : vector<1x384xf32> to vector<360x384xf32>
    %sub3A_976 = arith.subf %sub3A_974, %sub3A_975 : vector<360x384xf32>
    %mul3A_977 = arith.mulf %sub3A_973, %sub3A_973 : vector<360x384xf32>
    %mul3A_978 = arith.mulf %sub3A_976, %sub3A_976 : vector<360x384xf32>
    %add3A_979 = arith.addf %mul3A_977, %mul3A_978 : vector<360x384xf32>
    %reduce_min3A_980 = arith.constant dense<0x7F800000> : vector<384xf32>
    %reduce_min3A_981 = vector.multi_reduction <minimumf>, %add3A_979, %reduce_min3A_980 [0] : vector<360x384xf32> to vector<384xf32>
    %broadcast_in_dim3A_982 = vector.shape_cast %reduce_min3A_981 : vector<384xf32> to vector<1x384xf32>
    %swap3A_983 = arith.constant 1 : index
    %swap3A_984 = arith.constant 8 : index
    %swap3A_985 = arith.constant 0 : index
    %swap3A_986 = vector.load %arg11[%swap3A_983, %swap3A_984, %swap3A_985] : memref<2x32x384xf32, #tpu.memory_space<vmem>>, vector<1x1x384xf32>
    %swap3A_987 = vector.shape_cast %swap3A_986 : vector<1x1x384xf32> to vector<1x384xf32>
    %swap3A_988 = vector.shape_cast %broadcast_in_dim3A_982 : vector<1x384xf32> to vector<1x1x384xf32>
    tpu.vector_store %arg11[%swap3A_983, %swap3A_984, %swap3A_985], %swap3A_988 {strides = array<i32>} : memref<2x32x384xf32, #tpu.memory_space<vmem>>, vector<1x1x384xf32>,
    %get3A_989 = arith.constant 0 : index
    %get3A_990 = arith.constant 0 : index
    %get3A_991 = arith.constant 0 : index
    %get3A_992 = vector.load %arg5[%get3A_989, %get3A_990, %get3A_991] : memref<1x32x128xf32, #tpu.memory_space<vmem>>, vector<1x32x128xf32>
    %get3A_993 = vector.shape_cast %get3A_992 : vector<1x32x128xf32> to vector<32x128xf32>
    %get3A_994 = arith.constant 0 : index
    %get3A_995 = arith.constant 0 : index
    %get3A_996 = arith.constant 0 : index
    %get3A_997 = vector.load %arg6[%get3A_994, %get3A_995, %get3A_996] : memref<1x32x128xf32, #tpu.memory_space<vmem>>, vector<1x32x128xf32>
    %get3A_998 = vector.shape_cast %get3A_997 : vector<1x32x128xf32> to vector<32x128xf32>
    %slice3A_999 = vector.extract_strided_slice %get3A_993 {offsets = [8, 0], sizes = [1, 128], strides = [1, 1]} : vector<32x128xf32> to vector<1x128xf32>
    %slice3A_1000 = vector.extract_strided_slice %get3A_998 {offsets = [8, 0], sizes = [1, 128], strides = [1, 1]} : vector<32x128xf32> to vector<1x128xf32>
    %sub3A_1001 = vector.broadcast %slice3A_927 : vector<360x1xf32> to vector<360x128xf32>
    %sub3A_1002 = vector.broadcast %slice3A_999 : vector<1x128xf32> to vector<360x128xf32>
    %sub3A_1003 = arith.subf %sub3A_1001, %sub3A_1002 : vector<360x128xf32>
    %sub3A_1004 = vector.broadcast %slice3A_928 : vector<360x1xf32> to vector<360x128xf32>
    %sub3A_1005 = vector.broadcast %slice3A_1000 : vector<1x128xf32> to vector<360x128xf32>
    %sub3A_1006 = arith.subf %sub3A_1004, %sub3A_1005 : vector<360x128xf32>
    %mul3A_1007 = arith.mulf %sub3A_1003, %sub3A_1003 : vector<360x128xf32>
    %mul3A_1008 = arith.mulf %sub3A_1006, %sub3A_1006 : vector<360x128xf32>
    %add3A_1009 = arith.addf %mul3A_1007, %mul3A_1008 : vector<360x128xf32>
    %reduce_min3A_1010 = arith.constant dense<0x7F800000> : vector<128xf32>
    %reduce_min3A_1011 = vector.multi_reduction <minimumf>, %add3A_1009, %reduce_min3A_1010 [0] : vector<360x128xf32> to vector<128xf32>
    %broadcast_in_dim3A_1012 = vector.shape_cast %reduce_min3A_1011 : vector<128xf32> to vector<1x128xf32>
    %swap3A_1013 = arith.constant 8 : index
    %swap3A_1014 = arith.constant 0 : index
    %swap3A_1015 = vector.load %arg12[%swap3A_1013, %swap3A_1014] : memref<32x256xf32, #tpu.memory_space<vmem>>, vector<1x128xf32>
    tpu.vector_store %arg12[%swap3A_1013, %swap3A_1014], %broadcast_in_dim3A_1012 {strides = array<i32>} : memref<32x256xf32, #tpu.memory_space<vmem>>, vector<1x128xf32>,
    %get3A_1016 = arith.constant 0 : index
    %get3A_1017 = arith.constant 0 : index
    %get3A_1018 = arith.constant 0 : index
    %get3A_1019 = vector.load %arg7[%get3A_1016, %get3A_1017, %get3A_1018] : memref<1x32x128xf32, #tpu.memory_space<vmem>>, vector<1x32x128xf32>
    %get3A_1020 = vector.shape_cast %get3A_1019 : vector<1x32x128xf32> to vector<32x128xf32>
    %get3A_1021 = arith.constant 0 : index
    %get3A_1022 = arith.constant 0 : index
    %get3A_1023 = arith.constant 0 : index
    %get3A_1024 = vector.load %arg8[%get3A_1021, %get3A_1022, %get3A_1023] : memref<1x32x128xf32, #tpu.memory_space<vmem>>, vector<1x32x128xf32>
    %get3A_1025 = vector.shape_cast %get3A_1024 : vector<1x32x128xf32> to vector<32x128xf32>
    %slice3A_1026 = vector.extract_strided_slice %get3A_1020 {offsets = [8, 0], sizes = [1, 128], strides = [1, 1]} : vector<32x128xf32> to vector<1x128xf32>
    %slice3A_1027 = vector.extract_strided_slice %get3A_1025 {offsets = [8, 0], sizes = [1, 128], strides = [1, 1]} : vector<32x128xf32> to vector<1x128xf32>
    %sub3A_1028 = vector.broadcast %slice3A_927 : vector<360x1xf32> to vector<360x128xf32>
    %sub3A_1029 = vector.broadcast %slice3A_1026 : vector<1x128xf32> to vector<360x128xf32>
    %sub3A_1030 = arith.subf %sub3A_1028, %sub3A_1029 : vector<360x128xf32>
    %sub3A_1031 = vector.broadcast %slice3A_928 : vector<360x1xf32> to vector<360x128xf32>
    %sub3A_1032 = vector.broadcast %slice3A_1027 : vector<1x128xf32> to vector<360x128xf32>
    %sub3A_1033 = arith.subf %sub3A_1031, %sub3A_1032 : vector<360x128xf32>
    %mul3A_1034 = arith.mulf %sub3A_1030, %sub3A_1030 : vector<360x128xf32>
    %mul3A_1035 = arith.mulf %sub3A_1033, %sub3A_1033 : vector<360x128xf32>
    %add3A_1036 = arith.addf %mul3A_1034, %mul3A_1035 : vector<360x128xf32>
    %reduce_min3A_1037 = arith.constant dense<0x7F800000> : vector<128xf32>
    %reduce_min3A_1038 = vector.multi_reduction <minimumf>, %add3A_1036, %reduce_min3A_1037 [0] : vector<360x128xf32> to vector<128xf32>
    %broadcast_in_dim3A_1039 = vector.shape_cast %reduce_min3A_1038 : vector<128xf32> to vector<1x128xf32>
    %swap3A_1040 = arith.constant 8 : index
    %swap3A_1041 = arith.constant 128 : index
    %swap3A_1042 = vector.load %arg12[%swap3A_1040, %swap3A_1041] : memref<32x256xf32, #tpu.memory_space<vmem>>, vector<1x128xf32>
    tpu.vector_store %arg12[%swap3A_1040, %swap3A_1041], %broadcast_in_dim3A_1039 {strides = array<i32>} : memref<32x256xf32, #tpu.memory_space<vmem>>, vector<1x128xf32>,
    %slice3A_1043 = vector.extract_strided_slice %transpose3A {offsets = [0, 9], sizes = [360, 1], strides = [1, 1]} : vector<360x32xf32> to vector<360x1xf32>
    %slice3A_1044 = vector.extract_strided_slice %transpose3A_5 {offsets = [0, 9], sizes = [360, 1], strides = [1, 1]} : vector<360x32xf32> to vector<360x1xf32>
    %get3A_1045 = arith.constant 0 : index
    %get3A_1046 = arith.constant 0 : index
    %get3A_1047 = arith.constant 0 : index
    %get3A_1048 = vector.load %arg1[%get3A_1045, %get3A_1046, %get3A_1047] : memref<1x32x384xf32, #tpu.memory_space<vmem>>, vector<1x32x384xf32>
    %get3A_1049 = vector.shape_cast %get3A_1048 : vector<1x32x384xf32> to vector<32x384xf32>
    %get3A_1050 = arith.constant 0 : index
    %get3A_1051 = arith.constant 0 : index
    %get3A_1052 = arith.constant 0 : index
    %get3A_1053 = vector.load %arg2[%get3A_1050, %get3A_1051, %get3A_1052] : memref<1x32x384xf32, #tpu.memory_space<vmem>>, vector<1x32x384xf32>
    %get3A_1054 = vector.shape_cast %get3A_1053 : vector<1x32x384xf32> to vector<32x384xf32>
    %slice3A_1055 = vector.extract_strided_slice %get3A_1049 {offsets = [9, 0], sizes = [1, 384], strides = [1, 1]} : vector<32x384xf32> to vector<1x384xf32>
    %slice3A_1056 = vector.extract_strided_slice %get3A_1054 {offsets = [9, 0], sizes = [1, 384], strides = [1, 1]} : vector<32x384xf32> to vector<1x384xf32>
    %sub3A_1057 = vector.broadcast %slice3A_1043 : vector<360x1xf32> to vector<360x384xf32>
    %sub3A_1058 = vector.broadcast %slice3A_1055 : vector<1x384xf32> to vector<360x384xf32>
    %sub3A_1059 = arith.subf %sub3A_1057, %sub3A_1058 : vector<360x384xf32>
    %sub3A_1060 = vector.broadcast %slice3A_1044 : vector<360x1xf32> to vector<360x384xf32>
    %sub3A_1061 = vector.broadcast %slice3A_1056 : vector<1x384xf32> to vector<360x384xf32>
    %sub3A_1062 = arith.subf %sub3A_1060, %sub3A_1061 : vector<360x384xf32>
    %mul3A_1063 = arith.mulf %sub3A_1059, %sub3A_1059 : vector<360x384xf32>
    %mul3A_1064 = arith.mulf %sub3A_1062, %sub3A_1062 : vector<360x384xf32>
    %add3A_1065 = arith.addf %mul3A_1063, %mul3A_1064 : vector<360x384xf32>
    %reduce_min3A_1066 = arith.constant dense<0x7F800000> : vector<384xf32>
    %reduce_min3A_1067 = vector.multi_reduction <minimumf>, %add3A_1065, %reduce_min3A_1066 [0] : vector<360x384xf32> to vector<384xf32>
    %broadcast_in_dim3A_1068 = vector.shape_cast %reduce_min3A_1067 : vector<384xf32> to vector<1x384xf32>
    %swap3A_1069 = arith.constant 0 : index
    %swap3A_1070 = arith.constant 9 : index
    %swap3A_1071 = arith.constant 0 : index
    %swap3A_1072 = vector.load %arg11[%swap3A_1069, %swap3A_1070, %swap3A_1071] : memref<2x32x384xf32, #tpu.memory_space<vmem>>, vector<1x1x384xf32>
    %swap3A_1073 = vector.shape_cast %swap3A_1072 : vector<1x1x384xf32> to vector<1x384xf32>
    %swap3A_1074 = vector.shape_cast %broadcast_in_dim3A_1068 : vector<1x384xf32> to vector<1x1x384xf32>
    tpu.vector_store %arg11[%swap3A_1069, %swap3A_1070, %swap3A_1071], %swap3A_1074 {strides = array<i32>} : memref<2x32x384xf32, #tpu.memory_space<vmem>>, vector<1x1x384xf32>,
    %get3A_1075 = arith.constant 0 : index
    %get3A_1076 = arith.constant 0 : index
    %get3A_1077 = arith.constant 0 : index
    %get3A_1078 = vector.load %arg3[%get3A_1075, %get3A_1076, %get3A_1077] : memref<1x32x384xf32, #tpu.memory_space<vmem>>, vector<1x32x384xf32>
    %get3A_1079 = vector.shape_cast %get3A_1078 : vector<1x32x384xf32> to vector<32x384xf32>
    %get3A_1080 = arith.constant 0 : index
    %get3A_1081 = arith.constant 0 : index
    %get3A_1082 = arith.constant 0 : index
    %get3A_1083 = vector.load %arg4[%get3A_1080, %get3A_1081, %get3A_1082] : memref<1x32x384xf32, #tpu.memory_space<vmem>>, vector<1x32x384xf32>
    %get3A_1084 = vector.shape_cast %get3A_1083 : vector<1x32x384xf32> to vector<32x384xf32>
    %slice3A_1085 = vector.extract_strided_slice %get3A_1079 {offsets = [9, 0], sizes = [1, 384], strides = [1, 1]} : vector<32x384xf32> to vector<1x384xf32>
    %slice3A_1086 = vector.extract_strided_slice %get3A_1084 {offsets = [9, 0], sizes = [1, 384], strides = [1, 1]} : vector<32x384xf32> to vector<1x384xf32>
    %sub3A_1087 = vector.broadcast %slice3A_1043 : vector<360x1xf32> to vector<360x384xf32>
    %sub3A_1088 = vector.broadcast %slice3A_1085 : vector<1x384xf32> to vector<360x384xf32>
    %sub3A_1089 = arith.subf %sub3A_1087, %sub3A_1088 : vector<360x384xf32>
    %sub3A_1090 = vector.broadcast %slice3A_1044 : vector<360x1xf32> to vector<360x384xf32>
    %sub3A_1091 = vector.broadcast %slice3A_1086 : vector<1x384xf32> to vector<360x384xf32>
    %sub3A_1092 = arith.subf %sub3A_1090, %sub3A_1091 : vector<360x384xf32>
    %mul3A_1093 = arith.mulf %sub3A_1089, %sub3A_1089 : vector<360x384xf32>
    %mul3A_1094 = arith.mulf %sub3A_1092, %sub3A_1092 : vector<360x384xf32>
    %add3A_1095 = arith.addf %mul3A_1093, %mul3A_1094 : vector<360x384xf32>
    %reduce_min3A_1096 = arith.constant dense<0x7F800000> : vector<384xf32>
    %reduce_min3A_1097 = vector.multi_reduction <minimumf>, %add3A_1095, %reduce_min3A_1096 [0] : vector<360x384xf32> to vector<384xf32>
    %broadcast_in_dim3A_1098 = vector.shape_cast %reduce_min3A_1097 : vector<384xf32> to vector<1x384xf32>
    %swap3A_1099 = arith.constant 1 : index
    %swap3A_1100 = arith.constant 9 : index
    %swap3A_1101 = arith.constant 0 : index
    %swap3A_1102 = vector.load %arg11[%swap3A_1099, %swap3A_1100, %swap3A_1101] : memref<2x32x384xf32, #tpu.memory_space<vmem>>, vector<1x1x384xf32>
    %swap3A_1103 = vector.shape_cast %swap3A_1102 : vector<1x1x384xf32> to vector<1x384xf32>
    %swap3A_1104 = vector.shape_cast %broadcast_in_dim3A_1098 : vector<1x384xf32> to vector<1x1x384xf32>
    tpu.vector_store %arg11[%swap3A_1099, %swap3A_1100, %swap3A_1101], %swap3A_1104 {strides = array<i32>} : memref<2x32x384xf32, #tpu.memory_space<vmem>>, vector<1x1x384xf32>,
    %get3A_1105 = arith.constant 0 : index
    %get3A_1106 = arith.constant 0 : index
    %get3A_1107 = arith.constant 0 : index
    %get3A_1108 = vector.load %arg5[%get3A_1105, %get3A_1106, %get3A_1107] : memref<1x32x128xf32, #tpu.memory_space<vmem>>, vector<1x32x128xf32>
    %get3A_1109 = vector.shape_cast %get3A_1108 : vector<1x32x128xf32> to vector<32x128xf32>
    %get3A_1110 = arith.constant 0 : index
    %get3A_1111 = arith.constant 0 : index
    %get3A_1112 = arith.constant 0 : index
    %get3A_1113 = vector.load %arg6[%get3A_1110, %get3A_1111, %get3A_1112] : memref<1x32x128xf32, #tpu.memory_space<vmem>>, vector<1x32x128xf32>
    %get3A_1114 = vector.shape_cast %get3A_1113 : vector<1x32x128xf32> to vector<32x128xf32>
    %slice3A_1115 = vector.extract_strided_slice %get3A_1109 {offsets = [9, 0], sizes = [1, 128], strides = [1, 1]} : vector<32x128xf32> to vector<1x128xf32>
    %slice3A_1116 = vector.extract_strided_slice %get3A_1114 {offsets = [9, 0], sizes = [1, 128], strides = [1, 1]} : vector<32x128xf32> to vector<1x128xf32>
    %sub3A_1117 = vector.broadcast %slice3A_1043 : vector<360x1xf32> to vector<360x128xf32>
    %sub3A_1118 = vector.broadcast %slice3A_1115 : vector<1x128xf32> to vector<360x128xf32>
    %sub3A_1119 = arith.subf %sub3A_1117, %sub3A_1118 : vector<360x128xf32>
    %sub3A_1120 = vector.broadcast %slice3A_1044 : vector<360x1xf32> to vector<360x128xf32>
    %sub3A_1121 = vector.broadcast %slice3A_1116 : vector<1x128xf32> to vector<360x128xf32>
    %sub3A_1122 = arith.subf %sub3A_1120, %sub3A_1121 : vector<360x128xf32>
    %mul3A_1123 = arith.mulf %sub3A_1119, %sub3A_1119 : vector<360x128xf32>
    %mul3A_1124 = arith.mulf %sub3A_1122, %sub3A_1122 : vector<360x128xf32>
    %add3A_1125 = arith.addf %mul3A_1123, %mul3A_1124 : vector<360x128xf32>
    %reduce_min3A_1126 = arith.constant dense<0x7F800000> : vector<128xf32>
    %reduce_min3A_1127 = vector.multi_reduction <minimumf>, %add3A_1125, %reduce_min3A_1126 [0] : vector<360x128xf32> to vector<128xf32>
    %broadcast_in_dim3A_1128 = vector.shape_cast %reduce_min3A_1127 : vector<128xf32> to vector<1x128xf32>
    %swap3A_1129 = arith.constant 9 : index
    %swap3A_1130 = arith.constant 0 : index
    %swap3A_1131 = vector.load %arg12[%swap3A_1129, %swap3A_1130] : memref<32x256xf32, #tpu.memory_space<vmem>>, vector<1x128xf32>
    tpu.vector_store %arg12[%swap3A_1129, %swap3A_1130], %broadcast_in_dim3A_1128 {strides = array<i32>} : memref<32x256xf32, #tpu.memory_space<vmem>>, vector<1x128xf32>,
    %get3A_1132 = arith.constant 0 : index
    %get3A_1133 = arith.constant 0 : index
    %get3A_1134 = arith.constant 0 : index
    %get3A_1135 = vector.load %arg7[%get3A_1132, %get3A_1133, %get3A_1134] : memref<1x32x128xf32, #tpu.memory_space<vmem>>, vector<1x32x128xf32>
    %get3A_1136 = vector.shape_cast %get3A_1135 : vector<1x32x128xf32> to vector<32x128xf32>
    %get3A_1137 = arith.constant 0 : index
    %get3A_1138 = arith.constant 0 : index
    %get3A_1139 = arith.constant 0 : index
    %get3A_1140 = vector.load %arg8[%get3A_1137, %get3A_1138, %get3A_1139] : memref<1x32x128xf32, #tpu.memory_space<vmem>>, vector<1x32x128xf32>
    %get3A_1141 = vector.shape_cast %get3A_1140 : vector<1x32x128xf32> to vector<32x128xf32>
    %slice3A_1142 = vector.extract_strided_slice %get3A_1136 {offsets = [9, 0], sizes = [1, 128], strides = [1, 1]} : vector<32x128xf32> to vector<1x128xf32>
    %slice3A_1143 = vector.extract_strided_slice %get3A_1141 {offsets = [9, 0], sizes = [1, 128], strides = [1, 1]} : vector<32x128xf32> to vector<1x128xf32>
    %sub3A_1144 = vector.broadcast %slice3A_1043 : vector<360x1xf32> to vector<360x128xf32>
    %sub3A_1145 = vector.broadcast %slice3A_1142 : vector<1x128xf32> to vector<360x128xf32>
    %sub3A_1146 = arith.subf %sub3A_1144, %sub3A_1145 : vector<360x128xf32>
    %sub3A_1147 = vector.broadcast %slice3A_1044 : vector<360x1xf32> to vector<360x128xf32>
    %sub3A_1148 = vector.broadcast %slice3A_1143 : vector<1x128xf32> to vector<360x128xf32>
    %sub3A_1149 = arith.subf %sub3A_1147, %sub3A_1148 : vector<360x128xf32>
    %mul3A_1150 = arith.mulf %sub3A_1146, %sub3A_1146 : vector<360x128xf32>
    %mul3A_1151 = arith.mulf %sub3A_1149, %sub3A_1149 : vector<360x128xf32>
    %add3A_1152 = arith.addf %mul3A_1150, %mul3A_1151 : vector<360x128xf32>
    %reduce_min3A_1153 = arith.constant dense<0x7F800000> : vector<128xf32>
    %reduce_min3A_1154 = vector.multi_reduction <minimumf>, %add3A_1152, %reduce_min3A_1153 [0] : vector<360x128xf32> to vector<128xf32>
    %broadcast_in_dim3A_1155 = vector.shape_cast %reduce_min3A_1154 : vector<128xf32> to vector<1x128xf32>
    %swap3A_1156 = arith.constant 9 : index
    %swap3A_1157 = arith.constant 128 : index
    %swap3A_1158 = vector.load %arg12[%swap3A_1156, %swap3A_1157] : memref<32x256xf32, #tpu.memory_space<vmem>>, vector<1x128xf32>
    tpu.vector_store %arg12[%swap3A_1156, %swap3A_1157], %broadcast_in_dim3A_1155 {strides = array<i32>} : memref<32x256xf32, #tpu.memory_space<vmem>>, vector<1x128xf32>,
    %slice3A_1159 = vector.extract_strided_slice %transpose3A {offsets = [0, 10], sizes = [360, 1], strides = [1, 1]} : vector<360x32xf32> to vector<360x1xf32>
    %slice3A_1160 = vector.extract_strided_slice %transpose3A_5 {offsets = [0, 10], sizes = [360, 1], strides = [1, 1]} : vector<360x32xf32> to vector<360x1xf32>
    %get3A_1161 = arith.constant 0 : index
    %get3A_1162 = arith.constant 0 : index
    %get3A_1163 = arith.constant 0 : index
    %get3A_1164 = vector.load %arg1[%get3A_1161, %get3A_1162, %get3A_1163] : memref<1x32x384xf32, #tpu.memory_space<vmem>>, vector<1x32x384xf32>
    %get3A_1165 = vector.shape_cast %get3A_1164 : vector<1x32x384xf32> to vector<32x384xf32>
    %get3A_1166 = arith.constant 0 : index
    %get3A_1167 = arith.constant 0 : index
    %get3A_1168 = arith.constant 0 : index
    %get3A_1169 = vector.load %arg2[%get3A_1166, %get3A_1167, %get3A_1168] : memref<1x32x384xf32, #tpu.memory_space<vmem>>, vector<1x32x384xf32>
    %get3A_1170 = vector.shape_cast %get3A_1169 : vector<1x32x384xf32> to vector<32x384xf32>
    %slice3A_1171 = vector.extract_strided_slice %get3A_1165 {offsets = [10, 0], sizes = [1, 384], strides = [1, 1]} : vector<32x384xf32> to vector<1x384xf32>
    %slice3A_1172 = vector.extract_strided_slice %get3A_1170 {offsets = [10, 0], sizes = [1, 384], strides = [1, 1]} : vector<32x384xf32> to vector<1x384xf32>
    %sub3A_1173 = vector.broadcast %slice3A_1159 : vector<360x1xf32> to vector<360x384xf32>
    %sub3A_1174 = vector.broadcast %slice3A_1171 : vector<1x384xf32> to vector<360x384xf32>
    %sub3A_1175 = arith.subf %sub3A_1173, %sub3A_1174 : vector<360x384xf32>
    %sub3A_1176 = vector.broadcast %slice3A_1160 : vector<360x1xf32> to vector<360x384xf32>
    %sub3A_1177 = vector.broadcast %slice3A_1172 : vector<1x384xf32> to vector<360x384xf32>
    %sub3A_1178 = arith.subf %sub3A_1176, %sub3A_1177 : vector<360x384xf32>
    %mul3A_1179 = arith.mulf %sub3A_1175, %sub3A_1175 : vector<360x384xf32>
    %mul3A_1180 = arith.mulf %sub3A_1178, %sub3A_1178 : vector<360x384xf32>
    %add3A_1181 = arith.addf %mul3A_1179, %mul3A_1180 : vector<360x384xf32>
    %reduce_min3A_1182 = arith.constant dense<0x7F800000> : vector<384xf32>
    %reduce_min3A_1183 = vector.multi_reduction <minimumf>, %add3A_1181, %reduce_min3A_1182 [0] : vector<360x384xf32> to vector<384xf32>
    %broadcast_in_dim3A_1184 = vector.shape_cast %reduce_min3A_1183 : vector<384xf32> to vector<1x384xf32>
    %swap3A_1185 = arith.constant 0 : index
    %swap3A_1186 = arith.constant 10 : index
    %swap3A_1187 = arith.constant 0 : index
    %swap3A_1188 = vector.load %arg11[%swap3A_1185, %swap3A_1186, %swap3A_1187] : memref<2x32x384xf32, #tpu.memory_space<vmem>>, vector<1x1x384xf32>
    %swap3A_1189 = vector.shape_cast %swap3A_1188 : vector<1x1x384xf32> to vector<1x384xf32>
    %swap3A_1190 = vector.shape_cast %broadcast_in_dim3A_1184 : vector<1x384xf32> to vector<1x1x384xf32>
    tpu.vector_store %arg11[%swap3A_1185, %swap3A_1186, %swap3A_1187], %swap3A_1190 {strides = array<i32>} : memref<2x32x384xf32, #tpu.memory_space<vmem>>, vector<1x1x384xf32>,
    %get3A_1191 = arith.constant 0 : index
    %get3A_1192 = arith.constant 0 : index
    %get3A_1193 = arith.constant 0 : index
    %get3A_1194 = vector.load %arg3[%get3A_1191, %get3A_1192, %get3A_1193] : memref<1x32x384xf32, #tpu.memory_space<vmem>>, vector<1x32x384xf32>
    %get3A_1195 = vector.shape_cast %get3A_1194 : vector<1x32x384xf32> to vector<32x384xf32>
    %get3A_1196 = arith.constant 0 : index
    %get3A_1197 = arith.constant 0 : index
    %get3A_1198 = arith.constant 0 : index
    %get3A_1199 = vector.load %arg4[%get3A_1196, %get3A_1197, %get3A_1198] : memref<1x32x384xf32, #tpu.memory_space<vmem>>, vector<1x32x384xf32>
    %get3A_1200 = vector.shape_cast %get3A_1199 : vector<1x32x384xf32> to vector<32x384xf32>
    %slice3A_1201 = vector.extract_strided_slice %get3A_1195 {offsets = [10, 0], sizes = [1, 384], strides = [1, 1]} : vector<32x384xf32> to vector<1x384xf32>
    %slice3A_1202 = vector.extract_strided_slice %get3A_1200 {offsets = [10, 0], sizes = [1, 384], strides = [1, 1]} : vector<32x384xf32> to vector<1x384xf32>
    %sub3A_1203 = vector.broadcast %slice3A_1159 : vector<360x1xf32> to vector<360x384xf32>
    %sub3A_1204 = vector.broadcast %slice3A_1201 : vector<1x384xf32> to vector<360x384xf32>
    %sub3A_1205 = arith.subf %sub3A_1203, %sub3A_1204 : vector<360x384xf32>
    %sub3A_1206 = vector.broadcast %slice3A_1160 : vector<360x1xf32> to vector<360x384xf32>
    %sub3A_1207 = vector.broadcast %slice3A_1202 : vector<1x384xf32> to vector<360x384xf32>
    %sub3A_1208 = arith.subf %sub3A_1206, %sub3A_1207 : vector<360x384xf32>
    %mul3A_1209 = arith.mulf %sub3A_1205, %sub3A_1205 : vector<360x384xf32>
    %mul3A_1210 = arith.mulf %sub3A_1208, %sub3A_1208 : vector<360x384xf32>
    %add3A_1211 = arith.addf %mul3A_1209, %mul3A_1210 : vector<360x384xf32>
    %reduce_min3A_1212 = arith.constant dense<0x7F800000> : vector<384xf32>
    %reduce_min3A_1213 = vector.multi_reduction <minimumf>, %add3A_1211, %reduce_min3A_1212 [0] : vector<360x384xf32> to vector<384xf32>
    %broadcast_in_dim3A_1214 = vector.shape_cast %reduce_min3A_1213 : vector<384xf32> to vector<1x384xf32>
    %swap3A_1215 = arith.constant 1 : index
    %swap3A_1216 = arith.constant 10 : index
    %swap3A_1217 = arith.constant 0 : index
    %swap3A_1218 = vector.load %arg11[%swap3A_1215, %swap3A_1216, %swap3A_1217] : memref<2x32x384xf32, #tpu.memory_space<vmem>>, vector<1x1x384xf32>
    %swap3A_1219 = vector.shape_cast %swap3A_1218 : vector<1x1x384xf32> to vector<1x384xf32>
    %swap3A_1220 = vector.shape_cast %broadcast_in_dim3A_1214 : vector<1x384xf32> to vector<1x1x384xf32>
    tpu.vector_store %arg11[%swap3A_1215, %swap3A_1216, %swap3A_1217], %swap3A_1220 {strides = array<i32>} : memref<2x32x384xf32, #tpu.memory_space<vmem>>, vector<1x1x384xf32>,
    %get3A_1221 = arith.constant 0 : index
    %get3A_1222 = arith.constant 0 : index
    %get3A_1223 = arith.constant 0 : index
    %get3A_1224 = vector.load %arg5[%get3A_1221, %get3A_1222, %get3A_1223] : memref<1x32x128xf32, #tpu.memory_space<vmem>>, vector<1x32x128xf32>
    %get3A_1225 = vector.shape_cast %get3A_1224 : vector<1x32x128xf32> to vector<32x128xf32>
    %get3A_1226 = arith.constant 0 : index
    %get3A_1227 = arith.constant 0 : index
    %get3A_1228 = arith.constant 0 : index
    %get3A_1229 = vector.load %arg6[%get3A_1226, %get3A_1227, %get3A_1228] : memref<1x32x128xf32, #tpu.memory_space<vmem>>, vector<1x32x128xf32>
    %get3A_1230 = vector.shape_cast %get3A_1229 : vector<1x32x128xf32> to vector<32x128xf32>
    %slice3A_1231 = vector.extract_strided_slice %get3A_1225 {offsets = [10, 0], sizes = [1, 128], strides = [1, 1]} : vector<32x128xf32> to vector<1x128xf32>
    %slice3A_1232 = vector.extract_strided_slice %get3A_1230 {offsets = [10, 0], sizes = [1, 128], strides = [1, 1]} : vector<32x128xf32> to vector<1x128xf32>
    %sub3A_1233 = vector.broadcast %slice3A_1159 : vector<360x1xf32> to vector<360x128xf32>
    %sub3A_1234 = vector.broadcast %slice3A_1231 : vector<1x128xf32> to vector<360x128xf32>
    %sub3A_1235 = arith.subf %sub3A_1233, %sub3A_1234 : vector<360x128xf32>
    %sub3A_1236 = vector.broadcast %slice3A_1160 : vector<360x1xf32> to vector<360x128xf32>
    %sub3A_1237 = vector.broadcast %slice3A_1232 : vector<1x128xf32> to vector<360x128xf32>
    %sub3A_1238 = arith.subf %sub3A_1236, %sub3A_1237 : vector<360x128xf32>
    %mul3A_1239 = arith.mulf %sub3A_1235, %sub3A_1235 : vector<360x128xf32>
    %mul3A_1240 = arith.mulf %sub3A_1238, %sub3A_1238 : vector<360x128xf32>
    %add3A_1241 = arith.addf %mul3A_1239, %mul3A_1240 : vector<360x128xf32>
    %reduce_min3A_1242 = arith.constant dense<0x7F800000> : vector<128xf32>
    %reduce_min3A_1243 = vector.multi_reduction <minimumf>, %add3A_1241, %reduce_min3A_1242 [0] : vector<360x128xf32> to vector<128xf32>
    %broadcast_in_dim3A_1244 = vector.shape_cast %reduce_min3A_1243 : vector<128xf32> to vector<1x128xf32>
    %swap3A_1245 = arith.constant 10 : index
    %swap3A_1246 = arith.constant 0 : index
    %swap3A_1247 = vector.load %arg12[%swap3A_1245, %swap3A_1246] : memref<32x256xf32, #tpu.memory_space<vmem>>, vector<1x128xf32>
    tpu.vector_store %arg12[%swap3A_1245, %swap3A_1246], %broadcast_in_dim3A_1244 {strides = array<i32>} : memref<32x256xf32, #tpu.memory_space<vmem>>, vector<1x128xf32>,
    %get3A_1248 = arith.constant 0 : index
    %get3A_1249 = arith.constant 0 : index
    %get3A_1250 = arith.constant 0 : index
    %get3A_1251 = vector.load %arg7[%get3A_1248, %get3A_1249, %get3A_1250] : memref<1x32x128xf32, #tpu.memory_space<vmem>>, vector<1x32x128xf32>
    %get3A_1252 = vector.shape_cast %get3A_1251 : vector<1x32x128xf32> to vector<32x128xf32>
    %get3A_1253 = arith.constant 0 : index
    %get3A_1254 = arith.constant 0 : index
    %get3A_1255 = arith.constant 0 : index
    %get3A_1256 = vector.load %arg8[%get3A_1253, %get3A_1254, %get3A_1255] : memref<1x32x128xf32, #tpu.memory_space<vmem>>, vector<1x32x128xf32>
    %get3A_1257 = vector.shape_cast %get3A_1256 : vector<1x32x128xf32> to vector<32x128xf32>
    %slice3A_1258 = vector.extract_strided_slice %get3A_1252 {offsets = [10, 0], sizes = [1, 128], strides = [1, 1]} : vector<32x128xf32> to vector<1x128xf32>
    %slice3A_1259 = vector.extract_strided_slice %get3A_1257 {offsets = [10, 0], sizes = [1, 128], strides = [1, 1]} : vector<32x128xf32> to vector<1x128xf32>
    %sub3A_1260 = vector.broadcast %slice3A_1159 : vector<360x1xf32> to vector<360x128xf32>
    %sub3A_1261 = vector.broadcast %slice3A_1258 : vector<1x128xf32> to vector<360x128xf32>
    %sub3A_1262 = arith.subf %sub3A_1260, %sub3A_1261 : vector<360x128xf32>
    %sub3A_1263 = vector.broadcast %slice3A_1160 : vector<360x1xf32> to vector<360x128xf32>
    %sub3A_1264 = vector.broadcast %slice3A_1259 : vector<1x128xf32> to vector<360x128xf32>
    %sub3A_1265 = arith.subf %sub3A_1263, %sub3A_1264 : vector<360x128xf32>
    %mul3A_1266 = arith.mulf %sub3A_1262, %sub3A_1262 : vector<360x128xf32>
    %mul3A_1267 = arith.mulf %sub3A_1265, %sub3A_1265 : vector<360x128xf32>
    %add3A_1268 = arith.addf %mul3A_1266, %mul3A_1267 : vector<360x128xf32>
    %reduce_min3A_1269 = arith.constant dense<0x7F800000> : vector<128xf32>
    %reduce_min3A_1270 = vector.multi_reduction <minimumf>, %add3A_1268, %reduce_min3A_1269 [0] : vector<360x128xf32> to vector<128xf32>
    %broadcast_in_dim3A_1271 = vector.shape_cast %reduce_min3A_1270 : vector<128xf32> to vector<1x128xf32>
    %swap3A_1272 = arith.constant 10 : index
    %swap3A_1273 = arith.constant 128 : index
    %swap3A_1274 = vector.load %arg12[%swap3A_1272, %swap3A_1273] : memref<32x256xf32, #tpu.memory_space<vmem>>, vector<1x128xf32>
    tpu.vector_store %arg12[%swap3A_1272, %swap3A_1273], %broadcast_in_dim3A_1271 {strides = array<i32>} : memref<32x256xf32, #tpu.memory_space<vmem>>, vector<1x128xf32>,
    %slice3A_1275 = vector.extract_strided_slice %transpose3A {offsets = [0, 11], sizes = [360, 1], strides = [1, 1]} : vector<360x32xf32> to vector<360x1xf32>
    %slice3A_1276 = vector.extract_strided_slice %transpose3A_5 {offsets = [0, 11], sizes = [360, 1], strides = [1, 1]} : vector<360x32xf32> to vector<360x1xf32>
    %get3A_1277 = arith.constant 0 : index
    %get3A_1278 = arith.constant 0 : index
    %get3A_1279 = arith.constant 0 : index
    %get3A_1280 = vector.load %arg1[%get3A_1277, %get3A_1278, %get3A_1279] : memref<1x32x384xf32, #tpu.memory_space<vmem>>, vector<1x32x384xf32>
    %get3A_1281 = vector.shape_cast %get3A_1280 : vector<1x32x384xf32> to vector<32x384xf32>
    %get3A_1282 = arith.constant 0 : index
    %get3A_1283 = arith.constant 0 : index
    %get3A_1284 = arith.constant 0 : index
    %get3A_1285 = vector.load %arg2[%get3A_1282, %get3A_1283, %get3A_1284] : memref<1x32x384xf32, #tpu.memory_space<vmem>>, vector<1x32x384xf32>
    %get3A_1286 = vector.shape_cast %get3A_1285 : vector<1x32x384xf32> to vector<32x384xf32>
    %slice3A_1287 = vector.extract_strided_slice %get3A_1281 {offsets = [11, 0], sizes = [1, 384], strides = [1, 1]} : vector<32x384xf32> to vector<1x384xf32>
    %slice3A_1288 = vector.extract_strided_slice %get3A_1286 {offsets = [11, 0], sizes = [1, 384], strides = [1, 1]} : vector<32x384xf32> to vector<1x384xf32>
    %sub3A_1289 = vector.broadcast %slice3A_1275 : vector<360x1xf32> to vector<360x384xf32>
    %sub3A_1290 = vector.broadcast %slice3A_1287 : vector<1x384xf32> to vector<360x384xf32>
    %sub3A_1291 = arith.subf %sub3A_1289, %sub3A_1290 : vector<360x384xf32>
    %sub3A_1292 = vector.broadcast %slice3A_1276 : vector<360x1xf32> to vector<360x384xf32>
    %sub3A_1293 = vector.broadcast %slice3A_1288 : vector<1x384xf32> to vector<360x384xf32>
    %sub3A_1294 = arith.subf %sub3A_1292, %sub3A_1293 : vector<360x384xf32>
    %mul3A_1295 = arith.mulf %sub3A_1291, %sub3A_1291 : vector<360x384xf32>
    %mul3A_1296 = arith.mulf %sub3A_1294, %sub3A_1294 : vector<360x384xf32>
    %add3A_1297 = arith.addf %mul3A_1295, %mul3A_1296 : vector<360x384xf32>
    %reduce_min3A_1298 = arith.constant dense<0x7F800000> : vector<384xf32>
    %reduce_min3A_1299 = vector.multi_reduction <minimumf>, %add3A_1297, %reduce_min3A_1298 [0] : vector<360x384xf32> to vector<384xf32>
    %broadcast_in_dim3A_1300 = vector.shape_cast %reduce_min3A_1299 : vector<384xf32> to vector<1x384xf32>
    %swap3A_1301 = arith.constant 0 : index
    %swap3A_1302 = arith.constant 11 : index
    %swap3A_1303 = arith.constant 0 : index
    %swap3A_1304 = vector.load %arg11[%swap3A_1301, %swap3A_1302, %swap3A_1303] : memref<2x32x384xf32, #tpu.memory_space<vmem>>, vector<1x1x384xf32>
    %swap3A_1305 = vector.shape_cast %swap3A_1304 : vector<1x1x384xf32> to vector<1x384xf32>
    %swap3A_1306 = vector.shape_cast %broadcast_in_dim3A_1300 : vector<1x384xf32> to vector<1x1x384xf32>
    tpu.vector_store %arg11[%swap3A_1301, %swap3A_1302, %swap3A_1303], %swap3A_1306 {strides = array<i32>} : memref<2x32x384xf32, #tpu.memory_space<vmem>>, vector<1x1x384xf32>,
    %get3A_1307 = arith.constant 0 : index
    %get3A_1308 = arith.constant 0 : index
    %get3A_1309 = arith.constant 0 : index
    %get3A_1310 = vector.load %arg3[%get3A_1307, %get3A_1308, %get3A_1309] : memref<1x32x384xf32, #tpu.memory_space<vmem>>, vector<1x32x384xf32>
    %get3A_1311 = vector.shape_cast %get3A_1310 : vector<1x32x384xf32> to vector<32x384xf32>
    %get3A_1312 = arith.constant 0 : index
    %get3A_1313 = arith.constant 0 : index
    %get3A_1314 = arith.constant 0 : index
    %get3A_1315 = vector.load %arg4[%get3A_1312, %get3A_1313, %get3A_1314] : memref<1x32x384xf32, #tpu.memory_space<vmem>>, vector<1x32x384xf32>
    %get3A_1316 = vector.shape_cast %get3A_1315 : vector<1x32x384xf32> to vector<32x384xf32>
    %slice3A_1317 = vector.extract_strided_slice %get3A_1311 {offsets = [11, 0], sizes = [1, 384], strides = [1, 1]} : vector<32x384xf32> to vector<1x384xf32>
    %slice3A_1318 = vector.extract_strided_slice %get3A_1316 {offsets = [11, 0], sizes = [1, 384], strides = [1, 1]} : vector<32x384xf32> to vector<1x384xf32>
    %sub3A_1319 = vector.broadcast %slice3A_1275 : vector<360x1xf32> to vector<360x384xf32>
    %sub3A_1320 = vector.broadcast %slice3A_1317 : vector<1x384xf32> to vector<360x384xf32>
    %sub3A_1321 = arith.subf %sub3A_1319, %sub3A_1320 : vector<360x384xf32>
    %sub3A_1322 = vector.broadcast %slice3A_1276 : vector<360x1xf32> to vector<360x384xf32>
    %sub3A_1323 = vector.broadcast %slice3A_1318 : vector<1x384xf32> to vector<360x384xf32>
    %sub3A_1324 = arith.subf %sub3A_1322, %sub3A_1323 : vector<360x384xf32>
    %mul3A_1325 = arith.mulf %sub3A_1321, %sub3A_1321 : vector<360x384xf32>
    %mul3A_1326 = arith.mulf %sub3A_1324, %sub3A_1324 : vector<360x384xf32>
    %add3A_1327 = arith.addf %mul3A_1325, %mul3A_1326 : vector<360x384xf32>
    %reduce_min3A_1328 = arith.constant dense<0x7F800000> : vector<384xf32>
    %reduce_min3A_1329 = vector.multi_reduction <minimumf>, %add3A_1327, %reduce_min3A_1328 [0] : vector<360x384xf32> to vector<384xf32>
    %broadcast_in_dim3A_1330 = vector.shape_cast %reduce_min3A_1329 : vector<384xf32> to vector<1x384xf32>
    %swap3A_1331 = arith.constant 1 : index
    %swap3A_1332 = arith.constant 11 : index
    %swap3A_1333 = arith.constant 0 : index
    %swap3A_1334 = vector.load %arg11[%swap3A_1331, %swap3A_1332, %swap3A_1333] : memref<2x32x384xf32, #tpu.memory_space<vmem>>, vector<1x1x384xf32>
    %swap3A_1335 = vector.shape_cast %swap3A_1334 : vector<1x1x384xf32> to vector<1x384xf32>
    %swap3A_1336 = vector.shape_cast %broadcast_in_dim3A_1330 : vector<1x384xf32> to vector<1x1x384xf32>
    tpu.vector_store %arg11[%swap3A_1331, %swap3A_1332, %swap3A_1333], %swap3A_1336 {strides = array<i32>} : memref<2x32x384xf32, #tpu.memory_space<vmem>>, vector<1x1x384xf32>,
    %get3A_1337 = arith.constant 0 : index
    %get3A_1338 = arith.constant 0 : index
    %get3A_1339 = arith.constant 0 : index
    %get3A_1340 = vector.load %arg5[%get3A_1337, %get3A_1338, %get3A_1339] : memref<1x32x128xf32, #tpu.memory_space<vmem>>, vector<1x32x128xf32>
    %get3A_1341 = vector.shape_cast %get3A_1340 : vector<1x32x128xf32> to vector<32x128xf32>
    %get3A_1342 = arith.constant 0 : index
    %get3A_1343 = arith.constant 0 : index
    %get3A_1344 = arith.constant 0 : index
    %get3A_1345 = vector.load %arg6[%get3A_1342, %get3A_1343, %get3A_1344] : memref<1x32x128xf32, #tpu.memory_space<vmem>>, vector<1x32x128xf32>
    %get3A_1346 = vector.shape_cast %get3A_1345 : vector<1x32x128xf32> to vector<32x128xf32>
    %slice3A_1347 = vector.extract_strided_slice %get3A_1341 {offsets = [11, 0], sizes = [1, 128], strides = [1, 1]} : vector<32x128xf32> to vector<1x128xf32>
    %slice3A_1348 = vector.extract_strided_slice %get3A_1346 {offsets = [11, 0], sizes = [1, 128], strides = [1, 1]} : vector<32x128xf32> to vector<1x128xf32>
    %sub3A_1349 = vector.broadcast %slice3A_1275 : vector<360x1xf32> to vector<360x128xf32>
    %sub3A_1350 = vector.broadcast %slice3A_1347 : vector<1x128xf32> to vector<360x128xf32>
    %sub3A_1351 = arith.subf %sub3A_1349, %sub3A_1350 : vector<360x128xf32>
    %sub3A_1352 = vector.broadcast %slice3A_1276 : vector<360x1xf32> to vector<360x128xf32>
    %sub3A_1353 = vector.broadcast %slice3A_1348 : vector<1x128xf32> to vector<360x128xf32>
    %sub3A_1354 = arith.subf %sub3A_1352, %sub3A_1353 : vector<360x128xf32>
    %mul3A_1355 = arith.mulf %sub3A_1351, %sub3A_1351 : vector<360x128xf32>
    %mul3A_1356 = arith.mulf %sub3A_1354, %sub3A_1354 : vector<360x128xf32>
    %add3A_1357 = arith.addf %mul3A_1355, %mul3A_1356 : vector<360x128xf32>
    %reduce_min3A_1358 = arith.constant dense<0x7F800000> : vector<128xf32>
    %reduce_min3A_1359 = vector.multi_reduction <minimumf>, %add3A_1357, %reduce_min3A_1358 [0] : vector<360x128xf32> to vector<128xf32>
    %broadcast_in_dim3A_1360 = vector.shape_cast %reduce_min3A_1359 : vector<128xf32> to vector<1x128xf32>
    %swap3A_1361 = arith.constant 11 : index
    %swap3A_1362 = arith.constant 0 : index
    %swap3A_1363 = vector.load %arg12[%swap3A_1361, %swap3A_1362] : memref<32x256xf32, #tpu.memory_space<vmem>>, vector<1x128xf32>
    tpu.vector_store %arg12[%swap3A_1361, %swap3A_1362], %broadcast_in_dim3A_1360 {strides = array<i32>} : memref<32x256xf32, #tpu.memory_space<vmem>>, vector<1x128xf32>,
    %get3A_1364 = arith.constant 0 : index
    %get3A_1365 = arith.constant 0 : index
    %get3A_1366 = arith.constant 0 : index
    %get3A_1367 = vector.load %arg7[%get3A_1364, %get3A_1365, %get3A_1366] : memref<1x32x128xf32, #tpu.memory_space<vmem>>, vector<1x32x128xf32>
    %get3A_1368 = vector.shape_cast %get3A_1367 : vector<1x32x128xf32> to vector<32x128xf32>
    %get3A_1369 = arith.constant 0 : index
    %get3A_1370 = arith.constant 0 : index
    %get3A_1371 = arith.constant 0 : index
    %get3A_1372 = vector.load %arg8[%get3A_1369, %get3A_1370, %get3A_1371] : memref<1x32x128xf32, #tpu.memory_space<vmem>>, vector<1x32x128xf32>
    %get3A_1373 = vector.shape_cast %get3A_1372 : vector<1x32x128xf32> to vector<32x128xf32>
    %slice3A_1374 = vector.extract_strided_slice %get3A_1368 {offsets = [11, 0], sizes = [1, 128], strides = [1, 1]} : vector<32x128xf32> to vector<1x128xf32>
    %slice3A_1375 = vector.extract_strided_slice %get3A_1373 {offsets = [11, 0], sizes = [1, 128], strides = [1, 1]} : vector<32x128xf32> to vector<1x128xf32>
    %sub3A_1376 = vector.broadcast %slice3A_1275 : vector<360x1xf32> to vector<360x128xf32>
    %sub3A_1377 = vector.broadcast %slice3A_1374 : vector<1x128xf32> to vector<360x128xf32>
    %sub3A_1378 = arith.subf %sub3A_1376, %sub3A_1377 : vector<360x128xf32>
    %sub3A_1379 = vector.broadcast %slice3A_1276 : vector<360x1xf32> to vector<360x128xf32>
    %sub3A_1380 = vector.broadcast %slice3A_1375 : vector<1x128xf32> to vector<360x128xf32>
    %sub3A_1381 = arith.subf %sub3A_1379, %sub3A_1380 : vector<360x128xf32>
    %mul3A_1382 = arith.mulf %sub3A_1378, %sub3A_1378 : vector<360x128xf32>
    %mul3A_1383 = arith.mulf %sub3A_1381, %sub3A_1381 : vector<360x128xf32>
    %add3A_1384 = arith.addf %mul3A_1382, %mul3A_1383 : vector<360x128xf32>
    %reduce_min3A_1385 = arith.constant dense<0x7F800000> : vector<128xf32>
    %reduce_min3A_1386 = vector.multi_reduction <minimumf>, %add3A_1384, %reduce_min3A_1385 [0] : vector<360x128xf32> to vector<128xf32>
    %broadcast_in_dim3A_1387 = vector.shape_cast %reduce_min3A_1386 : vector<128xf32> to vector<1x128xf32>
    %swap3A_1388 = arith.constant 11 : index
    %swap3A_1389 = arith.constant 128 : index
    %swap3A_1390 = vector.load %arg12[%swap3A_1388, %swap3A_1389] : memref<32x256xf32, #tpu.memory_space<vmem>>, vector<1x128xf32>
    tpu.vector_store %arg12[%swap3A_1388, %swap3A_1389], %broadcast_in_dim3A_1387 {strides = array<i32>} : memref<32x256xf32, #tpu.memory_space<vmem>>, vector<1x128xf32>,
    %slice3A_1391 = vector.extract_strided_slice %transpose3A {offsets = [0, 12], sizes = [360, 1], strides = [1, 1]} : vector<360x32xf32> to vector<360x1xf32>
    %slice3A_1392 = vector.extract_strided_slice %transpose3A_5 {offsets = [0, 12], sizes = [360, 1], strides = [1, 1]} : vector<360x32xf32> to vector<360x1xf32>
    %get3A_1393 = arith.constant 0 : index
    %get3A_1394 = arith.constant 0 : index
    %get3A_1395 = arith.constant 0 : index
    %get3A_1396 = vector.load %arg1[%get3A_1393, %get3A_1394, %get3A_1395] : memref<1x32x384xf32, #tpu.memory_space<vmem>>, vector<1x32x384xf32>
    %get3A_1397 = vector.shape_cast %get3A_1396 : vector<1x32x384xf32> to vector<32x384xf32>
    %get3A_1398 = arith.constant 0 : index
    %get3A_1399 = arith.constant 0 : index
    %get3A_1400 = arith.constant 0 : index
    %get3A_1401 = vector.load %arg2[%get3A_1398, %get3A_1399, %get3A_1400] : memref<1x32x384xf32, #tpu.memory_space<vmem>>, vector<1x32x384xf32>
    %get3A_1402 = vector.shape_cast %get3A_1401 : vector<1x32x384xf32> to vector<32x384xf32>
    %slice3A_1403 = vector.extract_strided_slice %get3A_1397 {offsets = [12, 0], sizes = [1, 384], strides = [1, 1]} : vector<32x384xf32> to vector<1x384xf32>
    %slice3A_1404 = vector.extract_strided_slice %get3A_1402 {offsets = [12, 0], sizes = [1, 384], strides = [1, 1]} : vector<32x384xf32> to vector<1x384xf32>
    %sub3A_1405 = vector.broadcast %slice3A_1391 : vector<360x1xf32> to vector<360x384xf32>
    %sub3A_1406 = vector.broadcast %slice3A_1403 : vector<1x384xf32> to vector<360x384xf32>
    %sub3A_1407 = arith.subf %sub3A_1405, %sub3A_1406 : vector<360x384xf32>
    %sub3A_1408 = vector.broadcast %slice3A_1392 : vector<360x1xf32> to vector<360x384xf32>
    %sub3A_1409 = vector.broadcast %slice3A_1404 : vector<1x384xf32> to vector<360x384xf32>
    %sub3A_1410 = arith.subf %sub3A_1408, %sub3A_1409 : vector<360x384xf32>
    %mul3A_1411 = arith.mulf %sub3A_1407, %sub3A_1407 : vector<360x384xf32>
    %mul3A_1412 = arith.mulf %sub3A_1410, %sub3A_1410 : vector<360x384xf32>
    %add3A_1413 = arith.addf %mul3A_1411, %mul3A_1412 : vector<360x384xf32>
    %reduce_min3A_1414 = arith.constant dense<0x7F800000> : vector<384xf32>
    %reduce_min3A_1415 = vector.multi_reduction <minimumf>, %add3A_1413, %reduce_min3A_1414 [0] : vector<360x384xf32> to vector<384xf32>
    %broadcast_in_dim3A_1416 = vector.shape_cast %reduce_min3A_1415 : vector<384xf32> to vector<1x384xf32>
    %swap3A_1417 = arith.constant 0 : index
    %swap3A_1418 = arith.constant 12 : index
    %swap3A_1419 = arith.constant 0 : index
    %swap3A_1420 = vector.load %arg11[%swap3A_1417, %swap3A_1418, %swap3A_1419] : memref<2x32x384xf32, #tpu.memory_space<vmem>>, vector<1x1x384xf32>
    %swap3A_1421 = vector.shape_cast %swap3A_1420 : vector<1x1x384xf32> to vector<1x384xf32>
    %swap3A_1422 = vector.shape_cast %broadcast_in_dim3A_1416 : vector<1x384xf32> to vector<1x1x384xf32>
    tpu.vector_store %arg11[%swap3A_1417, %swap3A_1418, %swap3A_1419], %swap3A_1422 {strides = array<i32>} : memref<2x32x384xf32, #tpu.memory_space<vmem>>, vector<1x1x384xf32>,
    %get3A_1423 = arith.constant 0 : index
    %get3A_1424 = arith.constant 0 : index
    %get3A_1425 = arith.constant 0 : index
    %get3A_1426 = vector.load %arg3[%get3A_1423, %get3A_1424, %get3A_1425] : memref<1x32x384xf32, #tpu.memory_space<vmem>>, vector<1x32x384xf32>
    %get3A_1427 = vector.shape_cast %get3A_1426 : vector<1x32x384xf32> to vector<32x384xf32>
    %get3A_1428 = arith.constant 0 : index
    %get3A_1429 = arith.constant 0 : index
    %get3A_1430 = arith.constant 0 : index
    %get3A_1431 = vector.load %arg4[%get3A_1428, %get3A_1429, %get3A_1430] : memref<1x32x384xf32, #tpu.memory_space<vmem>>, vector<1x32x384xf32>
    %get3A_1432 = vector.shape_cast %get3A_1431 : vector<1x32x384xf32> to vector<32x384xf32>
    %slice3A_1433 = vector.extract_strided_slice %get3A_1427 {offsets = [12, 0], sizes = [1, 384], strides = [1, 1]} : vector<32x384xf32> to vector<1x384xf32>
    %slice3A_1434 = vector.extract_strided_slice %get3A_1432 {offsets = [12, 0], sizes = [1, 384], strides = [1, 1]} : vector<32x384xf32> to vector<1x384xf32>
    %sub3A_1435 = vector.broadcast %slice3A_1391 : vector<360x1xf32> to vector<360x384xf32>
    %sub3A_1436 = vector.broadcast %slice3A_1433 : vector<1x384xf32> to vector<360x384xf32>
    %sub3A_1437 = arith.subf %sub3A_1435, %sub3A_1436 : vector<360x384xf32>
    %sub3A_1438 = vector.broadcast %slice3A_1392 : vector<360x1xf32> to vector<360x384xf32>
    %sub3A_1439 = vector.broadcast %slice3A_1434 : vector<1x384xf32> to vector<360x384xf32>
    %sub3A_1440 = arith.subf %sub3A_1438, %sub3A_1439 : vector<360x384xf32>
    %mul3A_1441 = arith.mulf %sub3A_1437, %sub3A_1437 : vector<360x384xf32>
    %mul3A_1442 = arith.mulf %sub3A_1440, %sub3A_1440 : vector<360x384xf32>
    %add3A_1443 = arith.addf %mul3A_1441, %mul3A_1442 : vector<360x384xf32>
    %reduce_min3A_1444 = arith.constant dense<0x7F800000> : vector<384xf32>
    %reduce_min3A_1445 = vector.multi_reduction <minimumf>, %add3A_1443, %reduce_min3A_1444 [0] : vector<360x384xf32> to vector<384xf32>
    %broadcast_in_dim3A_1446 = vector.shape_cast %reduce_min3A_1445 : vector<384xf32> to vector<1x384xf32>
    %swap3A_1447 = arith.constant 1 : index
    %swap3A_1448 = arith.constant 12 : index
    %swap3A_1449 = arith.constant 0 : index
    %swap3A_1450 = vector.load %arg11[%swap3A_1447, %swap3A_1448, %swap3A_1449] : memref<2x32x384xf32, #tpu.memory_space<vmem>>, vector<1x1x384xf32>
    %swap3A_1451 = vector.shape_cast %swap3A_1450 : vector<1x1x384xf32> to vector<1x384xf32>
    %swap3A_1452 = vector.shape_cast %broadcast_in_dim3A_1446 : vector<1x384xf32> to vector<1x1x384xf32>
    tpu.vector_store %arg11[%swap3A_1447, %swap3A_1448, %swap3A_1449], %swap3A_1452 {strides = array<i32>} : memref<2x32x384xf32, #tpu.memory_space<vmem>>, vector<1x1x384xf32>,
    %get3A_1453 = arith.constant 0 : index
    %get3A_1454 = arith.constant 0 : index
    %get3A_1455 = arith.constant 0 : index
    %get3A_1456 = vector.load %arg5[%get3A_1453, %get3A_1454, %get3A_1455] : memref<1x32x128xf32, #tpu.memory_space<vmem>>, vector<1x32x128xf32>
    %get3A_1457 = vector.shape_cast %get3A_1456 : vector<1x32x128xf32> to vector<32x128xf32>
    %get3A_1458 = arith.constant 0 : index
    %get3A_1459 = arith.constant 0 : index
    %get3A_1460 = arith.constant 0 : index
    %get3A_1461 = vector.load %arg6[%get3A_1458, %get3A_1459, %get3A_1460] : memref<1x32x128xf32, #tpu.memory_space<vmem>>, vector<1x32x128xf32>
    %get3A_1462 = vector.shape_cast %get3A_1461 : vector<1x32x128xf32> to vector<32x128xf32>
    %slice3A_1463 = vector.extract_strided_slice %get3A_1457 {offsets = [12, 0], sizes = [1, 128], strides = [1, 1]} : vector<32x128xf32> to vector<1x128xf32>
    %slice3A_1464 = vector.extract_strided_slice %get3A_1462 {offsets = [12, 0], sizes = [1, 128], strides = [1, 1]} : vector<32x128xf32> to vector<1x128xf32>
    %sub3A_1465 = vector.broadcast %slice3A_1391 : vector<360x1xf32> to vector<360x128xf32>
    %sub3A_1466 = vector.broadcast %slice3A_1463 : vector<1x128xf32> to vector<360x128xf32>
    %sub3A_1467 = arith.subf %sub3A_1465, %sub3A_1466 : vector<360x128xf32>
    %sub3A_1468 = vector.broadcast %slice3A_1392 : vector<360x1xf32> to vector<360x128xf32>
    %sub3A_1469 = vector.broadcast %slice3A_1464 : vector<1x128xf32> to vector<360x128xf32>
    %sub3A_1470 = arith.subf %sub3A_1468, %sub3A_1469 : vector<360x128xf32>
    %mul3A_1471 = arith.mulf %sub3A_1467, %sub3A_1467 : vector<360x128xf32>
    %mul3A_1472 = arith.mulf %sub3A_1470, %sub3A_1470 : vector<360x128xf32>
    %add3A_1473 = arith.addf %mul3A_1471, %mul3A_1472 : vector<360x128xf32>
    %reduce_min3A_1474 = arith.constant dense<0x7F800000> : vector<128xf32>
    %reduce_min3A_1475 = vector.multi_reduction <minimumf>, %add3A_1473, %reduce_min3A_1474 [0] : vector<360x128xf32> to vector<128xf32>
    %broadcast_in_dim3A_1476 = vector.shape_cast %reduce_min3A_1475 : vector<128xf32> to vector<1x128xf32>
    %swap3A_1477 = arith.constant 12 : index
    %swap3A_1478 = arith.constant 0 : index
    %swap3A_1479 = vector.load %arg12[%swap3A_1477, %swap3A_1478] : memref<32x256xf32, #tpu.memory_space<vmem>>, vector<1x128xf32>
    tpu.vector_store %arg12[%swap3A_1477, %swap3A_1478], %broadcast_in_dim3A_1476 {strides = array<i32>} : memref<32x256xf32, #tpu.memory_space<vmem>>, vector<1x128xf32>,
    %get3A_1480 = arith.constant 0 : index
    %get3A_1481 = arith.constant 0 : index
    %get3A_1482 = arith.constant 0 : index
    %get3A_1483 = vector.load %arg7[%get3A_1480, %get3A_1481, %get3A_1482] : memref<1x32x128xf32, #tpu.memory_space<vmem>>, vector<1x32x128xf32>
    %get3A_1484 = vector.shape_cast %get3A_1483 : vector<1x32x128xf32> to vector<32x128xf32>
    %get3A_1485 = arith.constant 0 : index
    %get3A_1486 = arith.constant 0 : index
    %get3A_1487 = arith.constant 0 : index
    %get3A_1488 = vector.load %arg8[%get3A_1485, %get3A_1486, %get3A_1487] : memref<1x32x128xf32, #tpu.memory_space<vmem>>, vector<1x32x128xf32>
    %get3A_1489 = vector.shape_cast %get3A_1488 : vector<1x32x128xf32> to vector<32x128xf32>
    %slice3A_1490 = vector.extract_strided_slice %get3A_1484 {offsets = [12, 0], sizes = [1, 128], strides = [1, 1]} : vector<32x128xf32> to vector<1x128xf32>
    %slice3A_1491 = vector.extract_strided_slice %get3A_1489 {offsets = [12, 0], sizes = [1, 128], strides = [1, 1]} : vector<32x128xf32> to vector<1x128xf32>
    %sub3A_1492 = vector.broadcast %slice3A_1391 : vector<360x1xf32> to vector<360x128xf32>
    %sub3A_1493 = vector.broadcast %slice3A_1490 : vector<1x128xf32> to vector<360x128xf32>
    %sub3A_1494 = arith.subf %sub3A_1492, %sub3A_1493 : vector<360x128xf32>
    %sub3A_1495 = vector.broadcast %slice3A_1392 : vector<360x1xf32> to vector<360x128xf32>
    %sub3A_1496 = vector.broadcast %slice3A_1491 : vector<1x128xf32> to vector<360x128xf32>
    %sub3A_1497 = arith.subf %sub3A_1495, %sub3A_1496 : vector<360x128xf32>
    %mul3A_1498 = arith.mulf %sub3A_1494, %sub3A_1494 : vector<360x128xf32>
    %mul3A_1499 = arith.mulf %sub3A_1497, %sub3A_1497 : vector<360x128xf32>
    %add3A_1500 = arith.addf %mul3A_1498, %mul3A_1499 : vector<360x128xf32>
    %reduce_min3A_1501 = arith.constant dense<0x7F800000> : vector<128xf32>
    %reduce_min3A_1502 = vector.multi_reduction <minimumf>, %add3A_1500, %reduce_min3A_1501 [0] : vector<360x128xf32> to vector<128xf32>
    %broadcast_in_dim3A_1503 = vector.shape_cast %reduce_min3A_1502 : vector<128xf32> to vector<1x128xf32>
    %swap3A_1504 = arith.constant 12 : index
    %swap3A_1505 = arith.constant 128 : index
    %swap3A_1506 = vector.load %arg12[%swap3A_1504, %swap3A_1505] : memref<32x256xf32, #tpu.memory_space<vmem>>, vector<1x128xf32>
    tpu.vector_store %arg12[%swap3A_1504, %swap3A_1505], %broadcast_in_dim3A_1503 {strides = array<i32>} : memref<32x256xf32, #tpu.memory_space<vmem>>, vector<1x128xf32>,
    %slice3A_1507 = vector.extract_strided_slice %transpose3A {offsets = [0, 13], sizes = [360, 1], strides = [1, 1]} : vector<360x32xf32> to vector<360x1xf32>
    %slice3A_1508 = vector.extract_strided_slice %transpose3A_5 {offsets = [0, 13], sizes = [360, 1], strides = [1, 1]} : vector<360x32xf32> to vector<360x1xf32>
    %get3A_1509 = arith.constant 0 : index
    %get3A_1510 = arith.constant 0 : index
    %get3A_1511 = arith.constant 0 : index
    %get3A_1512 = vector.load %arg1[%get3A_1509, %get3A_1510, %get3A_1511] : memref<1x32x384xf32, #tpu.memory_space<vmem>>, vector<1x32x384xf32>
    %get3A_1513 = vector.shape_cast %get3A_1512 : vector<1x32x384xf32> to vector<32x384xf32>
    %get3A_1514 = arith.constant 0 : index
    %get3A_1515 = arith.constant 0 : index
    %get3A_1516 = arith.constant 0 : index
    %get3A_1517 = vector.load %arg2[%get3A_1514, %get3A_1515, %get3A_1516] : memref<1x32x384xf32, #tpu.memory_space<vmem>>, vector<1x32x384xf32>
    %get3A_1518 = vector.shape_cast %get3A_1517 : vector<1x32x384xf32> to vector<32x384xf32>
    %slice3A_1519 = vector.extract_strided_slice %get3A_1513 {offsets = [13, 0], sizes = [1, 384], strides = [1, 1]} : vector<32x384xf32> to vector<1x384xf32>
    %slice3A_1520 = vector.extract_strided_slice %get3A_1518 {offsets = [13, 0], sizes = [1, 384], strides = [1, 1]} : vector<32x384xf32> to vector<1x384xf32>
    %sub3A_1521 = vector.broadcast %slice3A_1507 : vector<360x1xf32> to vector<360x384xf32>
    %sub3A_1522 = vector.broadcast %slice3A_1519 : vector<1x384xf32> to vector<360x384xf32>
    %sub3A_1523 = arith.subf %sub3A_1521, %sub3A_1522 : vector<360x384xf32>
    %sub3A_1524 = vector.broadcast %slice3A_1508 : vector<360x1xf32> to vector<360x384xf32>
    %sub3A_1525 = vector.broadcast %slice3A_1520 : vector<1x384xf32> to vector<360x384xf32>
    %sub3A_1526 = arith.subf %sub3A_1524, %sub3A_1525 : vector<360x384xf32>
    %mul3A_1527 = arith.mulf %sub3A_1523, %sub3A_1523 : vector<360x384xf32>
    %mul3A_1528 = arith.mulf %sub3A_1526, %sub3A_1526 : vector<360x384xf32>
    %add3A_1529 = arith.addf %mul3A_1527, %mul3A_1528 : vector<360x384xf32>
    %reduce_min3A_1530 = arith.constant dense<0x7F800000> : vector<384xf32>
    %reduce_min3A_1531 = vector.multi_reduction <minimumf>, %add3A_1529, %reduce_min3A_1530 [0] : vector<360x384xf32> to vector<384xf32>
    %broadcast_in_dim3A_1532 = vector.shape_cast %reduce_min3A_1531 : vector<384xf32> to vector<1x384xf32>
    %swap3A_1533 = arith.constant 0 : index
    %swap3A_1534 = arith.constant 13 : index
    %swap3A_1535 = arith.constant 0 : index
    %swap3A_1536 = vector.load %arg11[%swap3A_1533, %swap3A_1534, %swap3A_1535] : memref<2x32x384xf32, #tpu.memory_space<vmem>>, vector<1x1x384xf32>
    %swap3A_1537 = vector.shape_cast %swap3A_1536 : vector<1x1x384xf32> to vector<1x384xf32>
    %swap3A_1538 = vector.shape_cast %broadcast_in_dim3A_1532 : vector<1x384xf32> to vector<1x1x384xf32>
    tpu.vector_store %arg11[%swap3A_1533, %swap3A_1534, %swap3A_1535], %swap3A_1538 {strides = array<i32>} : memref<2x32x384xf32, #tpu.memory_space<vmem>>, vector<1x1x384xf32>,
    %get3A_1539 = arith.constant 0 : index
    %get3A_1540 = arith.constant 0 : index
    %get3A_1541 = arith.constant 0 : index
    %get3A_1542 = vector.load %arg3[%get3A_1539, %get3A_1540, %get3A_1541] : memref<1x32x384xf32, #tpu.memory_space<vmem>>, vector<1x32x384xf32>
    %get3A_1543 = vector.shape_cast %get3A_1542 : vector<1x32x384xf32> to vector<32x384xf32>
    %get3A_1544 = arith.constant 0 : index
    %get3A_1545 = arith.constant 0 : index
    %get3A_1546 = arith.constant 0 : index
    %get3A_1547 = vector.load %arg4[%get3A_1544, %get3A_1545, %get3A_1546] : memref<1x32x384xf32, #tpu.memory_space<vmem>>, vector<1x32x384xf32>
    %get3A_1548 = vector.shape_cast %get3A_1547 : vector<1x32x384xf32> to vector<32x384xf32>
    %slice3A_1549 = vector.extract_strided_slice %get3A_1543 {offsets = [13, 0], sizes = [1, 384], strides = [1, 1]} : vector<32x384xf32> to vector<1x384xf32>
    %slice3A_1550 = vector.extract_strided_slice %get3A_1548 {offsets = [13, 0], sizes = [1, 384], strides = [1, 1]} : vector<32x384xf32> to vector<1x384xf32>
    %sub3A_1551 = vector.broadcast %slice3A_1507 : vector<360x1xf32> to vector<360x384xf32>
    %sub3A_1552 = vector.broadcast %slice3A_1549 : vector<1x384xf32> to vector<360x384xf32>
    %sub3A_1553 = arith.subf %sub3A_1551, %sub3A_1552 : vector<360x384xf32>
    %sub3A_1554 = vector.broadcast %slice3A_1508 : vector<360x1xf32> to vector<360x384xf32>
    %sub3A_1555 = vector.broadcast %slice3A_1550 : vector<1x384xf32> to vector<360x384xf32>
    %sub3A_1556 = arith.subf %sub3A_1554, %sub3A_1555 : vector<360x384xf32>
    %mul3A_1557 = arith.mulf %sub3A_1553, %sub3A_1553 : vector<360x384xf32>
    %mul3A_1558 = arith.mulf %sub3A_1556, %sub3A_1556 : vector<360x384xf32>
    %add3A_1559 = arith.addf %mul3A_1557, %mul3A_1558 : vector<360x384xf32>
    %reduce_min3A_1560 = arith.constant dense<0x7F800000> : vector<384xf32>
    %reduce_min3A_1561 = vector.multi_reduction <minimumf>, %add3A_1559, %reduce_min3A_1560 [0] : vector<360x384xf32> to vector<384xf32>
    %broadcast_in_dim3A_1562 = vector.shape_cast %reduce_min3A_1561 : vector<384xf32> to vector<1x384xf32>
    %swap3A_1563 = arith.constant 1 : index
    %swap3A_1564 = arith.constant 13 : index
    %swap3A_1565 = arith.constant 0 : index
    %swap3A_1566 = vector.load %arg11[%swap3A_1563, %swap3A_1564, %swap3A_1565] : memref<2x32x384xf32, #tpu.memory_space<vmem>>, vector<1x1x384xf32>
    %swap3A_1567 = vector.shape_cast %swap3A_1566 : vector<1x1x384xf32> to vector<1x384xf32>
    %swap3A_1568 = vector.shape_cast %broadcast_in_dim3A_1562 : vector<1x384xf32> to vector<1x1x384xf32>
    tpu.vector_store %arg11[%swap3A_1563, %swap3A_1564, %swap3A_1565], %swap3A_1568 {strides = array<i32>} : memref<2x32x384xf32, #tpu.memory_space<vmem>>, vector<1x1x384xf32>,
    %get3A_1569 = arith.constant 0 : index
    %get3A_1570 = arith.constant 0 : index
    %get3A_1571 = arith.constant 0 : index
    %get3A_1572 = vector.load %arg5[%get3A_1569, %get3A_1570, %get3A_1571] : memref<1x32x128xf32, #tpu.memory_space<vmem>>, vector<1x32x128xf32>
    %get3A_1573 = vector.shape_cast %get3A_1572 : vector<1x32x128xf32> to vector<32x128xf32>
    %get3A_1574 = arith.constant 0 : index
    %get3A_1575 = arith.constant 0 : index
    %get3A_1576 = arith.constant 0 : index
    %get3A_1577 = vector.load %arg6[%get3A_1574, %get3A_1575, %get3A_1576] : memref<1x32x128xf32, #tpu.memory_space<vmem>>, vector<1x32x128xf32>
    %get3A_1578 = vector.shape_cast %get3A_1577 : vector<1x32x128xf32> to vector<32x128xf32>
    %slice3A_1579 = vector.extract_strided_slice %get3A_1573 {offsets = [13, 0], sizes = [1, 128], strides = [1, 1]} : vector<32x128xf32> to vector<1x128xf32>
    %slice3A_1580 = vector.extract_strided_slice %get3A_1578 {offsets = [13, 0], sizes = [1, 128], strides = [1, 1]} : vector<32x128xf32> to vector<1x128xf32>
    %sub3A_1581 = vector.broadcast %slice3A_1507 : vector<360x1xf32> to vector<360x128xf32>
    %sub3A_1582 = vector.broadcast %slice3A_1579 : vector<1x128xf32> to vector<360x128xf32>
    %sub3A_1583 = arith.subf %sub3A_1581, %sub3A_1582 : vector<360x128xf32>
    %sub3A_1584 = vector.broadcast %slice3A_1508 : vector<360x1xf32> to vector<360x128xf32>
    %sub3A_1585 = vector.broadcast %slice3A_1580 : vector<1x128xf32> to vector<360x128xf32>
    %sub3A_1586 = arith.subf %sub3A_1584, %sub3A_1585 : vector<360x128xf32>
    %mul3A_1587 = arith.mulf %sub3A_1583, %sub3A_1583 : vector<360x128xf32>
    %mul3A_1588 = arith.mulf %sub3A_1586, %sub3A_1586 : vector<360x128xf32>
    %add3A_1589 = arith.addf %mul3A_1587, %mul3A_1588 : vector<360x128xf32>
    %reduce_min3A_1590 = arith.constant dense<0x7F800000> : vector<128xf32>
    %reduce_min3A_1591 = vector.multi_reduction <minimumf>, %add3A_1589, %reduce_min3A_1590 [0] : vector<360x128xf32> to vector<128xf32>
    %broadcast_in_dim3A_1592 = vector.shape_cast %reduce_min3A_1591 : vector<128xf32> to vector<1x128xf32>
    %swap3A_1593 = arith.constant 13 : index
    %swap3A_1594 = arith.constant 0 : index
    %swap3A_1595 = vector.load %arg12[%swap3A_1593, %swap3A_1594] : memref<32x256xf32, #tpu.memory_space<vmem>>, vector<1x128xf32>
    tpu.vector_store %arg12[%swap3A_1593, %swap3A_1594], %broadcast_in_dim3A_1592 {strides = array<i32>} : memref<32x256xf32, #tpu.memory_space<vmem>>, vector<1x128xf32>,
    %get3A_1596 = arith.constant 0 : index
    %get3A_1597 = arith.constant 0 : index
    %get3A_1598 = arith.constant 0 : index
    %get3A_1599 = vector.load %arg7[%get3A_1596, %get3A_1597, %get3A_1598] : memref<1x32x128xf32, #tpu.memory_space<vmem>>, vector<1x32x128xf32>
    %get3A_1600 = vector.shape_cast %get3A_1599 : vector<1x32x128xf32> to vector<32x128xf32>
    %get3A_1601 = arith.constant 0 : index
    %get3A_1602 = arith.constant 0 : index
    %get3A_1603 = arith.constant 0 : index
    %get3A_1604 = vector.load %arg8[%get3A_1601, %get3A_1602, %get3A_1603] : memref<1x32x128xf32, #tpu.memory_space<vmem>>, vector<1x32x128xf32>
    %get3A_1605 = vector.shape_cast %get3A_1604 : vector<1x32x128xf32> to vector<32x128xf32>
    %slice3A_1606 = vector.extract_strided_slice %get3A_1600 {offsets = [13, 0], sizes = [1, 128], strides = [1, 1]} : vector<32x128xf32> to vector<1x128xf32>
    %slice3A_1607 = vector.extract_strided_slice %get3A_1605 {offsets = [13, 0], sizes = [1, 128], strides = [1, 1]} : vector<32x128xf32> to vector<1x128xf32>
    %sub3A_1608 = vector.broadcast %slice3A_1507 : vector<360x1xf32> to vector<360x128xf32>
    %sub3A_1609 = vector.broadcast %slice3A_1606 : vector<1x128xf32> to vector<360x128xf32>
    %sub3A_1610 = arith.subf %sub3A_1608, %sub3A_1609 : vector<360x128xf32>
    %sub3A_1611 = vector.broadcast %slice3A_1508 : vector<360x1xf32> to vector<360x128xf32>
    %sub3A_1612 = vector.broadcast %slice3A_1607 : vector<1x128xf32> to vector<360x128xf32>
    %sub3A_1613 = arith.subf %sub3A_1611, %sub3A_1612 : vector<360x128xf32>
    %mul3A_1614 = arith.mulf %sub3A_1610, %sub3A_1610 : vector<360x128xf32>
    %mul3A_1615 = arith.mulf %sub3A_1613, %sub3A_1613 : vector<360x128xf32>
    %add3A_1616 = arith.addf %mul3A_1614, %mul3A_1615 : vector<360x128xf32>
    %reduce_min3A_1617 = arith.constant dense<0x7F800000> : vector<128xf32>
    %reduce_min3A_1618 = vector.multi_reduction <minimumf>, %add3A_1616, %reduce_min3A_1617 [0] : vector<360x128xf32> to vector<128xf32>
    %broadcast_in_dim3A_1619 = vector.shape_cast %reduce_min3A_1618 : vector<128xf32> to vector<1x128xf32>
    %swap3A_1620 = arith.constant 13 : index
    %swap3A_1621 = arith.constant 128 : index
    %swap3A_1622 = vector.load %arg12[%swap3A_1620, %swap3A_1621] : memref<32x256xf32, #tpu.memory_space<vmem>>, vector<1x128xf32>
    tpu.vector_store %arg12[%swap3A_1620, %swap3A_1621], %broadcast_in_dim3A_1619 {strides = array<i32>} : memref<32x256xf32, #tpu.memory_space<vmem>>, vector<1x128xf32>,
    %slice3A_1623 = vector.extract_strided_slice %transpose3A {offsets = [0, 14], sizes = [360, 1], strides = [1, 1]} : vector<360x32xf32> to vector<360x1xf32>
    %slice3A_1624 = vector.extract_strided_slice %transpose3A_5 {offsets = [0, 14], sizes = [360, 1], strides = [1, 1]} : vector<360x32xf32> to vector<360x1xf32>
    %get3A_1625 = arith.constant 0 : index
    %get3A_1626 = arith.constant 0 : index
    %get3A_1627 = arith.constant 0 : index
    %get3A_1628 = vector.load %arg1[%get3A_1625, %get3A_1626, %get3A_1627] : memref<1x32x384xf32, #tpu.memory_space<vmem>>, vector<1x32x384xf32>
    %get3A_1629 = vector.shape_cast %get3A_1628 : vector<1x32x384xf32> to vector<32x384xf32>
    %get3A_1630 = arith.constant 0 : index
    %get3A_1631 = arith.constant 0 : index
    %get3A_1632 = arith.constant 0 : index
    %get3A_1633 = vector.load %arg2[%get3A_1630, %get3A_1631, %get3A_1632] : memref<1x32x384xf32, #tpu.memory_space<vmem>>, vector<1x32x384xf32>
    %get3A_1634 = vector.shape_cast %get3A_1633 : vector<1x32x384xf32> to vector<32x384xf32>
    %slice3A_1635 = vector.extract_strided_slice %get3A_1629 {offsets = [14, 0], sizes = [1, 384], strides = [1, 1]} : vector<32x384xf32> to vector<1x384xf32>
    %slice3A_1636 = vector.extract_strided_slice %get3A_1634 {offsets = [14, 0], sizes = [1, 384], strides = [1, 1]} : vector<32x384xf32> to vector<1x384xf32>
    %sub3A_1637 = vector.broadcast %slice3A_1623 : vector<360x1xf32> to vector<360x384xf32>
    %sub3A_1638 = vector.broadcast %slice3A_1635 : vector<1x384xf32> to vector<360x384xf32>
    %sub3A_1639 = arith.subf %sub3A_1637, %sub3A_1638 : vector<360x384xf32>
    %sub3A_1640 = vector.broadcast %slice3A_1624 : vector<360x1xf32> to vector<360x384xf32>
    %sub3A_1641 = vector.broadcast %slice3A_1636 : vector<1x384xf32> to vector<360x384xf32>
    %sub3A_1642 = arith.subf %sub3A_1640, %sub3A_1641 : vector<360x384xf32>
    %mul3A_1643 = arith.mulf %sub3A_1639, %sub3A_1639 : vector<360x384xf32>
    %mul3A_1644 = arith.mulf %sub3A_1642, %sub3A_1642 : vector<360x384xf32>
    %add3A_1645 = arith.addf %mul3A_1643, %mul3A_1644 : vector<360x384xf32>
    %reduce_min3A_1646 = arith.constant dense<0x7F800000> : vector<384xf32>
    %reduce_min3A_1647 = vector.multi_reduction <minimumf>, %add3A_1645, %reduce_min3A_1646 [0] : vector<360x384xf32> to vector<384xf32>
    %broadcast_in_dim3A_1648 = vector.shape_cast %reduce_min3A_1647 : vector<384xf32> to vector<1x384xf32>
    %swap3A_1649 = arith.constant 0 : index
    %swap3A_1650 = arith.constant 14 : index
    %swap3A_1651 = arith.constant 0 : index
    %swap3A_1652 = vector.load %arg11[%swap3A_1649, %swap3A_1650, %swap3A_1651] : memref<2x32x384xf32, #tpu.memory_space<vmem>>, vector<1x1x384xf32>
    %swap3A_1653 = vector.shape_cast %swap3A_1652 : vector<1x1x384xf32> to vector<1x384xf32>
    %swap3A_1654 = vector.shape_cast %broadcast_in_dim3A_1648 : vector<1x384xf32> to vector<1x1x384xf32>
    tpu.vector_store %arg11[%swap3A_1649, %swap3A_1650, %swap3A_1651], %swap3A_1654 {strides = array<i32>} : memref<2x32x384xf32, #tpu.memory_space<vmem>>, vector<1x1x384xf32>,
    %get3A_1655 = arith.constant 0 : index
    %get3A_1656 = arith.constant 0 : index
    %get3A_1657 = arith.constant 0 : index
    %get3A_1658 = vector.load %arg3[%get3A_1655, %get3A_1656, %get3A_1657] : memref<1x32x384xf32, #tpu.memory_space<vmem>>, vector<1x32x384xf32>
    %get3A_1659 = vector.shape_cast %get3A_1658 : vector<1x32x384xf32> to vector<32x384xf32>
    %get3A_1660 = arith.constant 0 : index
    %get3A_1661 = arith.constant 0 : index
    %get3A_1662 = arith.constant 0 : index
    %get3A_1663 = vector.load %arg4[%get3A_1660, %get3A_1661, %get3A_1662] : memref<1x32x384xf32, #tpu.memory_space<vmem>>, vector<1x32x384xf32>
    %get3A_1664 = vector.shape_cast %get3A_1663 : vector<1x32x384xf32> to vector<32x384xf32>
    %slice3A_1665 = vector.extract_strided_slice %get3A_1659 {offsets = [14, 0], sizes = [1, 384], strides = [1, 1]} : vector<32x384xf32> to vector<1x384xf32>
    %slice3A_1666 = vector.extract_strided_slice %get3A_1664 {offsets = [14, 0], sizes = [1, 384], strides = [1, 1]} : vector<32x384xf32> to vector<1x384xf32>
    %sub3A_1667 = vector.broadcast %slice3A_1623 : vector<360x1xf32> to vector<360x384xf32>
    %sub3A_1668 = vector.broadcast %slice3A_1665 : vector<1x384xf32> to vector<360x384xf32>
    %sub3A_1669 = arith.subf %sub3A_1667, %sub3A_1668 : vector<360x384xf32>
    %sub3A_1670 = vector.broadcast %slice3A_1624 : vector<360x1xf32> to vector<360x384xf32>
    %sub3A_1671 = vector.broadcast %slice3A_1666 : vector<1x384xf32> to vector<360x384xf32>
    %sub3A_1672 = arith.subf %sub3A_1670, %sub3A_1671 : vector<360x384xf32>
    %mul3A_1673 = arith.mulf %sub3A_1669, %sub3A_1669 : vector<360x384xf32>
    %mul3A_1674 = arith.mulf %sub3A_1672, %sub3A_1672 : vector<360x384xf32>
    %add3A_1675 = arith.addf %mul3A_1673, %mul3A_1674 : vector<360x384xf32>
    %reduce_min3A_1676 = arith.constant dense<0x7F800000> : vector<384xf32>
    %reduce_min3A_1677 = vector.multi_reduction <minimumf>, %add3A_1675, %reduce_min3A_1676 [0] : vector<360x384xf32> to vector<384xf32>
    %broadcast_in_dim3A_1678 = vector.shape_cast %reduce_min3A_1677 : vector<384xf32> to vector<1x384xf32>
    %swap3A_1679 = arith.constant 1 : index
    %swap3A_1680 = arith.constant 14 : index
    %swap3A_1681 = arith.constant 0 : index
    %swap3A_1682 = vector.load %arg11[%swap3A_1679, %swap3A_1680, %swap3A_1681] : memref<2x32x384xf32, #tpu.memory_space<vmem>>, vector<1x1x384xf32>
    %swap3A_1683 = vector.shape_cast %swap3A_1682 : vector<1x1x384xf32> to vector<1x384xf32>
    %swap3A_1684 = vector.shape_cast %broadcast_in_dim3A_1678 : vector<1x384xf32> to vector<1x1x384xf32>
    tpu.vector_store %arg11[%swap3A_1679, %swap3A_1680, %swap3A_1681], %swap3A_1684 {strides = array<i32>} : memref<2x32x384xf32, #tpu.memory_space<vmem>>, vector<1x1x384xf32>,
    %get3A_1685 = arith.constant 0 : index
    %get3A_1686 = arith.constant 0 : index
    %get3A_1687 = arith.constant 0 : index
    %get3A_1688 = vector.load %arg5[%get3A_1685, %get3A_1686, %get3A_1687] : memref<1x32x128xf32, #tpu.memory_space<vmem>>, vector<1x32x128xf32>
    %get3A_1689 = vector.shape_cast %get3A_1688 : vector<1x32x128xf32> to vector<32x128xf32>
    %get3A_1690 = arith.constant 0 : index
    %get3A_1691 = arith.constant 0 : index
    %get3A_1692 = arith.constant 0 : index
    %get3A_1693 = vector.load %arg6[%get3A_1690, %get3A_1691, %get3A_1692] : memref<1x32x128xf32, #tpu.memory_space<vmem>>, vector<1x32x128xf32>
    %get3A_1694 = vector.shape_cast %get3A_1693 : vector<1x32x128xf32> to vector<32x128xf32>
    %slice3A_1695 = vector.extract_strided_slice %get3A_1689 {offsets = [14, 0], sizes = [1, 128], strides = [1, 1]} : vector<32x128xf32> to vector<1x128xf32>
    %slice3A_1696 = vector.extract_strided_slice %get3A_1694 {offsets = [14, 0], sizes = [1, 128], strides = [1, 1]} : vector<32x128xf32> to vector<1x128xf32>
    %sub3A_1697 = vector.broadcast %slice3A_1623 : vector<360x1xf32> to vector<360x128xf32>
    %sub3A_1698 = vector.broadcast %slice3A_1695 : vector<1x128xf32> to vector<360x128xf32>
    %sub3A_1699 = arith.subf %sub3A_1697, %sub3A_1698 : vector<360x128xf32>
    %sub3A_1700 = vector.broadcast %slice3A_1624 : vector<360x1xf32> to vector<360x128xf32>
    %sub3A_1701 = vector.broadcast %slice3A_1696 : vector<1x128xf32> to vector<360x128xf32>
    %sub3A_1702 = arith.subf %sub3A_1700, %sub3A_1701 : vector<360x128xf32>
    %mul3A_1703 = arith.mulf %sub3A_1699, %sub3A_1699 : vector<360x128xf32>
    %mul3A_1704 = arith.mulf %sub3A_1702, %sub3A_1702 : vector<360x128xf32>
    %add3A_1705 = arith.addf %mul3A_1703, %mul3A_1704 : vector<360x128xf32>
    %reduce_min3A_1706 = arith.constant dense<0x7F800000> : vector<128xf32>
    %reduce_min3A_1707 = vector.multi_reduction <minimumf>, %add3A_1705, %reduce_min3A_1706 [0] : vector<360x128xf32> to vector<128xf32>
    %broadcast_in_dim3A_1708 = vector.shape_cast %reduce_min3A_1707 : vector<128xf32> to vector<1x128xf32>
    %swap3A_1709 = arith.constant 14 : index
    %swap3A_1710 = arith.constant 0 : index
    %swap3A_1711 = vector.load %arg12[%swap3A_1709, %swap3A_1710] : memref<32x256xf32, #tpu.memory_space<vmem>>, vector<1x128xf32>
    tpu.vector_store %arg12[%swap3A_1709, %swap3A_1710], %broadcast_in_dim3A_1708 {strides = array<i32>} : memref<32x256xf32, #tpu.memory_space<vmem>>, vector<1x128xf32>,
    %get3A_1712 = arith.constant 0 : index
    %get3A_1713 = arith.constant 0 : index
    %get3A_1714 = arith.constant 0 : index
    %get3A_1715 = vector.load %arg7[%get3A_1712, %get3A_1713, %get3A_1714] : memref<1x32x128xf32, #tpu.memory_space<vmem>>, vector<1x32x128xf32>
    %get3A_1716 = vector.shape_cast %get3A_1715 : vector<1x32x128xf32> to vector<32x128xf32>
    %get3A_1717 = arith.constant 0 : index
    %get3A_1718 = arith.constant 0 : index
    %get3A_1719 = arith.constant 0 : index
    %get3A_1720 = vector.load %arg8[%get3A_1717, %get3A_1718, %get3A_1719] : memref<1x32x128xf32, #tpu.memory_space<vmem>>, vector<1x32x128xf32>
    %get3A_1721 = vector.shape_cast %get3A_1720 : vector<1x32x128xf32> to vector<32x128xf32>
    %slice3A_1722 = vector.extract_strided_slice %get3A_1716 {offsets = [14, 0], sizes = [1, 128], strides = [1, 1]} : vector<32x128xf32> to vector<1x128xf32>
    %slice3A_1723 = vector.extract_strided_slice %get3A_1721 {offsets = [14, 0], sizes = [1, 128], strides = [1, 1]} : vector<32x128xf32> to vector<1x128xf32>
    %sub3A_1724 = vector.broadcast %slice3A_1623 : vector<360x1xf32> to vector<360x128xf32>
    %sub3A_1725 = vector.broadcast %slice3A_1722 : vector<1x128xf32> to vector<360x128xf32>
    %sub3A_1726 = arith.subf %sub3A_1724, %sub3A_1725 : vector<360x128xf32>
    %sub3A_1727 = vector.broadcast %slice3A_1624 : vector<360x1xf32> to vector<360x128xf32>
    %sub3A_1728 = vector.broadcast %slice3A_1723 : vector<1x128xf32> to vector<360x128xf32>
    %sub3A_1729 = arith.subf %sub3A_1727, %sub3A_1728 : vector<360x128xf32>
    %mul3A_1730 = arith.mulf %sub3A_1726, %sub3A_1726 : vector<360x128xf32>
    %mul3A_1731 = arith.mulf %sub3A_1729, %sub3A_1729 : vector<360x128xf32>
    %add3A_1732 = arith.addf %mul3A_1730, %mul3A_1731 : vector<360x128xf32>
    %reduce_min3A_1733 = arith.constant dense<0x7F800000> : vector<128xf32>
    %reduce_min3A_1734 = vector.multi_reduction <minimumf>, %add3A_1732, %reduce_min3A_1733 [0] : vector<360x128xf32> to vector<128xf32>
    %broadcast_in_dim3A_1735 = vector.shape_cast %reduce_min3A_1734 : vector<128xf32> to vector<1x128xf32>
    %swap3A_1736 = arith.constant 14 : index
    %swap3A_1737 = arith.constant 128 : index
    %swap3A_1738 = vector.load %arg12[%swap3A_1736, %swap3A_1737] : memref<32x256xf32, #tpu.memory_space<vmem>>, vector<1x128xf32>
    tpu.vector_store %arg12[%swap3A_1736, %swap3A_1737], %broadcast_in_dim3A_1735 {strides = array<i32>} : memref<32x256xf32, #tpu.memory_space<vmem>>, vector<1x128xf32>,
    %slice3A_1739 = vector.extract_strided_slice %transpose3A {offsets = [0, 15], sizes = [360, 1], strides = [1, 1]} : vector<360x32xf32> to vector<360x1xf32>
    %slice3A_1740 = vector.extract_strided_slice %transpose3A_5 {offsets = [0, 15], sizes = [360, 1], strides = [1, 1]} : vector<360x32xf32> to vector<360x1xf32>
    %get3A_1741 = arith.constant 0 : index
    %get3A_1742 = arith.constant 0 : index
    %get3A_1743 = arith.constant 0 : index
    %get3A_1744 = vector.load %arg1[%get3A_1741, %get3A_1742, %get3A_1743] : memref<1x32x384xf32, #tpu.memory_space<vmem>>, vector<1x32x384xf32>
    %get3A_1745 = vector.shape_cast %get3A_1744 : vector<1x32x384xf32> to vector<32x384xf32>
    %get3A_1746 = arith.constant 0 : index
    %get3A_1747 = arith.constant 0 : index
    %get3A_1748 = arith.constant 0 : index
    %get3A_1749 = vector.load %arg2[%get3A_1746, %get3A_1747, %get3A_1748] : memref<1x32x384xf32, #tpu.memory_space<vmem>>, vector<1x32x384xf32>
    %get3A_1750 = vector.shape_cast %get3A_1749 : vector<1x32x384xf32> to vector<32x384xf32>
    %slice3A_1751 = vector.extract_strided_slice %get3A_1745 {offsets = [15, 0], sizes = [1, 384], strides = [1, 1]} : vector<32x384xf32> to vector<1x384xf32>
    %slice3A_1752 = vector.extract_strided_slice %get3A_1750 {offsets = [15, 0], sizes = [1, 384], strides = [1, 1]} : vector<32x384xf32> to vector<1x384xf32>
    %sub3A_1753 = vector.broadcast %slice3A_1739 : vector<360x1xf32> to vector<360x384xf32>
    %sub3A_1754 = vector.broadcast %slice3A_1751 : vector<1x384xf32> to vector<360x384xf32>
    %sub3A_1755 = arith.subf %sub3A_1753, %sub3A_1754 : vector<360x384xf32>
    %sub3A_1756 = vector.broadcast %slice3A_1740 : vector<360x1xf32> to vector<360x384xf32>
    %sub3A_1757 = vector.broadcast %slice3A_1752 : vector<1x384xf32> to vector<360x384xf32>
    %sub3A_1758 = arith.subf %sub3A_1756, %sub3A_1757 : vector<360x384xf32>
    %mul3A_1759 = arith.mulf %sub3A_1755, %sub3A_1755 : vector<360x384xf32>
    %mul3A_1760 = arith.mulf %sub3A_1758, %sub3A_1758 : vector<360x384xf32>
    %add3A_1761 = arith.addf %mul3A_1759, %mul3A_1760 : vector<360x384xf32>
    %reduce_min3A_1762 = arith.constant dense<0x7F800000> : vector<384xf32>
    %reduce_min3A_1763 = vector.multi_reduction <minimumf>, %add3A_1761, %reduce_min3A_1762 [0] : vector<360x384xf32> to vector<384xf32>
    %broadcast_in_dim3A_1764 = vector.shape_cast %reduce_min3A_1763 : vector<384xf32> to vector<1x384xf32>
    %swap3A_1765 = arith.constant 0 : index
    %swap3A_1766 = arith.constant 15 : index
    %swap3A_1767 = arith.constant 0 : index
    %swap3A_1768 = vector.load %arg11[%swap3A_1765, %swap3A_1766, %swap3A_1767] : memref<2x32x384xf32, #tpu.memory_space<vmem>>, vector<1x1x384xf32>
    %swap3A_1769 = vector.shape_cast %swap3A_1768 : vector<1x1x384xf32> to vector<1x384xf32>
    %swap3A_1770 = vector.shape_cast %broadcast_in_dim3A_1764 : vector<1x384xf32> to vector<1x1x384xf32>
    tpu.vector_store %arg11[%swap3A_1765, %swap3A_1766, %swap3A_1767], %swap3A_1770 {strides = array<i32>} : memref<2x32x384xf32, #tpu.memory_space<vmem>>, vector<1x1x384xf32>,
    %get3A_1771 = arith.constant 0 : index
    %get3A_1772 = arith.constant 0 : index
    %get3A_1773 = arith.constant 0 : index
    %get3A_1774 = vector.load %arg3[%get3A_1771, %get3A_1772, %get3A_1773] : memref<1x32x384xf32, #tpu.memory_space<vmem>>, vector<1x32x384xf32>
    %get3A_1775 = vector.shape_cast %get3A_1774 : vector<1x32x384xf32> to vector<32x384xf32>
    %get3A_1776 = arith.constant 0 : index
    %get3A_1777 = arith.constant 0 : index
    %get3A_1778 = arith.constant 0 : index
    %get3A_1779 = vector.load %arg4[%get3A_1776, %get3A_1777, %get3A_1778] : memref<1x32x384xf32, #tpu.memory_space<vmem>>, vector<1x32x384xf32>
    %get3A_1780 = vector.shape_cast %get3A_1779 : vector<1x32x384xf32> to vector<32x384xf32>
    %slice3A_1781 = vector.extract_strided_slice %get3A_1775 {offsets = [15, 0], sizes = [1, 384], strides = [1, 1]} : vector<32x384xf32> to vector<1x384xf32>
    %slice3A_1782 = vector.extract_strided_slice %get3A_1780 {offsets = [15, 0], sizes = [1, 384], strides = [1, 1]} : vector<32x384xf32> to vector<1x384xf32>
    %sub3A_1783 = vector.broadcast %slice3A_1739 : vector<360x1xf32> to vector<360x384xf32>
    %sub3A_1784 = vector.broadcast %slice3A_1781 : vector<1x384xf32> to vector<360x384xf32>
    %sub3A_1785 = arith.subf %sub3A_1783, %sub3A_1784 : vector<360x384xf32>
    %sub3A_1786 = vector.broadcast %slice3A_1740 : vector<360x1xf32> to vector<360x384xf32>
    %sub3A_1787 = vector.broadcast %slice3A_1782 : vector<1x384xf32> to vector<360x384xf32>
    %sub3A_1788 = arith.subf %sub3A_1786, %sub3A_1787 : vector<360x384xf32>
    %mul3A_1789 = arith.mulf %sub3A_1785, %sub3A_1785 : vector<360x384xf32>
    %mul3A_1790 = arith.mulf %sub3A_1788, %sub3A_1788 : vector<360x384xf32>
    %add3A_1791 = arith.addf %mul3A_1789, %mul3A_1790 : vector<360x384xf32>
    %reduce_min3A_1792 = arith.constant dense<0x7F800000> : vector<384xf32>
    %reduce_min3A_1793 = vector.multi_reduction <minimumf>, %add3A_1791, %reduce_min3A_1792 [0] : vector<360x384xf32> to vector<384xf32>
    %broadcast_in_dim3A_1794 = vector.shape_cast %reduce_min3A_1793 : vector<384xf32> to vector<1x384xf32>
    %swap3A_1795 = arith.constant 1 : index
    %swap3A_1796 = arith.constant 15 : index
    %swap3A_1797 = arith.constant 0 : index
    %swap3A_1798 = vector.load %arg11[%swap3A_1795, %swap3A_1796, %swap3A_1797] : memref<2x32x384xf32, #tpu.memory_space<vmem>>, vector<1x1x384xf32>
    %swap3A_1799 = vector.shape_cast %swap3A_1798 : vector<1x1x384xf32> to vector<1x384xf32>
    %swap3A_1800 = vector.shape_cast %broadcast_in_dim3A_1794 : vector<1x384xf32> to vector<1x1x384xf32>
    tpu.vector_store %arg11[%swap3A_1795, %swap3A_1796, %swap3A_1797], %swap3A_1800 {strides = array<i32>} : memref<2x32x384xf32, #tpu.memory_space<vmem>>, vector<1x1x384xf32>,
    %get3A_1801 = arith.constant 0 : index
    %get3A_1802 = arith.constant 0 : index
    %get3A_1803 = arith.constant 0 : index
    %get3A_1804 = vector.load %arg5[%get3A_1801, %get3A_1802, %get3A_1803] : memref<1x32x128xf32, #tpu.memory_space<vmem>>, vector<1x32x128xf32>
    %get3A_1805 = vector.shape_cast %get3A_1804 : vector<1x32x128xf32> to vector<32x128xf32>
    %get3A_1806 = arith.constant 0 : index
    %get3A_1807 = arith.constant 0 : index
    %get3A_1808 = arith.constant 0 : index
    %get3A_1809 = vector.load %arg6[%get3A_1806, %get3A_1807, %get3A_1808] : memref<1x32x128xf32, #tpu.memory_space<vmem>>, vector<1x32x128xf32>
    %get3A_1810 = vector.shape_cast %get3A_1809 : vector<1x32x128xf32> to vector<32x128xf32>
    %slice3A_1811 = vector.extract_strided_slice %get3A_1805 {offsets = [15, 0], sizes = [1, 128], strides = [1, 1]} : vector<32x128xf32> to vector<1x128xf32>
    %slice3A_1812 = vector.extract_strided_slice %get3A_1810 {offsets = [15, 0], sizes = [1, 128], strides = [1, 1]} : vector<32x128xf32> to vector<1x128xf32>
    %sub3A_1813 = vector.broadcast %slice3A_1739 : vector<360x1xf32> to vector<360x128xf32>
    %sub3A_1814 = vector.broadcast %slice3A_1811 : vector<1x128xf32> to vector<360x128xf32>
    %sub3A_1815 = arith.subf %sub3A_1813, %sub3A_1814 : vector<360x128xf32>
    %sub3A_1816 = vector.broadcast %slice3A_1740 : vector<360x1xf32> to vector<360x128xf32>
    %sub3A_1817 = vector.broadcast %slice3A_1812 : vector<1x128xf32> to vector<360x128xf32>
    %sub3A_1818 = arith.subf %sub3A_1816, %sub3A_1817 : vector<360x128xf32>
    %mul3A_1819 = arith.mulf %sub3A_1815, %sub3A_1815 : vector<360x128xf32>
    %mul3A_1820 = arith.mulf %sub3A_1818, %sub3A_1818 : vector<360x128xf32>
    %add3A_1821 = arith.addf %mul3A_1819, %mul3A_1820 : vector<360x128xf32>
    %reduce_min3A_1822 = arith.constant dense<0x7F800000> : vector<128xf32>
    %reduce_min3A_1823 = vector.multi_reduction <minimumf>, %add3A_1821, %reduce_min3A_1822 [0] : vector<360x128xf32> to vector<128xf32>
    %broadcast_in_dim3A_1824 = vector.shape_cast %reduce_min3A_1823 : vector<128xf32> to vector<1x128xf32>
    %swap3A_1825 = arith.constant 15 : index
    %swap3A_1826 = arith.constant 0 : index
    %swap3A_1827 = vector.load %arg12[%swap3A_1825, %swap3A_1826] : memref<32x256xf32, #tpu.memory_space<vmem>>, vector<1x128xf32>
    tpu.vector_store %arg12[%swap3A_1825, %swap3A_1826], %broadcast_in_dim3A_1824 {strides = array<i32>} : memref<32x256xf32, #tpu.memory_space<vmem>>, vector<1x128xf32>,
    %get3A_1828 = arith.constant 0 : index
    %get3A_1829 = arith.constant 0 : index
    %get3A_1830 = arith.constant 0 : index
    %get3A_1831 = vector.load %arg7[%get3A_1828, %get3A_1829, %get3A_1830] : memref<1x32x128xf32, #tpu.memory_space<vmem>>, vector<1x32x128xf32>
    %get3A_1832 = vector.shape_cast %get3A_1831 : vector<1x32x128xf32> to vector<32x128xf32>
    %get3A_1833 = arith.constant 0 : index
    %get3A_1834 = arith.constant 0 : index
    %get3A_1835 = arith.constant 0 : index
    %get3A_1836 = vector.load %arg8[%get3A_1833, %get3A_1834, %get3A_1835] : memref<1x32x128xf32, #tpu.memory_space<vmem>>, vector<1x32x128xf32>
    %get3A_1837 = vector.shape_cast %get3A_1836 : vector<1x32x128xf32> to vector<32x128xf32>
    %slice3A_1838 = vector.extract_strided_slice %get3A_1832 {offsets = [15, 0], sizes = [1, 128], strides = [1, 1]} : vector<32x128xf32> to vector<1x128xf32>
    %slice3A_1839 = vector.extract_strided_slice %get3A_1837 {offsets = [15, 0], sizes = [1, 128], strides = [1, 1]} : vector<32x128xf32> to vector<1x128xf32>
    %sub3A_1840 = vector.broadcast %slice3A_1739 : vector<360x1xf32> to vector<360x128xf32>
    %sub3A_1841 = vector.broadcast %slice3A_1838 : vector<1x128xf32> to vector<360x128xf32>
    %sub3A_1842 = arith.subf %sub3A_1840, %sub3A_1841 : vector<360x128xf32>
    %sub3A_1843 = vector.broadcast %slice3A_1740 : vector<360x1xf32> to vector<360x128xf32>
    %sub3A_1844 = vector.broadcast %slice3A_1839 : vector<1x128xf32> to vector<360x128xf32>
    %sub3A_1845 = arith.subf %sub3A_1843, %sub3A_1844 : vector<360x128xf32>
    %mul3A_1846 = arith.mulf %sub3A_1842, %sub3A_1842 : vector<360x128xf32>
    %mul3A_1847 = arith.mulf %sub3A_1845, %sub3A_1845 : vector<360x128xf32>
    %add3A_1848 = arith.addf %mul3A_1846, %mul3A_1847 : vector<360x128xf32>
    %reduce_min3A_1849 = arith.constant dense<0x7F800000> : vector<128xf32>
    %reduce_min3A_1850 = vector.multi_reduction <minimumf>, %add3A_1848, %reduce_min3A_1849 [0] : vector<360x128xf32> to vector<128xf32>
    %broadcast_in_dim3A_1851 = vector.shape_cast %reduce_min3A_1850 : vector<128xf32> to vector<1x128xf32>
    %swap3A_1852 = arith.constant 15 : index
    %swap3A_1853 = arith.constant 128 : index
    %swap3A_1854 = vector.load %arg12[%swap3A_1852, %swap3A_1853] : memref<32x256xf32, #tpu.memory_space<vmem>>, vector<1x128xf32>
    tpu.vector_store %arg12[%swap3A_1852, %swap3A_1853], %broadcast_in_dim3A_1851 {strides = array<i32>} : memref<32x256xf32, #tpu.memory_space<vmem>>, vector<1x128xf32>,
    %slice3A_1855 = vector.extract_strided_slice %transpose3A {offsets = [0, 16], sizes = [360, 1], strides = [1, 1]} : vector<360x32xf32> to vector<360x1xf32>
    %slice3A_1856 = vector.extract_strided_slice %transpose3A_5 {offsets = [0, 16], sizes = [360, 1], strides = [1, 1]} : vector<360x32xf32> to vector<360x1xf32>
    %get3A_1857 = arith.constant 0 : index
    %get3A_1858 = arith.constant 0 : index
    %get3A_1859 = arith.constant 0 : index
    %get3A_1860 = vector.load %arg1[%get3A_1857, %get3A_1858, %get3A_1859] : memref<1x32x384xf32, #tpu.memory_space<vmem>>, vector<1x32x384xf32>
    %get3A_1861 = vector.shape_cast %get3A_1860 : vector<1x32x384xf32> to vector<32x384xf32>
    %get3A_1862 = arith.constant 0 : index
    %get3A_1863 = arith.constant 0 : index
    %get3A_1864 = arith.constant 0 : index
    %get3A_1865 = vector.load %arg2[%get3A_1862, %get3A_1863, %get3A_1864] : memref<1x32x384xf32, #tpu.memory_space<vmem>>, vector<1x32x384xf32>
    %get3A_1866 = vector.shape_cast %get3A_1865 : vector<1x32x384xf32> to vector<32x384xf32>
    %slice3A_1867 = vector.extract_strided_slice %get3A_1861 {offsets = [16, 0], sizes = [1, 384], strides = [1, 1]} : vector<32x384xf32> to vector<1x384xf32>
    %slice3A_1868 = vector.extract_strided_slice %get3A_1866 {offsets = [16, 0], sizes = [1, 384], strides = [1, 1]} : vector<32x384xf32> to vector<1x384xf32>
    %sub3A_1869 = vector.broadcast %slice3A_1855 : vector<360x1xf32> to vector<360x384xf32>
    %sub3A_1870 = vector.broadcast %slice3A_1867 : vector<1x384xf32> to vector<360x384xf32>
    %sub3A_1871 = arith.subf %sub3A_1869, %sub3A_1870 : vector<360x384xf32>
    %sub3A_1872 = vector.broadcast %slice3A_1856 : vector<360x1xf32> to vector<360x384xf32>
    %sub3A_1873 = vector.broadcast %slice3A_1868 : vector<1x384xf32> to vector<360x384xf32>
    %sub3A_1874 = arith.subf %sub3A_1872, %sub3A_1873 : vector<360x384xf32>
    %mul3A_1875 = arith.mulf %sub3A_1871, %sub3A_1871 : vector<360x384xf32>
    %mul3A_1876 = arith.mulf %sub3A_1874, %sub3A_1874 : vector<360x384xf32>
    %add3A_1877 = arith.addf %mul3A_1875, %mul3A_1876 : vector<360x384xf32>
    %reduce_min3A_1878 = arith.constant dense<0x7F800000> : vector<384xf32>
    %reduce_min3A_1879 = vector.multi_reduction <minimumf>, %add3A_1877, %reduce_min3A_1878 [0] : vector<360x384xf32> to vector<384xf32>
    %broadcast_in_dim3A_1880 = vector.shape_cast %reduce_min3A_1879 : vector<384xf32> to vector<1x384xf32>
    %swap3A_1881 = arith.constant 0 : index
    %swap3A_1882 = arith.constant 16 : index
    %swap3A_1883 = arith.constant 0 : index
    %swap3A_1884 = vector.load %arg11[%swap3A_1881, %swap3A_1882, %swap3A_1883] : memref<2x32x384xf32, #tpu.memory_space<vmem>>, vector<1x1x384xf32>
    %swap3A_1885 = vector.shape_cast %swap3A_1884 : vector<1x1x384xf32> to vector<1x384xf32>
    %swap3A_1886 = vector.shape_cast %broadcast_in_dim3A_1880 : vector<1x384xf32> to vector<1x1x384xf32>
    tpu.vector_store %arg11[%swap3A_1881, %swap3A_1882, %swap3A_1883], %swap3A_1886 {strides = array<i32>} : memref<2x32x384xf32, #tpu.memory_space<vmem>>, vector<1x1x384xf32>,
    %get3A_1887 = arith.constant 0 : index
    %get3A_1888 = arith.constant 0 : index
    %get3A_1889 = arith.constant 0 : index
    %get3A_1890 = vector.load %arg3[%get3A_1887, %get3A_1888, %get3A_1889] : memref<1x32x384xf32, #tpu.memory_space<vmem>>, vector<1x32x384xf32>
    %get3A_1891 = vector.shape_cast %get3A_1890 : vector<1x32x384xf32> to vector<32x384xf32>
    %get3A_1892 = arith.constant 0 : index
    %get3A_1893 = arith.constant 0 : index
    %get3A_1894 = arith.constant 0 : index
    %get3A_1895 = vector.load %arg4[%get3A_1892, %get3A_1893, %get3A_1894] : memref<1x32x384xf32, #tpu.memory_space<vmem>>, vector<1x32x384xf32>
    %get3A_1896 = vector.shape_cast %get3A_1895 : vector<1x32x384xf32> to vector<32x384xf32>
    %slice3A_1897 = vector.extract_strided_slice %get3A_1891 {offsets = [16, 0], sizes = [1, 384], strides = [1, 1]} : vector<32x384xf32> to vector<1x384xf32>
    %slice3A_1898 = vector.extract_strided_slice %get3A_1896 {offsets = [16, 0], sizes = [1, 384], strides = [1, 1]} : vector<32x384xf32> to vector<1x384xf32>
    %sub3A_1899 = vector.broadcast %slice3A_1855 : vector<360x1xf32> to vector<360x384xf32>
    %sub3A_1900 = vector.broadcast %slice3A_1897 : vector<1x384xf32> to vector<360x384xf32>
    %sub3A_1901 = arith.subf %sub3A_1899, %sub3A_1900 : vector<360x384xf32>
    %sub3A_1902 = vector.broadcast %slice3A_1856 : vector<360x1xf32> to vector<360x384xf32>
    %sub3A_1903 = vector.broadcast %slice3A_1898 : vector<1x384xf32> to vector<360x384xf32>
    %sub3A_1904 = arith.subf %sub3A_1902, %sub3A_1903 : vector<360x384xf32>
    %mul3A_1905 = arith.mulf %sub3A_1901, %sub3A_1901 : vector<360x384xf32>
    %mul3A_1906 = arith.mulf %sub3A_1904, %sub3A_1904 : vector<360x384xf32>
    %add3A_1907 = arith.addf %mul3A_1905, %mul3A_1906 : vector<360x384xf32>
    %reduce_min3A_1908 = arith.constant dense<0x7F800000> : vector<384xf32>
    %reduce_min3A_1909 = vector.multi_reduction <minimumf>, %add3A_1907, %reduce_min3A_1908 [0] : vector<360x384xf32> to vector<384xf32>
    %broadcast_in_dim3A_1910 = vector.shape_cast %reduce_min3A_1909 : vector<384xf32> to vector<1x384xf32>
    %swap3A_1911 = arith.constant 1 : index
    %swap3A_1912 = arith.constant 16 : index
    %swap3A_1913 = arith.constant 0 : index
    %swap3A_1914 = vector.load %arg11[%swap3A_1911, %swap3A_1912, %swap3A_1913] : memref<2x32x384xf32, #tpu.memory_space<vmem>>, vector<1x1x384xf32>
    %swap3A_1915 = vector.shape_cast %swap3A_1914 : vector<1x1x384xf32> to vector<1x384xf32>
    %swap3A_1916 = vector.shape_cast %broadcast_in_dim3A_1910 : vector<1x384xf32> to vector<1x1x384xf32>
    tpu.vector_store %arg11[%swap3A_1911, %swap3A_1912, %swap3A_1913], %swap3A_1916 {strides = array<i32>} : memref<2x32x384xf32, #tpu.memory_space<vmem>>, vector<1x1x384xf32>,
    %get3A_1917 = arith.constant 0 : index
    %get3A_1918 = arith.constant 0 : index
    %get3A_1919 = arith.constant 0 : index
    %get3A_1920 = vector.load %arg5[%get3A_1917, %get3A_1918, %get3A_1919] : memref<1x32x128xf32, #tpu.memory_space<vmem>>, vector<1x32x128xf32>
    %get3A_1921 = vector.shape_cast %get3A_1920 : vector<1x32x128xf32> to vector<32x128xf32>
    %get3A_1922 = arith.constant 0 : index
    %get3A_1923 = arith.constant 0 : index
    %get3A_1924 = arith.constant 0 : index
    %get3A_1925 = vector.load %arg6[%get3A_1922, %get3A_1923, %get3A_1924] : memref<1x32x128xf32, #tpu.memory_space<vmem>>, vector<1x32x128xf32>
    %get3A_1926 = vector.shape_cast %get3A_1925 : vector<1x32x128xf32> to vector<32x128xf32>
    %slice3A_1927 = vector.extract_strided_slice %get3A_1921 {offsets = [16, 0], sizes = [1, 128], strides = [1, 1]} : vector<32x128xf32> to vector<1x128xf32>
    %slice3A_1928 = vector.extract_strided_slice %get3A_1926 {offsets = [16, 0], sizes = [1, 128], strides = [1, 1]} : vector<32x128xf32> to vector<1x128xf32>
    %sub3A_1929 = vector.broadcast %slice3A_1855 : vector<360x1xf32> to vector<360x128xf32>
    %sub3A_1930 = vector.broadcast %slice3A_1927 : vector<1x128xf32> to vector<360x128xf32>
    %sub3A_1931 = arith.subf %sub3A_1929, %sub3A_1930 : vector<360x128xf32>
    %sub3A_1932 = vector.broadcast %slice3A_1856 : vector<360x1xf32> to vector<360x128xf32>
    %sub3A_1933 = vector.broadcast %slice3A_1928 : vector<1x128xf32> to vector<360x128xf32>
    %sub3A_1934 = arith.subf %sub3A_1932, %sub3A_1933 : vector<360x128xf32>
    %mul3A_1935 = arith.mulf %sub3A_1931, %sub3A_1931 : vector<360x128xf32>
    %mul3A_1936 = arith.mulf %sub3A_1934, %sub3A_1934 : vector<360x128xf32>
    %add3A_1937 = arith.addf %mul3A_1935, %mul3A_1936 : vector<360x128xf32>
    %reduce_min3A_1938 = arith.constant dense<0x7F800000> : vector<128xf32>
    %reduce_min3A_1939 = vector.multi_reduction <minimumf>, %add3A_1937, %reduce_min3A_1938 [0] : vector<360x128xf32> to vector<128xf32>
    %broadcast_in_dim3A_1940 = vector.shape_cast %reduce_min3A_1939 : vector<128xf32> to vector<1x128xf32>
    %swap3A_1941 = arith.constant 16 : index
    %swap3A_1942 = arith.constant 0 : index
    %swap3A_1943 = vector.load %arg12[%swap3A_1941, %swap3A_1942] : memref<32x256xf32, #tpu.memory_space<vmem>>, vector<1x128xf32>
    tpu.vector_store %arg12[%swap3A_1941, %swap3A_1942], %broadcast_in_dim3A_1940 {strides = array<i32>} : memref<32x256xf32, #tpu.memory_space<vmem>>, vector<1x128xf32>,
    %get3A_1944 = arith.constant 0 : index
    %get3A_1945 = arith.constant 0 : index
    %get3A_1946 = arith.constant 0 : index
    %get3A_1947 = vector.load %arg7[%get3A_1944, %get3A_1945, %get3A_1946] : memref<1x32x128xf32, #tpu.memory_space<vmem>>, vector<1x32x128xf32>
    %get3A_1948 = vector.shape_cast %get3A_1947 : vector<1x32x128xf32> to vector<32x128xf32>
    %get3A_1949 = arith.constant 0 : index
    %get3A_1950 = arith.constant 0 : index
    %get3A_1951 = arith.constant 0 : index
    %get3A_1952 = vector.load %arg8[%get3A_1949, %get3A_1950, %get3A_1951] : memref<1x32x128xf32, #tpu.memory_space<vmem>>, vector<1x32x128xf32>
    %get3A_1953 = vector.shape_cast %get3A_1952 : vector<1x32x128xf32> to vector<32x128xf32>
    %slice3A_1954 = vector.extract_strided_slice %get3A_1948 {offsets = [16, 0], sizes = [1, 128], strides = [1, 1]} : vector<32x128xf32> to vector<1x128xf32>
    %slice3A_1955 = vector.extract_strided_slice %get3A_1953 {offsets = [16, 0], sizes = [1, 128], strides = [1, 1]} : vector<32x128xf32> to vector<1x128xf32>
    %sub3A_1956 = vector.broadcast %slice3A_1855 : vector<360x1xf32> to vector<360x128xf32>
    %sub3A_1957 = vector.broadcast %slice3A_1954 : vector<1x128xf32> to vector<360x128xf32>
    %sub3A_1958 = arith.subf %sub3A_1956, %sub3A_1957 : vector<360x128xf32>
    %sub3A_1959 = vector.broadcast %slice3A_1856 : vector<360x1xf32> to vector<360x128xf32>
    %sub3A_1960 = vector.broadcast %slice3A_1955 : vector<1x128xf32> to vector<360x128xf32>
    %sub3A_1961 = arith.subf %sub3A_1959, %sub3A_1960 : vector<360x128xf32>
    %mul3A_1962 = arith.mulf %sub3A_1958, %sub3A_1958 : vector<360x128xf32>
    %mul3A_1963 = arith.mulf %sub3A_1961, %sub3A_1961 : vector<360x128xf32>
    %add3A_1964 = arith.addf %mul3A_1962, %mul3A_1963 : vector<360x128xf32>
    %reduce_min3A_1965 = arith.constant dense<0x7F800000> : vector<128xf32>
    %reduce_min3A_1966 = vector.multi_reduction <minimumf>, %add3A_1964, %reduce_min3A_1965 [0] : vector<360x128xf32> to vector<128xf32>
    %broadcast_in_dim3A_1967 = vector.shape_cast %reduce_min3A_1966 : vector<128xf32> to vector<1x128xf32>
    %swap3A_1968 = arith.constant 16 : index
    %swap3A_1969 = arith.constant 128 : index
    %swap3A_1970 = vector.load %arg12[%swap3A_1968, %swap3A_1969] : memref<32x256xf32, #tpu.memory_space<vmem>>, vector<1x128xf32>
    tpu.vector_store %arg12[%swap3A_1968, %swap3A_1969], %broadcast_in_dim3A_1967 {strides = array<i32>} : memref<32x256xf32, #tpu.memory_space<vmem>>, vector<1x128xf32>,
    %slice3A_1971 = vector.extract_strided_slice %transpose3A {offsets = [0, 17], sizes = [360, 1], strides = [1, 1]} : vector<360x32xf32> to vector<360x1xf32>
    %slice3A_1972 = vector.extract_strided_slice %transpose3A_5 {offsets = [0, 17], sizes = [360, 1], strides = [1, 1]} : vector<360x32xf32> to vector<360x1xf32>
    %get3A_1973 = arith.constant 0 : index
    %get3A_1974 = arith.constant 0 : index
    %get3A_1975 = arith.constant 0 : index
    %get3A_1976 = vector.load %arg1[%get3A_1973, %get3A_1974, %get3A_1975] : memref<1x32x384xf32, #tpu.memory_space<vmem>>, vector<1x32x384xf32>
    %get3A_1977 = vector.shape_cast %get3A_1976 : vector<1x32x384xf32> to vector<32x384xf32>
    %get3A_1978 = arith.constant 0 : index
    %get3A_1979 = arith.constant 0 : index
    %get3A_1980 = arith.constant 0 : index
    %get3A_1981 = vector.load %arg2[%get3A_1978, %get3A_1979, %get3A_1980] : memref<1x32x384xf32, #tpu.memory_space<vmem>>, vector<1x32x384xf32>
    %get3A_1982 = vector.shape_cast %get3A_1981 : vector<1x32x384xf32> to vector<32x384xf32>
    %slice3A_1983 = vector.extract_strided_slice %get3A_1977 {offsets = [17, 0], sizes = [1, 384], strides = [1, 1]} : vector<32x384xf32> to vector<1x384xf32>
    %slice3A_1984 = vector.extract_strided_slice %get3A_1982 {offsets = [17, 0], sizes = [1, 384], strides = [1, 1]} : vector<32x384xf32> to vector<1x384xf32>
    %sub3A_1985 = vector.broadcast %slice3A_1971 : vector<360x1xf32> to vector<360x384xf32>
    %sub3A_1986 = vector.broadcast %slice3A_1983 : vector<1x384xf32> to vector<360x384xf32>
    %sub3A_1987 = arith.subf %sub3A_1985, %sub3A_1986 : vector<360x384xf32>
    %sub3A_1988 = vector.broadcast %slice3A_1972 : vector<360x1xf32> to vector<360x384xf32>
    %sub3A_1989 = vector.broadcast %slice3A_1984 : vector<1x384xf32> to vector<360x384xf32>
    %sub3A_1990 = arith.subf %sub3A_1988, %sub3A_1989 : vector<360x384xf32>
    %mul3A_1991 = arith.mulf %sub3A_1987, %sub3A_1987 : vector<360x384xf32>
    %mul3A_1992 = arith.mulf %sub3A_1990, %sub3A_1990 : vector<360x384xf32>
    %add3A_1993 = arith.addf %mul3A_1991, %mul3A_1992 : vector<360x384xf32>
    %reduce_min3A_1994 = arith.constant dense<0x7F800000> : vector<384xf32>
    %reduce_min3A_1995 = vector.multi_reduction <minimumf>, %add3A_1993, %reduce_min3A_1994 [0] : vector<360x384xf32> to vector<384xf32>
    %broadcast_in_dim3A_1996 = vector.shape_cast %reduce_min3A_1995 : vector<384xf32> to vector<1x384xf32>
    %swap3A_1997 = arith.constant 0 : index
    %swap3A_1998 = arith.constant 17 : index
    %swap3A_1999 = arith.constant 0 : index
    %swap3A_2000 = vector.load %arg11[%swap3A_1997, %swap3A_1998, %swap3A_1999] : memref<2x32x384xf32, #tpu.memory_space<vmem>>, vector<1x1x384xf32>
    %swap3A_2001 = vector.shape_cast %swap3A_2000 : vector<1x1x384xf32> to vector<1x384xf32>
    %swap3A_2002 = vector.shape_cast %broadcast_in_dim3A_1996 : vector<1x384xf32> to vector<1x1x384xf32>
    tpu.vector_store %arg11[%swap3A_1997, %swap3A_1998, %swap3A_1999], %swap3A_2002 {strides = array<i32>} : memref<2x32x384xf32, #tpu.memory_space<vmem>>, vector<1x1x384xf32>,
    %get3A_2003 = arith.constant 0 : index
    %get3A_2004 = arith.constant 0 : index
    %get3A_2005 = arith.constant 0 : index
    %get3A_2006 = vector.load %arg3[%get3A_2003, %get3A_2004, %get3A_2005] : memref<1x32x384xf32, #tpu.memory_space<vmem>>, vector<1x32x384xf32>
    %get3A_2007 = vector.shape_cast %get3A_2006 : vector<1x32x384xf32> to vector<32x384xf32>
    %get3A_2008 = arith.constant 0 : index
    %get3A_2009 = arith.constant 0 : index
    %get3A_2010 = arith.constant 0 : index
    %get3A_2011 = vector.load %arg4[%get3A_2008, %get3A_2009, %get3A_2010] : memref<1x32x384xf32, #tpu.memory_space<vmem>>, vector<1x32x384xf32>
    %get3A_2012 = vector.shape_cast %get3A_2011 : vector<1x32x384xf32> to vector<32x384xf32>
    %slice3A_2013 = vector.extract_strided_slice %get3A_2007 {offsets = [17, 0], sizes = [1, 384], strides = [1, 1]} : vector<32x384xf32> to vector<1x384xf32>
    %slice3A_2014 = vector.extract_strided_slice %get3A_2012 {offsets = [17, 0], sizes = [1, 384], strides = [1, 1]} : vector<32x384xf32> to vector<1x384xf32>
    %sub3A_2015 = vector.broadcast %slice3A_1971 : vector<360x1xf32> to vector<360x384xf32>
    %sub3A_2016 = vector.broadcast %slice3A_2013 : vector<1x384xf32> to vector<360x384xf32>
    %sub3A_2017 = arith.subf %sub3A_2015, %sub3A_2016 : vector<360x384xf32>
    %sub3A_2018 = vector.broadcast %slice3A_1972 : vector<360x1xf32> to vector<360x384xf32>
    %sub3A_2019 = vector.broadcast %slice3A_2014 : vector<1x384xf32> to vector<360x384xf32>
    %sub3A_2020 = arith.subf %sub3A_2018, %sub3A_2019 : vector<360x384xf32>
    %mul3A_2021 = arith.mulf %sub3A_2017, %sub3A_2017 : vector<360x384xf32>
    %mul3A_2022 = arith.mulf %sub3A_2020, %sub3A_2020 : vector<360x384xf32>
    %add3A_2023 = arith.addf %mul3A_2021, %mul3A_2022 : vector<360x384xf32>
    %reduce_min3A_2024 = arith.constant dense<0x7F800000> : vector<384xf32>
    %reduce_min3A_2025 = vector.multi_reduction <minimumf>, %add3A_2023, %reduce_min3A_2024 [0] : vector<360x384xf32> to vector<384xf32>
    %broadcast_in_dim3A_2026 = vector.shape_cast %reduce_min3A_2025 : vector<384xf32> to vector<1x384xf32>
    %swap3A_2027 = arith.constant 1 : index
    %swap3A_2028 = arith.constant 17 : index
    %swap3A_2029 = arith.constant 0 : index
    %swap3A_2030 = vector.load %arg11[%swap3A_2027, %swap3A_2028, %swap3A_2029] : memref<2x32x384xf32, #tpu.memory_space<vmem>>, vector<1x1x384xf32>
    %swap3A_2031 = vector.shape_cast %swap3A_2030 : vector<1x1x384xf32> to vector<1x384xf32>
    %swap3A_2032 = vector.shape_cast %broadcast_in_dim3A_2026 : vector<1x384xf32> to vector<1x1x384xf32>
    tpu.vector_store %arg11[%swap3A_2027, %swap3A_2028, %swap3A_2029], %swap3A_2032 {strides = array<i32>} : memref<2x32x384xf32, #tpu.memory_space<vmem>>, vector<1x1x384xf32>,
    %get3A_2033 = arith.constant 0 : index
    %get3A_2034 = arith.constant 0 : index
    %get3A_2035 = arith.constant 0 : index
    %get3A_2036 = vector.load %arg5[%get3A_2033, %get3A_2034, %get3A_2035] : memref<1x32x128xf32, #tpu.memory_space<vmem>>, vector<1x32x128xf32>
    %get3A_2037 = vector.shape_cast %get3A_2036 : vector<1x32x128xf32> to vector<32x128xf32>
    %get3A_2038 = arith.constant 0 : index
    %get3A_2039 = arith.constant 0 : index
    %get3A_2040 = arith.constant 0 : index
    %get3A_2041 = vector.load %arg6[%get3A_2038, %get3A_2039, %get3A_2040] : memref<1x32x128xf32, #tpu.memory_space<vmem>>, vector<1x32x128xf32>
    %get3A_2042 = vector.shape_cast %get3A_2041 : vector<1x32x128xf32> to vector<32x128xf32>
    %slice3A_2043 = vector.extract_strided_slice %get3A_2037 {offsets = [17, 0], sizes = [1, 128], strides = [1, 1]} : vector<32x128xf32> to vector<1x128xf32>
    %slice3A_2044 = vector.extract_strided_slice %get3A_2042 {offsets = [17, 0], sizes = [1, 128], strides = [1, 1]} : vector<32x128xf32> to vector<1x128xf32>
    %sub3A_2045 = vector.broadcast %slice3A_1971 : vector<360x1xf32> to vector<360x128xf32>
    %sub3A_2046 = vector.broadcast %slice3A_2043 : vector<1x128xf32> to vector<360x128xf32>
    %sub3A_2047 = arith.subf %sub3A_2045, %sub3A_2046 : vector<360x128xf32>
    %sub3A_2048 = vector.broadcast %slice3A_1972 : vector<360x1xf32> to vector<360x128xf32>
    %sub3A_2049 = vector.broadcast %slice3A_2044 : vector<1x128xf32> to vector<360x128xf32>
    %sub3A_2050 = arith.subf %sub3A_2048, %sub3A_2049 : vector<360x128xf32>
    %mul3A_2051 = arith.mulf %sub3A_2047, %sub3A_2047 : vector<360x128xf32>
    %mul3A_2052 = arith.mulf %sub3A_2050, %sub3A_2050 : vector<360x128xf32>
    %add3A_2053 = arith.addf %mul3A_2051, %mul3A_2052 : vector<360x128xf32>
    %reduce_min3A_2054 = arith.constant dense<0x7F800000> : vector<128xf32>
    %reduce_min3A_2055 = vector.multi_reduction <minimumf>, %add3A_2053, %reduce_min3A_2054 [0] : vector<360x128xf32> to vector<128xf32>
    %broadcast_in_dim3A_2056 = vector.shape_cast %reduce_min3A_2055 : vector<128xf32> to vector<1x128xf32>
    %swap3A_2057 = arith.constant 17 : index
    %swap3A_2058 = arith.constant 0 : index
    %swap3A_2059 = vector.load %arg12[%swap3A_2057, %swap3A_2058] : memref<32x256xf32, #tpu.memory_space<vmem>>, vector<1x128xf32>
    tpu.vector_store %arg12[%swap3A_2057, %swap3A_2058], %broadcast_in_dim3A_2056 {strides = array<i32>} : memref<32x256xf32, #tpu.memory_space<vmem>>, vector<1x128xf32>,
    %get3A_2060 = arith.constant 0 : index
    %get3A_2061 = arith.constant 0 : index
    %get3A_2062 = arith.constant 0 : index
    %get3A_2063 = vector.load %arg7[%get3A_2060, %get3A_2061, %get3A_2062] : memref<1x32x128xf32, #tpu.memory_space<vmem>>, vector<1x32x128xf32>
    %get3A_2064 = vector.shape_cast %get3A_2063 : vector<1x32x128xf32> to vector<32x128xf32>
    %get3A_2065 = arith.constant 0 : index
    %get3A_2066 = arith.constant 0 : index
    %get3A_2067 = arith.constant 0 : index
    %get3A_2068 = vector.load %arg8[%get3A_2065, %get3A_2066, %get3A_2067] : memref<1x32x128xf32, #tpu.memory_space<vmem>>, vector<1x32x128xf32>
    %get3A_2069 = vector.shape_cast %get3A_2068 : vector<1x32x128xf32> to vector<32x128xf32>
    %slice3A_2070 = vector.extract_strided_slice %get3A_2064 {offsets = [17, 0], sizes = [1, 128], strides = [1, 1]} : vector<32x128xf32> to vector<1x128xf32>
    %slice3A_2071 = vector.extract_strided_slice %get3A_2069 {offsets = [17, 0], sizes = [1, 128], strides = [1, 1]} : vector<32x128xf32> to vector<1x128xf32>
    %sub3A_2072 = vector.broadcast %slice3A_1971 : vector<360x1xf32> to vector<360x128xf32>
    %sub3A_2073 = vector.broadcast %slice3A_2070 : vector<1x128xf32> to vector<360x128xf32>
    %sub3A_2074 = arith.subf %sub3A_2072, %sub3A_2073 : vector<360x128xf32>
    %sub3A_2075 = vector.broadcast %slice3A_1972 : vector<360x1xf32> to vector<360x128xf32>
    %sub3A_2076 = vector.broadcast %slice3A_2071 : vector<1x128xf32> to vector<360x128xf32>
    %sub3A_2077 = arith.subf %sub3A_2075, %sub3A_2076 : vector<360x128xf32>
    %mul3A_2078 = arith.mulf %sub3A_2074, %sub3A_2074 : vector<360x128xf32>
    %mul3A_2079 = arith.mulf %sub3A_2077, %sub3A_2077 : vector<360x128xf32>
    %add3A_2080 = arith.addf %mul3A_2078, %mul3A_2079 : vector<360x128xf32>
    %reduce_min3A_2081 = arith.constant dense<0x7F800000> : vector<128xf32>
    %reduce_min3A_2082 = vector.multi_reduction <minimumf>, %add3A_2080, %reduce_min3A_2081 [0] : vector<360x128xf32> to vector<128xf32>
    %broadcast_in_dim3A_2083 = vector.shape_cast %reduce_min3A_2082 : vector<128xf32> to vector<1x128xf32>
    %swap3A_2084 = arith.constant 17 : index
    %swap3A_2085 = arith.constant 128 : index
    %swap3A_2086 = vector.load %arg12[%swap3A_2084, %swap3A_2085] : memref<32x256xf32, #tpu.memory_space<vmem>>, vector<1x128xf32>
    tpu.vector_store %arg12[%swap3A_2084, %swap3A_2085], %broadcast_in_dim3A_2083 {strides = array<i32>} : memref<32x256xf32, #tpu.memory_space<vmem>>, vector<1x128xf32>,
    %slice3A_2087 = vector.extract_strided_slice %transpose3A {offsets = [0, 18], sizes = [360, 1], strides = [1, 1]} : vector<360x32xf32> to vector<360x1xf32>
    %slice3A_2088 = vector.extract_strided_slice %transpose3A_5 {offsets = [0, 18], sizes = [360, 1], strides = [1, 1]} : vector<360x32xf32> to vector<360x1xf32>
    %get3A_2089 = arith.constant 0 : index
    %get3A_2090 = arith.constant 0 : index
    %get3A_2091 = arith.constant 0 : index
    %get3A_2092 = vector.load %arg1[%get3A_2089, %get3A_2090, %get3A_2091] : memref<1x32x384xf32, #tpu.memory_space<vmem>>, vector<1x32x384xf32>
    %get3A_2093 = vector.shape_cast %get3A_2092 : vector<1x32x384xf32> to vector<32x384xf32>
    %get3A_2094 = arith.constant 0 : index
    %get3A_2095 = arith.constant 0 : index
    %get3A_2096 = arith.constant 0 : index
    %get3A_2097 = vector.load %arg2[%get3A_2094, %get3A_2095, %get3A_2096] : memref<1x32x384xf32, #tpu.memory_space<vmem>>, vector<1x32x384xf32>
    %get3A_2098 = vector.shape_cast %get3A_2097 : vector<1x32x384xf32> to vector<32x384xf32>
    %slice3A_2099 = vector.extract_strided_slice %get3A_2093 {offsets = [18, 0], sizes = [1, 384], strides = [1, 1]} : vector<32x384xf32> to vector<1x384xf32>
    %slice3A_2100 = vector.extract_strided_slice %get3A_2098 {offsets = [18, 0], sizes = [1, 384], strides = [1, 1]} : vector<32x384xf32> to vector<1x384xf32>
    %sub3A_2101 = vector.broadcast %slice3A_2087 : vector<360x1xf32> to vector<360x384xf32>
    %sub3A_2102 = vector.broadcast %slice3A_2099 : vector<1x384xf32> to vector<360x384xf32>
    %sub3A_2103 = arith.subf %sub3A_2101, %sub3A_2102 : vector<360x384xf32>
    %sub3A_2104 = vector.broadcast %slice3A_2088 : vector<360x1xf32> to vector<360x384xf32>
    %sub3A_2105 = vector.broadcast %slice3A_2100 : vector<1x384xf32> to vector<360x384xf32>
    %sub3A_2106 = arith.subf %sub3A_2104, %sub3A_2105 : vector<360x384xf32>
    %mul3A_2107 = arith.mulf %sub3A_2103, %sub3A_2103 : vector<360x384xf32>
    %mul3A_2108 = arith.mulf %sub3A_2106, %sub3A_2106 : vector<360x384xf32>
    %add3A_2109 = arith.addf %mul3A_2107, %mul3A_2108 : vector<360x384xf32>
    %reduce_min3A_2110 = arith.constant dense<0x7F800000> : vector<384xf32>
    %reduce_min3A_2111 = vector.multi_reduction <minimumf>, %add3A_2109, %reduce_min3A_2110 [0] : vector<360x384xf32> to vector<384xf32>
    %broadcast_in_dim3A_2112 = vector.shape_cast %reduce_min3A_2111 : vector<384xf32> to vector<1x384xf32>
    %swap3A_2113 = arith.constant 0 : index
    %swap3A_2114 = arith.constant 18 : index
    %swap3A_2115 = arith.constant 0 : index
    %swap3A_2116 = vector.load %arg11[%swap3A_2113, %swap3A_2114, %swap3A_2115] : memref<2x32x384xf32, #tpu.memory_space<vmem>>, vector<1x1x384xf32>
    %swap3A_2117 = vector.shape_cast %swap3A_2116 : vector<1x1x384xf32> to vector<1x384xf32>
    %swap3A_2118 = vector.shape_cast %broadcast_in_dim3A_2112 : vector<1x384xf32> to vector<1x1x384xf32>
    tpu.vector_store %arg11[%swap3A_2113, %swap3A_2114, %swap3A_2115], %swap3A_2118 {strides = array<i32>} : memref<2x32x384xf32, #tpu.memory_space<vmem>>, vector<1x1x384xf32>,
    %get3A_2119 = arith.constant 0 : index
    %get3A_2120 = arith.constant 0 : index
    %get3A_2121 = arith.constant 0 : index
    %get3A_2122 = vector.load %arg3[%get3A_2119, %get3A_2120, %get3A_2121] : memref<1x32x384xf32, #tpu.memory_space<vmem>>, vector<1x32x384xf32>
    %get3A_2123 = vector.shape_cast %get3A_2122 : vector<1x32x384xf32> to vector<32x384xf32>
    %get3A_2124 = arith.constant 0 : index
    %get3A_2125 = arith.constant 0 : index
    %get3A_2126 = arith.constant 0 : index
    %get3A_2127 = vector.load %arg4[%get3A_2124, %get3A_2125, %get3A_2126] : memref<1x32x384xf32, #tpu.memory_space<vmem>>, vector<1x32x384xf32>
    %get3A_2128 = vector.shape_cast %get3A_2127 : vector<1x32x384xf32> to vector<32x384xf32>
    %slice3A_2129 = vector.extract_strided_slice %get3A_2123 {offsets = [18, 0], sizes = [1, 384], strides = [1, 1]} : vector<32x384xf32> to vector<1x384xf32>
    %slice3A_2130 = vector.extract_strided_slice %get3A_2128 {offsets = [18, 0], sizes = [1, 384], strides = [1, 1]} : vector<32x384xf32> to vector<1x384xf32>
    %sub3A_2131 = vector.broadcast %slice3A_2087 : vector<360x1xf32> to vector<360x384xf32>
    %sub3A_2132 = vector.broadcast %slice3A_2129 : vector<1x384xf32> to vector<360x384xf32>
    %sub3A_2133 = arith.subf %sub3A_2131, %sub3A_2132 : vector<360x384xf32>
    %sub3A_2134 = vector.broadcast %slice3A_2088 : vector<360x1xf32> to vector<360x384xf32>
    %sub3A_2135 = vector.broadcast %slice3A_2130 : vector<1x384xf32> to vector<360x384xf32>
    %sub3A_2136 = arith.subf %sub3A_2134, %sub3A_2135 : vector<360x384xf32>
    %mul3A_2137 = arith.mulf %sub3A_2133, %sub3A_2133 : vector<360x384xf32>
    %mul3A_2138 = arith.mulf %sub3A_2136, %sub3A_2136 : vector<360x384xf32>
    %add3A_2139 = arith.addf %mul3A_2137, %mul3A_2138 : vector<360x384xf32>
    %reduce_min3A_2140 = arith.constant dense<0x7F800000> : vector<384xf32>
    %reduce_min3A_2141 = vector.multi_reduction <minimumf>, %add3A_2139, %reduce_min3A_2140 [0] : vector<360x384xf32> to vector<384xf32>
    %broadcast_in_dim3A_2142 = vector.shape_cast %reduce_min3A_2141 : vector<384xf32> to vector<1x384xf32>
    %swap3A_2143 = arith.constant 1 : index
    %swap3A_2144 = arith.constant 18 : index
    %swap3A_2145 = arith.constant 0 : index
    %swap3A_2146 = vector.load %arg11[%swap3A_2143, %swap3A_2144, %swap3A_2145] : memref<2x32x384xf32, #tpu.memory_space<vmem>>, vector<1x1x384xf32>
    %swap3A_2147 = vector.shape_cast %swap3A_2146 : vector<1x1x384xf32> to vector<1x384xf32>
    %swap3A_2148 = vector.shape_cast %broadcast_in_dim3A_2142 : vector<1x384xf32> to vector<1x1x384xf32>
    tpu.vector_store %arg11[%swap3A_2143, %swap3A_2144, %swap3A_2145], %swap3A_2148 {strides = array<i32>} : memref<2x32x384xf32, #tpu.memory_space<vmem>>, vector<1x1x384xf32>,
    %get3A_2149 = arith.constant 0 : index
    %get3A_2150 = arith.constant 0 : index
    %get3A_2151 = arith.constant 0 : index
    %get3A_2152 = vector.load %arg5[%get3A_2149, %get3A_2150, %get3A_2151] : memref<1x32x128xf32, #tpu.memory_space<vmem>>, vector<1x32x128xf32>
    %get3A_2153 = vector.shape_cast %get3A_2152 : vector<1x32x128xf32> to vector<32x128xf32>
    %get3A_2154 = arith.constant 0 : index
    %get3A_2155 = arith.constant 0 : index
    %get3A_2156 = arith.constant 0 : index
    %get3A_2157 = vector.load %arg6[%get3A_2154, %get3A_2155, %get3A_2156] : memref<1x32x128xf32, #tpu.memory_space<vmem>>, vector<1x32x128xf32>
    %get3A_2158 = vector.shape_cast %get3A_2157 : vector<1x32x128xf32> to vector<32x128xf32>
    %slice3A_2159 = vector.extract_strided_slice %get3A_2153 {offsets = [18, 0], sizes = [1, 128], strides = [1, 1]} : vector<32x128xf32> to vector<1x128xf32>
    %slice3A_2160 = vector.extract_strided_slice %get3A_2158 {offsets = [18, 0], sizes = [1, 128], strides = [1, 1]} : vector<32x128xf32> to vector<1x128xf32>
    %sub3A_2161 = vector.broadcast %slice3A_2087 : vector<360x1xf32> to vector<360x128xf32>
    %sub3A_2162 = vector.broadcast %slice3A_2159 : vector<1x128xf32> to vector<360x128xf32>
    %sub3A_2163 = arith.subf %sub3A_2161, %sub3A_2162 : vector<360x128xf32>
    %sub3A_2164 = vector.broadcast %slice3A_2088 : vector<360x1xf32> to vector<360x128xf32>
    %sub3A_2165 = vector.broadcast %slice3A_2160 : vector<1x128xf32> to vector<360x128xf32>
    %sub3A_2166 = arith.subf %sub3A_2164, %sub3A_2165 : vector<360x128xf32>
    %mul3A_2167 = arith.mulf %sub3A_2163, %sub3A_2163 : vector<360x128xf32>
    %mul3A_2168 = arith.mulf %sub3A_2166, %sub3A_2166 : vector<360x128xf32>
    %add3A_2169 = arith.addf %mul3A_2167, %mul3A_2168 : vector<360x128xf32>
    %reduce_min3A_2170 = arith.constant dense<0x7F800000> : vector<128xf32>
    %reduce_min3A_2171 = vector.multi_reduction <minimumf>, %add3A_2169, %reduce_min3A_2170 [0] : vector<360x128xf32> to vector<128xf32>
    %broadcast_in_dim3A_2172 = vector.shape_cast %reduce_min3A_2171 : vector<128xf32> to vector<1x128xf32>
    %swap3A_2173 = arith.constant 18 : index
    %swap3A_2174 = arith.constant 0 : index
    %swap3A_2175 = vector.load %arg12[%swap3A_2173, %swap3A_2174] : memref<32x256xf32, #tpu.memory_space<vmem>>, vector<1x128xf32>
    tpu.vector_store %arg12[%swap3A_2173, %swap3A_2174], %broadcast_in_dim3A_2172 {strides = array<i32>} : memref<32x256xf32, #tpu.memory_space<vmem>>, vector<1x128xf32>,
    %get3A_2176 = arith.constant 0 : index
    %get3A_2177 = arith.constant 0 : index
    %get3A_2178 = arith.constant 0 : index
    %get3A_2179 = vector.load %arg7[%get3A_2176, %get3A_2177, %get3A_2178] : memref<1x32x128xf32, #tpu.memory_space<vmem>>, vector<1x32x128xf32>
    %get3A_2180 = vector.shape_cast %get3A_2179 : vector<1x32x128xf32> to vector<32x128xf32>
    %get3A_2181 = arith.constant 0 : index
    %get3A_2182 = arith.constant 0 : index
    %get3A_2183 = arith.constant 0 : index
    %get3A_2184 = vector.load %arg8[%get3A_2181, %get3A_2182, %get3A_2183] : memref<1x32x128xf32, #tpu.memory_space<vmem>>, vector<1x32x128xf32>
    %get3A_2185 = vector.shape_cast %get3A_2184 : vector<1x32x128xf32> to vector<32x128xf32>
    %slice3A_2186 = vector.extract_strided_slice %get3A_2180 {offsets = [18, 0], sizes = [1, 128], strides = [1, 1]} : vector<32x128xf32> to vector<1x128xf32>
    %slice3A_2187 = vector.extract_strided_slice %get3A_2185 {offsets = [18, 0], sizes = [1, 128], strides = [1, 1]} : vector<32x128xf32> to vector<1x128xf32>
    %sub3A_2188 = vector.broadcast %slice3A_2087 : vector<360x1xf32> to vector<360x128xf32>
    %sub3A_2189 = vector.broadcast %slice3A_2186 : vector<1x128xf32> to vector<360x128xf32>
    %sub3A_2190 = arith.subf %sub3A_2188, %sub3A_2189 : vector<360x128xf32>
    %sub3A_2191 = vector.broadcast %slice3A_2088 : vector<360x1xf32> to vector<360x128xf32>
    %sub3A_2192 = vector.broadcast %slice3A_2187 : vector<1x128xf32> to vector<360x128xf32>
    %sub3A_2193 = arith.subf %sub3A_2191, %sub3A_2192 : vector<360x128xf32>
    %mul3A_2194 = arith.mulf %sub3A_2190, %sub3A_2190 : vector<360x128xf32>
    %mul3A_2195 = arith.mulf %sub3A_2193, %sub3A_2193 : vector<360x128xf32>
    %add3A_2196 = arith.addf %mul3A_2194, %mul3A_2195 : vector<360x128xf32>
    %reduce_min3A_2197 = arith.constant dense<0x7F800000> : vector<128xf32>
    %reduce_min3A_2198 = vector.multi_reduction <minimumf>, %add3A_2196, %reduce_min3A_2197 [0] : vector<360x128xf32> to vector<128xf32>
    %broadcast_in_dim3A_2199 = vector.shape_cast %reduce_min3A_2198 : vector<128xf32> to vector<1x128xf32>
    %swap3A_2200 = arith.constant 18 : index
    %swap3A_2201 = arith.constant 128 : index
    %swap3A_2202 = vector.load %arg12[%swap3A_2200, %swap3A_2201] : memref<32x256xf32, #tpu.memory_space<vmem>>, vector<1x128xf32>
    tpu.vector_store %arg12[%swap3A_2200, %swap3A_2201], %broadcast_in_dim3A_2199 {strides = array<i32>} : memref<32x256xf32, #tpu.memory_space<vmem>>, vector<1x128xf32>,
    %slice3A_2203 = vector.extract_strided_slice %transpose3A {offsets = [0, 19], sizes = [360, 1], strides = [1, 1]} : vector<360x32xf32> to vector<360x1xf32>
    %slice3A_2204 = vector.extract_strided_slice %transpose3A_5 {offsets = [0, 19], sizes = [360, 1], strides = [1, 1]} : vector<360x32xf32> to vector<360x1xf32>
    %get3A_2205 = arith.constant 0 : index
    %get3A_2206 = arith.constant 0 : index
    %get3A_2207 = arith.constant 0 : index
    %get3A_2208 = vector.load %arg1[%get3A_2205, %get3A_2206, %get3A_2207] : memref<1x32x384xf32, #tpu.memory_space<vmem>>, vector<1x32x384xf32>
    %get3A_2209 = vector.shape_cast %get3A_2208 : vector<1x32x384xf32> to vector<32x384xf32>
    %get3A_2210 = arith.constant 0 : index
    %get3A_2211 = arith.constant 0 : index
    %get3A_2212 = arith.constant 0 : index
    %get3A_2213 = vector.load %arg2[%get3A_2210, %get3A_2211, %get3A_2212] : memref<1x32x384xf32, #tpu.memory_space<vmem>>, vector<1x32x384xf32>
    %get3A_2214 = vector.shape_cast %get3A_2213 : vector<1x32x384xf32> to vector<32x384xf32>
    %slice3A_2215 = vector.extract_strided_slice %get3A_2209 {offsets = [19, 0], sizes = [1, 384], strides = [1, 1]} : vector<32x384xf32> to vector<1x384xf32>
    %slice3A_2216 = vector.extract_strided_slice %get3A_2214 {offsets = [19, 0], sizes = [1, 384], strides = [1, 1]} : vector<32x384xf32> to vector<1x384xf32>
    %sub3A_2217 = vector.broadcast %slice3A_2203 : vector<360x1xf32> to vector<360x384xf32>
    %sub3A_2218 = vector.broadcast %slice3A_2215 : vector<1x384xf32> to vector<360x384xf32>
    %sub3A_2219 = arith.subf %sub3A_2217, %sub3A_2218 : vector<360x384xf32>
    %sub3A_2220 = vector.broadcast %slice3A_2204 : vector<360x1xf32> to vector<360x384xf32>
    %sub3A_2221 = vector.broadcast %slice3A_2216 : vector<1x384xf32> to vector<360x384xf32>
    %sub3A_2222 = arith.subf %sub3A_2220, %sub3A_2221 : vector<360x384xf32>
    %mul3A_2223 = arith.mulf %sub3A_2219, %sub3A_2219 : vector<360x384xf32>
    %mul3A_2224 = arith.mulf %sub3A_2222, %sub3A_2222 : vector<360x384xf32>
    %add3A_2225 = arith.addf %mul3A_2223, %mul3A_2224 : vector<360x384xf32>
    %reduce_min3A_2226 = arith.constant dense<0x7F800000> : vector<384xf32>
    %reduce_min3A_2227 = vector.multi_reduction <minimumf>, %add3A_2225, %reduce_min3A_2226 [0] : vector<360x384xf32> to vector<384xf32>
    %broadcast_in_dim3A_2228 = vector.shape_cast %reduce_min3A_2227 : vector<384xf32> to vector<1x384xf32>
    %swap3A_2229 = arith.constant 0 : index
    %swap3A_2230 = arith.constant 19 : index
    %swap3A_2231 = arith.constant 0 : index
    %swap3A_2232 = vector.load %arg11[%swap3A_2229, %swap3A_2230, %swap3A_2231] : memref<2x32x384xf32, #tpu.memory_space<vmem>>, vector<1x1x384xf32>
    %swap3A_2233 = vector.shape_cast %swap3A_2232 : vector<1x1x384xf32> to vector<1x384xf32>
    %swap3A_2234 = vector.shape_cast %broadcast_in_dim3A_2228 : vector<1x384xf32> to vector<1x1x384xf32>
    tpu.vector_store %arg11[%swap3A_2229, %swap3A_2230, %swap3A_2231], %swap3A_2234 {strides = array<i32>} : memref<2x32x384xf32, #tpu.memory_space<vmem>>, vector<1x1x384xf32>,
    %get3A_2235 = arith.constant 0 : index
    %get3A_2236 = arith.constant 0 : index
    %get3A_2237 = arith.constant 0 : index
    %get3A_2238 = vector.load %arg3[%get3A_2235, %get3A_2236, %get3A_2237] : memref<1x32x384xf32, #tpu.memory_space<vmem>>, vector<1x32x384xf32>
    %get3A_2239 = vector.shape_cast %get3A_2238 : vector<1x32x384xf32> to vector<32x384xf32>
    %get3A_2240 = arith.constant 0 : index
    %get3A_2241 = arith.constant 0 : index
    %get3A_2242 = arith.constant 0 : index
    %get3A_2243 = vector.load %arg4[%get3A_2240, %get3A_2241, %get3A_2242] : memref<1x32x384xf32, #tpu.memory_space<vmem>>, vector<1x32x384xf32>
    %get3A_2244 = vector.shape_cast %get3A_2243 : vector<1x32x384xf32> to vector<32x384xf32>
    %slice3A_2245 = vector.extract_strided_slice %get3A_2239 {offsets = [19, 0], sizes = [1, 384], strides = [1, 1]} : vector<32x384xf32> to vector<1x384xf32>
    %slice3A_2246 = vector.extract_strided_slice %get3A_2244 {offsets = [19, 0], sizes = [1, 384], strides = [1, 1]} : vector<32x384xf32> to vector<1x384xf32>
    %sub3A_2247 = vector.broadcast %slice3A_2203 : vector<360x1xf32> to vector<360x384xf32>
    %sub3A_2248 = vector.broadcast %slice3A_2245 : vector<1x384xf32> to vector<360x384xf32>
    %sub3A_2249 = arith.subf %sub3A_2247, %sub3A_2248 : vector<360x384xf32>
    %sub3A_2250 = vector.broadcast %slice3A_2204 : vector<360x1xf32> to vector<360x384xf32>
    %sub3A_2251 = vector.broadcast %slice3A_2246 : vector<1x384xf32> to vector<360x384xf32>
    %sub3A_2252 = arith.subf %sub3A_2250, %sub3A_2251 : vector<360x384xf32>
    %mul3A_2253 = arith.mulf %sub3A_2249, %sub3A_2249 : vector<360x384xf32>
    %mul3A_2254 = arith.mulf %sub3A_2252, %sub3A_2252 : vector<360x384xf32>
    %add3A_2255 = arith.addf %mul3A_2253, %mul3A_2254 : vector<360x384xf32>
    %reduce_min3A_2256 = arith.constant dense<0x7F800000> : vector<384xf32>
    %reduce_min3A_2257 = vector.multi_reduction <minimumf>, %add3A_2255, %reduce_min3A_2256 [0] : vector<360x384xf32> to vector<384xf32>
    %broadcast_in_dim3A_2258 = vector.shape_cast %reduce_min3A_2257 : vector<384xf32> to vector<1x384xf32>
    %swap3A_2259 = arith.constant 1 : index
    %swap3A_2260 = arith.constant 19 : index
    %swap3A_2261 = arith.constant 0 : index
    %swap3A_2262 = vector.load %arg11[%swap3A_2259, %swap3A_2260, %swap3A_2261] : memref<2x32x384xf32, #tpu.memory_space<vmem>>, vector<1x1x384xf32>
    %swap3A_2263 = vector.shape_cast %swap3A_2262 : vector<1x1x384xf32> to vector<1x384xf32>
    %swap3A_2264 = vector.shape_cast %broadcast_in_dim3A_2258 : vector<1x384xf32> to vector<1x1x384xf32>
    tpu.vector_store %arg11[%swap3A_2259, %swap3A_2260, %swap3A_2261], %swap3A_2264 {strides = array<i32>} : memref<2x32x384xf32, #tpu.memory_space<vmem>>, vector<1x1x384xf32>,
    %get3A_2265 = arith.constant 0 : index
    %get3A_2266 = arith.constant 0 : index
    %get3A_2267 = arith.constant 0 : index
    %get3A_2268 = vector.load %arg5[%get3A_2265, %get3A_2266, %get3A_2267] : memref<1x32x128xf32, #tpu.memory_space<vmem>>, vector<1x32x128xf32>
    %get3A_2269 = vector.shape_cast %get3A_2268 : vector<1x32x128xf32> to vector<32x128xf32>
    %get3A_2270 = arith.constant 0 : index
    %get3A_2271 = arith.constant 0 : index
    %get3A_2272 = arith.constant 0 : index
    %get3A_2273 = vector.load %arg6[%get3A_2270, %get3A_2271, %get3A_2272] : memref<1x32x128xf32, #tpu.memory_space<vmem>>, vector<1x32x128xf32>
    %get3A_2274 = vector.shape_cast %get3A_2273 : vector<1x32x128xf32> to vector<32x128xf32>
    %slice3A_2275 = vector.extract_strided_slice %get3A_2269 {offsets = [19, 0], sizes = [1, 128], strides = [1, 1]} : vector<32x128xf32> to vector<1x128xf32>
    %slice3A_2276 = vector.extract_strided_slice %get3A_2274 {offsets = [19, 0], sizes = [1, 128], strides = [1, 1]} : vector<32x128xf32> to vector<1x128xf32>
    %sub3A_2277 = vector.broadcast %slice3A_2203 : vector<360x1xf32> to vector<360x128xf32>
    %sub3A_2278 = vector.broadcast %slice3A_2275 : vector<1x128xf32> to vector<360x128xf32>
    %sub3A_2279 = arith.subf %sub3A_2277, %sub3A_2278 : vector<360x128xf32>
    %sub3A_2280 = vector.broadcast %slice3A_2204 : vector<360x1xf32> to vector<360x128xf32>
    %sub3A_2281 = vector.broadcast %slice3A_2276 : vector<1x128xf32> to vector<360x128xf32>
    %sub3A_2282 = arith.subf %sub3A_2280, %sub3A_2281 : vector<360x128xf32>
    %mul3A_2283 = arith.mulf %sub3A_2279, %sub3A_2279 : vector<360x128xf32>
    %mul3A_2284 = arith.mulf %sub3A_2282, %sub3A_2282 : vector<360x128xf32>
    %add3A_2285 = arith.addf %mul3A_2283, %mul3A_2284 : vector<360x128xf32>
    %reduce_min3A_2286 = arith.constant dense<0x7F800000> : vector<128xf32>
    %reduce_min3A_2287 = vector.multi_reduction <minimumf>, %add3A_2285, %reduce_min3A_2286 [0] : vector<360x128xf32> to vector<128xf32>
    %broadcast_in_dim3A_2288 = vector.shape_cast %reduce_min3A_2287 : vector<128xf32> to vector<1x128xf32>
    %swap3A_2289 = arith.constant 19 : index
    %swap3A_2290 = arith.constant 0 : index
    %swap3A_2291 = vector.load %arg12[%swap3A_2289, %swap3A_2290] : memref<32x256xf32, #tpu.memory_space<vmem>>, vector<1x128xf32>
    tpu.vector_store %arg12[%swap3A_2289, %swap3A_2290], %broadcast_in_dim3A_2288 {strides = array<i32>} : memref<32x256xf32, #tpu.memory_space<vmem>>, vector<1x128xf32>,
    %get3A_2292 = arith.constant 0 : index
    %get3A_2293 = arith.constant 0 : index
    %get3A_2294 = arith.constant 0 : index
    %get3A_2295 = vector.load %arg7[%get3A_2292, %get3A_2293, %get3A_2294] : memref<1x32x128xf32, #tpu.memory_space<vmem>>, vector<1x32x128xf32>
    %get3A_2296 = vector.shape_cast %get3A_2295 : vector<1x32x128xf32> to vector<32x128xf32>
    %get3A_2297 = arith.constant 0 : index
    %get3A_2298 = arith.constant 0 : index
    %get3A_2299 = arith.constant 0 : index
    %get3A_2300 = vector.load %arg8[%get3A_2297, %get3A_2298, %get3A_2299] : memref<1x32x128xf32, #tpu.memory_space<vmem>>, vector<1x32x128xf32>
    %get3A_2301 = vector.shape_cast %get3A_2300 : vector<1x32x128xf32> to vector<32x128xf32>
    %slice3A_2302 = vector.extract_strided_slice %get3A_2296 {offsets = [19, 0], sizes = [1, 128], strides = [1, 1]} : vector<32x128xf32> to vector<1x128xf32>
    %slice3A_2303 = vector.extract_strided_slice %get3A_2301 {offsets = [19, 0], sizes = [1, 128], strides = [1, 1]} : vector<32x128xf32> to vector<1x128xf32>
    %sub3A_2304 = vector.broadcast %slice3A_2203 : vector<360x1xf32> to vector<360x128xf32>
    %sub3A_2305 = vector.broadcast %slice3A_2302 : vector<1x128xf32> to vector<360x128xf32>
    %sub3A_2306 = arith.subf %sub3A_2304, %sub3A_2305 : vector<360x128xf32>
    %sub3A_2307 = vector.broadcast %slice3A_2204 : vector<360x1xf32> to vector<360x128xf32>
    %sub3A_2308 = vector.broadcast %slice3A_2303 : vector<1x128xf32> to vector<360x128xf32>
    %sub3A_2309 = arith.subf %sub3A_2307, %sub3A_2308 : vector<360x128xf32>
    %mul3A_2310 = arith.mulf %sub3A_2306, %sub3A_2306 : vector<360x128xf32>
    %mul3A_2311 = arith.mulf %sub3A_2309, %sub3A_2309 : vector<360x128xf32>
    %add3A_2312 = arith.addf %mul3A_2310, %mul3A_2311 : vector<360x128xf32>
    %reduce_min3A_2313 = arith.constant dense<0x7F800000> : vector<128xf32>
    %reduce_min3A_2314 = vector.multi_reduction <minimumf>, %add3A_2312, %reduce_min3A_2313 [0] : vector<360x128xf32> to vector<128xf32>
    %broadcast_in_dim3A_2315 = vector.shape_cast %reduce_min3A_2314 : vector<128xf32> to vector<1x128xf32>
    %swap3A_2316 = arith.constant 19 : index
    %swap3A_2317 = arith.constant 128 : index
    %swap3A_2318 = vector.load %arg12[%swap3A_2316, %swap3A_2317] : memref<32x256xf32, #tpu.memory_space<vmem>>, vector<1x128xf32>
    tpu.vector_store %arg12[%swap3A_2316, %swap3A_2317], %broadcast_in_dim3A_2315 {strides = array<i32>} : memref<32x256xf32, #tpu.memory_space<vmem>>, vector<1x128xf32>,
    %slice3A_2319 = vector.extract_strided_slice %transpose3A {offsets = [0, 20], sizes = [360, 1], strides = [1, 1]} : vector<360x32xf32> to vector<360x1xf32>
    %slice3A_2320 = vector.extract_strided_slice %transpose3A_5 {offsets = [0, 20], sizes = [360, 1], strides = [1, 1]} : vector<360x32xf32> to vector<360x1xf32>
    %get3A_2321 = arith.constant 0 : index
    %get3A_2322 = arith.constant 0 : index
    %get3A_2323 = arith.constant 0 : index
    %get3A_2324 = vector.load %arg1[%get3A_2321, %get3A_2322, %get3A_2323] : memref<1x32x384xf32, #tpu.memory_space<vmem>>, vector<1x32x384xf32>
    %get3A_2325 = vector.shape_cast %get3A_2324 : vector<1x32x384xf32> to vector<32x384xf32>
    %get3A_2326 = arith.constant 0 : index
    %get3A_2327 = arith.constant 0 : index
    %get3A_2328 = arith.constant 0 : index
    %get3A_2329 = vector.load %arg2[%get3A_2326, %get3A_2327, %get3A_2328] : memref<1x32x384xf32, #tpu.memory_space<vmem>>, vector<1x32x384xf32>
    %get3A_2330 = vector.shape_cast %get3A_2329 : vector<1x32x384xf32> to vector<32x384xf32>
    %slice3A_2331 = vector.extract_strided_slice %get3A_2325 {offsets = [20, 0], sizes = [1, 384], strides = [1, 1]} : vector<32x384xf32> to vector<1x384xf32>
    %slice3A_2332 = vector.extract_strided_slice %get3A_2330 {offsets = [20, 0], sizes = [1, 384], strides = [1, 1]} : vector<32x384xf32> to vector<1x384xf32>
    %sub3A_2333 = vector.broadcast %slice3A_2319 : vector<360x1xf32> to vector<360x384xf32>
    %sub3A_2334 = vector.broadcast %slice3A_2331 : vector<1x384xf32> to vector<360x384xf32>
    %sub3A_2335 = arith.subf %sub3A_2333, %sub3A_2334 : vector<360x384xf32>
    %sub3A_2336 = vector.broadcast %slice3A_2320 : vector<360x1xf32> to vector<360x384xf32>
    %sub3A_2337 = vector.broadcast %slice3A_2332 : vector<1x384xf32> to vector<360x384xf32>
    %sub3A_2338 = arith.subf %sub3A_2336, %sub3A_2337 : vector<360x384xf32>
    %mul3A_2339 = arith.mulf %sub3A_2335, %sub3A_2335 : vector<360x384xf32>
    %mul3A_2340 = arith.mulf %sub3A_2338, %sub3A_2338 : vector<360x384xf32>
    %add3A_2341 = arith.addf %mul3A_2339, %mul3A_2340 : vector<360x384xf32>
    %reduce_min3A_2342 = arith.constant dense<0x7F800000> : vector<384xf32>
    %reduce_min3A_2343 = vector.multi_reduction <minimumf>, %add3A_2341, %reduce_min3A_2342 [0] : vector<360x384xf32> to vector<384xf32>
    %broadcast_in_dim3A_2344 = vector.shape_cast %reduce_min3A_2343 : vector<384xf32> to vector<1x384xf32>
    %swap3A_2345 = arith.constant 0 : index
    %swap3A_2346 = arith.constant 20 : index
    %swap3A_2347 = arith.constant 0 : index
    %swap3A_2348 = vector.load %arg11[%swap3A_2345, %swap3A_2346, %swap3A_2347] : memref<2x32x384xf32, #tpu.memory_space<vmem>>, vector<1x1x384xf32>
    %swap3A_2349 = vector.shape_cast %swap3A_2348 : vector<1x1x384xf32> to vector<1x384xf32>
    %swap3A_2350 = vector.shape_cast %broadcast_in_dim3A_2344 : vector<1x384xf32> to vector<1x1x384xf32>
    tpu.vector_store %arg11[%swap3A_2345, %swap3A_2346, %swap3A_2347], %swap3A_2350 {strides = array<i32>} : memref<2x32x384xf32, #tpu.memory_space<vmem>>, vector<1x1x384xf32>,
    %get3A_2351 = arith.constant 0 : index
    %get3A_2352 = arith.constant 0 : index
    %get3A_2353 = arith.constant 0 : index
    %get3A_2354 = vector.load %arg3[%get3A_2351, %get3A_2352, %get3A_2353] : memref<1x32x384xf32, #tpu.memory_space<vmem>>, vector<1x32x384xf32>
    %get3A_2355 = vector.shape_cast %get3A_2354 : vector<1x32x384xf32> to vector<32x384xf32>
    %get3A_2356 = arith.constant 0 : index
    %get3A_2357 = arith.constant 0 : index
    %get3A_2358 = arith.constant 0 : index
    %get3A_2359 = vector.load %arg4[%get3A_2356, %get3A_2357, %get3A_2358] : memref<1x32x384xf32, #tpu.memory_space<vmem>>, vector<1x32x384xf32>
    %get3A_2360 = vector.shape_cast %get3A_2359 : vector<1x32x384xf32> to vector<32x384xf32>
    %slice3A_2361 = vector.extract_strided_slice %get3A_2355 {offsets = [20, 0], sizes = [1, 384], strides = [1, 1]} : vector<32x384xf32> to vector<1x384xf32>
    %slice3A_2362 = vector.extract_strided_slice %get3A_2360 {offsets = [20, 0], sizes = [1, 384], strides = [1, 1]} : vector<32x384xf32> to vector<1x384xf32>
    %sub3A_2363 = vector.broadcast %slice3A_2319 : vector<360x1xf32> to vector<360x384xf32>
    %sub3A_2364 = vector.broadcast %slice3A_2361 : vector<1x384xf32> to vector<360x384xf32>
    %sub3A_2365 = arith.subf %sub3A_2363, %sub3A_2364 : vector<360x384xf32>
    %sub3A_2366 = vector.broadcast %slice3A_2320 : vector<360x1xf32> to vector<360x384xf32>
    %sub3A_2367 = vector.broadcast %slice3A_2362 : vector<1x384xf32> to vector<360x384xf32>
    %sub3A_2368 = arith.subf %sub3A_2366, %sub3A_2367 : vector<360x384xf32>
    %mul3A_2369 = arith.mulf %sub3A_2365, %sub3A_2365 : vector<360x384xf32>
    %mul3A_2370 = arith.mulf %sub3A_2368, %sub3A_2368 : vector<360x384xf32>
    %add3A_2371 = arith.addf %mul3A_2369, %mul3A_2370 : vector<360x384xf32>
    %reduce_min3A_2372 = arith.constant dense<0x7F800000> : vector<384xf32>
    %reduce_min3A_2373 = vector.multi_reduction <minimumf>, %add3A_2371, %reduce_min3A_2372 [0] : vector<360x384xf32> to vector<384xf32>
    %broadcast_in_dim3A_2374 = vector.shape_cast %reduce_min3A_2373 : vector<384xf32> to vector<1x384xf32>
    %swap3A_2375 = arith.constant 1 : index
    %swap3A_2376 = arith.constant 20 : index
    %swap3A_2377 = arith.constant 0 : index
    %swap3A_2378 = vector.load %arg11[%swap3A_2375, %swap3A_2376, %swap3A_2377] : memref<2x32x384xf32, #tpu.memory_space<vmem>>, vector<1x1x384xf32>
    %swap3A_2379 = vector.shape_cast %swap3A_2378 : vector<1x1x384xf32> to vector<1x384xf32>
    %swap3A_2380 = vector.shape_cast %broadcast_in_dim3A_2374 : vector<1x384xf32> to vector<1x1x384xf32>
    tpu.vector_store %arg11[%swap3A_2375, %swap3A_2376, %swap3A_2377], %swap3A_2380 {strides = array<i32>} : memref<2x32x384xf32, #tpu.memory_space<vmem>>, vector<1x1x384xf32>,
    %get3A_2381 = arith.constant 0 : index
    %get3A_2382 = arith.constant 0 : index
    %get3A_2383 = arith.constant 0 : index
    %get3A_2384 = vector.load %arg5[%get3A_2381, %get3A_2382, %get3A_2383] : memref<1x32x128xf32, #tpu.memory_space<vmem>>, vector<1x32x128xf32>
    %get3A_2385 = vector.shape_cast %get3A_2384 : vector<1x32x128xf32> to vector<32x128xf32>
    %get3A_2386 = arith.constant 0 : index
    %get3A_2387 = arith.constant 0 : index
    %get3A_2388 = arith.constant 0 : index
    %get3A_2389 = vector.load %arg6[%get3A_2386, %get3A_2387, %get3A_2388] : memref<1x32x128xf32, #tpu.memory_space<vmem>>, vector<1x32x128xf32>
    %get3A_2390 = vector.shape_cast %get3A_2389 : vector<1x32x128xf32> to vector<32x128xf32>
    %slice3A_2391 = vector.extract_strided_slice %get3A_2385 {offsets = [20, 0], sizes = [1, 128], strides = [1, 1]} : vector<32x128xf32> to vector<1x128xf32>
    %slice3A_2392 = vector.extract_strided_slice %get3A_2390 {offsets = [20, 0], sizes = [1, 128], strides = [1, 1]} : vector<32x128xf32> to vector<1x128xf32>
    %sub3A_2393 = vector.broadcast %slice3A_2319 : vector<360x1xf32> to vector<360x128xf32>
    %sub3A_2394 = vector.broadcast %slice3A_2391 : vector<1x128xf32> to vector<360x128xf32>
    %sub3A_2395 = arith.subf %sub3A_2393, %sub3A_2394 : vector<360x128xf32>
    %sub3A_2396 = vector.broadcast %slice3A_2320 : vector<360x1xf32> to vector<360x128xf32>
    %sub3A_2397 = vector.broadcast %slice3A_2392 : vector<1x128xf32> to vector<360x128xf32>
    %sub3A_2398 = arith.subf %sub3A_2396, %sub3A_2397 : vector<360x128xf32>
    %mul3A_2399 = arith.mulf %sub3A_2395, %sub3A_2395 : vector<360x128xf32>
    %mul3A_2400 = arith.mulf %sub3A_2398, %sub3A_2398 : vector<360x128xf32>
    %add3A_2401 = arith.addf %mul3A_2399, %mul3A_2400 : vector<360x128xf32>
    %reduce_min3A_2402 = arith.constant dense<0x7F800000> : vector<128xf32>
    %reduce_min3A_2403 = vector.multi_reduction <minimumf>, %add3A_2401, %reduce_min3A_2402 [0] : vector<360x128xf32> to vector<128xf32>
    %broadcast_in_dim3A_2404 = vector.shape_cast %reduce_min3A_2403 : vector<128xf32> to vector<1x128xf32>
    %swap3A_2405 = arith.constant 20 : index
    %swap3A_2406 = arith.constant 0 : index
    %swap3A_2407 = vector.load %arg12[%swap3A_2405, %swap3A_2406] : memref<32x256xf32, #tpu.memory_space<vmem>>, vector<1x128xf32>
    tpu.vector_store %arg12[%swap3A_2405, %swap3A_2406], %broadcast_in_dim3A_2404 {strides = array<i32>} : memref<32x256xf32, #tpu.memory_space<vmem>>, vector<1x128xf32>,
    %get3A_2408 = arith.constant 0 : index
    %get3A_2409 = arith.constant 0 : index
    %get3A_2410 = arith.constant 0 : index
    %get3A_2411 = vector.load %arg7[%get3A_2408, %get3A_2409, %get3A_2410] : memref<1x32x128xf32, #tpu.memory_space<vmem>>, vector<1x32x128xf32>
    %get3A_2412 = vector.shape_cast %get3A_2411 : vector<1x32x128xf32> to vector<32x128xf32>
    %get3A_2413 = arith.constant 0 : index
    %get3A_2414 = arith.constant 0 : index
    %get3A_2415 = arith.constant 0 : index
    %get3A_2416 = vector.load %arg8[%get3A_2413, %get3A_2414, %get3A_2415] : memref<1x32x128xf32, #tpu.memory_space<vmem>>, vector<1x32x128xf32>
    %get3A_2417 = vector.shape_cast %get3A_2416 : vector<1x32x128xf32> to vector<32x128xf32>
    %slice3A_2418 = vector.extract_strided_slice %get3A_2412 {offsets = [20, 0], sizes = [1, 128], strides = [1, 1]} : vector<32x128xf32> to vector<1x128xf32>
    %slice3A_2419 = vector.extract_strided_slice %get3A_2417 {offsets = [20, 0], sizes = [1, 128], strides = [1, 1]} : vector<32x128xf32> to vector<1x128xf32>
    %sub3A_2420 = vector.broadcast %slice3A_2319 : vector<360x1xf32> to vector<360x128xf32>
    %sub3A_2421 = vector.broadcast %slice3A_2418 : vector<1x128xf32> to vector<360x128xf32>
    %sub3A_2422 = arith.subf %sub3A_2420, %sub3A_2421 : vector<360x128xf32>
    %sub3A_2423 = vector.broadcast %slice3A_2320 : vector<360x1xf32> to vector<360x128xf32>
    %sub3A_2424 = vector.broadcast %slice3A_2419 : vector<1x128xf32> to vector<360x128xf32>
    %sub3A_2425 = arith.subf %sub3A_2423, %sub3A_2424 : vector<360x128xf32>
    %mul3A_2426 = arith.mulf %sub3A_2422, %sub3A_2422 : vector<360x128xf32>
    %mul3A_2427 = arith.mulf %sub3A_2425, %sub3A_2425 : vector<360x128xf32>
    %add3A_2428 = arith.addf %mul3A_2426, %mul3A_2427 : vector<360x128xf32>
    %reduce_min3A_2429 = arith.constant dense<0x7F800000> : vector<128xf32>
    %reduce_min3A_2430 = vector.multi_reduction <minimumf>, %add3A_2428, %reduce_min3A_2429 [0] : vector<360x128xf32> to vector<128xf32>
    %broadcast_in_dim3A_2431 = vector.shape_cast %reduce_min3A_2430 : vector<128xf32> to vector<1x128xf32>
    %swap3A_2432 = arith.constant 20 : index
    %swap3A_2433 = arith.constant 128 : index
    %swap3A_2434 = vector.load %arg12[%swap3A_2432, %swap3A_2433] : memref<32x256xf32, #tpu.memory_space<vmem>>, vector<1x128xf32>
    tpu.vector_store %arg12[%swap3A_2432, %swap3A_2433], %broadcast_in_dim3A_2431 {strides = array<i32>} : memref<32x256xf32, #tpu.memory_space<vmem>>, vector<1x128xf32>,
    %slice3A_2435 = vector.extract_strided_slice %transpose3A {offsets = [0, 21], sizes = [360, 1], strides = [1, 1]} : vector<360x32xf32> to vector<360x1xf32>
    %slice3A_2436 = vector.extract_strided_slice %transpose3A_5 {offsets = [0, 21], sizes = [360, 1], strides = [1, 1]} : vector<360x32xf32> to vector<360x1xf32>
    %get3A_2437 = arith.constant 0 : index
    %get3A_2438 = arith.constant 0 : index
    %get3A_2439 = arith.constant 0 : index
    %get3A_2440 = vector.load %arg1[%get3A_2437, %get3A_2438, %get3A_2439] : memref<1x32x384xf32, #tpu.memory_space<vmem>>, vector<1x32x384xf32>
    %get3A_2441 = vector.shape_cast %get3A_2440 : vector<1x32x384xf32> to vector<32x384xf32>
    %get3A_2442 = arith.constant 0 : index
    %get3A_2443 = arith.constant 0 : index
    %get3A_2444 = arith.constant 0 : index
    %get3A_2445 = vector.load %arg2[%get3A_2442, %get3A_2443, %get3A_2444] : memref<1x32x384xf32, #tpu.memory_space<vmem>>, vector<1x32x384xf32>
    %get3A_2446 = vector.shape_cast %get3A_2445 : vector<1x32x384xf32> to vector<32x384xf32>
    %slice3A_2447 = vector.extract_strided_slice %get3A_2441 {offsets = [21, 0], sizes = [1, 384], strides = [1, 1]} : vector<32x384xf32> to vector<1x384xf32>
    %slice3A_2448 = vector.extract_strided_slice %get3A_2446 {offsets = [21, 0], sizes = [1, 384], strides = [1, 1]} : vector<32x384xf32> to vector<1x384xf32>
    %sub3A_2449 = vector.broadcast %slice3A_2435 : vector<360x1xf32> to vector<360x384xf32>
    %sub3A_2450 = vector.broadcast %slice3A_2447 : vector<1x384xf32> to vector<360x384xf32>
    %sub3A_2451 = arith.subf %sub3A_2449, %sub3A_2450 : vector<360x384xf32>
    %sub3A_2452 = vector.broadcast %slice3A_2436 : vector<360x1xf32> to vector<360x384xf32>
    %sub3A_2453 = vector.broadcast %slice3A_2448 : vector<1x384xf32> to vector<360x384xf32>
    %sub3A_2454 = arith.subf %sub3A_2452, %sub3A_2453 : vector<360x384xf32>
    %mul3A_2455 = arith.mulf %sub3A_2451, %sub3A_2451 : vector<360x384xf32>
    %mul3A_2456 = arith.mulf %sub3A_2454, %sub3A_2454 : vector<360x384xf32>
    %add3A_2457 = arith.addf %mul3A_2455, %mul3A_2456 : vector<360x384xf32>
    %reduce_min3A_2458 = arith.constant dense<0x7F800000> : vector<384xf32>
    %reduce_min3A_2459 = vector.multi_reduction <minimumf>, %add3A_2457, %reduce_min3A_2458 [0] : vector<360x384xf32> to vector<384xf32>
    %broadcast_in_dim3A_2460 = vector.shape_cast %reduce_min3A_2459 : vector<384xf32> to vector<1x384xf32>
    %swap3A_2461 = arith.constant 0 : index
    %swap3A_2462 = arith.constant 21 : index
    %swap3A_2463 = arith.constant 0 : index
    %swap3A_2464 = vector.load %arg11[%swap3A_2461, %swap3A_2462, %swap3A_2463] : memref<2x32x384xf32, #tpu.memory_space<vmem>>, vector<1x1x384xf32>
    %swap3A_2465 = vector.shape_cast %swap3A_2464 : vector<1x1x384xf32> to vector<1x384xf32>
    %swap3A_2466 = vector.shape_cast %broadcast_in_dim3A_2460 : vector<1x384xf32> to vector<1x1x384xf32>
    tpu.vector_store %arg11[%swap3A_2461, %swap3A_2462, %swap3A_2463], %swap3A_2466 {strides = array<i32>} : memref<2x32x384xf32, #tpu.memory_space<vmem>>, vector<1x1x384xf32>,
    %get3A_2467 = arith.constant 0 : index
    %get3A_2468 = arith.constant 0 : index
    %get3A_2469 = arith.constant 0 : index
    %get3A_2470 = vector.load %arg3[%get3A_2467, %get3A_2468, %get3A_2469] : memref<1x32x384xf32, #tpu.memory_space<vmem>>, vector<1x32x384xf32>
    %get3A_2471 = vector.shape_cast %get3A_2470 : vector<1x32x384xf32> to vector<32x384xf32>
    %get3A_2472 = arith.constant 0 : index
    %get3A_2473 = arith.constant 0 : index
    %get3A_2474 = arith.constant 0 : index
    %get3A_2475 = vector.load %arg4[%get3A_2472, %get3A_2473, %get3A_2474] : memref<1x32x384xf32, #tpu.memory_space<vmem>>, vector<1x32x384xf32>
    %get3A_2476 = vector.shape_cast %get3A_2475 : vector<1x32x384xf32> to vector<32x384xf32>
    %slice3A_2477 = vector.extract_strided_slice %get3A_2471 {offsets = [21, 0], sizes = [1, 384], strides = [1, 1]} : vector<32x384xf32> to vector<1x384xf32>
    %slice3A_2478 = vector.extract_strided_slice %get3A_2476 {offsets = [21, 0], sizes = [1, 384], strides = [1, 1]} : vector<32x384xf32> to vector<1x384xf32>
    %sub3A_2479 = vector.broadcast %slice3A_2435 : vector<360x1xf32> to vector<360x384xf32>
    %sub3A_2480 = vector.broadcast %slice3A_2477 : vector<1x384xf32> to vector<360x384xf32>
    %sub3A_2481 = arith.subf %sub3A_2479, %sub3A_2480 : vector<360x384xf32>
    %sub3A_2482 = vector.broadcast %slice3A_2436 : vector<360x1xf32> to vector<360x384xf32>
    %sub3A_2483 = vector.broadcast %slice3A_2478 : vector<1x384xf32> to vector<360x384xf32>
    %sub3A_2484 = arith.subf %sub3A_2482, %sub3A_2483 : vector<360x384xf32>
    %mul3A_2485 = arith.mulf %sub3A_2481, %sub3A_2481 : vector<360x384xf32>
    %mul3A_2486 = arith.mulf %sub3A_2484, %sub3A_2484 : vector<360x384xf32>
    %add3A_2487 = arith.addf %mul3A_2485, %mul3A_2486 : vector<360x384xf32>
    %reduce_min3A_2488 = arith.constant dense<0x7F800000> : vector<384xf32>
    %reduce_min3A_2489 = vector.multi_reduction <minimumf>, %add3A_2487, %reduce_min3A_2488 [0] : vector<360x384xf32> to vector<384xf32>
    %broadcast_in_dim3A_2490 = vector.shape_cast %reduce_min3A_2489 : vector<384xf32> to vector<1x384xf32>
    %swap3A_2491 = arith.constant 1 : index
    %swap3A_2492 = arith.constant 21 : index
    %swap3A_2493 = arith.constant 0 : index
    %swap3A_2494 = vector.load %arg11[%swap3A_2491, %swap3A_2492, %swap3A_2493] : memref<2x32x384xf32, #tpu.memory_space<vmem>>, vector<1x1x384xf32>
    %swap3A_2495 = vector.shape_cast %swap3A_2494 : vector<1x1x384xf32> to vector<1x384xf32>
    %swap3A_2496 = vector.shape_cast %broadcast_in_dim3A_2490 : vector<1x384xf32> to vector<1x1x384xf32>
    tpu.vector_store %arg11[%swap3A_2491, %swap3A_2492, %swap3A_2493], %swap3A_2496 {strides = array<i32>} : memref<2x32x384xf32, #tpu.memory_space<vmem>>, vector<1x1x384xf32>,
    %get3A_2497 = arith.constant 0 : index
    %get3A_2498 = arith.constant 0 : index
    %get3A_2499 = arith.constant 0 : index
    %get3A_2500 = vector.load %arg5[%get3A_2497, %get3A_2498, %get3A_2499] : memref<1x32x128xf32, #tpu.memory_space<vmem>>, vector<1x32x128xf32>
    %get3A_2501 = vector.shape_cast %get3A_2500 : vector<1x32x128xf32> to vector<32x128xf32>
    %get3A_2502 = arith.constant 0 : index
    %get3A_2503 = arith.constant 0 : index
    %get3A_2504 = arith.constant 0 : index
    %get3A_2505 = vector.load %arg6[%get3A_2502, %get3A_2503, %get3A_2504] : memref<1x32x128xf32, #tpu.memory_space<vmem>>, vector<1x32x128xf32>
    %get3A_2506 = vector.shape_cast %get3A_2505 : vector<1x32x128xf32> to vector<32x128xf32>
    %slice3A_2507 = vector.extract_strided_slice %get3A_2501 {offsets = [21, 0], sizes = [1, 128], strides = [1, 1]} : vector<32x128xf32> to vector<1x128xf32>
    %slice3A_2508 = vector.extract_strided_slice %get3A_2506 {offsets = [21, 0], sizes = [1, 128], strides = [1, 1]} : vector<32x128xf32> to vector<1x128xf32>
    %sub3A_2509 = vector.broadcast %slice3A_2435 : vector<360x1xf32> to vector<360x128xf32>
    %sub3A_2510 = vector.broadcast %slice3A_2507 : vector<1x128xf32> to vector<360x128xf32>
    %sub3A_2511 = arith.subf %sub3A_2509, %sub3A_2510 : vector<360x128xf32>
    %sub3A_2512 = vector.broadcast %slice3A_2436 : vector<360x1xf32> to vector<360x128xf32>
    %sub3A_2513 = vector.broadcast %slice3A_2508 : vector<1x128xf32> to vector<360x128xf32>
    %sub3A_2514 = arith.subf %sub3A_2512, %sub3A_2513 : vector<360x128xf32>
    %mul3A_2515 = arith.mulf %sub3A_2511, %sub3A_2511 : vector<360x128xf32>
    %mul3A_2516 = arith.mulf %sub3A_2514, %sub3A_2514 : vector<360x128xf32>
    %add3A_2517 = arith.addf %mul3A_2515, %mul3A_2516 : vector<360x128xf32>
    %reduce_min3A_2518 = arith.constant dense<0x7F800000> : vector<128xf32>
    %reduce_min3A_2519 = vector.multi_reduction <minimumf>, %add3A_2517, %reduce_min3A_2518 [0] : vector<360x128xf32> to vector<128xf32>
    %broadcast_in_dim3A_2520 = vector.shape_cast %reduce_min3A_2519 : vector<128xf32> to vector<1x128xf32>
    %swap3A_2521 = arith.constant 21 : index
    %swap3A_2522 = arith.constant 0 : index
    %swap3A_2523 = vector.load %arg12[%swap3A_2521, %swap3A_2522] : memref<32x256xf32, #tpu.memory_space<vmem>>, vector<1x128xf32>
    tpu.vector_store %arg12[%swap3A_2521, %swap3A_2522], %broadcast_in_dim3A_2520 {strides = array<i32>} : memref<32x256xf32, #tpu.memory_space<vmem>>, vector<1x128xf32>,
    %get3A_2524 = arith.constant 0 : index
    %get3A_2525 = arith.constant 0 : index
    %get3A_2526 = arith.constant 0 : index
    %get3A_2527 = vector.load %arg7[%get3A_2524, %get3A_2525, %get3A_2526] : memref<1x32x128xf32, #tpu.memory_space<vmem>>, vector<1x32x128xf32>
    %get3A_2528 = vector.shape_cast %get3A_2527 : vector<1x32x128xf32> to vector<32x128xf32>
    %get3A_2529 = arith.constant 0 : index
    %get3A_2530 = arith.constant 0 : index
    %get3A_2531 = arith.constant 0 : index
    %get3A_2532 = vector.load %arg8[%get3A_2529, %get3A_2530, %get3A_2531] : memref<1x32x128xf32, #tpu.memory_space<vmem>>, vector<1x32x128xf32>
    %get3A_2533 = vector.shape_cast %get3A_2532 : vector<1x32x128xf32> to vector<32x128xf32>
    %slice3A_2534 = vector.extract_strided_slice %get3A_2528 {offsets = [21, 0], sizes = [1, 128], strides = [1, 1]} : vector<32x128xf32> to vector<1x128xf32>
    %slice3A_2535 = vector.extract_strided_slice %get3A_2533 {offsets = [21, 0], sizes = [1, 128], strides = [1, 1]} : vector<32x128xf32> to vector<1x128xf32>
    %sub3A_2536 = vector.broadcast %slice3A_2435 : vector<360x1xf32> to vector<360x128xf32>
    %sub3A_2537 = vector.broadcast %slice3A_2534 : vector<1x128xf32> to vector<360x128xf32>
    %sub3A_2538 = arith.subf %sub3A_2536, %sub3A_2537 : vector<360x128xf32>
    %sub3A_2539 = vector.broadcast %slice3A_2436 : vector<360x1xf32> to vector<360x128xf32>
    %sub3A_2540 = vector.broadcast %slice3A_2535 : vector<1x128xf32> to vector<360x128xf32>
    %sub3A_2541 = arith.subf %sub3A_2539, %sub3A_2540 : vector<360x128xf32>
    %mul3A_2542 = arith.mulf %sub3A_2538, %sub3A_2538 : vector<360x128xf32>
    %mul3A_2543 = arith.mulf %sub3A_2541, %sub3A_2541 : vector<360x128xf32>
    %add3A_2544 = arith.addf %mul3A_2542, %mul3A_2543 : vector<360x128xf32>
    %reduce_min3A_2545 = arith.constant dense<0x7F800000> : vector<128xf32>
    %reduce_min3A_2546 = vector.multi_reduction <minimumf>, %add3A_2544, %reduce_min3A_2545 [0] : vector<360x128xf32> to vector<128xf32>
    %broadcast_in_dim3A_2547 = vector.shape_cast %reduce_min3A_2546 : vector<128xf32> to vector<1x128xf32>
    %swap3A_2548 = arith.constant 21 : index
    %swap3A_2549 = arith.constant 128 : index
    %swap3A_2550 = vector.load %arg12[%swap3A_2548, %swap3A_2549] : memref<32x256xf32, #tpu.memory_space<vmem>>, vector<1x128xf32>
    tpu.vector_store %arg12[%swap3A_2548, %swap3A_2549], %broadcast_in_dim3A_2547 {strides = array<i32>} : memref<32x256xf32, #tpu.memory_space<vmem>>, vector<1x128xf32>,
    %slice3A_2551 = vector.extract_strided_slice %transpose3A {offsets = [0, 22], sizes = [360, 1], strides = [1, 1]} : vector<360x32xf32> to vector<360x1xf32>
    %slice3A_2552 = vector.extract_strided_slice %transpose3A_5 {offsets = [0, 22], sizes = [360, 1], strides = [1, 1]} : vector<360x32xf32> to vector<360x1xf32>
    %get3A_2553 = arith.constant 0 : index
    %get3A_2554 = arith.constant 0 : index
    %get3A_2555 = arith.constant 0 : index
    %get3A_2556 = vector.load %arg1[%get3A_2553, %get3A_2554, %get3A_2555] : memref<1x32x384xf32, #tpu.memory_space<vmem>>, vector<1x32x384xf32>
    %get3A_2557 = vector.shape_cast %get3A_2556 : vector<1x32x384xf32> to vector<32x384xf32>
    %get3A_2558 = arith.constant 0 : index
    %get3A_2559 = arith.constant 0 : index
    %get3A_2560 = arith.constant 0 : index
    %get3A_2561 = vector.load %arg2[%get3A_2558, %get3A_2559, %get3A_2560] : memref<1x32x384xf32, #tpu.memory_space<vmem>>, vector<1x32x384xf32>
    %get3A_2562 = vector.shape_cast %get3A_2561 : vector<1x32x384xf32> to vector<32x384xf32>
    %slice3A_2563 = vector.extract_strided_slice %get3A_2557 {offsets = [22, 0], sizes = [1, 384], strides = [1, 1]} : vector<32x384xf32> to vector<1x384xf32>
    %slice3A_2564 = vector.extract_strided_slice %get3A_2562 {offsets = [22, 0], sizes = [1, 384], strides = [1, 1]} : vector<32x384xf32> to vector<1x384xf32>
    %sub3A_2565 = vector.broadcast %slice3A_2551 : vector<360x1xf32> to vector<360x384xf32>
    %sub3A_2566 = vector.broadcast %slice3A_2563 : vector<1x384xf32> to vector<360x384xf32>
    %sub3A_2567 = arith.subf %sub3A_2565, %sub3A_2566 : vector<360x384xf32>
    %sub3A_2568 = vector.broadcast %slice3A_2552 : vector<360x1xf32> to vector<360x384xf32>
    %sub3A_2569 = vector.broadcast %slice3A_2564 : vector<1x384xf32> to vector<360x384xf32>
    %sub3A_2570 = arith.subf %sub3A_2568, %sub3A_2569 : vector<360x384xf32>
    %mul3A_2571 = arith.mulf %sub3A_2567, %sub3A_2567 : vector<360x384xf32>
    %mul3A_2572 = arith.mulf %sub3A_2570, %sub3A_2570 : vector<360x384xf32>
    %add3A_2573 = arith.addf %mul3A_2571, %mul3A_2572 : vector<360x384xf32>
    %reduce_min3A_2574 = arith.constant dense<0x7F800000> : vector<384xf32>
    %reduce_min3A_2575 = vector.multi_reduction <minimumf>, %add3A_2573, %reduce_min3A_2574 [0] : vector<360x384xf32> to vector<384xf32>
    %broadcast_in_dim3A_2576 = vector.shape_cast %reduce_min3A_2575 : vector<384xf32> to vector<1x384xf32>
    %swap3A_2577 = arith.constant 0 : index
    %swap3A_2578 = arith.constant 22 : index
    %swap3A_2579 = arith.constant 0 : index
    %swap3A_2580 = vector.load %arg11[%swap3A_2577, %swap3A_2578, %swap3A_2579] : memref<2x32x384xf32, #tpu.memory_space<vmem>>, vector<1x1x384xf32>
    %swap3A_2581 = vector.shape_cast %swap3A_2580 : vector<1x1x384xf32> to vector<1x384xf32>
    %swap3A_2582 = vector.shape_cast %broadcast_in_dim3A_2576 : vector<1x384xf32> to vector<1x1x384xf32>
    tpu.vector_store %arg11[%swap3A_2577, %swap3A_2578, %swap3A_2579], %swap3A_2582 {strides = array<i32>} : memref<2x32x384xf32, #tpu.memory_space<vmem>>, vector<1x1x384xf32>,
    %get3A_2583 = arith.constant 0 : index
    %get3A_2584 = arith.constant 0 : index
    %get3A_2585 = arith.constant 0 : index
    %get3A_2586 = vector.load %arg3[%get3A_2583, %get3A_2584, %get3A_2585] : memref<1x32x384xf32, #tpu.memory_space<vmem>>, vector<1x32x384xf32>
    %get3A_2587 = vector.shape_cast %get3A_2586 : vector<1x32x384xf32> to vector<32x384xf32>
    %get3A_2588 = arith.constant 0 : index
    %get3A_2589 = arith.constant 0 : index
    %get3A_2590 = arith.constant 0 : index
    %get3A_2591 = vector.load %arg4[%get3A_2588, %get3A_2589, %get3A_2590] : memref<1x32x384xf32, #tpu.memory_space<vmem>>, vector<1x32x384xf32>
    %get3A_2592 = vector.shape_cast %get3A_2591 : vector<1x32x384xf32> to vector<32x384xf32>
    %slice3A_2593 = vector.extract_strided_slice %get3A_2587 {offsets = [22, 0], sizes = [1, 384], strides = [1, 1]} : vector<32x384xf32> to vector<1x384xf32>
    %slice3A_2594 = vector.extract_strided_slice %get3A_2592 {offsets = [22, 0], sizes = [1, 384], strides = [1, 1]} : vector<32x384xf32> to vector<1x384xf32>
    %sub3A_2595 = vector.broadcast %slice3A_2551 : vector<360x1xf32> to vector<360x384xf32>
    %sub3A_2596 = vector.broadcast %slice3A_2593 : vector<1x384xf32> to vector<360x384xf32>
    %sub3A_2597 = arith.subf %sub3A_2595, %sub3A_2596 : vector<360x384xf32>
    %sub3A_2598 = vector.broadcast %slice3A_2552 : vector<360x1xf32> to vector<360x384xf32>
    %sub3A_2599 = vector.broadcast %slice3A_2594 : vector<1x384xf32> to vector<360x384xf32>
    %sub3A_2600 = arith.subf %sub3A_2598, %sub3A_2599 : vector<360x384xf32>
    %mul3A_2601 = arith.mulf %sub3A_2597, %sub3A_2597 : vector<360x384xf32>
    %mul3A_2602 = arith.mulf %sub3A_2600, %sub3A_2600 : vector<360x384xf32>
    %add3A_2603 = arith.addf %mul3A_2601, %mul3A_2602 : vector<360x384xf32>
    %reduce_min3A_2604 = arith.constant dense<0x7F800000> : vector<384xf32>
    %reduce_min3A_2605 = vector.multi_reduction <minimumf>, %add3A_2603, %reduce_min3A_2604 [0] : vector<360x384xf32> to vector<384xf32>
    %broadcast_in_dim3A_2606 = vector.shape_cast %reduce_min3A_2605 : vector<384xf32> to vector<1x384xf32>
    %swap3A_2607 = arith.constant 1 : index
    %swap3A_2608 = arith.constant 22 : index
    %swap3A_2609 = arith.constant 0 : index
    %swap3A_2610 = vector.load %arg11[%swap3A_2607, %swap3A_2608, %swap3A_2609] : memref<2x32x384xf32, #tpu.memory_space<vmem>>, vector<1x1x384xf32>
    %swap3A_2611 = vector.shape_cast %swap3A_2610 : vector<1x1x384xf32> to vector<1x384xf32>
    %swap3A_2612 = vector.shape_cast %broadcast_in_dim3A_2606 : vector<1x384xf32> to vector<1x1x384xf32>
    tpu.vector_store %arg11[%swap3A_2607, %swap3A_2608, %swap3A_2609], %swap3A_2612 {strides = array<i32>} : memref<2x32x384xf32, #tpu.memory_space<vmem>>, vector<1x1x384xf32>,
    %get3A_2613 = arith.constant 0 : index
    %get3A_2614 = arith.constant 0 : index
    %get3A_2615 = arith.constant 0 : index
    %get3A_2616 = vector.load %arg5[%get3A_2613, %get3A_2614, %get3A_2615] : memref<1x32x128xf32, #tpu.memory_space<vmem>>, vector<1x32x128xf32>
    %get3A_2617 = vector.shape_cast %get3A_2616 : vector<1x32x128xf32> to vector<32x128xf32>
    %get3A_2618 = arith.constant 0 : index
    %get3A_2619 = arith.constant 0 : index
    %get3A_2620 = arith.constant 0 : index
    %get3A_2621 = vector.load %arg6[%get3A_2618, %get3A_2619, %get3A_2620] : memref<1x32x128xf32, #tpu.memory_space<vmem>>, vector<1x32x128xf32>
    %get3A_2622 = vector.shape_cast %get3A_2621 : vector<1x32x128xf32> to vector<32x128xf32>
    %slice3A_2623 = vector.extract_strided_slice %get3A_2617 {offsets = [22, 0], sizes = [1, 128], strides = [1, 1]} : vector<32x128xf32> to vector<1x128xf32>
    %slice3A_2624 = vector.extract_strided_slice %get3A_2622 {offsets = [22, 0], sizes = [1, 128], strides = [1, 1]} : vector<32x128xf32> to vector<1x128xf32>
    %sub3A_2625 = vector.broadcast %slice3A_2551 : vector<360x1xf32> to vector<360x128xf32>
    %sub3A_2626 = vector.broadcast %slice3A_2623 : vector<1x128xf32> to vector<360x128xf32>
    %sub3A_2627 = arith.subf %sub3A_2625, %sub3A_2626 : vector<360x128xf32>
    %sub3A_2628 = vector.broadcast %slice3A_2552 : vector<360x1xf32> to vector<360x128xf32>
    %sub3A_2629 = vector.broadcast %slice3A_2624 : vector<1x128xf32> to vector<360x128xf32>
    %sub3A_2630 = arith.subf %sub3A_2628, %sub3A_2629 : vector<360x128xf32>
    %mul3A_2631 = arith.mulf %sub3A_2627, %sub3A_2627 : vector<360x128xf32>
    %mul3A_2632 = arith.mulf %sub3A_2630, %sub3A_2630 : vector<360x128xf32>
    %add3A_2633 = arith.addf %mul3A_2631, %mul3A_2632 : vector<360x128xf32>
    %reduce_min3A_2634 = arith.constant dense<0x7F800000> : vector<128xf32>
    %reduce_min3A_2635 = vector.multi_reduction <minimumf>, %add3A_2633, %reduce_min3A_2634 [0] : vector<360x128xf32> to vector<128xf32>
    %broadcast_in_dim3A_2636 = vector.shape_cast %reduce_min3A_2635 : vector<128xf32> to vector<1x128xf32>
    %swap3A_2637 = arith.constant 22 : index
    %swap3A_2638 = arith.constant 0 : index
    %swap3A_2639 = vector.load %arg12[%swap3A_2637, %swap3A_2638] : memref<32x256xf32, #tpu.memory_space<vmem>>, vector<1x128xf32>
    tpu.vector_store %arg12[%swap3A_2637, %swap3A_2638], %broadcast_in_dim3A_2636 {strides = array<i32>} : memref<32x256xf32, #tpu.memory_space<vmem>>, vector<1x128xf32>,
    %get3A_2640 = arith.constant 0 : index
    %get3A_2641 = arith.constant 0 : index
    %get3A_2642 = arith.constant 0 : index
    %get3A_2643 = vector.load %arg7[%get3A_2640, %get3A_2641, %get3A_2642] : memref<1x32x128xf32, #tpu.memory_space<vmem>>, vector<1x32x128xf32>
    %get3A_2644 = vector.shape_cast %get3A_2643 : vector<1x32x128xf32> to vector<32x128xf32>
    %get3A_2645 = arith.constant 0 : index
    %get3A_2646 = arith.constant 0 : index
    %get3A_2647 = arith.constant 0 : index
    %get3A_2648 = vector.load %arg8[%get3A_2645, %get3A_2646, %get3A_2647] : memref<1x32x128xf32, #tpu.memory_space<vmem>>, vector<1x32x128xf32>
    %get3A_2649 = vector.shape_cast %get3A_2648 : vector<1x32x128xf32> to vector<32x128xf32>
    %slice3A_2650 = vector.extract_strided_slice %get3A_2644 {offsets = [22, 0], sizes = [1, 128], strides = [1, 1]} : vector<32x128xf32> to vector<1x128xf32>
    %slice3A_2651 = vector.extract_strided_slice %get3A_2649 {offsets = [22, 0], sizes = [1, 128], strides = [1, 1]} : vector<32x128xf32> to vector<1x128xf32>
    %sub3A_2652 = vector.broadcast %slice3A_2551 : vector<360x1xf32> to vector<360x128xf32>
    %sub3A_2653 = vector.broadcast %slice3A_2650 : vector<1x128xf32> to vector<360x128xf32>
    %sub3A_2654 = arith.subf %sub3A_2652, %sub3A_2653 : vector<360x128xf32>
    %sub3A_2655 = vector.broadcast %slice3A_2552 : vector<360x1xf32> to vector<360x128xf32>
    %sub3A_2656 = vector.broadcast %slice3A_2651 : vector<1x128xf32> to vector<360x128xf32>
    %sub3A_2657 = arith.subf %sub3A_2655, %sub3A_2656 : vector<360x128xf32>
    %mul3A_2658 = arith.mulf %sub3A_2654, %sub3A_2654 : vector<360x128xf32>
    %mul3A_2659 = arith.mulf %sub3A_2657, %sub3A_2657 : vector<360x128xf32>
    %add3A_2660 = arith.addf %mul3A_2658, %mul3A_2659 : vector<360x128xf32>
    %reduce_min3A_2661 = arith.constant dense<0x7F800000> : vector<128xf32>
    %reduce_min3A_2662 = vector.multi_reduction <minimumf>, %add3A_2660, %reduce_min3A_2661 [0] : vector<360x128xf32> to vector<128xf32>
    %broadcast_in_dim3A_2663 = vector.shape_cast %reduce_min3A_2662 : vector<128xf32> to vector<1x128xf32>
    %swap3A_2664 = arith.constant 22 : index
    %swap3A_2665 = arith.constant 128 : index
    %swap3A_2666 = vector.load %arg12[%swap3A_2664, %swap3A_2665] : memref<32x256xf32, #tpu.memory_space<vmem>>, vector<1x128xf32>
    tpu.vector_store %arg12[%swap3A_2664, %swap3A_2665], %broadcast_in_dim3A_2663 {strides = array<i32>} : memref<32x256xf32, #tpu.memory_space<vmem>>, vector<1x128xf32>,
    %slice3A_2667 = vector.extract_strided_slice %transpose3A {offsets = [0, 23], sizes = [360, 1], strides = [1, 1]} : vector<360x32xf32> to vector<360x1xf32>
    %slice3A_2668 = vector.extract_strided_slice %transpose3A_5 {offsets = [0, 23], sizes = [360, 1], strides = [1, 1]} : vector<360x32xf32> to vector<360x1xf32>
    %get3A_2669 = arith.constant 0 : index
    %get3A_2670 = arith.constant 0 : index
    %get3A_2671 = arith.constant 0 : index
    %get3A_2672 = vector.load %arg1[%get3A_2669, %get3A_2670, %get3A_2671] : memref<1x32x384xf32, #tpu.memory_space<vmem>>, vector<1x32x384xf32>
    %get3A_2673 = vector.shape_cast %get3A_2672 : vector<1x32x384xf32> to vector<32x384xf32>
    %get3A_2674 = arith.constant 0 : index
    %get3A_2675 = arith.constant 0 : index
    %get3A_2676 = arith.constant 0 : index
    %get3A_2677 = vector.load %arg2[%get3A_2674, %get3A_2675, %get3A_2676] : memref<1x32x384xf32, #tpu.memory_space<vmem>>, vector<1x32x384xf32>
    %get3A_2678 = vector.shape_cast %get3A_2677 : vector<1x32x384xf32> to vector<32x384xf32>
    %slice3A_2679 = vector.extract_strided_slice %get3A_2673 {offsets = [23, 0], sizes = [1, 384], strides = [1, 1]} : vector<32x384xf32> to vector<1x384xf32>
    %slice3A_2680 = vector.extract_strided_slice %get3A_2678 {offsets = [23, 0], sizes = [1, 384], strides = [1, 1]} : vector<32x384xf32> to vector<1x384xf32>
    %sub3A_2681 = vector.broadcast %slice3A_2667 : vector<360x1xf32> to vector<360x384xf32>
    %sub3A_2682 = vector.broadcast %slice3A_2679 : vector<1x384xf32> to vector<360x384xf32>
    %sub3A_2683 = arith.subf %sub3A_2681, %sub3A_2682 : vector<360x384xf32>
    %sub3A_2684 = vector.broadcast %slice3A_2668 : vector<360x1xf32> to vector<360x384xf32>
    %sub3A_2685 = vector.broadcast %slice3A_2680 : vector<1x384xf32> to vector<360x384xf32>
    %sub3A_2686 = arith.subf %sub3A_2684, %sub3A_2685 : vector<360x384xf32>
    %mul3A_2687 = arith.mulf %sub3A_2683, %sub3A_2683 : vector<360x384xf32>
    %mul3A_2688 = arith.mulf %sub3A_2686, %sub3A_2686 : vector<360x384xf32>
    %add3A_2689 = arith.addf %mul3A_2687, %mul3A_2688 : vector<360x384xf32>
    %reduce_min3A_2690 = arith.constant dense<0x7F800000> : vector<384xf32>
    %reduce_min3A_2691 = vector.multi_reduction <minimumf>, %add3A_2689, %reduce_min3A_2690 [0] : vector<360x384xf32> to vector<384xf32>
    %broadcast_in_dim3A_2692 = vector.shape_cast %reduce_min3A_2691 : vector<384xf32> to vector<1x384xf32>
    %swap3A_2693 = arith.constant 0 : index
    %swap3A_2694 = arith.constant 23 : index
    %swap3A_2695 = arith.constant 0 : index
    %swap3A_2696 = vector.load %arg11[%swap3A_2693, %swap3A_2694, %swap3A_2695] : memref<2x32x384xf32, #tpu.memory_space<vmem>>, vector<1x1x384xf32>
    %swap3A_2697 = vector.shape_cast %swap3A_2696 : vector<1x1x384xf32> to vector<1x384xf32>
    %swap3A_2698 = vector.shape_cast %broadcast_in_dim3A_2692 : vector<1x384xf32> to vector<1x1x384xf32>
    tpu.vector_store %arg11[%swap3A_2693, %swap3A_2694, %swap3A_2695], %swap3A_2698 {strides = array<i32>} : memref<2x32x384xf32, #tpu.memory_space<vmem>>, vector<1x1x384xf32>,
    %get3A_2699 = arith.constant 0 : index
    %get3A_2700 = arith.constant 0 : index
    %get3A_2701 = arith.constant 0 : index
    %get3A_2702 = vector.load %arg3[%get3A_2699, %get3A_2700, %get3A_2701] : memref<1x32x384xf32, #tpu.memory_space<vmem>>, vector<1x32x384xf32>
    %get3A_2703 = vector.shape_cast %get3A_2702 : vector<1x32x384xf32> to vector<32x384xf32>
    %get3A_2704 = arith.constant 0 : index
    %get3A_2705 = arith.constant 0 : index
    %get3A_2706 = arith.constant 0 : index
    %get3A_2707 = vector.load %arg4[%get3A_2704, %get3A_2705, %get3A_2706] : memref<1x32x384xf32, #tpu.memory_space<vmem>>, vector<1x32x384xf32>
    %get3A_2708 = vector.shape_cast %get3A_2707 : vector<1x32x384xf32> to vector<32x384xf32>
    %slice3A_2709 = vector.extract_strided_slice %get3A_2703 {offsets = [23, 0], sizes = [1, 384], strides = [1, 1]} : vector<32x384xf32> to vector<1x384xf32>
    %slice3A_2710 = vector.extract_strided_slice %get3A_2708 {offsets = [23, 0], sizes = [1, 384], strides = [1, 1]} : vector<32x384xf32> to vector<1x384xf32>
    %sub3A_2711 = vector.broadcast %slice3A_2667 : vector<360x1xf32> to vector<360x384xf32>
    %sub3A_2712 = vector.broadcast %slice3A_2709 : vector<1x384xf32> to vector<360x384xf32>
    %sub3A_2713 = arith.subf %sub3A_2711, %sub3A_2712 : vector<360x384xf32>
    %sub3A_2714 = vector.broadcast %slice3A_2668 : vector<360x1xf32> to vector<360x384xf32>
    %sub3A_2715 = vector.broadcast %slice3A_2710 : vector<1x384xf32> to vector<360x384xf32>
    %sub3A_2716 = arith.subf %sub3A_2714, %sub3A_2715 : vector<360x384xf32>
    %mul3A_2717 = arith.mulf %sub3A_2713, %sub3A_2713 : vector<360x384xf32>
    %mul3A_2718 = arith.mulf %sub3A_2716, %sub3A_2716 : vector<360x384xf32>
    %add3A_2719 = arith.addf %mul3A_2717, %mul3A_2718 : vector<360x384xf32>
    %reduce_min3A_2720 = arith.constant dense<0x7F800000> : vector<384xf32>
    %reduce_min3A_2721 = vector.multi_reduction <minimumf>, %add3A_2719, %reduce_min3A_2720 [0] : vector<360x384xf32> to vector<384xf32>
    %broadcast_in_dim3A_2722 = vector.shape_cast %reduce_min3A_2721 : vector<384xf32> to vector<1x384xf32>
    %swap3A_2723 = arith.constant 1 : index
    %swap3A_2724 = arith.constant 23 : index
    %swap3A_2725 = arith.constant 0 : index
    %swap3A_2726 = vector.load %arg11[%swap3A_2723, %swap3A_2724, %swap3A_2725] : memref<2x32x384xf32, #tpu.memory_space<vmem>>, vector<1x1x384xf32>
    %swap3A_2727 = vector.shape_cast %swap3A_2726 : vector<1x1x384xf32> to vector<1x384xf32>
    %swap3A_2728 = vector.shape_cast %broadcast_in_dim3A_2722 : vector<1x384xf32> to vector<1x1x384xf32>
    tpu.vector_store %arg11[%swap3A_2723, %swap3A_2724, %swap3A_2725], %swap3A_2728 {strides = array<i32>} : memref<2x32x384xf32, #tpu.memory_space<vmem>>, vector<1x1x384xf32>,
    %get3A_2729 = arith.constant 0 : index
    %get3A_2730 = arith.constant 0 : index
    %get3A_2731 = arith.constant 0 : index
    %get3A_2732 = vector.load %arg5[%get3A_2729, %get3A_2730, %get3A_2731] : memref<1x32x128xf32, #tpu.memory_space<vmem>>, vector<1x32x128xf32>
    %get3A_2733 = vector.shape_cast %get3A_2732 : vector<1x32x128xf32> to vector<32x128xf32>
    %get3A_2734 = arith.constant 0 : index
    %get3A_2735 = arith.constant 0 : index
    %get3A_2736 = arith.constant 0 : index
    %get3A_2737 = vector.load %arg6[%get3A_2734, %get3A_2735, %get3A_2736] : memref<1x32x128xf32, #tpu.memory_space<vmem>>, vector<1x32x128xf32>
    %get3A_2738 = vector.shape_cast %get3A_2737 : vector<1x32x128xf32> to vector<32x128xf32>
    %slice3A_2739 = vector.extract_strided_slice %get3A_2733 {offsets = [23, 0], sizes = [1, 128], strides = [1, 1]} : vector<32x128xf32> to vector<1x128xf32>
    %slice3A_2740 = vector.extract_strided_slice %get3A_2738 {offsets = [23, 0], sizes = [1, 128], strides = [1, 1]} : vector<32x128xf32> to vector<1x128xf32>
    %sub3A_2741 = vector.broadcast %slice3A_2667 : vector<360x1xf32> to vector<360x128xf32>
    %sub3A_2742 = vector.broadcast %slice3A_2739 : vector<1x128xf32> to vector<360x128xf32>
    %sub3A_2743 = arith.subf %sub3A_2741, %sub3A_2742 : vector<360x128xf32>
    %sub3A_2744 = vector.broadcast %slice3A_2668 : vector<360x1xf32> to vector<360x128xf32>
    %sub3A_2745 = vector.broadcast %slice3A_2740 : vector<1x128xf32> to vector<360x128xf32>
    %sub3A_2746 = arith.subf %sub3A_2744, %sub3A_2745 : vector<360x128xf32>
    %mul3A_2747 = arith.mulf %sub3A_2743, %sub3A_2743 : vector<360x128xf32>
    %mul3A_2748 = arith.mulf %sub3A_2746, %sub3A_2746 : vector<360x128xf32>
    %add3A_2749 = arith.addf %mul3A_2747, %mul3A_2748 : vector<360x128xf32>
    %reduce_min3A_2750 = arith.constant dense<0x7F800000> : vector<128xf32>
    %reduce_min3A_2751 = vector.multi_reduction <minimumf>, %add3A_2749, %reduce_min3A_2750 [0] : vector<360x128xf32> to vector<128xf32>
    %broadcast_in_dim3A_2752 = vector.shape_cast %reduce_min3A_2751 : vector<128xf32> to vector<1x128xf32>
    %swap3A_2753 = arith.constant 23 : index
    %swap3A_2754 = arith.constant 0 : index
    %swap3A_2755 = vector.load %arg12[%swap3A_2753, %swap3A_2754] : memref<32x256xf32, #tpu.memory_space<vmem>>, vector<1x128xf32>
    tpu.vector_store %arg12[%swap3A_2753, %swap3A_2754], %broadcast_in_dim3A_2752 {strides = array<i32>} : memref<32x256xf32, #tpu.memory_space<vmem>>, vector<1x128xf32>,
    %get3A_2756 = arith.constant 0 : index
    %get3A_2757 = arith.constant 0 : index
    %get3A_2758 = arith.constant 0 : index
    %get3A_2759 = vector.load %arg7[%get3A_2756, %get3A_2757, %get3A_2758] : memref<1x32x128xf32, #tpu.memory_space<vmem>>, vector<1x32x128xf32>
    %get3A_2760 = vector.shape_cast %get3A_2759 : vector<1x32x128xf32> to vector<32x128xf32>
    %get3A_2761 = arith.constant 0 : index
    %get3A_2762 = arith.constant 0 : index
    %get3A_2763 = arith.constant 0 : index
    %get3A_2764 = vector.load %arg8[%get3A_2761, %get3A_2762, %get3A_2763] : memref<1x32x128xf32, #tpu.memory_space<vmem>>, vector<1x32x128xf32>
    %get3A_2765 = vector.shape_cast %get3A_2764 : vector<1x32x128xf32> to vector<32x128xf32>
    %slice3A_2766 = vector.extract_strided_slice %get3A_2760 {offsets = [23, 0], sizes = [1, 128], strides = [1, 1]} : vector<32x128xf32> to vector<1x128xf32>
    %slice3A_2767 = vector.extract_strided_slice %get3A_2765 {offsets = [23, 0], sizes = [1, 128], strides = [1, 1]} : vector<32x128xf32> to vector<1x128xf32>
    %sub3A_2768 = vector.broadcast %slice3A_2667 : vector<360x1xf32> to vector<360x128xf32>
    %sub3A_2769 = vector.broadcast %slice3A_2766 : vector<1x128xf32> to vector<360x128xf32>
    %sub3A_2770 = arith.subf %sub3A_2768, %sub3A_2769 : vector<360x128xf32>
    %sub3A_2771 = vector.broadcast %slice3A_2668 : vector<360x1xf32> to vector<360x128xf32>
    %sub3A_2772 = vector.broadcast %slice3A_2767 : vector<1x128xf32> to vector<360x128xf32>
    %sub3A_2773 = arith.subf %sub3A_2771, %sub3A_2772 : vector<360x128xf32>
    %mul3A_2774 = arith.mulf %sub3A_2770, %sub3A_2770 : vector<360x128xf32>
    %mul3A_2775 = arith.mulf %sub3A_2773, %sub3A_2773 : vector<360x128xf32>
    %add3A_2776 = arith.addf %mul3A_2774, %mul3A_2775 : vector<360x128xf32>
    %reduce_min3A_2777 = arith.constant dense<0x7F800000> : vector<128xf32>
    %reduce_min3A_2778 = vector.multi_reduction <minimumf>, %add3A_2776, %reduce_min3A_2777 [0] : vector<360x128xf32> to vector<128xf32>
    %broadcast_in_dim3A_2779 = vector.shape_cast %reduce_min3A_2778 : vector<128xf32> to vector<1x128xf32>
    %swap3A_2780 = arith.constant 23 : index
    %swap3A_2781 = arith.constant 128 : index
    %swap3A_2782 = vector.load %arg12[%swap3A_2780, %swap3A_2781] : memref<32x256xf32, #tpu.memory_space<vmem>>, vector<1x128xf32>
    tpu.vector_store %arg12[%swap3A_2780, %swap3A_2781], %broadcast_in_dim3A_2779 {strides = array<i32>} : memref<32x256xf32, #tpu.memory_space<vmem>>, vector<1x128xf32>,
    %slice3A_2783 = vector.extract_strided_slice %transpose3A {offsets = [0, 24], sizes = [360, 1], strides = [1, 1]} : vector<360x32xf32> to vector<360x1xf32>
    %slice3A_2784 = vector.extract_strided_slice %transpose3A_5 {offsets = [0, 24], sizes = [360, 1], strides = [1, 1]} : vector<360x32xf32> to vector<360x1xf32>
    %get3A_2785 = arith.constant 0 : index
    %get3A_2786 = arith.constant 0 : index
    %get3A_2787 = arith.constant 0 : index
    %get3A_2788 = vector.load %arg1[%get3A_2785, %get3A_2786, %get3A_2787] : memref<1x32x384xf32, #tpu.memory_space<vmem>>, vector<1x32x384xf32>
    %get3A_2789 = vector.shape_cast %get3A_2788 : vector<1x32x384xf32> to vector<32x384xf32>
    %get3A_2790 = arith.constant 0 : index
    %get3A_2791 = arith.constant 0 : index
    %get3A_2792 = arith.constant 0 : index
    %get3A_2793 = vector.load %arg2[%get3A_2790, %get3A_2791, %get3A_2792] : memref<1x32x384xf32, #tpu.memory_space<vmem>>, vector<1x32x384xf32>
    %get3A_2794 = vector.shape_cast %get3A_2793 : vector<1x32x384xf32> to vector<32x384xf32>
    %slice3A_2795 = vector.extract_strided_slice %get3A_2789 {offsets = [24, 0], sizes = [1, 384], strides = [1, 1]} : vector<32x384xf32> to vector<1x384xf32>
    %slice3A_2796 = vector.extract_strided_slice %get3A_2794 {offsets = [24, 0], sizes = [1, 384], strides = [1, 1]} : vector<32x384xf32> to vector<1x384xf32>
    %sub3A_2797 = vector.broadcast %slice3A_2783 : vector<360x1xf32> to vector<360x384xf32>
    %sub3A_2798 = vector.broadcast %slice3A_2795 : vector<1x384xf32> to vector<360x384xf32>
    %sub3A_2799 = arith.subf %sub3A_2797, %sub3A_2798 : vector<360x384xf32>
    %sub3A_2800 = vector.broadcast %slice3A_2784 : vector<360x1xf32> to vector<360x384xf32>
    %sub3A_2801 = vector.broadcast %slice3A_2796 : vector<1x384xf32> to vector<360x384xf32>
    %sub3A_2802 = arith.subf %sub3A_2800, %sub3A_2801 : vector<360x384xf32>
    %mul3A_2803 = arith.mulf %sub3A_2799, %sub3A_2799 : vector<360x384xf32>
    %mul3A_2804 = arith.mulf %sub3A_2802, %sub3A_2802 : vector<360x384xf32>
    %add3A_2805 = arith.addf %mul3A_2803, %mul3A_2804 : vector<360x384xf32>
    %reduce_min3A_2806 = arith.constant dense<0x7F800000> : vector<384xf32>
    %reduce_min3A_2807 = vector.multi_reduction <minimumf>, %add3A_2805, %reduce_min3A_2806 [0] : vector<360x384xf32> to vector<384xf32>
    %broadcast_in_dim3A_2808 = vector.shape_cast %reduce_min3A_2807 : vector<384xf32> to vector<1x384xf32>
    %swap3A_2809 = arith.constant 0 : index
    %swap3A_2810 = arith.constant 24 : index
    %swap3A_2811 = arith.constant 0 : index
    %swap3A_2812 = vector.load %arg11[%swap3A_2809, %swap3A_2810, %swap3A_2811] : memref<2x32x384xf32, #tpu.memory_space<vmem>>, vector<1x1x384xf32>
    %swap3A_2813 = vector.shape_cast %swap3A_2812 : vector<1x1x384xf32> to vector<1x384xf32>
    %swap3A_2814 = vector.shape_cast %broadcast_in_dim3A_2808 : vector<1x384xf32> to vector<1x1x384xf32>
    tpu.vector_store %arg11[%swap3A_2809, %swap3A_2810, %swap3A_2811], %swap3A_2814 {strides = array<i32>} : memref<2x32x384xf32, #tpu.memory_space<vmem>>, vector<1x1x384xf32>,
    %get3A_2815 = arith.constant 0 : index
    %get3A_2816 = arith.constant 0 : index
    %get3A_2817 = arith.constant 0 : index
    %get3A_2818 = vector.load %arg3[%get3A_2815, %get3A_2816, %get3A_2817] : memref<1x32x384xf32, #tpu.memory_space<vmem>>, vector<1x32x384xf32>
    %get3A_2819 = vector.shape_cast %get3A_2818 : vector<1x32x384xf32> to vector<32x384xf32>
    %get3A_2820 = arith.constant 0 : index
    %get3A_2821 = arith.constant 0 : index
    %get3A_2822 = arith.constant 0 : index
    %get3A_2823 = vector.load %arg4[%get3A_2820, %get3A_2821, %get3A_2822] : memref<1x32x384xf32, #tpu.memory_space<vmem>>, vector<1x32x384xf32>
    %get3A_2824 = vector.shape_cast %get3A_2823 : vector<1x32x384xf32> to vector<32x384xf32>
    %slice3A_2825 = vector.extract_strided_slice %get3A_2819 {offsets = [24, 0], sizes = [1, 384], strides = [1, 1]} : vector<32x384xf32> to vector<1x384xf32>
    %slice3A_2826 = vector.extract_strided_slice %get3A_2824 {offsets = [24, 0], sizes = [1, 384], strides = [1, 1]} : vector<32x384xf32> to vector<1x384xf32>
    %sub3A_2827 = vector.broadcast %slice3A_2783 : vector<360x1xf32> to vector<360x384xf32>
    %sub3A_2828 = vector.broadcast %slice3A_2825 : vector<1x384xf32> to vector<360x384xf32>
    %sub3A_2829 = arith.subf %sub3A_2827, %sub3A_2828 : vector<360x384xf32>
    %sub3A_2830 = vector.broadcast %slice3A_2784 : vector<360x1xf32> to vector<360x384xf32>
    %sub3A_2831 = vector.broadcast %slice3A_2826 : vector<1x384xf32> to vector<360x384xf32>
    %sub3A_2832 = arith.subf %sub3A_2830, %sub3A_2831 : vector<360x384xf32>
    %mul3A_2833 = arith.mulf %sub3A_2829, %sub3A_2829 : vector<360x384xf32>
    %mul3A_2834 = arith.mulf %sub3A_2832, %sub3A_2832 : vector<360x384xf32>
    %add3A_2835 = arith.addf %mul3A_2833, %mul3A_2834 : vector<360x384xf32>
    %reduce_min3A_2836 = arith.constant dense<0x7F800000> : vector<384xf32>
    %reduce_min3A_2837 = vector.multi_reduction <minimumf>, %add3A_2835, %reduce_min3A_2836 [0] : vector<360x384xf32> to vector<384xf32>
    %broadcast_in_dim3A_2838 = vector.shape_cast %reduce_min3A_2837 : vector<384xf32> to vector<1x384xf32>
    %swap3A_2839 = arith.constant 1 : index
    %swap3A_2840 = arith.constant 24 : index
    %swap3A_2841 = arith.constant 0 : index
    %swap3A_2842 = vector.load %arg11[%swap3A_2839, %swap3A_2840, %swap3A_2841] : memref<2x32x384xf32, #tpu.memory_space<vmem>>, vector<1x1x384xf32>
    %swap3A_2843 = vector.shape_cast %swap3A_2842 : vector<1x1x384xf32> to vector<1x384xf32>
    %swap3A_2844 = vector.shape_cast %broadcast_in_dim3A_2838 : vector<1x384xf32> to vector<1x1x384xf32>
    tpu.vector_store %arg11[%swap3A_2839, %swap3A_2840, %swap3A_2841], %swap3A_2844 {strides = array<i32>} : memref<2x32x384xf32, #tpu.memory_space<vmem>>, vector<1x1x384xf32>,
    %get3A_2845 = arith.constant 0 : index
    %get3A_2846 = arith.constant 0 : index
    %get3A_2847 = arith.constant 0 : index
    %get3A_2848 = vector.load %arg5[%get3A_2845, %get3A_2846, %get3A_2847] : memref<1x32x128xf32, #tpu.memory_space<vmem>>, vector<1x32x128xf32>
    %get3A_2849 = vector.shape_cast %get3A_2848 : vector<1x32x128xf32> to vector<32x128xf32>
    %get3A_2850 = arith.constant 0 : index
    %get3A_2851 = arith.constant 0 : index
    %get3A_2852 = arith.constant 0 : index
    %get3A_2853 = vector.load %arg6[%get3A_2850, %get3A_2851, %get3A_2852] : memref<1x32x128xf32, #tpu.memory_space<vmem>>, vector<1x32x128xf32>
    %get3A_2854 = vector.shape_cast %get3A_2853 : vector<1x32x128xf32> to vector<32x128xf32>
    %slice3A_2855 = vector.extract_strided_slice %get3A_2849 {offsets = [24, 0], sizes = [1, 128], strides = [1, 1]} : vector<32x128xf32> to vector<1x128xf32>
    %slice3A_2856 = vector.extract_strided_slice %get3A_2854 {offsets = [24, 0], sizes = [1, 128], strides = [1, 1]} : vector<32x128xf32> to vector<1x128xf32>
    %sub3A_2857 = vector.broadcast %slice3A_2783 : vector<360x1xf32> to vector<360x128xf32>
    %sub3A_2858 = vector.broadcast %slice3A_2855 : vector<1x128xf32> to vector<360x128xf32>
    %sub3A_2859 = arith.subf %sub3A_2857, %sub3A_2858 : vector<360x128xf32>
    %sub3A_2860 = vector.broadcast %slice3A_2784 : vector<360x1xf32> to vector<360x128xf32>
    %sub3A_2861 = vector.broadcast %slice3A_2856 : vector<1x128xf32> to vector<360x128xf32>
    %sub3A_2862 = arith.subf %sub3A_2860, %sub3A_2861 : vector<360x128xf32>
    %mul3A_2863 = arith.mulf %sub3A_2859, %sub3A_2859 : vector<360x128xf32>
    %mul3A_2864 = arith.mulf %sub3A_2862, %sub3A_2862 : vector<360x128xf32>
    %add3A_2865 = arith.addf %mul3A_2863, %mul3A_2864 : vector<360x128xf32>
    %reduce_min3A_2866 = arith.constant dense<0x7F800000> : vector<128xf32>
    %reduce_min3A_2867 = vector.multi_reduction <minimumf>, %add3A_2865, %reduce_min3A_2866 [0] : vector<360x128xf32> to vector<128xf32>
    %broadcast_in_dim3A_2868 = vector.shape_cast %reduce_min3A_2867 : vector<128xf32> to vector<1x128xf32>
    %swap3A_2869 = arith.constant 24 : index
    %swap3A_2870 = arith.constant 0 : index
    %swap3A_2871 = vector.load %arg12[%swap3A_2869, %swap3A_2870] : memref<32x256xf32, #tpu.memory_space<vmem>>, vector<1x128xf32>
    tpu.vector_store %arg12[%swap3A_2869, %swap3A_2870], %broadcast_in_dim3A_2868 {strides = array<i32>} : memref<32x256xf32, #tpu.memory_space<vmem>>, vector<1x128xf32>,
    %get3A_2872 = arith.constant 0 : index
    %get3A_2873 = arith.constant 0 : index
    %get3A_2874 = arith.constant 0 : index
    %get3A_2875 = vector.load %arg7[%get3A_2872, %get3A_2873, %get3A_2874] : memref<1x32x128xf32, #tpu.memory_space<vmem>>, vector<1x32x128xf32>
    %get3A_2876 = vector.shape_cast %get3A_2875 : vector<1x32x128xf32> to vector<32x128xf32>
    %get3A_2877 = arith.constant 0 : index
    %get3A_2878 = arith.constant 0 : index
    %get3A_2879 = arith.constant 0 : index
    %get3A_2880 = vector.load %arg8[%get3A_2877, %get3A_2878, %get3A_2879] : memref<1x32x128xf32, #tpu.memory_space<vmem>>, vector<1x32x128xf32>
    %get3A_2881 = vector.shape_cast %get3A_2880 : vector<1x32x128xf32> to vector<32x128xf32>
    %slice3A_2882 = vector.extract_strided_slice %get3A_2876 {offsets = [24, 0], sizes = [1, 128], strides = [1, 1]} : vector<32x128xf32> to vector<1x128xf32>
    %slice3A_2883 = vector.extract_strided_slice %get3A_2881 {offsets = [24, 0], sizes = [1, 128], strides = [1, 1]} : vector<32x128xf32> to vector<1x128xf32>
    %sub3A_2884 = vector.broadcast %slice3A_2783 : vector<360x1xf32> to vector<360x128xf32>
    %sub3A_2885 = vector.broadcast %slice3A_2882 : vector<1x128xf32> to vector<360x128xf32>
    %sub3A_2886 = arith.subf %sub3A_2884, %sub3A_2885 : vector<360x128xf32>
    %sub3A_2887 = vector.broadcast %slice3A_2784 : vector<360x1xf32> to vector<360x128xf32>
    %sub3A_2888 = vector.broadcast %slice3A_2883 : vector<1x128xf32> to vector<360x128xf32>
    %sub3A_2889 = arith.subf %sub3A_2887, %sub3A_2888 : vector<360x128xf32>
    %mul3A_2890 = arith.mulf %sub3A_2886, %sub3A_2886 : vector<360x128xf32>
    %mul3A_2891 = arith.mulf %sub3A_2889, %sub3A_2889 : vector<360x128xf32>
    %add3A_2892 = arith.addf %mul3A_2890, %mul3A_2891 : vector<360x128xf32>
    %reduce_min3A_2893 = arith.constant dense<0x7F800000> : vector<128xf32>
    %reduce_min3A_2894 = vector.multi_reduction <minimumf>, %add3A_2892, %reduce_min3A_2893 [0] : vector<360x128xf32> to vector<128xf32>
    %broadcast_in_dim3A_2895 = vector.shape_cast %reduce_min3A_2894 : vector<128xf32> to vector<1x128xf32>
    %swap3A_2896 = arith.constant 24 : index
    %swap3A_2897 = arith.constant 128 : index
    %swap3A_2898 = vector.load %arg12[%swap3A_2896, %swap3A_2897] : memref<32x256xf32, #tpu.memory_space<vmem>>, vector<1x128xf32>
    tpu.vector_store %arg12[%swap3A_2896, %swap3A_2897], %broadcast_in_dim3A_2895 {strides = array<i32>} : memref<32x256xf32, #tpu.memory_space<vmem>>, vector<1x128xf32>,
    %slice3A_2899 = vector.extract_strided_slice %transpose3A {offsets = [0, 25], sizes = [360, 1], strides = [1, 1]} : vector<360x32xf32> to vector<360x1xf32>
    %slice3A_2900 = vector.extract_strided_slice %transpose3A_5 {offsets = [0, 25], sizes = [360, 1], strides = [1, 1]} : vector<360x32xf32> to vector<360x1xf32>
    %get3A_2901 = arith.constant 0 : index
    %get3A_2902 = arith.constant 0 : index
    %get3A_2903 = arith.constant 0 : index
    %get3A_2904 = vector.load %arg1[%get3A_2901, %get3A_2902, %get3A_2903] : memref<1x32x384xf32, #tpu.memory_space<vmem>>, vector<1x32x384xf32>
    %get3A_2905 = vector.shape_cast %get3A_2904 : vector<1x32x384xf32> to vector<32x384xf32>
    %get3A_2906 = arith.constant 0 : index
    %get3A_2907 = arith.constant 0 : index
    %get3A_2908 = arith.constant 0 : index
    %get3A_2909 = vector.load %arg2[%get3A_2906, %get3A_2907, %get3A_2908] : memref<1x32x384xf32, #tpu.memory_space<vmem>>, vector<1x32x384xf32>
    %get3A_2910 = vector.shape_cast %get3A_2909 : vector<1x32x384xf32> to vector<32x384xf32>
    %slice3A_2911 = vector.extract_strided_slice %get3A_2905 {offsets = [25, 0], sizes = [1, 384], strides = [1, 1]} : vector<32x384xf32> to vector<1x384xf32>
    %slice3A_2912 = vector.extract_strided_slice %get3A_2910 {offsets = [25, 0], sizes = [1, 384], strides = [1, 1]} : vector<32x384xf32> to vector<1x384xf32>
    %sub3A_2913 = vector.broadcast %slice3A_2899 : vector<360x1xf32> to vector<360x384xf32>
    %sub3A_2914 = vector.broadcast %slice3A_2911 : vector<1x384xf32> to vector<360x384xf32>
    %sub3A_2915 = arith.subf %sub3A_2913, %sub3A_2914 : vector<360x384xf32>
    %sub3A_2916 = vector.broadcast %slice3A_2900 : vector<360x1xf32> to vector<360x384xf32>
    %sub3A_2917 = vector.broadcast %slice3A_2912 : vector<1x384xf32> to vector<360x384xf32>
    %sub3A_2918 = arith.subf %sub3A_2916, %sub3A_2917 : vector<360x384xf32>
    %mul3A_2919 = arith.mulf %sub3A_2915, %sub3A_2915 : vector<360x384xf32>
    %mul3A_2920 = arith.mulf %sub3A_2918, %sub3A_2918 : vector<360x384xf32>
    %add3A_2921 = arith.addf %mul3A_2919, %mul3A_2920 : vector<360x384xf32>
    %reduce_min3A_2922 = arith.constant dense<0x7F800000> : vector<384xf32>
    %reduce_min3A_2923 = vector.multi_reduction <minimumf>, %add3A_2921, %reduce_min3A_2922 [0] : vector<360x384xf32> to vector<384xf32>
    %broadcast_in_dim3A_2924 = vector.shape_cast %reduce_min3A_2923 : vector<384xf32> to vector<1x384xf32>
    %swap3A_2925 = arith.constant 0 : index
    %swap3A_2926 = arith.constant 25 : index
    %swap3A_2927 = arith.constant 0 : index
    %swap3A_2928 = vector.load %arg11[%swap3A_2925, %swap3A_2926, %swap3A_2927] : memref<2x32x384xf32, #tpu.memory_space<vmem>>, vector<1x1x384xf32>
    %swap3A_2929 = vector.shape_cast %swap3A_2928 : vector<1x1x384xf32> to vector<1x384xf32>
    %swap3A_2930 = vector.shape_cast %broadcast_in_dim3A_2924 : vector<1x384xf32> to vector<1x1x384xf32>
    tpu.vector_store %arg11[%swap3A_2925, %swap3A_2926, %swap3A_2927], %swap3A_2930 {strides = array<i32>} : memref<2x32x384xf32, #tpu.memory_space<vmem>>, vector<1x1x384xf32>,
    %get3A_2931 = arith.constant 0 : index
    %get3A_2932 = arith.constant 0 : index
    %get3A_2933 = arith.constant 0 : index
    %get3A_2934 = vector.load %arg3[%get3A_2931, %get3A_2932, %get3A_2933] : memref<1x32x384xf32, #tpu.memory_space<vmem>>, vector<1x32x384xf32>
    %get3A_2935 = vector.shape_cast %get3A_2934 : vector<1x32x384xf32> to vector<32x384xf32>
    %get3A_2936 = arith.constant 0 : index
    %get3A_2937 = arith.constant 0 : index
    %get3A_2938 = arith.constant 0 : index
    %get3A_2939 = vector.load %arg4[%get3A_2936, %get3A_2937, %get3A_2938] : memref<1x32x384xf32, #tpu.memory_space<vmem>>, vector<1x32x384xf32>
    %get3A_2940 = vector.shape_cast %get3A_2939 : vector<1x32x384xf32> to vector<32x384xf32>
    %slice3A_2941 = vector.extract_strided_slice %get3A_2935 {offsets = [25, 0], sizes = [1, 384], strides = [1, 1]} : vector<32x384xf32> to vector<1x384xf32>
    %slice3A_2942 = vector.extract_strided_slice %get3A_2940 {offsets = [25, 0], sizes = [1, 384], strides = [1, 1]} : vector<32x384xf32> to vector<1x384xf32>
    %sub3A_2943 = vector.broadcast %slice3A_2899 : vector<360x1xf32> to vector<360x384xf32>
    %sub3A_2944 = vector.broadcast %slice3A_2941 : vector<1x384xf32> to vector<360x384xf32>
    %sub3A_2945 = arith.subf %sub3A_2943, %sub3A_2944 : vector<360x384xf32>
    %sub3A_2946 = vector.broadcast %slice3A_2900 : vector<360x1xf32> to vector<360x384xf32>
    %sub3A_2947 = vector.broadcast %slice3A_2942 : vector<1x384xf32> to vector<360x384xf32>
    %sub3A_2948 = arith.subf %sub3A_2946, %sub3A_2947 : vector<360x384xf32>
    %mul3A_2949 = arith.mulf %sub3A_2945, %sub3A_2945 : vector<360x384xf32>
    %mul3A_2950 = arith.mulf %sub3A_2948, %sub3A_2948 : vector<360x384xf32>
    %add3A_2951 = arith.addf %mul3A_2949, %mul3A_2950 : vector<360x384xf32>
    %reduce_min3A_2952 = arith.constant dense<0x7F800000> : vector<384xf32>
    %reduce_min3A_2953 = vector.multi_reduction <minimumf>, %add3A_2951, %reduce_min3A_2952 [0] : vector<360x384xf32> to vector<384xf32>
    %broadcast_in_dim3A_2954 = vector.shape_cast %reduce_min3A_2953 : vector<384xf32> to vector<1x384xf32>
    %swap3A_2955 = arith.constant 1 : index
    %swap3A_2956 = arith.constant 25 : index
    %swap3A_2957 = arith.constant 0 : index
    %swap3A_2958 = vector.load %arg11[%swap3A_2955, %swap3A_2956, %swap3A_2957] : memref<2x32x384xf32, #tpu.memory_space<vmem>>, vector<1x1x384xf32>
    %swap3A_2959 = vector.shape_cast %swap3A_2958 : vector<1x1x384xf32> to vector<1x384xf32>
    %swap3A_2960 = vector.shape_cast %broadcast_in_dim3A_2954 : vector<1x384xf32> to vector<1x1x384xf32>
    tpu.vector_store %arg11[%swap3A_2955, %swap3A_2956, %swap3A_2957], %swap3A_2960 {strides = array<i32>} : memref<2x32x384xf32, #tpu.memory_space<vmem>>, vector<1x1x384xf32>,
    %get3A_2961 = arith.constant 0 : index
    %get3A_2962 = arith.constant 0 : index
    %get3A_2963 = arith.constant 0 : index
    %get3A_2964 = vector.load %arg5[%get3A_2961, %get3A_2962, %get3A_2963] : memref<1x32x128xf32, #tpu.memory_space<vmem>>, vector<1x32x128xf32>
    %get3A_2965 = vector.shape_cast %get3A_2964 : vector<1x32x128xf32> to vector<32x128xf32>
    %get3A_2966 = arith.constant 0 : index
    %get3A_2967 = arith.constant 0 : index
    %get3A_2968 = arith.constant 0 : index
    %get3A_2969 = vector.load %arg6[%get3A_2966, %get3A_2967, %get3A_2968] : memref<1x32x128xf32, #tpu.memory_space<vmem>>, vector<1x32x128xf32>
    %get3A_2970 = vector.shape_cast %get3A_2969 : vector<1x32x128xf32> to vector<32x128xf32>
    %slice3A_2971 = vector.extract_strided_slice %get3A_2965 {offsets = [25, 0], sizes = [1, 128], strides = [1, 1]} : vector<32x128xf32> to vector<1x128xf32>
    %slice3A_2972 = vector.extract_strided_slice %get3A_2970 {offsets = [25, 0], sizes = [1, 128], strides = [1, 1]} : vector<32x128xf32> to vector<1x128xf32>
    %sub3A_2973 = vector.broadcast %slice3A_2899 : vector<360x1xf32> to vector<360x128xf32>
    %sub3A_2974 = vector.broadcast %slice3A_2971 : vector<1x128xf32> to vector<360x128xf32>
    %sub3A_2975 = arith.subf %sub3A_2973, %sub3A_2974 : vector<360x128xf32>
    %sub3A_2976 = vector.broadcast %slice3A_2900 : vector<360x1xf32> to vector<360x128xf32>
    %sub3A_2977 = vector.broadcast %slice3A_2972 : vector<1x128xf32> to vector<360x128xf32>
    %sub3A_2978 = arith.subf %sub3A_2976, %sub3A_2977 : vector<360x128xf32>
    %mul3A_2979 = arith.mulf %sub3A_2975, %sub3A_2975 : vector<360x128xf32>
    %mul3A_2980 = arith.mulf %sub3A_2978, %sub3A_2978 : vector<360x128xf32>
    %add3A_2981 = arith.addf %mul3A_2979, %mul3A_2980 : vector<360x128xf32>
    %reduce_min3A_2982 = arith.constant dense<0x7F800000> : vector<128xf32>
    %reduce_min3A_2983 = vector.multi_reduction <minimumf>, %add3A_2981, %reduce_min3A_2982 [0] : vector<360x128xf32> to vector<128xf32>
    %broadcast_in_dim3A_2984 = vector.shape_cast %reduce_min3A_2983 : vector<128xf32> to vector<1x128xf32>
    %swap3A_2985 = arith.constant 25 : index
    %swap3A_2986 = arith.constant 0 : index
    %swap3A_2987 = vector.load %arg12[%swap3A_2985, %swap3A_2986] : memref<32x256xf32, #tpu.memory_space<vmem>>, vector<1x128xf32>
    tpu.vector_store %arg12[%swap3A_2985, %swap3A_2986], %broadcast_in_dim3A_2984 {strides = array<i32>} : memref<32x256xf32, #tpu.memory_space<vmem>>, vector<1x128xf32>,
    %get3A_2988 = arith.constant 0 : index
    %get3A_2989 = arith.constant 0 : index
    %get3A_2990 = arith.constant 0 : index
    %get3A_2991 = vector.load %arg7[%get3A_2988, %get3A_2989, %get3A_2990] : memref<1x32x128xf32, #tpu.memory_space<vmem>>, vector<1x32x128xf32>
    %get3A_2992 = vector.shape_cast %get3A_2991 : vector<1x32x128xf32> to vector<32x128xf32>
    %get3A_2993 = arith.constant 0 : index
    %get3A_2994 = arith.constant 0 : index
    %get3A_2995 = arith.constant 0 : index
    %get3A_2996 = vector.load %arg8[%get3A_2993, %get3A_2994, %get3A_2995] : memref<1x32x128xf32, #tpu.memory_space<vmem>>, vector<1x32x128xf32>
    %get3A_2997 = vector.shape_cast %get3A_2996 : vector<1x32x128xf32> to vector<32x128xf32>
    %slice3A_2998 = vector.extract_strided_slice %get3A_2992 {offsets = [25, 0], sizes = [1, 128], strides = [1, 1]} : vector<32x128xf32> to vector<1x128xf32>
    %slice3A_2999 = vector.extract_strided_slice %get3A_2997 {offsets = [25, 0], sizes = [1, 128], strides = [1, 1]} : vector<32x128xf32> to vector<1x128xf32>
    %sub3A_3000 = vector.broadcast %slice3A_2899 : vector<360x1xf32> to vector<360x128xf32>
    %sub3A_3001 = vector.broadcast %slice3A_2998 : vector<1x128xf32> to vector<360x128xf32>
    %sub3A_3002 = arith.subf %sub3A_3000, %sub3A_3001 : vector<360x128xf32>
    %sub3A_3003 = vector.broadcast %slice3A_2900 : vector<360x1xf32> to vector<360x128xf32>
    %sub3A_3004 = vector.broadcast %slice3A_2999 : vector<1x128xf32> to vector<360x128xf32>
    %sub3A_3005 = arith.subf %sub3A_3003, %sub3A_3004 : vector<360x128xf32>
    %mul3A_3006 = arith.mulf %sub3A_3002, %sub3A_3002 : vector<360x128xf32>
    %mul3A_3007 = arith.mulf %sub3A_3005, %sub3A_3005 : vector<360x128xf32>
    %add3A_3008 = arith.addf %mul3A_3006, %mul3A_3007 : vector<360x128xf32>
    %reduce_min3A_3009 = arith.constant dense<0x7F800000> : vector<128xf32>
    %reduce_min3A_3010 = vector.multi_reduction <minimumf>, %add3A_3008, %reduce_min3A_3009 [0] : vector<360x128xf32> to vector<128xf32>
    %broadcast_in_dim3A_3011 = vector.shape_cast %reduce_min3A_3010 : vector<128xf32> to vector<1x128xf32>
    %swap3A_3012 = arith.constant 25 : index
    %swap3A_3013 = arith.constant 128 : index
    %swap3A_3014 = vector.load %arg12[%swap3A_3012, %swap3A_3013] : memref<32x256xf32, #tpu.memory_space<vmem>>, vector<1x128xf32>
    tpu.vector_store %arg12[%swap3A_3012, %swap3A_3013], %broadcast_in_dim3A_3011 {strides = array<i32>} : memref<32x256xf32, #tpu.memory_space<vmem>>, vector<1x128xf32>,
    %slice3A_3015 = vector.extract_strided_slice %transpose3A {offsets = [0, 26], sizes = [360, 1], strides = [1, 1]} : vector<360x32xf32> to vector<360x1xf32>
    %slice3A_3016 = vector.extract_strided_slice %transpose3A_5 {offsets = [0, 26], sizes = [360, 1], strides = [1, 1]} : vector<360x32xf32> to vector<360x1xf32>
    %get3A_3017 = arith.constant 0 : index
    %get3A_3018 = arith.constant 0 : index
    %get3A_3019 = arith.constant 0 : index
    %get3A_3020 = vector.load %arg1[%get3A_3017, %get3A_3018, %get3A_3019] : memref<1x32x384xf32, #tpu.memory_space<vmem>>, vector<1x32x384xf32>
    %get3A_3021 = vector.shape_cast %get3A_3020 : vector<1x32x384xf32> to vector<32x384xf32>
    %get3A_3022 = arith.constant 0 : index
    %get3A_3023 = arith.constant 0 : index
    %get3A_3024 = arith.constant 0 : index
    %get3A_3025 = vector.load %arg2[%get3A_3022, %get3A_3023, %get3A_3024] : memref<1x32x384xf32, #tpu.memory_space<vmem>>, vector<1x32x384xf32>
    %get3A_3026 = vector.shape_cast %get3A_3025 : vector<1x32x384xf32> to vector<32x384xf32>
    %slice3A_3027 = vector.extract_strided_slice %get3A_3021 {offsets = [26, 0], sizes = [1, 384], strides = [1, 1]} : vector<32x384xf32> to vector<1x384xf32>
    %slice3A_3028 = vector.extract_strided_slice %get3A_3026 {offsets = [26, 0], sizes = [1, 384], strides = [1, 1]} : vector<32x384xf32> to vector<1x384xf32>
    %sub3A_3029 = vector.broadcast %slice3A_3015 : vector<360x1xf32> to vector<360x384xf32>
    %sub3A_3030 = vector.broadcast %slice3A_3027 : vector<1x384xf32> to vector<360x384xf32>
    %sub3A_3031 = arith.subf %sub3A_3029, %sub3A_3030 : vector<360x384xf32>
    %sub3A_3032 = vector.broadcast %slice3A_3016 : vector<360x1xf32> to vector<360x384xf32>
    %sub3A_3033 = vector.broadcast %slice3A_3028 : vector<1x384xf32> to vector<360x384xf32>
    %sub3A_3034 = arith.subf %sub3A_3032, %sub3A_3033 : vector<360x384xf32>
    %mul3A_3035 = arith.mulf %sub3A_3031, %sub3A_3031 : vector<360x384xf32>
    %mul3A_3036 = arith.mulf %sub3A_3034, %sub3A_3034 : vector<360x384xf32>
    %add3A_3037 = arith.addf %mul3A_3035, %mul3A_3036 : vector<360x384xf32>
    %reduce_min3A_3038 = arith.constant dense<0x7F800000> : vector<384xf32>
    %reduce_min3A_3039 = vector.multi_reduction <minimumf>, %add3A_3037, %reduce_min3A_3038 [0] : vector<360x384xf32> to vector<384xf32>
    %broadcast_in_dim3A_3040 = vector.shape_cast %reduce_min3A_3039 : vector<384xf32> to vector<1x384xf32>
    %swap3A_3041 = arith.constant 0 : index
    %swap3A_3042 = arith.constant 26 : index
    %swap3A_3043 = arith.constant 0 : index
    %swap3A_3044 = vector.load %arg11[%swap3A_3041, %swap3A_3042, %swap3A_3043] : memref<2x32x384xf32, #tpu.memory_space<vmem>>, vector<1x1x384xf32>
    %swap3A_3045 = vector.shape_cast %swap3A_3044 : vector<1x1x384xf32> to vector<1x384xf32>
    %swap3A_3046 = vector.shape_cast %broadcast_in_dim3A_3040 : vector<1x384xf32> to vector<1x1x384xf32>
    tpu.vector_store %arg11[%swap3A_3041, %swap3A_3042, %swap3A_3043], %swap3A_3046 {strides = array<i32>} : memref<2x32x384xf32, #tpu.memory_space<vmem>>, vector<1x1x384xf32>,
    %get3A_3047 = arith.constant 0 : index
    %get3A_3048 = arith.constant 0 : index
    %get3A_3049 = arith.constant 0 : index
    %get3A_3050 = vector.load %arg3[%get3A_3047, %get3A_3048, %get3A_3049] : memref<1x32x384xf32, #tpu.memory_space<vmem>>, vector<1x32x384xf32>
    %get3A_3051 = vector.shape_cast %get3A_3050 : vector<1x32x384xf32> to vector<32x384xf32>
    %get3A_3052 = arith.constant 0 : index
    %get3A_3053 = arith.constant 0 : index
    %get3A_3054 = arith.constant 0 : index
    %get3A_3055 = vector.load %arg4[%get3A_3052, %get3A_3053, %get3A_3054] : memref<1x32x384xf32, #tpu.memory_space<vmem>>, vector<1x32x384xf32>
    %get3A_3056 = vector.shape_cast %get3A_3055 : vector<1x32x384xf32> to vector<32x384xf32>
    %slice3A_3057 = vector.extract_strided_slice %get3A_3051 {offsets = [26, 0], sizes = [1, 384], strides = [1, 1]} : vector<32x384xf32> to vector<1x384xf32>
    %slice3A_3058 = vector.extract_strided_slice %get3A_3056 {offsets = [26, 0], sizes = [1, 384], strides = [1, 1]} : vector<32x384xf32> to vector<1x384xf32>
    %sub3A_3059 = vector.broadcast %slice3A_3015 : vector<360x1xf32> to vector<360x384xf32>
    %sub3A_3060 = vector.broadcast %slice3A_3057 : vector<1x384xf32> to vector<360x384xf32>
    %sub3A_3061 = arith.subf %sub3A_3059, %sub3A_3060 : vector<360x384xf32>
    %sub3A_3062 = vector.broadcast %slice3A_3016 : vector<360x1xf32> to vector<360x384xf32>
    %sub3A_3063 = vector.broadcast %slice3A_3058 : vector<1x384xf32> to vector<360x384xf32>
    %sub3A_3064 = arith.subf %sub3A_3062, %sub3A_3063 : vector<360x384xf32>
    %mul3A_3065 = arith.mulf %sub3A_3061, %sub3A_3061 : vector<360x384xf32>
    %mul3A_3066 = arith.mulf %sub3A_3064, %sub3A_3064 : vector<360x384xf32>
    %add3A_3067 = arith.addf %mul3A_3065, %mul3A_3066 : vector<360x384xf32>
    %reduce_min3A_3068 = arith.constant dense<0x7F800000> : vector<384xf32>
    %reduce_min3A_3069 = vector.multi_reduction <minimumf>, %add3A_3067, %reduce_min3A_3068 [0] : vector<360x384xf32> to vector<384xf32>
    %broadcast_in_dim3A_3070 = vector.shape_cast %reduce_min3A_3069 : vector<384xf32> to vector<1x384xf32>
    %swap3A_3071 = arith.constant 1 : index
    %swap3A_3072 = arith.constant 26 : index
    %swap3A_3073 = arith.constant 0 : index
    %swap3A_3074 = vector.load %arg11[%swap3A_3071, %swap3A_3072, %swap3A_3073] : memref<2x32x384xf32, #tpu.memory_space<vmem>>, vector<1x1x384xf32>
    %swap3A_3075 = vector.shape_cast %swap3A_3074 : vector<1x1x384xf32> to vector<1x384xf32>
    %swap3A_3076 = vector.shape_cast %broadcast_in_dim3A_3070 : vector<1x384xf32> to vector<1x1x384xf32>
    tpu.vector_store %arg11[%swap3A_3071, %swap3A_3072, %swap3A_3073], %swap3A_3076 {strides = array<i32>} : memref<2x32x384xf32, #tpu.memory_space<vmem>>, vector<1x1x384xf32>,
    %get3A_3077 = arith.constant 0 : index
    %get3A_3078 = arith.constant 0 : index
    %get3A_3079 = arith.constant 0 : index
    %get3A_3080 = vector.load %arg5[%get3A_3077, %get3A_3078, %get3A_3079] : memref<1x32x128xf32, #tpu.memory_space<vmem>>, vector<1x32x128xf32>
    %get3A_3081 = vector.shape_cast %get3A_3080 : vector<1x32x128xf32> to vector<32x128xf32>
    %get3A_3082 = arith.constant 0 : index
    %get3A_3083 = arith.constant 0 : index
    %get3A_3084 = arith.constant 0 : index
    %get3A_3085 = vector.load %arg6[%get3A_3082, %get3A_3083, %get3A_3084] : memref<1x32x128xf32, #tpu.memory_space<vmem>>, vector<1x32x128xf32>
    %get3A_3086 = vector.shape_cast %get3A_3085 : vector<1x32x128xf32> to vector<32x128xf32>
    %slice3A_3087 = vector.extract_strided_slice %get3A_3081 {offsets = [26, 0], sizes = [1, 128], strides = [1, 1]} : vector<32x128xf32> to vector<1x128xf32>
    %slice3A_3088 = vector.extract_strided_slice %get3A_3086 {offsets = [26, 0], sizes = [1, 128], strides = [1, 1]} : vector<32x128xf32> to vector<1x128xf32>
    %sub3A_3089 = vector.broadcast %slice3A_3015 : vector<360x1xf32> to vector<360x128xf32>
    %sub3A_3090 = vector.broadcast %slice3A_3087 : vector<1x128xf32> to vector<360x128xf32>
    %sub3A_3091 = arith.subf %sub3A_3089, %sub3A_3090 : vector<360x128xf32>
    %sub3A_3092 = vector.broadcast %slice3A_3016 : vector<360x1xf32> to vector<360x128xf32>
    %sub3A_3093 = vector.broadcast %slice3A_3088 : vector<1x128xf32> to vector<360x128xf32>
    %sub3A_3094 = arith.subf %sub3A_3092, %sub3A_3093 : vector<360x128xf32>
    %mul3A_3095 = arith.mulf %sub3A_3091, %sub3A_3091 : vector<360x128xf32>
    %mul3A_3096 = arith.mulf %sub3A_3094, %sub3A_3094 : vector<360x128xf32>
    %add3A_3097 = arith.addf %mul3A_3095, %mul3A_3096 : vector<360x128xf32>
    %reduce_min3A_3098 = arith.constant dense<0x7F800000> : vector<128xf32>
    %reduce_min3A_3099 = vector.multi_reduction <minimumf>, %add3A_3097, %reduce_min3A_3098 [0] : vector<360x128xf32> to vector<128xf32>
    %broadcast_in_dim3A_3100 = vector.shape_cast %reduce_min3A_3099 : vector<128xf32> to vector<1x128xf32>
    %swap3A_3101 = arith.constant 26 : index
    %swap3A_3102 = arith.constant 0 : index
    %swap3A_3103 = vector.load %arg12[%swap3A_3101, %swap3A_3102] : memref<32x256xf32, #tpu.memory_space<vmem>>, vector<1x128xf32>
    tpu.vector_store %arg12[%swap3A_3101, %swap3A_3102], %broadcast_in_dim3A_3100 {strides = array<i32>} : memref<32x256xf32, #tpu.memory_space<vmem>>, vector<1x128xf32>,
    %get3A_3104 = arith.constant 0 : index
    %get3A_3105 = arith.constant 0 : index
    %get3A_3106 = arith.constant 0 : index
    %get3A_3107 = vector.load %arg7[%get3A_3104, %get3A_3105, %get3A_3106] : memref<1x32x128xf32, #tpu.memory_space<vmem>>, vector<1x32x128xf32>
    %get3A_3108 = vector.shape_cast %get3A_3107 : vector<1x32x128xf32> to vector<32x128xf32>
    %get3A_3109 = arith.constant 0 : index
    %get3A_3110 = arith.constant 0 : index
    %get3A_3111 = arith.constant 0 : index
    %get3A_3112 = vector.load %arg8[%get3A_3109, %get3A_3110, %get3A_3111] : memref<1x32x128xf32, #tpu.memory_space<vmem>>, vector<1x32x128xf32>
    %get3A_3113 = vector.shape_cast %get3A_3112 : vector<1x32x128xf32> to vector<32x128xf32>
    %slice3A_3114 = vector.extract_strided_slice %get3A_3108 {offsets = [26, 0], sizes = [1, 128], strides = [1, 1]} : vector<32x128xf32> to vector<1x128xf32>
    %slice3A_3115 = vector.extract_strided_slice %get3A_3113 {offsets = [26, 0], sizes = [1, 128], strides = [1, 1]} : vector<32x128xf32> to vector<1x128xf32>
    %sub3A_3116 = vector.broadcast %slice3A_3015 : vector<360x1xf32> to vector<360x128xf32>
    %sub3A_3117 = vector.broadcast %slice3A_3114 : vector<1x128xf32> to vector<360x128xf32>
    %sub3A_3118 = arith.subf %sub3A_3116, %sub3A_3117 : vector<360x128xf32>
    %sub3A_3119 = vector.broadcast %slice3A_3016 : vector<360x1xf32> to vector<360x128xf32>
    %sub3A_3120 = vector.broadcast %slice3A_3115 : vector<1x128xf32> to vector<360x128xf32>
    %sub3A_3121 = arith.subf %sub3A_3119, %sub3A_3120 : vector<360x128xf32>
    %mul3A_3122 = arith.mulf %sub3A_3118, %sub3A_3118 : vector<360x128xf32>
    %mul3A_3123 = arith.mulf %sub3A_3121, %sub3A_3121 : vector<360x128xf32>
    %add3A_3124 = arith.addf %mul3A_3122, %mul3A_3123 : vector<360x128xf32>
    %reduce_min3A_3125 = arith.constant dense<0x7F800000> : vector<128xf32>
    %reduce_min3A_3126 = vector.multi_reduction <minimumf>, %add3A_3124, %reduce_min3A_3125 [0] : vector<360x128xf32> to vector<128xf32>
    %broadcast_in_dim3A_3127 = vector.shape_cast %reduce_min3A_3126 : vector<128xf32> to vector<1x128xf32>
    %swap3A_3128 = arith.constant 26 : index
    %swap3A_3129 = arith.constant 128 : index
    %swap3A_3130 = vector.load %arg12[%swap3A_3128, %swap3A_3129] : memref<32x256xf32, #tpu.memory_space<vmem>>, vector<1x128xf32>
    tpu.vector_store %arg12[%swap3A_3128, %swap3A_3129], %broadcast_in_dim3A_3127 {strides = array<i32>} : memref<32x256xf32, #tpu.memory_space<vmem>>, vector<1x128xf32>,
    %slice3A_3131 = vector.extract_strided_slice %transpose3A {offsets = [0, 27], sizes = [360, 1], strides = [1, 1]} : vector<360x32xf32> to vector<360x1xf32>
    %slice3A_3132 = vector.extract_strided_slice %transpose3A_5 {offsets = [0, 27], sizes = [360, 1], strides = [1, 1]} : vector<360x32xf32> to vector<360x1xf32>
    %get3A_3133 = arith.constant 0 : index
    %get3A_3134 = arith.constant 0 : index
    %get3A_3135 = arith.constant 0 : index
    %get3A_3136 = vector.load %arg1[%get3A_3133, %get3A_3134, %get3A_3135] : memref<1x32x384xf32, #tpu.memory_space<vmem>>, vector<1x32x384xf32>
    %get3A_3137 = vector.shape_cast %get3A_3136 : vector<1x32x384xf32> to vector<32x384xf32>
    %get3A_3138 = arith.constant 0 : index
    %get3A_3139 = arith.constant 0 : index
    %get3A_3140 = arith.constant 0 : index
    %get3A_3141 = vector.load %arg2[%get3A_3138, %get3A_3139, %get3A_3140] : memref<1x32x384xf32, #tpu.memory_space<vmem>>, vector<1x32x384xf32>
    %get3A_3142 = vector.shape_cast %get3A_3141 : vector<1x32x384xf32> to vector<32x384xf32>
    %slice3A_3143 = vector.extract_strided_slice %get3A_3137 {offsets = [27, 0], sizes = [1, 384], strides = [1, 1]} : vector<32x384xf32> to vector<1x384xf32>
    %slice3A_3144 = vector.extract_strided_slice %get3A_3142 {offsets = [27, 0], sizes = [1, 384], strides = [1, 1]} : vector<32x384xf32> to vector<1x384xf32>
    %sub3A_3145 = vector.broadcast %slice3A_3131 : vector<360x1xf32> to vector<360x384xf32>
    %sub3A_3146 = vector.broadcast %slice3A_3143 : vector<1x384xf32> to vector<360x384xf32>
    %sub3A_3147 = arith.subf %sub3A_3145, %sub3A_3146 : vector<360x384xf32>
    %sub3A_3148 = vector.broadcast %slice3A_3132 : vector<360x1xf32> to vector<360x384xf32>
    %sub3A_3149 = vector.broadcast %slice3A_3144 : vector<1x384xf32> to vector<360x384xf32>
    %sub3A_3150 = arith.subf %sub3A_3148, %sub3A_3149 : vector<360x384xf32>
    %mul3A_3151 = arith.mulf %sub3A_3147, %sub3A_3147 : vector<360x384xf32>
    %mul3A_3152 = arith.mulf %sub3A_3150, %sub3A_3150 : vector<360x384xf32>
    %add3A_3153 = arith.addf %mul3A_3151, %mul3A_3152 : vector<360x384xf32>
    %reduce_min3A_3154 = arith.constant dense<0x7F800000> : vector<384xf32>
    %reduce_min3A_3155 = vector.multi_reduction <minimumf>, %add3A_3153, %reduce_min3A_3154 [0] : vector<360x384xf32> to vector<384xf32>
    %broadcast_in_dim3A_3156 = vector.shape_cast %reduce_min3A_3155 : vector<384xf32> to vector<1x384xf32>
    %swap3A_3157 = arith.constant 0 : index
    %swap3A_3158 = arith.constant 27 : index
    %swap3A_3159 = arith.constant 0 : index
    %swap3A_3160 = vector.load %arg11[%swap3A_3157, %swap3A_3158, %swap3A_3159] : memref<2x32x384xf32, #tpu.memory_space<vmem>>, vector<1x1x384xf32>
    %swap3A_3161 = vector.shape_cast %swap3A_3160 : vector<1x1x384xf32> to vector<1x384xf32>
    %swap3A_3162 = vector.shape_cast %broadcast_in_dim3A_3156 : vector<1x384xf32> to vector<1x1x384xf32>
    tpu.vector_store %arg11[%swap3A_3157, %swap3A_3158, %swap3A_3159], %swap3A_3162 {strides = array<i32>} : memref<2x32x384xf32, #tpu.memory_space<vmem>>, vector<1x1x384xf32>,
    %get3A_3163 = arith.constant 0 : index
    %get3A_3164 = arith.constant 0 : index
    %get3A_3165 = arith.constant 0 : index
    %get3A_3166 = vector.load %arg3[%get3A_3163, %get3A_3164, %get3A_3165] : memref<1x32x384xf32, #tpu.memory_space<vmem>>, vector<1x32x384xf32>
    %get3A_3167 = vector.shape_cast %get3A_3166 : vector<1x32x384xf32> to vector<32x384xf32>
    %get3A_3168 = arith.constant 0 : index
    %get3A_3169 = arith.constant 0 : index
    %get3A_3170 = arith.constant 0 : index
    %get3A_3171 = vector.load %arg4[%get3A_3168, %get3A_3169, %get3A_3170] : memref<1x32x384xf32, #tpu.memory_space<vmem>>, vector<1x32x384xf32>
    %get3A_3172 = vector.shape_cast %get3A_3171 : vector<1x32x384xf32> to vector<32x384xf32>
    %slice3A_3173 = vector.extract_strided_slice %get3A_3167 {offsets = [27, 0], sizes = [1, 384], strides = [1, 1]} : vector<32x384xf32> to vector<1x384xf32>
    %slice3A_3174 = vector.extract_strided_slice %get3A_3172 {offsets = [27, 0], sizes = [1, 384], strides = [1, 1]} : vector<32x384xf32> to vector<1x384xf32>
    %sub3A_3175 = vector.broadcast %slice3A_3131 : vector<360x1xf32> to vector<360x384xf32>
    %sub3A_3176 = vector.broadcast %slice3A_3173 : vector<1x384xf32> to vector<360x384xf32>
    %sub3A_3177 = arith.subf %sub3A_3175, %sub3A_3176 : vector<360x384xf32>
    %sub3A_3178 = vector.broadcast %slice3A_3132 : vector<360x1xf32> to vector<360x384xf32>
    %sub3A_3179 = vector.broadcast %slice3A_3174 : vector<1x384xf32> to vector<360x384xf32>
    %sub3A_3180 = arith.subf %sub3A_3178, %sub3A_3179 : vector<360x384xf32>
    %mul3A_3181 = arith.mulf %sub3A_3177, %sub3A_3177 : vector<360x384xf32>
    %mul3A_3182 = arith.mulf %sub3A_3180, %sub3A_3180 : vector<360x384xf32>
    %add3A_3183 = arith.addf %mul3A_3181, %mul3A_3182 : vector<360x384xf32>
    %reduce_min3A_3184 = arith.constant dense<0x7F800000> : vector<384xf32>
    %reduce_min3A_3185 = vector.multi_reduction <minimumf>, %add3A_3183, %reduce_min3A_3184 [0] : vector<360x384xf32> to vector<384xf32>
    %broadcast_in_dim3A_3186 = vector.shape_cast %reduce_min3A_3185 : vector<384xf32> to vector<1x384xf32>
    %swap3A_3187 = arith.constant 1 : index
    %swap3A_3188 = arith.constant 27 : index
    %swap3A_3189 = arith.constant 0 : index
    %swap3A_3190 = vector.load %arg11[%swap3A_3187, %swap3A_3188, %swap3A_3189] : memref<2x32x384xf32, #tpu.memory_space<vmem>>, vector<1x1x384xf32>
    %swap3A_3191 = vector.shape_cast %swap3A_3190 : vector<1x1x384xf32> to vector<1x384xf32>
    %swap3A_3192 = vector.shape_cast %broadcast_in_dim3A_3186 : vector<1x384xf32> to vector<1x1x384xf32>
    tpu.vector_store %arg11[%swap3A_3187, %swap3A_3188, %swap3A_3189], %swap3A_3192 {strides = array<i32>} : memref<2x32x384xf32, #tpu.memory_space<vmem>>, vector<1x1x384xf32>,
    %get3A_3193 = arith.constant 0 : index
    %get3A_3194 = arith.constant 0 : index
    %get3A_3195 = arith.constant 0 : index
    %get3A_3196 = vector.load %arg5[%get3A_3193, %get3A_3194, %get3A_3195] : memref<1x32x128xf32, #tpu.memory_space<vmem>>, vector<1x32x128xf32>
    %get3A_3197 = vector.shape_cast %get3A_3196 : vector<1x32x128xf32> to vector<32x128xf32>
    %get3A_3198 = arith.constant 0 : index
    %get3A_3199 = arith.constant 0 : index
    %get3A_3200 = arith.constant 0 : index
    %get3A_3201 = vector.load %arg6[%get3A_3198, %get3A_3199, %get3A_3200] : memref<1x32x128xf32, #tpu.memory_space<vmem>>, vector<1x32x128xf32>
    %get3A_3202 = vector.shape_cast %get3A_3201 : vector<1x32x128xf32> to vector<32x128xf32>
    %slice3A_3203 = vector.extract_strided_slice %get3A_3197 {offsets = [27, 0], sizes = [1, 128], strides = [1, 1]} : vector<32x128xf32> to vector<1x128xf32>
    %slice3A_3204 = vector.extract_strided_slice %get3A_3202 {offsets = [27, 0], sizes = [1, 128], strides = [1, 1]} : vector<32x128xf32> to vector<1x128xf32>
    %sub3A_3205 = vector.broadcast %slice3A_3131 : vector<360x1xf32> to vector<360x128xf32>
    %sub3A_3206 = vector.broadcast %slice3A_3203 : vector<1x128xf32> to vector<360x128xf32>
    %sub3A_3207 = arith.subf %sub3A_3205, %sub3A_3206 : vector<360x128xf32>
    %sub3A_3208 = vector.broadcast %slice3A_3132 : vector<360x1xf32> to vector<360x128xf32>
    %sub3A_3209 = vector.broadcast %slice3A_3204 : vector<1x128xf32> to vector<360x128xf32>
    %sub3A_3210 = arith.subf %sub3A_3208, %sub3A_3209 : vector<360x128xf32>
    %mul3A_3211 = arith.mulf %sub3A_3207, %sub3A_3207 : vector<360x128xf32>
    %mul3A_3212 = arith.mulf %sub3A_3210, %sub3A_3210 : vector<360x128xf32>
    %add3A_3213 = arith.addf %mul3A_3211, %mul3A_3212 : vector<360x128xf32>
    %reduce_min3A_3214 = arith.constant dense<0x7F800000> : vector<128xf32>
    %reduce_min3A_3215 = vector.multi_reduction <minimumf>, %add3A_3213, %reduce_min3A_3214 [0] : vector<360x128xf32> to vector<128xf32>
    %broadcast_in_dim3A_3216 = vector.shape_cast %reduce_min3A_3215 : vector<128xf32> to vector<1x128xf32>
    %swap3A_3217 = arith.constant 27 : index
    %swap3A_3218 = arith.constant 0 : index
    %swap3A_3219 = vector.load %arg12[%swap3A_3217, %swap3A_3218] : memref<32x256xf32, #tpu.memory_space<vmem>>, vector<1x128xf32>
    tpu.vector_store %arg12[%swap3A_3217, %swap3A_3218], %broadcast_in_dim3A_3216 {strides = array<i32>} : memref<32x256xf32, #tpu.memory_space<vmem>>, vector<1x128xf32>,
    %get3A_3220 = arith.constant 0 : index
    %get3A_3221 = arith.constant 0 : index
    %get3A_3222 = arith.constant 0 : index
    %get3A_3223 = vector.load %arg7[%get3A_3220, %get3A_3221, %get3A_3222] : memref<1x32x128xf32, #tpu.memory_space<vmem>>, vector<1x32x128xf32>
    %get3A_3224 = vector.shape_cast %get3A_3223 : vector<1x32x128xf32> to vector<32x128xf32>
    %get3A_3225 = arith.constant 0 : index
    %get3A_3226 = arith.constant 0 : index
    %get3A_3227 = arith.constant 0 : index
    %get3A_3228 = vector.load %arg8[%get3A_3225, %get3A_3226, %get3A_3227] : memref<1x32x128xf32, #tpu.memory_space<vmem>>, vector<1x32x128xf32>
    %get3A_3229 = vector.shape_cast %get3A_3228 : vector<1x32x128xf32> to vector<32x128xf32>
    %slice3A_3230 = vector.extract_strided_slice %get3A_3224 {offsets = [27, 0], sizes = [1, 128], strides = [1, 1]} : vector<32x128xf32> to vector<1x128xf32>
    %slice3A_3231 = vector.extract_strided_slice %get3A_3229 {offsets = [27, 0], sizes = [1, 128], strides = [1, 1]} : vector<32x128xf32> to vector<1x128xf32>
    %sub3A_3232 = vector.broadcast %slice3A_3131 : vector<360x1xf32> to vector<360x128xf32>
    %sub3A_3233 = vector.broadcast %slice3A_3230 : vector<1x128xf32> to vector<360x128xf32>
    %sub3A_3234 = arith.subf %sub3A_3232, %sub3A_3233 : vector<360x128xf32>
    %sub3A_3235 = vector.broadcast %slice3A_3132 : vector<360x1xf32> to vector<360x128xf32>
    %sub3A_3236 = vector.broadcast %slice3A_3231 : vector<1x128xf32> to vector<360x128xf32>
    %sub3A_3237 = arith.subf %sub3A_3235, %sub3A_3236 : vector<360x128xf32>
    %mul3A_3238 = arith.mulf %sub3A_3234, %sub3A_3234 : vector<360x128xf32>
    %mul3A_3239 = arith.mulf %sub3A_3237, %sub3A_3237 : vector<360x128xf32>
    %add3A_3240 = arith.addf %mul3A_3238, %mul3A_3239 : vector<360x128xf32>
    %reduce_min3A_3241 = arith.constant dense<0x7F800000> : vector<128xf32>
    %reduce_min3A_3242 = vector.multi_reduction <minimumf>, %add3A_3240, %reduce_min3A_3241 [0] : vector<360x128xf32> to vector<128xf32>
    %broadcast_in_dim3A_3243 = vector.shape_cast %reduce_min3A_3242 : vector<128xf32> to vector<1x128xf32>
    %swap3A_3244 = arith.constant 27 : index
    %swap3A_3245 = arith.constant 128 : index
    %swap3A_3246 = vector.load %arg12[%swap3A_3244, %swap3A_3245] : memref<32x256xf32, #tpu.memory_space<vmem>>, vector<1x128xf32>
    tpu.vector_store %arg12[%swap3A_3244, %swap3A_3245], %broadcast_in_dim3A_3243 {strides = array<i32>} : memref<32x256xf32, #tpu.memory_space<vmem>>, vector<1x128xf32>,
    %slice3A_3247 = vector.extract_strided_slice %transpose3A {offsets = [0, 28], sizes = [360, 1], strides = [1, 1]} : vector<360x32xf32> to vector<360x1xf32>
    %slice3A_3248 = vector.extract_strided_slice %transpose3A_5 {offsets = [0, 28], sizes = [360, 1], strides = [1, 1]} : vector<360x32xf32> to vector<360x1xf32>
    %get3A_3249 = arith.constant 0 : index
    %get3A_3250 = arith.constant 0 : index
    %get3A_3251 = arith.constant 0 : index
    %get3A_3252 = vector.load %arg1[%get3A_3249, %get3A_3250, %get3A_3251] : memref<1x32x384xf32, #tpu.memory_space<vmem>>, vector<1x32x384xf32>
    %get3A_3253 = vector.shape_cast %get3A_3252 : vector<1x32x384xf32> to vector<32x384xf32>
    %get3A_3254 = arith.constant 0 : index
    %get3A_3255 = arith.constant 0 : index
    %get3A_3256 = arith.constant 0 : index
    %get3A_3257 = vector.load %arg2[%get3A_3254, %get3A_3255, %get3A_3256] : memref<1x32x384xf32, #tpu.memory_space<vmem>>, vector<1x32x384xf32>
    %get3A_3258 = vector.shape_cast %get3A_3257 : vector<1x32x384xf32> to vector<32x384xf32>
    %slice3A_3259 = vector.extract_strided_slice %get3A_3253 {offsets = [28, 0], sizes = [1, 384], strides = [1, 1]} : vector<32x384xf32> to vector<1x384xf32>
    %slice3A_3260 = vector.extract_strided_slice %get3A_3258 {offsets = [28, 0], sizes = [1, 384], strides = [1, 1]} : vector<32x384xf32> to vector<1x384xf32>
    %sub3A_3261 = vector.broadcast %slice3A_3247 : vector<360x1xf32> to vector<360x384xf32>
    %sub3A_3262 = vector.broadcast %slice3A_3259 : vector<1x384xf32> to vector<360x384xf32>
    %sub3A_3263 = arith.subf %sub3A_3261, %sub3A_3262 : vector<360x384xf32>
    %sub3A_3264 = vector.broadcast %slice3A_3248 : vector<360x1xf32> to vector<360x384xf32>
    %sub3A_3265 = vector.broadcast %slice3A_3260 : vector<1x384xf32> to vector<360x384xf32>
    %sub3A_3266 = arith.subf %sub3A_3264, %sub3A_3265 : vector<360x384xf32>
    %mul3A_3267 = arith.mulf %sub3A_3263, %sub3A_3263 : vector<360x384xf32>
    %mul3A_3268 = arith.mulf %sub3A_3266, %sub3A_3266 : vector<360x384xf32>
    %add3A_3269 = arith.addf %mul3A_3267, %mul3A_3268 : vector<360x384xf32>
    %reduce_min3A_3270 = arith.constant dense<0x7F800000> : vector<384xf32>
    %reduce_min3A_3271 = vector.multi_reduction <minimumf>, %add3A_3269, %reduce_min3A_3270 [0] : vector<360x384xf32> to vector<384xf32>
    %broadcast_in_dim3A_3272 = vector.shape_cast %reduce_min3A_3271 : vector<384xf32> to vector<1x384xf32>
    %swap3A_3273 = arith.constant 0 : index
    %swap3A_3274 = arith.constant 28 : index
    %swap3A_3275 = arith.constant 0 : index
    %swap3A_3276 = vector.load %arg11[%swap3A_3273, %swap3A_3274, %swap3A_3275] : memref<2x32x384xf32, #tpu.memory_space<vmem>>, vector<1x1x384xf32>
    %swap3A_3277 = vector.shape_cast %swap3A_3276 : vector<1x1x384xf32> to vector<1x384xf32>
    %swap3A_3278 = vector.shape_cast %broadcast_in_dim3A_3272 : vector<1x384xf32> to vector<1x1x384xf32>
    tpu.vector_store %arg11[%swap3A_3273, %swap3A_3274, %swap3A_3275], %swap3A_3278 {strides = array<i32>} : memref<2x32x384xf32, #tpu.memory_space<vmem>>, vector<1x1x384xf32>,
    %get3A_3279 = arith.constant 0 : index
    %get3A_3280 = arith.constant 0 : index
    %get3A_3281 = arith.constant 0 : index
    %get3A_3282 = vector.load %arg3[%get3A_3279, %get3A_3280, %get3A_3281] : memref<1x32x384xf32, #tpu.memory_space<vmem>>, vector<1x32x384xf32>
    %get3A_3283 = vector.shape_cast %get3A_3282 : vector<1x32x384xf32> to vector<32x384xf32>
    %get3A_3284 = arith.constant 0 : index
    %get3A_3285 = arith.constant 0 : index
    %get3A_3286 = arith.constant 0 : index
    %get3A_3287 = vector.load %arg4[%get3A_3284, %get3A_3285, %get3A_3286] : memref<1x32x384xf32, #tpu.memory_space<vmem>>, vector<1x32x384xf32>
    %get3A_3288 = vector.shape_cast %get3A_3287 : vector<1x32x384xf32> to vector<32x384xf32>
    %slice3A_3289 = vector.extract_strided_slice %get3A_3283 {offsets = [28, 0], sizes = [1, 384], strides = [1, 1]} : vector<32x384xf32> to vector<1x384xf32>
    %slice3A_3290 = vector.extract_strided_slice %get3A_3288 {offsets = [28, 0], sizes = [1, 384], strides = [1, 1]} : vector<32x384xf32> to vector<1x384xf32>
    %sub3A_3291 = vector.broadcast %slice3A_3247 : vector<360x1xf32> to vector<360x384xf32>
    %sub3A_3292 = vector.broadcast %slice3A_3289 : vector<1x384xf32> to vector<360x384xf32>
    %sub3A_3293 = arith.subf %sub3A_3291, %sub3A_3292 : vector<360x384xf32>
    %sub3A_3294 = vector.broadcast %slice3A_3248 : vector<360x1xf32> to vector<360x384xf32>
    %sub3A_3295 = vector.broadcast %slice3A_3290 : vector<1x384xf32> to vector<360x384xf32>
    %sub3A_3296 = arith.subf %sub3A_3294, %sub3A_3295 : vector<360x384xf32>
    %mul3A_3297 = arith.mulf %sub3A_3293, %sub3A_3293 : vector<360x384xf32>
    %mul3A_3298 = arith.mulf %sub3A_3296, %sub3A_3296 : vector<360x384xf32>
    %add3A_3299 = arith.addf %mul3A_3297, %mul3A_3298 : vector<360x384xf32>
    %reduce_min3A_3300 = arith.constant dense<0x7F800000> : vector<384xf32>
    %reduce_min3A_3301 = vector.multi_reduction <minimumf>, %add3A_3299, %reduce_min3A_3300 [0] : vector<360x384xf32> to vector<384xf32>
    %broadcast_in_dim3A_3302 = vector.shape_cast %reduce_min3A_3301 : vector<384xf32> to vector<1x384xf32>
    %swap3A_3303 = arith.constant 1 : index
    %swap3A_3304 = arith.constant 28 : index
    %swap3A_3305 = arith.constant 0 : index
    %swap3A_3306 = vector.load %arg11[%swap3A_3303, %swap3A_3304, %swap3A_3305] : memref<2x32x384xf32, #tpu.memory_space<vmem>>, vector<1x1x384xf32>
    %swap3A_3307 = vector.shape_cast %swap3A_3306 : vector<1x1x384xf32> to vector<1x384xf32>
    %swap3A_3308 = vector.shape_cast %broadcast_in_dim3A_3302 : vector<1x384xf32> to vector<1x1x384xf32>
    tpu.vector_store %arg11[%swap3A_3303, %swap3A_3304, %swap3A_3305], %swap3A_3308 {strides = array<i32>} : memref<2x32x384xf32, #tpu.memory_space<vmem>>, vector<1x1x384xf32>,
    %get3A_3309 = arith.constant 0 : index
    %get3A_3310 = arith.constant 0 : index
    %get3A_3311 = arith.constant 0 : index
    %get3A_3312 = vector.load %arg5[%get3A_3309, %get3A_3310, %get3A_3311] : memref<1x32x128xf32, #tpu.memory_space<vmem>>, vector<1x32x128xf32>
    %get3A_3313 = vector.shape_cast %get3A_3312 : vector<1x32x128xf32> to vector<32x128xf32>
    %get3A_3314 = arith.constant 0 : index
    %get3A_3315 = arith.constant 0 : index
    %get3A_3316 = arith.constant 0 : index
    %get3A_3317 = vector.load %arg6[%get3A_3314, %get3A_3315, %get3A_3316] : memref<1x32x128xf32, #tpu.memory_space<vmem>>, vector<1x32x128xf32>
    %get3A_3318 = vector.shape_cast %get3A_3317 : vector<1x32x128xf32> to vector<32x128xf32>
    %slice3A_3319 = vector.extract_strided_slice %get3A_3313 {offsets = [28, 0], sizes = [1, 128], strides = [1, 1]} : vector<32x128xf32> to vector<1x128xf32>
    %slice3A_3320 = vector.extract_strided_slice %get3A_3318 {offsets = [28, 0], sizes = [1, 128], strides = [1, 1]} : vector<32x128xf32> to vector<1x128xf32>
    %sub3A_3321 = vector.broadcast %slice3A_3247 : vector<360x1xf32> to vector<360x128xf32>
    %sub3A_3322 = vector.broadcast %slice3A_3319 : vector<1x128xf32> to vector<360x128xf32>
    %sub3A_3323 = arith.subf %sub3A_3321, %sub3A_3322 : vector<360x128xf32>
    %sub3A_3324 = vector.broadcast %slice3A_3248 : vector<360x1xf32> to vector<360x128xf32>
    %sub3A_3325 = vector.broadcast %slice3A_3320 : vector<1x128xf32> to vector<360x128xf32>
    %sub3A_3326 = arith.subf %sub3A_3324, %sub3A_3325 : vector<360x128xf32>
    %mul3A_3327 = arith.mulf %sub3A_3323, %sub3A_3323 : vector<360x128xf32>
    %mul3A_3328 = arith.mulf %sub3A_3326, %sub3A_3326 : vector<360x128xf32>
    %add3A_3329 = arith.addf %mul3A_3327, %mul3A_3328 : vector<360x128xf32>
    %reduce_min3A_3330 = arith.constant dense<0x7F800000> : vector<128xf32>
    %reduce_min3A_3331 = vector.multi_reduction <minimumf>, %add3A_3329, %reduce_min3A_3330 [0] : vector<360x128xf32> to vector<128xf32>
    %broadcast_in_dim3A_3332 = vector.shape_cast %reduce_min3A_3331 : vector<128xf32> to vector<1x128xf32>
    %swap3A_3333 = arith.constant 28 : index
    %swap3A_3334 = arith.constant 0 : index
    %swap3A_3335 = vector.load %arg12[%swap3A_3333, %swap3A_3334] : memref<32x256xf32, #tpu.memory_space<vmem>>, vector<1x128xf32>
    tpu.vector_store %arg12[%swap3A_3333, %swap3A_3334], %broadcast_in_dim3A_3332 {strides = array<i32>} : memref<32x256xf32, #tpu.memory_space<vmem>>, vector<1x128xf32>,
    %get3A_3336 = arith.constant 0 : index
    %get3A_3337 = arith.constant 0 : index
    %get3A_3338 = arith.constant 0 : index
    %get3A_3339 = vector.load %arg7[%get3A_3336, %get3A_3337, %get3A_3338] : memref<1x32x128xf32, #tpu.memory_space<vmem>>, vector<1x32x128xf32>
    %get3A_3340 = vector.shape_cast %get3A_3339 : vector<1x32x128xf32> to vector<32x128xf32>
    %get3A_3341 = arith.constant 0 : index
    %get3A_3342 = arith.constant 0 : index
    %get3A_3343 = arith.constant 0 : index
    %get3A_3344 = vector.load %arg8[%get3A_3341, %get3A_3342, %get3A_3343] : memref<1x32x128xf32, #tpu.memory_space<vmem>>, vector<1x32x128xf32>
    %get3A_3345 = vector.shape_cast %get3A_3344 : vector<1x32x128xf32> to vector<32x128xf32>
    %slice3A_3346 = vector.extract_strided_slice %get3A_3340 {offsets = [28, 0], sizes = [1, 128], strides = [1, 1]} : vector<32x128xf32> to vector<1x128xf32>
    %slice3A_3347 = vector.extract_strided_slice %get3A_3345 {offsets = [28, 0], sizes = [1, 128], strides = [1, 1]} : vector<32x128xf32> to vector<1x128xf32>
    %sub3A_3348 = vector.broadcast %slice3A_3247 : vector<360x1xf32> to vector<360x128xf32>
    %sub3A_3349 = vector.broadcast %slice3A_3346 : vector<1x128xf32> to vector<360x128xf32>
    %sub3A_3350 = arith.subf %sub3A_3348, %sub3A_3349 : vector<360x128xf32>
    %sub3A_3351 = vector.broadcast %slice3A_3248 : vector<360x1xf32> to vector<360x128xf32>
    %sub3A_3352 = vector.broadcast %slice3A_3347 : vector<1x128xf32> to vector<360x128xf32>
    %sub3A_3353 = arith.subf %sub3A_3351, %sub3A_3352 : vector<360x128xf32>
    %mul3A_3354 = arith.mulf %sub3A_3350, %sub3A_3350 : vector<360x128xf32>
    %mul3A_3355 = arith.mulf %sub3A_3353, %sub3A_3353 : vector<360x128xf32>
    %add3A_3356 = arith.addf %mul3A_3354, %mul3A_3355 : vector<360x128xf32>
    %reduce_min3A_3357 = arith.constant dense<0x7F800000> : vector<128xf32>
    %reduce_min3A_3358 = vector.multi_reduction <minimumf>, %add3A_3356, %reduce_min3A_3357 [0] : vector<360x128xf32> to vector<128xf32>
    %broadcast_in_dim3A_3359 = vector.shape_cast %reduce_min3A_3358 : vector<128xf32> to vector<1x128xf32>
    %swap3A_3360 = arith.constant 28 : index
    %swap3A_3361 = arith.constant 128 : index
    %swap3A_3362 = vector.load %arg12[%swap3A_3360, %swap3A_3361] : memref<32x256xf32, #tpu.memory_space<vmem>>, vector<1x128xf32>
    tpu.vector_store %arg12[%swap3A_3360, %swap3A_3361], %broadcast_in_dim3A_3359 {strides = array<i32>} : memref<32x256xf32, #tpu.memory_space<vmem>>, vector<1x128xf32>,
    %slice3A_3363 = vector.extract_strided_slice %transpose3A {offsets = [0, 29], sizes = [360, 1], strides = [1, 1]} : vector<360x32xf32> to vector<360x1xf32>
    %slice3A_3364 = vector.extract_strided_slice %transpose3A_5 {offsets = [0, 29], sizes = [360, 1], strides = [1, 1]} : vector<360x32xf32> to vector<360x1xf32>
    %get3A_3365 = arith.constant 0 : index
    %get3A_3366 = arith.constant 0 : index
    %get3A_3367 = arith.constant 0 : index
    %get3A_3368 = vector.load %arg1[%get3A_3365, %get3A_3366, %get3A_3367] : memref<1x32x384xf32, #tpu.memory_space<vmem>>, vector<1x32x384xf32>
    %get3A_3369 = vector.shape_cast %get3A_3368 : vector<1x32x384xf32> to vector<32x384xf32>
    %get3A_3370 = arith.constant 0 : index
    %get3A_3371 = arith.constant 0 : index
    %get3A_3372 = arith.constant 0 : index
    %get3A_3373 = vector.load %arg2[%get3A_3370, %get3A_3371, %get3A_3372] : memref<1x32x384xf32, #tpu.memory_space<vmem>>, vector<1x32x384xf32>
    %get3A_3374 = vector.shape_cast %get3A_3373 : vector<1x32x384xf32> to vector<32x384xf32>
    %slice3A_3375 = vector.extract_strided_slice %get3A_3369 {offsets = [29, 0], sizes = [1, 384], strides = [1, 1]} : vector<32x384xf32> to vector<1x384xf32>
    %slice3A_3376 = vector.extract_strided_slice %get3A_3374 {offsets = [29, 0], sizes = [1, 384], strides = [1, 1]} : vector<32x384xf32> to vector<1x384xf32>
    %sub3A_3377 = vector.broadcast %slice3A_3363 : vector<360x1xf32> to vector<360x384xf32>
    %sub3A_3378 = vector.broadcast %slice3A_3375 : vector<1x384xf32> to vector<360x384xf32>
    %sub3A_3379 = arith.subf %sub3A_3377, %sub3A_3378 : vector<360x384xf32>
    %sub3A_3380 = vector.broadcast %slice3A_3364 : vector<360x1xf32> to vector<360x384xf32>
    %sub3A_3381 = vector.broadcast %slice3A_3376 : vector<1x384xf32> to vector<360x384xf32>
    %sub3A_3382 = arith.subf %sub3A_3380, %sub3A_3381 : vector<360x384xf32>
    %mul3A_3383 = arith.mulf %sub3A_3379, %sub3A_3379 : vector<360x384xf32>
    %mul3A_3384 = arith.mulf %sub3A_3382, %sub3A_3382 : vector<360x384xf32>
    %add3A_3385 = arith.addf %mul3A_3383, %mul3A_3384 : vector<360x384xf32>
    %reduce_min3A_3386 = arith.constant dense<0x7F800000> : vector<384xf32>
    %reduce_min3A_3387 = vector.multi_reduction <minimumf>, %add3A_3385, %reduce_min3A_3386 [0] : vector<360x384xf32> to vector<384xf32>
    %broadcast_in_dim3A_3388 = vector.shape_cast %reduce_min3A_3387 : vector<384xf32> to vector<1x384xf32>
    %swap3A_3389 = arith.constant 0 : index
    %swap3A_3390 = arith.constant 29 : index
    %swap3A_3391 = arith.constant 0 : index
    %swap3A_3392 = vector.load %arg11[%swap3A_3389, %swap3A_3390, %swap3A_3391] : memref<2x32x384xf32, #tpu.memory_space<vmem>>, vector<1x1x384xf32>
    %swap3A_3393 = vector.shape_cast %swap3A_3392 : vector<1x1x384xf32> to vector<1x384xf32>
    %swap3A_3394 = vector.shape_cast %broadcast_in_dim3A_3388 : vector<1x384xf32> to vector<1x1x384xf32>
    tpu.vector_store %arg11[%swap3A_3389, %swap3A_3390, %swap3A_3391], %swap3A_3394 {strides = array<i32>} : memref<2x32x384xf32, #tpu.memory_space<vmem>>, vector<1x1x384xf32>,
    %get3A_3395 = arith.constant 0 : index
    %get3A_3396 = arith.constant 0 : index
    %get3A_3397 = arith.constant 0 : index
    %get3A_3398 = vector.load %arg3[%get3A_3395, %get3A_3396, %get3A_3397] : memref<1x32x384xf32, #tpu.memory_space<vmem>>, vector<1x32x384xf32>
    %get3A_3399 = vector.shape_cast %get3A_3398 : vector<1x32x384xf32> to vector<32x384xf32>
    %get3A_3400 = arith.constant 0 : index
    %get3A_3401 = arith.constant 0 : index
    %get3A_3402 = arith.constant 0 : index
    %get3A_3403 = vector.load %arg4[%get3A_3400, %get3A_3401, %get3A_3402] : memref<1x32x384xf32, #tpu.memory_space<vmem>>, vector<1x32x384xf32>
    %get3A_3404 = vector.shape_cast %get3A_3403 : vector<1x32x384xf32> to vector<32x384xf32>
    %slice3A_3405 = vector.extract_strided_slice %get3A_3399 {offsets = [29, 0], sizes = [1, 384], strides = [1, 1]} : vector<32x384xf32> to vector<1x384xf32>
    %slice3A_3406 = vector.extract_strided_slice %get3A_3404 {offsets = [29, 0], sizes = [1, 384], strides = [1, 1]} : vector<32x384xf32> to vector<1x384xf32>
    %sub3A_3407 = vector.broadcast %slice3A_3363 : vector<360x1xf32> to vector<360x384xf32>
    %sub3A_3408 = vector.broadcast %slice3A_3405 : vector<1x384xf32> to vector<360x384xf32>
    %sub3A_3409 = arith.subf %sub3A_3407, %sub3A_3408 : vector<360x384xf32>
    %sub3A_3410 = vector.broadcast %slice3A_3364 : vector<360x1xf32> to vector<360x384xf32>
    %sub3A_3411 = vector.broadcast %slice3A_3406 : vector<1x384xf32> to vector<360x384xf32>
    %sub3A_3412 = arith.subf %sub3A_3410, %sub3A_3411 : vector<360x384xf32>
    %mul3A_3413 = arith.mulf %sub3A_3409, %sub3A_3409 : vector<360x384xf32>
    %mul3A_3414 = arith.mulf %sub3A_3412, %sub3A_3412 : vector<360x384xf32>
    %add3A_3415 = arith.addf %mul3A_3413, %mul3A_3414 : vector<360x384xf32>
    %reduce_min3A_3416 = arith.constant dense<0x7F800000> : vector<384xf32>
    %reduce_min3A_3417 = vector.multi_reduction <minimumf>, %add3A_3415, %reduce_min3A_3416 [0] : vector<360x384xf32> to vector<384xf32>
    %broadcast_in_dim3A_3418 = vector.shape_cast %reduce_min3A_3417 : vector<384xf32> to vector<1x384xf32>
    %swap3A_3419 = arith.constant 1 : index
    %swap3A_3420 = arith.constant 29 : index
    %swap3A_3421 = arith.constant 0 : index
    %swap3A_3422 = vector.load %arg11[%swap3A_3419, %swap3A_3420, %swap3A_3421] : memref<2x32x384xf32, #tpu.memory_space<vmem>>, vector<1x1x384xf32>
    %swap3A_3423 = vector.shape_cast %swap3A_3422 : vector<1x1x384xf32> to vector<1x384xf32>
    %swap3A_3424 = vector.shape_cast %broadcast_in_dim3A_3418 : vector<1x384xf32> to vector<1x1x384xf32>
    tpu.vector_store %arg11[%swap3A_3419, %swap3A_3420, %swap3A_3421], %swap3A_3424 {strides = array<i32>} : memref<2x32x384xf32, #tpu.memory_space<vmem>>, vector<1x1x384xf32>,
    %get3A_3425 = arith.constant 0 : index
    %get3A_3426 = arith.constant 0 : index
    %get3A_3427 = arith.constant 0 : index
    %get3A_3428 = vector.load %arg5[%get3A_3425, %get3A_3426, %get3A_3427] : memref<1x32x128xf32, #tpu.memory_space<vmem>>, vector<1x32x128xf32>
    %get3A_3429 = vector.shape_cast %get3A_3428 : vector<1x32x128xf32> to vector<32x128xf32>
    %get3A_3430 = arith.constant 0 : index
    %get3A_3431 = arith.constant 0 : index
    %get3A_3432 = arith.constant 0 : index
    %get3A_3433 = vector.load %arg6[%get3A_3430, %get3A_3431, %get3A_3432] : memref<1x32x128xf32, #tpu.memory_space<vmem>>, vector<1x32x128xf32>
    %get3A_3434 = vector.shape_cast %get3A_3433 : vector<1x32x128xf32> to vector<32x128xf32>
    %slice3A_3435 = vector.extract_strided_slice %get3A_3429 {offsets = [29, 0], sizes = [1, 128], strides = [1, 1]} : vector<32x128xf32> to vector<1x128xf32>
    %slice3A_3436 = vector.extract_strided_slice %get3A_3434 {offsets = [29, 0], sizes = [1, 128], strides = [1, 1]} : vector<32x128xf32> to vector<1x128xf32>
    %sub3A_3437 = vector.broadcast %slice3A_3363 : vector<360x1xf32> to vector<360x128xf32>
    %sub3A_3438 = vector.broadcast %slice3A_3435 : vector<1x128xf32> to vector<360x128xf32>
    %sub3A_3439 = arith.subf %sub3A_3437, %sub3A_3438 : vector<360x128xf32>
    %sub3A_3440 = vector.broadcast %slice3A_3364 : vector<360x1xf32> to vector<360x128xf32>
    %sub3A_3441 = vector.broadcast %slice3A_3436 : vector<1x128xf32> to vector<360x128xf32>
    %sub3A_3442 = arith.subf %sub3A_3440, %sub3A_3441 : vector<360x128xf32>
    %mul3A_3443 = arith.mulf %sub3A_3439, %sub3A_3439 : vector<360x128xf32>
    %mul3A_3444 = arith.mulf %sub3A_3442, %sub3A_3442 : vector<360x128xf32>
    %add3A_3445 = arith.addf %mul3A_3443, %mul3A_3444 : vector<360x128xf32>
    %reduce_min3A_3446 = arith.constant dense<0x7F800000> : vector<128xf32>
    %reduce_min3A_3447 = vector.multi_reduction <minimumf>, %add3A_3445, %reduce_min3A_3446 [0] : vector<360x128xf32> to vector<128xf32>
    %broadcast_in_dim3A_3448 = vector.shape_cast %reduce_min3A_3447 : vector<128xf32> to vector<1x128xf32>
    %swap3A_3449 = arith.constant 29 : index
    %swap3A_3450 = arith.constant 0 : index
    %swap3A_3451 = vector.load %arg12[%swap3A_3449, %swap3A_3450] : memref<32x256xf32, #tpu.memory_space<vmem>>, vector<1x128xf32>
    tpu.vector_store %arg12[%swap3A_3449, %swap3A_3450], %broadcast_in_dim3A_3448 {strides = array<i32>} : memref<32x256xf32, #tpu.memory_space<vmem>>, vector<1x128xf32>,
    %get3A_3452 = arith.constant 0 : index
    %get3A_3453 = arith.constant 0 : index
    %get3A_3454 = arith.constant 0 : index
    %get3A_3455 = vector.load %arg7[%get3A_3452, %get3A_3453, %get3A_3454] : memref<1x32x128xf32, #tpu.memory_space<vmem>>, vector<1x32x128xf32>
    %get3A_3456 = vector.shape_cast %get3A_3455 : vector<1x32x128xf32> to vector<32x128xf32>
    %get3A_3457 = arith.constant 0 : index
    %get3A_3458 = arith.constant 0 : index
    %get3A_3459 = arith.constant 0 : index
    %get3A_3460 = vector.load %arg8[%get3A_3457, %get3A_3458, %get3A_3459] : memref<1x32x128xf32, #tpu.memory_space<vmem>>, vector<1x32x128xf32>
    %get3A_3461 = vector.shape_cast %get3A_3460 : vector<1x32x128xf32> to vector<32x128xf32>
    %slice3A_3462 = vector.extract_strided_slice %get3A_3456 {offsets = [29, 0], sizes = [1, 128], strides = [1, 1]} : vector<32x128xf32> to vector<1x128xf32>
    %slice3A_3463 = vector.extract_strided_slice %get3A_3461 {offsets = [29, 0], sizes = [1, 128], strides = [1, 1]} : vector<32x128xf32> to vector<1x128xf32>
    %sub3A_3464 = vector.broadcast %slice3A_3363 : vector<360x1xf32> to vector<360x128xf32>
    %sub3A_3465 = vector.broadcast %slice3A_3462 : vector<1x128xf32> to vector<360x128xf32>
    %sub3A_3466 = arith.subf %sub3A_3464, %sub3A_3465 : vector<360x128xf32>
    %sub3A_3467 = vector.broadcast %slice3A_3364 : vector<360x1xf32> to vector<360x128xf32>
    %sub3A_3468 = vector.broadcast %slice3A_3463 : vector<1x128xf32> to vector<360x128xf32>
    %sub3A_3469 = arith.subf %sub3A_3467, %sub3A_3468 : vector<360x128xf32>
    %mul3A_3470 = arith.mulf %sub3A_3466, %sub3A_3466 : vector<360x128xf32>
    %mul3A_3471 = arith.mulf %sub3A_3469, %sub3A_3469 : vector<360x128xf32>
    %add3A_3472 = arith.addf %mul3A_3470, %mul3A_3471 : vector<360x128xf32>
    %reduce_min3A_3473 = arith.constant dense<0x7F800000> : vector<128xf32>
    %reduce_min3A_3474 = vector.multi_reduction <minimumf>, %add3A_3472, %reduce_min3A_3473 [0] : vector<360x128xf32> to vector<128xf32>
    %broadcast_in_dim3A_3475 = vector.shape_cast %reduce_min3A_3474 : vector<128xf32> to vector<1x128xf32>
    %swap3A_3476 = arith.constant 29 : index
    %swap3A_3477 = arith.constant 128 : index
    %swap3A_3478 = vector.load %arg12[%swap3A_3476, %swap3A_3477] : memref<32x256xf32, #tpu.memory_space<vmem>>, vector<1x128xf32>
    tpu.vector_store %arg12[%swap3A_3476, %swap3A_3477], %broadcast_in_dim3A_3475 {strides = array<i32>} : memref<32x256xf32, #tpu.memory_space<vmem>>, vector<1x128xf32>,
    %slice3A_3479 = vector.extract_strided_slice %transpose3A {offsets = [0, 30], sizes = [360, 1], strides = [1, 1]} : vector<360x32xf32> to vector<360x1xf32>
    %slice3A_3480 = vector.extract_strided_slice %transpose3A_5 {offsets = [0, 30], sizes = [360, 1], strides = [1, 1]} : vector<360x32xf32> to vector<360x1xf32>
    %get3A_3481 = arith.constant 0 : index
    %get3A_3482 = arith.constant 0 : index
    %get3A_3483 = arith.constant 0 : index
    %get3A_3484 = vector.load %arg1[%get3A_3481, %get3A_3482, %get3A_3483] : memref<1x32x384xf32, #tpu.memory_space<vmem>>, vector<1x32x384xf32>
    %get3A_3485 = vector.shape_cast %get3A_3484 : vector<1x32x384xf32> to vector<32x384xf32>
    %get3A_3486 = arith.constant 0 : index
    %get3A_3487 = arith.constant 0 : index
    %get3A_3488 = arith.constant 0 : index
    %get3A_3489 = vector.load %arg2[%get3A_3486, %get3A_3487, %get3A_3488] : memref<1x32x384xf32, #tpu.memory_space<vmem>>, vector<1x32x384xf32>
    %get3A_3490 = vector.shape_cast %get3A_3489 : vector<1x32x384xf32> to vector<32x384xf32>
    %slice3A_3491 = vector.extract_strided_slice %get3A_3485 {offsets = [30, 0], sizes = [1, 384], strides = [1, 1]} : vector<32x384xf32> to vector<1x384xf32>
    %slice3A_3492 = vector.extract_strided_slice %get3A_3490 {offsets = [30, 0], sizes = [1, 384], strides = [1, 1]} : vector<32x384xf32> to vector<1x384xf32>
    %sub3A_3493 = vector.broadcast %slice3A_3479 : vector<360x1xf32> to vector<360x384xf32>
    %sub3A_3494 = vector.broadcast %slice3A_3491 : vector<1x384xf32> to vector<360x384xf32>
    %sub3A_3495 = arith.subf %sub3A_3493, %sub3A_3494 : vector<360x384xf32>
    %sub3A_3496 = vector.broadcast %slice3A_3480 : vector<360x1xf32> to vector<360x384xf32>
    %sub3A_3497 = vector.broadcast %slice3A_3492 : vector<1x384xf32> to vector<360x384xf32>
    %sub3A_3498 = arith.subf %sub3A_3496, %sub3A_3497 : vector<360x384xf32>
    %mul3A_3499 = arith.mulf %sub3A_3495, %sub3A_3495 : vector<360x384xf32>
    %mul3A_3500 = arith.mulf %sub3A_3498, %sub3A_3498 : vector<360x384xf32>
    %add3A_3501 = arith.addf %mul3A_3499, %mul3A_3500 : vector<360x384xf32>
    %reduce_min3A_3502 = arith.constant dense<0x7F800000> : vector<384xf32>
    %reduce_min3A_3503 = vector.multi_reduction <minimumf>, %add3A_3501, %reduce_min3A_3502 [0] : vector<360x384xf32> to vector<384xf32>
    %broadcast_in_dim3A_3504 = vector.shape_cast %reduce_min3A_3503 : vector<384xf32> to vector<1x384xf32>
    %swap3A_3505 = arith.constant 0 : index
    %swap3A_3506 = arith.constant 30 : index
    %swap3A_3507 = arith.constant 0 : index
    %swap3A_3508 = vector.load %arg11[%swap3A_3505, %swap3A_3506, %swap3A_3507] : memref<2x32x384xf32, #tpu.memory_space<vmem>>, vector<1x1x384xf32>
    %swap3A_3509 = vector.shape_cast %swap3A_3508 : vector<1x1x384xf32> to vector<1x384xf32>
    %swap3A_3510 = vector.shape_cast %broadcast_in_dim3A_3504 : vector<1x384xf32> to vector<1x1x384xf32>
    tpu.vector_store %arg11[%swap3A_3505, %swap3A_3506, %swap3A_3507], %swap3A_3510 {strides = array<i32>} : memref<2x32x384xf32, #tpu.memory_space<vmem>>, vector<1x1x384xf32>,
    %get3A_3511 = arith.constant 0 : index
    %get3A_3512 = arith.constant 0 : index
    %get3A_3513 = arith.constant 0 : index
    %get3A_3514 = vector.load %arg3[%get3A_3511, %get3A_3512, %get3A_3513] : memref<1x32x384xf32, #tpu.memory_space<vmem>>, vector<1x32x384xf32>
    %get3A_3515 = vector.shape_cast %get3A_3514 : vector<1x32x384xf32> to vector<32x384xf32>
    %get3A_3516 = arith.constant 0 : index
    %get3A_3517 = arith.constant 0 : index
    %get3A_3518 = arith.constant 0 : index
    %get3A_3519 = vector.load %arg4[%get3A_3516, %get3A_3517, %get3A_3518] : memref<1x32x384xf32, #tpu.memory_space<vmem>>, vector<1x32x384xf32>
    %get3A_3520 = vector.shape_cast %get3A_3519 : vector<1x32x384xf32> to vector<32x384xf32>
    %slice3A_3521 = vector.extract_strided_slice %get3A_3515 {offsets = [30, 0], sizes = [1, 384], strides = [1, 1]} : vector<32x384xf32> to vector<1x384xf32>
    %slice3A_3522 = vector.extract_strided_slice %get3A_3520 {offsets = [30, 0], sizes = [1, 384], strides = [1, 1]} : vector<32x384xf32> to vector<1x384xf32>
    %sub3A_3523 = vector.broadcast %slice3A_3479 : vector<360x1xf32> to vector<360x384xf32>
    %sub3A_3524 = vector.broadcast %slice3A_3521 : vector<1x384xf32> to vector<360x384xf32>
    %sub3A_3525 = arith.subf %sub3A_3523, %sub3A_3524 : vector<360x384xf32>
    %sub3A_3526 = vector.broadcast %slice3A_3480 : vector<360x1xf32> to vector<360x384xf32>
    %sub3A_3527 = vector.broadcast %slice3A_3522 : vector<1x384xf32> to vector<360x384xf32>
    %sub3A_3528 = arith.subf %sub3A_3526, %sub3A_3527 : vector<360x384xf32>
    %mul3A_3529 = arith.mulf %sub3A_3525, %sub3A_3525 : vector<360x384xf32>
    %mul3A_3530 = arith.mulf %sub3A_3528, %sub3A_3528 : vector<360x384xf32>
    %add3A_3531 = arith.addf %mul3A_3529, %mul3A_3530 : vector<360x384xf32>
    %reduce_min3A_3532 = arith.constant dense<0x7F800000> : vector<384xf32>
    %reduce_min3A_3533 = vector.multi_reduction <minimumf>, %add3A_3531, %reduce_min3A_3532 [0] : vector<360x384xf32> to vector<384xf32>
    %broadcast_in_dim3A_3534 = vector.shape_cast %reduce_min3A_3533 : vector<384xf32> to vector<1x384xf32>
    %swap3A_3535 = arith.constant 1 : index
    %swap3A_3536 = arith.constant 30 : index
    %swap3A_3537 = arith.constant 0 : index
    %swap3A_3538 = vector.load %arg11[%swap3A_3535, %swap3A_3536, %swap3A_3537] : memref<2x32x384xf32, #tpu.memory_space<vmem>>, vector<1x1x384xf32>
    %swap3A_3539 = vector.shape_cast %swap3A_3538 : vector<1x1x384xf32> to vector<1x384xf32>
    %swap3A_3540 = vector.shape_cast %broadcast_in_dim3A_3534 : vector<1x384xf32> to vector<1x1x384xf32>
    tpu.vector_store %arg11[%swap3A_3535, %swap3A_3536, %swap3A_3537], %swap3A_3540 {strides = array<i32>} : memref<2x32x384xf32, #tpu.memory_space<vmem>>, vector<1x1x384xf32>,
    %get3A_3541 = arith.constant 0 : index
    %get3A_3542 = arith.constant 0 : index
    %get3A_3543 = arith.constant 0 : index
    %get3A_3544 = vector.load %arg5[%get3A_3541, %get3A_3542, %get3A_3543] : memref<1x32x128xf32, #tpu.memory_space<vmem>>, vector<1x32x128xf32>
    %get3A_3545 = vector.shape_cast %get3A_3544 : vector<1x32x128xf32> to vector<32x128xf32>
    %get3A_3546 = arith.constant 0 : index
    %get3A_3547 = arith.constant 0 : index
    %get3A_3548 = arith.constant 0 : index
    %get3A_3549 = vector.load %arg6[%get3A_3546, %get3A_3547, %get3A_3548] : memref<1x32x128xf32, #tpu.memory_space<vmem>>, vector<1x32x128xf32>
    %get3A_3550 = vector.shape_cast %get3A_3549 : vector<1x32x128xf32> to vector<32x128xf32>
    %slice3A_3551 = vector.extract_strided_slice %get3A_3545 {offsets = [30, 0], sizes = [1, 128], strides = [1, 1]} : vector<32x128xf32> to vector<1x128xf32>
    %slice3A_3552 = vector.extract_strided_slice %get3A_3550 {offsets = [30, 0], sizes = [1, 128], strides = [1, 1]} : vector<32x128xf32> to vector<1x128xf32>
    %sub3A_3553 = vector.broadcast %slice3A_3479 : vector<360x1xf32> to vector<360x128xf32>
    %sub3A_3554 = vector.broadcast %slice3A_3551 : vector<1x128xf32> to vector<360x128xf32>
    %sub3A_3555 = arith.subf %sub3A_3553, %sub3A_3554 : vector<360x128xf32>
    %sub3A_3556 = vector.broadcast %slice3A_3480 : vector<360x1xf32> to vector<360x128xf32>
    %sub3A_3557 = vector.broadcast %slice3A_3552 : vector<1x128xf32> to vector<360x128xf32>
    %sub3A_3558 = arith.subf %sub3A_3556, %sub3A_3557 : vector<360x128xf32>
    %mul3A_3559 = arith.mulf %sub3A_3555, %sub3A_3555 : vector<360x128xf32>
    %mul3A_3560 = arith.mulf %sub3A_3558, %sub3A_3558 : vector<360x128xf32>
    %add3A_3561 = arith.addf %mul3A_3559, %mul3A_3560 : vector<360x128xf32>
    %reduce_min3A_3562 = arith.constant dense<0x7F800000> : vector<128xf32>
    %reduce_min3A_3563 = vector.multi_reduction <minimumf>, %add3A_3561, %reduce_min3A_3562 [0] : vector<360x128xf32> to vector<128xf32>
    %broadcast_in_dim3A_3564 = vector.shape_cast %reduce_min3A_3563 : vector<128xf32> to vector<1x128xf32>
    %swap3A_3565 = arith.constant 30 : index
    %swap3A_3566 = arith.constant 0 : index
    %swap3A_3567 = vector.load %arg12[%swap3A_3565, %swap3A_3566] : memref<32x256xf32, #tpu.memory_space<vmem>>, vector<1x128xf32>
    tpu.vector_store %arg12[%swap3A_3565, %swap3A_3566], %broadcast_in_dim3A_3564 {strides = array<i32>} : memref<32x256xf32, #tpu.memory_space<vmem>>, vector<1x128xf32>,
    %get3A_3568 = arith.constant 0 : index
    %get3A_3569 = arith.constant 0 : index
    %get3A_3570 = arith.constant 0 : index
    %get3A_3571 = vector.load %arg7[%get3A_3568, %get3A_3569, %get3A_3570] : memref<1x32x128xf32, #tpu.memory_space<vmem>>, vector<1x32x128xf32>
    %get3A_3572 = vector.shape_cast %get3A_3571 : vector<1x32x128xf32> to vector<32x128xf32>
    %get3A_3573 = arith.constant 0 : index
    %get3A_3574 = arith.constant 0 : index
    %get3A_3575 = arith.constant 0 : index
    %get3A_3576 = vector.load %arg8[%get3A_3573, %get3A_3574, %get3A_3575] : memref<1x32x128xf32, #tpu.memory_space<vmem>>, vector<1x32x128xf32>
    %get3A_3577 = vector.shape_cast %get3A_3576 : vector<1x32x128xf32> to vector<32x128xf32>
    %slice3A_3578 = vector.extract_strided_slice %get3A_3572 {offsets = [30, 0], sizes = [1, 128], strides = [1, 1]} : vector<32x128xf32> to vector<1x128xf32>
    %slice3A_3579 = vector.extract_strided_slice %get3A_3577 {offsets = [30, 0], sizes = [1, 128], strides = [1, 1]} : vector<32x128xf32> to vector<1x128xf32>
    %sub3A_3580 = vector.broadcast %slice3A_3479 : vector<360x1xf32> to vector<360x128xf32>
    %sub3A_3581 = vector.broadcast %slice3A_3578 : vector<1x128xf32> to vector<360x128xf32>
    %sub3A_3582 = arith.subf %sub3A_3580, %sub3A_3581 : vector<360x128xf32>
    %sub3A_3583 = vector.broadcast %slice3A_3480 : vector<360x1xf32> to vector<360x128xf32>
    %sub3A_3584 = vector.broadcast %slice3A_3579 : vector<1x128xf32> to vector<360x128xf32>
    %sub3A_3585 = arith.subf %sub3A_3583, %sub3A_3584 : vector<360x128xf32>
    %mul3A_3586 = arith.mulf %sub3A_3582, %sub3A_3582 : vector<360x128xf32>
    %mul3A_3587 = arith.mulf %sub3A_3585, %sub3A_3585 : vector<360x128xf32>
    %add3A_3588 = arith.addf %mul3A_3586, %mul3A_3587 : vector<360x128xf32>
    %reduce_min3A_3589 = arith.constant dense<0x7F800000> : vector<128xf32>
    %reduce_min3A_3590 = vector.multi_reduction <minimumf>, %add3A_3588, %reduce_min3A_3589 [0] : vector<360x128xf32> to vector<128xf32>
    %broadcast_in_dim3A_3591 = vector.shape_cast %reduce_min3A_3590 : vector<128xf32> to vector<1x128xf32>
    %swap3A_3592 = arith.constant 30 : index
    %swap3A_3593 = arith.constant 128 : index
    %swap3A_3594 = vector.load %arg12[%swap3A_3592, %swap3A_3593] : memref<32x256xf32, #tpu.memory_space<vmem>>, vector<1x128xf32>
    tpu.vector_store %arg12[%swap3A_3592, %swap3A_3593], %broadcast_in_dim3A_3591 {strides = array<i32>} : memref<32x256xf32, #tpu.memory_space<vmem>>, vector<1x128xf32>,
    %slice3A_3595 = vector.extract_strided_slice %transpose3A {offsets = [0, 31], sizes = [360, 1], strides = [1, 1]} : vector<360x32xf32> to vector<360x1xf32>
    %slice3A_3596 = vector.extract_strided_slice %transpose3A_5 {offsets = [0, 31], sizes = [360, 1], strides = [1, 1]} : vector<360x32xf32> to vector<360x1xf32>
    %get3A_3597 = arith.constant 0 : index
    %get3A_3598 = arith.constant 0 : index
    %get3A_3599 = arith.constant 0 : index
    %get3A_3600 = vector.load %arg1[%get3A_3597, %get3A_3598, %get3A_3599] : memref<1x32x384xf32, #tpu.memory_space<vmem>>, vector<1x32x384xf32>
    %get3A_3601 = vector.shape_cast %get3A_3600 : vector<1x32x384xf32> to vector<32x384xf32>
    %get3A_3602 = arith.constant 0 : index
    %get3A_3603 = arith.constant 0 : index
    %get3A_3604 = arith.constant 0 : index
    %get3A_3605 = vector.load %arg2[%get3A_3602, %get3A_3603, %get3A_3604] : memref<1x32x384xf32, #tpu.memory_space<vmem>>, vector<1x32x384xf32>
    %get3A_3606 = vector.shape_cast %get3A_3605 : vector<1x32x384xf32> to vector<32x384xf32>
    %slice3A_3607 = vector.extract_strided_slice %get3A_3601 {offsets = [31, 0], sizes = [1, 384], strides = [1, 1]} : vector<32x384xf32> to vector<1x384xf32>
    %slice3A_3608 = vector.extract_strided_slice %get3A_3606 {offsets = [31, 0], sizes = [1, 384], strides = [1, 1]} : vector<32x384xf32> to vector<1x384xf32>
    %sub3A_3609 = vector.broadcast %slice3A_3595 : vector<360x1xf32> to vector<360x384xf32>
    %sub3A_3610 = vector.broadcast %slice3A_3607 : vector<1x384xf32> to vector<360x384xf32>
    %sub3A_3611 = arith.subf %sub3A_3609, %sub3A_3610 : vector<360x384xf32>
    %sub3A_3612 = vector.broadcast %slice3A_3596 : vector<360x1xf32> to vector<360x384xf32>
    %sub3A_3613 = vector.broadcast %slice3A_3608 : vector<1x384xf32> to vector<360x384xf32>
    %sub3A_3614 = arith.subf %sub3A_3612, %sub3A_3613 : vector<360x384xf32>
    %mul3A_3615 = arith.mulf %sub3A_3611, %sub3A_3611 : vector<360x384xf32>
    %mul3A_3616 = arith.mulf %sub3A_3614, %sub3A_3614 : vector<360x384xf32>
    %add3A_3617 = arith.addf %mul3A_3615, %mul3A_3616 : vector<360x384xf32>
    %reduce_min3A_3618 = arith.constant dense<0x7F800000> : vector<384xf32>
    %reduce_min3A_3619 = vector.multi_reduction <minimumf>, %add3A_3617, %reduce_min3A_3618 [0] : vector<360x384xf32> to vector<384xf32>
    %broadcast_in_dim3A_3620 = vector.shape_cast %reduce_min3A_3619 : vector<384xf32> to vector<1x384xf32>
    %swap3A_3621 = arith.constant 0 : index
    %swap3A_3622 = arith.constant 31 : index
    %swap3A_3623 = arith.constant 0 : index
    %swap3A_3624 = vector.load %arg11[%swap3A_3621, %swap3A_3622, %swap3A_3623] : memref<2x32x384xf32, #tpu.memory_space<vmem>>, vector<1x1x384xf32>
    %swap3A_3625 = vector.shape_cast %swap3A_3624 : vector<1x1x384xf32> to vector<1x384xf32>
    %swap3A_3626 = vector.shape_cast %broadcast_in_dim3A_3620 : vector<1x384xf32> to vector<1x1x384xf32>
    tpu.vector_store %arg11[%swap3A_3621, %swap3A_3622, %swap3A_3623], %swap3A_3626 {strides = array<i32>} : memref<2x32x384xf32, #tpu.memory_space<vmem>>, vector<1x1x384xf32>,
    %get3A_3627 = arith.constant 0 : index
    %get3A_3628 = arith.constant 0 : index
    %get3A_3629 = arith.constant 0 : index
    %get3A_3630 = vector.load %arg3[%get3A_3627, %get3A_3628, %get3A_3629] : memref<1x32x384xf32, #tpu.memory_space<vmem>>, vector<1x32x384xf32>
    %get3A_3631 = vector.shape_cast %get3A_3630 : vector<1x32x384xf32> to vector<32x384xf32>
    %get3A_3632 = arith.constant 0 : index
    %get3A_3633 = arith.constant 0 : index
    %get3A_3634 = arith.constant 0 : index
    %get3A_3635 = vector.load %arg4[%get3A_3632, %get3A_3633, %get3A_3634] : memref<1x32x384xf32, #tpu.memory_space<vmem>>, vector<1x32x384xf32>
    %get3A_3636 = vector.shape_cast %get3A_3635 : vector<1x32x384xf32> to vector<32x384xf32>
    %slice3A_3637 = vector.extract_strided_slice %get3A_3631 {offsets = [31, 0], sizes = [1, 384], strides = [1, 1]} : vector<32x384xf32> to vector<1x384xf32>
    %slice3A_3638 = vector.extract_strided_slice %get3A_3636 {offsets = [31, 0], sizes = [1, 384], strides = [1, 1]} : vector<32x384xf32> to vector<1x384xf32>
    %sub3A_3639 = vector.broadcast %slice3A_3595 : vector<360x1xf32> to vector<360x384xf32>
    %sub3A_3640 = vector.broadcast %slice3A_3637 : vector<1x384xf32> to vector<360x384xf32>
    %sub3A_3641 = arith.subf %sub3A_3639, %sub3A_3640 : vector<360x384xf32>
    %sub3A_3642 = vector.broadcast %slice3A_3596 : vector<360x1xf32> to vector<360x384xf32>
    %sub3A_3643 = vector.broadcast %slice3A_3638 : vector<1x384xf32> to vector<360x384xf32>
    %sub3A_3644 = arith.subf %sub3A_3642, %sub3A_3643 : vector<360x384xf32>
    %mul3A_3645 = arith.mulf %sub3A_3641, %sub3A_3641 : vector<360x384xf32>
    %mul3A_3646 = arith.mulf %sub3A_3644, %sub3A_3644 : vector<360x384xf32>
    %add3A_3647 = arith.addf %mul3A_3645, %mul3A_3646 : vector<360x384xf32>
    %reduce_min3A_3648 = arith.constant dense<0x7F800000> : vector<384xf32>
    %reduce_min3A_3649 = vector.multi_reduction <minimumf>, %add3A_3647, %reduce_min3A_3648 [0] : vector<360x384xf32> to vector<384xf32>
    %broadcast_in_dim3A_3650 = vector.shape_cast %reduce_min3A_3649 : vector<384xf32> to vector<1x384xf32>
    %swap3A_3651 = arith.constant 1 : index
    %swap3A_3652 = arith.constant 31 : index
    %swap3A_3653 = arith.constant 0 : index
    %swap3A_3654 = vector.load %arg11[%swap3A_3651, %swap3A_3652, %swap3A_3653] : memref<2x32x384xf32, #tpu.memory_space<vmem>>, vector<1x1x384xf32>
    %swap3A_3655 = vector.shape_cast %swap3A_3654 : vector<1x1x384xf32> to vector<1x384xf32>
    %swap3A_3656 = vector.shape_cast %broadcast_in_dim3A_3650 : vector<1x384xf32> to vector<1x1x384xf32>
    tpu.vector_store %arg11[%swap3A_3651, %swap3A_3652, %swap3A_3653], %swap3A_3656 {strides = array<i32>} : memref<2x32x384xf32, #tpu.memory_space<vmem>>, vector<1x1x384xf32>,
    %get3A_3657 = arith.constant 0 : index
    %get3A_3658 = arith.constant 0 : index
    %get3A_3659 = arith.constant 0 : index
    %get3A_3660 = vector.load %arg5[%get3A_3657, %get3A_3658, %get3A_3659] : memref<1x32x128xf32, #tpu.memory_space<vmem>>, vector<1x32x128xf32>
    %get3A_3661 = vector.shape_cast %get3A_3660 : vector<1x32x128xf32> to vector<32x128xf32>
    %get3A_3662 = arith.constant 0 : index
    %get3A_3663 = arith.constant 0 : index
    %get3A_3664 = arith.constant 0 : index
    %get3A_3665 = vector.load %arg6[%get3A_3662, %get3A_3663, %get3A_3664] : memref<1x32x128xf32, #tpu.memory_space<vmem>>, vector<1x32x128xf32>
    %get3A_3666 = vector.shape_cast %get3A_3665 : vector<1x32x128xf32> to vector<32x128xf32>
    %slice3A_3667 = vector.extract_strided_slice %get3A_3661 {offsets = [31, 0], sizes = [1, 128], strides = [1, 1]} : vector<32x128xf32> to vector<1x128xf32>
    %slice3A_3668 = vector.extract_strided_slice %get3A_3666 {offsets = [31, 0], sizes = [1, 128], strides = [1, 1]} : vector<32x128xf32> to vector<1x128xf32>
    %sub3A_3669 = vector.broadcast %slice3A_3595 : vector<360x1xf32> to vector<360x128xf32>
    %sub3A_3670 = vector.broadcast %slice3A_3667 : vector<1x128xf32> to vector<360x128xf32>
    %sub3A_3671 = arith.subf %sub3A_3669, %sub3A_3670 : vector<360x128xf32>
    %sub3A_3672 = vector.broadcast %slice3A_3596 : vector<360x1xf32> to vector<360x128xf32>
    %sub3A_3673 = vector.broadcast %slice3A_3668 : vector<1x128xf32> to vector<360x128xf32>
    %sub3A_3674 = arith.subf %sub3A_3672, %sub3A_3673 : vector<360x128xf32>
    %mul3A_3675 = arith.mulf %sub3A_3671, %sub3A_3671 : vector<360x128xf32>
    %mul3A_3676 = arith.mulf %sub3A_3674, %sub3A_3674 : vector<360x128xf32>
    %add3A_3677 = arith.addf %mul3A_3675, %mul3A_3676 : vector<360x128xf32>
    %reduce_min3A_3678 = arith.constant dense<0x7F800000> : vector<128xf32>
    %reduce_min3A_3679 = vector.multi_reduction <minimumf>, %add3A_3677, %reduce_min3A_3678 [0] : vector<360x128xf32> to vector<128xf32>
    %broadcast_in_dim3A_3680 = vector.shape_cast %reduce_min3A_3679 : vector<128xf32> to vector<1x128xf32>
    %swap3A_3681 = arith.constant 31 : index
    %swap3A_3682 = arith.constant 0 : index
    %swap3A_3683 = vector.load %arg12[%swap3A_3681, %swap3A_3682] : memref<32x256xf32, #tpu.memory_space<vmem>>, vector<1x128xf32>
    tpu.vector_store %arg12[%swap3A_3681, %swap3A_3682], %broadcast_in_dim3A_3680 {strides = array<i32>} : memref<32x256xf32, #tpu.memory_space<vmem>>, vector<1x128xf32>,
    %get3A_3684 = arith.constant 0 : index
    %get3A_3685 = arith.constant 0 : index
    %get3A_3686 = arith.constant 0 : index
    %get3A_3687 = vector.load %arg7[%get3A_3684, %get3A_3685, %get3A_3686] : memref<1x32x128xf32, #tpu.memory_space<vmem>>, vector<1x32x128xf32>
    %get3A_3688 = vector.shape_cast %get3A_3687 : vector<1x32x128xf32> to vector<32x128xf32>
    %get3A_3689 = arith.constant 0 : index
    %get3A_3690 = arith.constant 0 : index
    %get3A_3691 = arith.constant 0 : index
    %get3A_3692 = vector.load %arg8[%get3A_3689, %get3A_3690, %get3A_3691] : memref<1x32x128xf32, #tpu.memory_space<vmem>>, vector<1x32x128xf32>
    %get3A_3693 = vector.shape_cast %get3A_3692 : vector<1x32x128xf32> to vector<32x128xf32>
    %slice3A_3694 = vector.extract_strided_slice %get3A_3688 {offsets = [31, 0], sizes = [1, 128], strides = [1, 1]} : vector<32x128xf32> to vector<1x128xf32>
    %slice3A_3695 = vector.extract_strided_slice %get3A_3693 {offsets = [31, 0], sizes = [1, 128], strides = [1, 1]} : vector<32x128xf32> to vector<1x128xf32>
    %sub3A_3696 = vector.broadcast %slice3A_3595 : vector<360x1xf32> to vector<360x128xf32>
    %sub3A_3697 = vector.broadcast %slice3A_3694 : vector<1x128xf32> to vector<360x128xf32>
    %sub3A_3698 = arith.subf %sub3A_3696, %sub3A_3697 : vector<360x128xf32>
    %sub3A_3699 = vector.broadcast %slice3A_3596 : vector<360x1xf32> to vector<360x128xf32>
    %sub3A_3700 = vector.broadcast %slice3A_3695 : vector<1x128xf32> to vector<360x128xf32>
    %sub3A_3701 = arith.subf %sub3A_3699, %sub3A_3700 : vector<360x128xf32>
    %mul3A_3702 = arith.mulf %sub3A_3698, %sub3A_3698 : vector<360x128xf32>
    %mul3A_3703 = arith.mulf %sub3A_3701, %sub3A_3701 : vector<360x128xf32>
    %add3A_3704 = arith.addf %mul3A_3702, %mul3A_3703 : vector<360x128xf32>
    %reduce_min3A_3705 = arith.constant dense<0x7F800000> : vector<128xf32>
    %reduce_min3A_3706 = vector.multi_reduction <minimumf>, %add3A_3704, %reduce_min3A_3705 [0] : vector<360x128xf32> to vector<128xf32>
    %broadcast_in_dim3A_3707 = vector.shape_cast %reduce_min3A_3706 : vector<128xf32> to vector<1x128xf32>
    %swap3A_3708 = arith.constant 31 : index
    %swap3A_3709 = arith.constant 128 : index
    %swap3A_3710 = vector.load %arg12[%swap3A_3708, %swap3A_3709] : memref<32x256xf32, #tpu.memory_space<vmem>>, vector<1x128xf32>
    tpu.vector_store %arg12[%swap3A_3708, %swap3A_3709], %broadcast_in_dim3A_3707 {strides = array<i32>} : memref<32x256xf32, #tpu.memory_space<vmem>>, vector<1x128xf32>,
    return
  }
  func.func @transform_0(%arg0: i32) -> (i32, i32, i32) {
    %c1_i32 = arith.constant 1 : i32
    %c0_i32 = arith.constant 0 : i32
    %c0_i32_0 = arith.constant 0 : i32
    %c0_i32_1 = arith.constant 0 : i32
    return %c1_i32, %c0_i32, %c0_i32_0 : i32, i32, i32
  }
  func.func @transform_1(%arg0: i32) -> (i32, i32, i32) {
    %c1_i32 = arith.constant 1 : i32
    %c0_i32 = arith.constant 0 : i32
    %c0_i32_0 = arith.constant 0 : i32
    %c0_i32_1 = arith.constant 0 : i32
    return %c1_i32, %c0_i32, %c0_i32_0 : i32, i32, i32
  }
  func.func @transform_2(%arg0: i32) -> (i32, i32, i32) {
    %c2_i32 = arith.constant 2 : i32
    %c0_i32 = arith.constant 0 : i32
    %c0_i32_0 = arith.constant 0 : i32
    %c0_i32_1 = arith.constant 0 : i32
    return %c2_i32, %c0_i32, %c0_i32_0 : i32, i32, i32
  }
  func.func @transform_3(%arg0: i32) -> (i32, i32, i32) {
    %c2_i32 = arith.constant 2 : i32
    %c0_i32 = arith.constant 0 : i32
    %c0_i32_0 = arith.constant 0 : i32
    %c0_i32_1 = arith.constant 0 : i32
    return %c2_i32, %c0_i32, %c0_i32_0 : i32, i32, i32
  }
  func.func @transform_4(%arg0: i32) -> (i32, i32, i32) {
    %c0_i32 = arith.constant 0 : i32
    %c0_i32_0 = arith.constant 0 : i32
    %c1_i32 = arith.constant 1 : i32
    %c0_i32_1 = arith.constant 0 : i32
    return %c0_i32, %c0_i32_0, %c1_i32 : i32, i32, i32
  }
  func.func @transform_5(%arg0: i32) -> (i32, i32, i32) {
    %c0_i32 = arith.constant 0 : i32
    %c0_i32_0 = arith.constant 0 : i32
    %c1_i32 = arith.constant 1 : i32
    %c0_i32_1 = arith.constant 0 : i32
    return %c0_i32, %c0_i32_0, %c1_i32 : i32, i32, i32
  }
  func.func @transform_6(%arg0: i32) -> (i32, i32, i32) {
    %c0_i32 = arith.constant 0 : i32
    %c0_i32_0 = arith.constant 0 : i32
    %c2_i32 = arith.constant 2 : i32
    %c0_i32_1 = arith.constant 0 : i32
    return %c0_i32, %c0_i32_0, %c2_i32 : i32, i32, i32
  }
  func.func @transform_7(%arg0: i32) -> (i32, i32, i32) {
    %c0_i32 = arith.constant 0 : i32
    %c0_i32_0 = arith.constant 0 : i32
    %c2_i32 = arith.constant 2 : i32
    %c0_i32_1 = arith.constant 0 : i32
    return %c0_i32, %c0_i32_0, %c2_i32 : i32, i32, i32
  }
  func.func @transform_8(%arg0: i32) -> (i32, i32) {
    %c0_i32 = arith.constant 0 : i32
    %c0_i32_0 = arith.constant 0 : i32
    %c0_i32_1 = arith.constant 0 : i32
    return %c0_i32, %c0_i32_0 : i32, i32
  }
  func.func @transform_9(%arg0: i32) -> (i32, i32) {
    %c0_i32 = arith.constant 0 : i32
    %c0_i32_0 = arith.constant 0 : i32
    %c0_i32_1 = arith.constant 0 : i32
    return %c0_i32, %c0_i32_0 : i32, i32
  }
  func.func @transform_10(%arg0: i32) -> (i32, i32, i32) {
    %c0_i32 = arith.constant 0 : i32
    %c0_i32_0 = arith.constant 0 : i32
    %c0_i32_1 = arith.constant 0 : i32
    %c0_i32_2 = arith.constant 0 : i32
    return %c0_i32, %c0_i32_0, %c0_i32_1 : i32, i32, i32
  }
  func.func @transform_11(%arg0: i32) -> (i32, i32) {
    %c0_i32 = arith.constant 0 : i32
    %c0_i32_0 = arith.constant 0 : i32
    %c0_i32_1 = arith.constant 0 : i32
    return %c0_i32, %c0_i32_0 : i32, i32
  }
}

</mosaic_0001>

<sc_bundles>
// kernel: kernel.5.cloned.1.call-start
scs
__scs_entry_jumppad:
0x0: {  	(pc) =	sbr.rel $0x88, $3  }
0x1: {  	(tag) =	ssettag $0x0;
	lr =	simm.s32 $0x1  }
0x2: {  	[smem:$0x3F9F] =	sst lr;
	_ =	strace $0xD0000000  }
0x3: {  	_ = 	snop  }
0x4: {  	_ = 	snop  }
0x5: {  	_ = 	snop  }
0x6: {  	_ = 	snop  }
0x7: {  	_ = 	snop  }
__scs_overlays_trampoline_lowered:
0x8: {  	[smem:$0x3FAE] =	sst s0  }
0x9: {  	[smem:$0x3FAF] =	sst s1  }
0xa: {  	[smem:$0x3FB0] =	sst s2  }
0xb: {  	[smem:$0x3FB1] =	sst s3  }
0xc: {  	[smem:$0x3FB2] =	sst s4  }
0xd: {  	[smem:$0x3FB3] =	sst s5  }
0xe: {  	[smem:$0x3FB4] =	sst s6  }
0xf: {  	[smem:$0x3FB5] =	sst s7  }
0x10: {  	[smem:$0x3FB6] =	sst s8  }
0x11: {  	[smem:$0x3FB7] =	sst s9;
	s0 =	simm.s32 @!p0 $0x0  }
0x12: {  	s1 =	sld [smem:$0x3F9D];
	s0 =	simm.s32 @p0 $0x1  }
0x13: {  	[smem:$0x3FB8] =	sst s0;
	s0 =	simm.s32 @!p1 $0x0  }
0x14: {  	s2 =	sld [smem:$0x3F9C];
	s0 =	simm.s32 @p1 $0x1  }
0x15: {  	[smem:$0x3FB9] =	sst s0;
	s0 =	simm.s32 @!p2 $0x0  }
0x16: {  	s3 =	sld [smem:$0x3FDB];
	s0 =	simm.s32 @p2 $0x1  }
0x17: {  	s4 =	simm.s32 $0x1BF5;
	[smem:$0x3FBB] =	sst s0  }
0x18: {  	s0 =	sld [smem:$0x3F9E];
	_ =	swait.ge [sflag:s4], $0x0  }
0x19: {  	s7 =	sld [smem:$0x3F9F]  }
0x1a: {  	s8 =	sadd.s32 $0xFFFFE003, lr  }
0x1b: {  	s9 =	sadd.s32 $0xFFFFFEF7, lr;
	s5 =	simm.s32 $0xFFFFFFFF;
	p2 =	slt.u32 s8, $0xFFFFF086  }
0x1c: {  	p1 =	slt.u32 s9, $0xF7A;
	s5 =	simm.s32 @!p2 $0x0  }
0x1d: {  	s5 =	simm.s32 @p1 $0x1;
	p0 =	seq.s32 s7, s2  }
0x1e: {  	s7 =	smul.u32 @!p0 $0xF7A, s2;
	p2 =	seq.s32 @!p0 s5, $0x0  }
0x1f: {  	s9 =	smul.u32 $0xF7A, s1;
	s8 =	simm.s32 @!p0 $0x1BF5;
	p2 =	por !p2, p0  }
0x20: {  	[sflag:s8] =	ssyncset.s32 @!p0 $0xFFFFF086;
	s6 =	sadd.s32 @!p0 s3, s7;
	s7 =	simm.s32 @!p0 $0x108  }
0x21: {  	s3 =	sadd.s32 s3, s9;
	s6 =	sadd.s32 @!p0 $0x88, s6;
	s7 =	simm.s32 @p2 $0x1082  }
0x22: {  	[simem:s7], [sflag:s8] =	dma.local @!p0 [hbm:s6], $0xF7A  }
0x23: {  	s9 =	sor.u32 $0xD0000000, s2;
	s6 =	simm.s32 $0x108;
	_ =	swait.ge @!p0 [sflag:s8], $0x0  }
0x24: {  	s3 =	sadd.s32 $0x88, s3;
	s6 =	simm.s32 @!p1 $0x1082;
	[sflag:s4] =	ssyncset.s32 $0xFFFFF086  }
0x25: {  	[simem:s6], [sflag:s4] =	dma.local [hbm:s3], $0xF7A  }
0x26: {  	[smem:$0x3F9F] =	sst s1;
	(tag) =	ssettag s2;
	_ =	strace s9  }
0x27: {  	s1 =	sld [smem:$0x3FAF]  }
0x28: {  	s2 =	sld [smem:$0x3FB0]  }
0x29: {  	s4 =	sld [smem:$0x3FB2]  }
0x2a: {  	p0 =	seq.s32 s5, $0x0;
	s5 =	sld [smem:$0x3FB3]  }
0x2b: {  	s6 =	sld [smem:$0x3FB4]  }
0x2c: {  	s7 =	sld [smem:$0x3FB5]  }
0x2d: {  	s3 =	simm.s32 $0x108;
	s8 =	sld [smem:$0x3FB6]  }
0x2e: {  	s3 =	simm.s32 @!p0 $0x1082;
	s9 =	sld [smem:$0x3FB7]  }
0x2f: {  	lr =	sadd.s32 s0, s3;
	s0 =	sld [smem:$0x3FAE]  }
0x30: {  	s3 =	sld [smem:$0x3FB1]  }
0x31: {  	[smem:$0x3FBA] =	sst s10  }
0x32: {  	s10 =	sld [smem:$0x3FB8];
	_ =	sdelay $0x3  }
0x33: {  	p0 =	seq.s32 s10, $0x1;
	s10 =	sld [smem:$0x3FBA];
	_ =	sdelay $0x3  }
0x34: {  	[smem:$0x3FBA] =	sst s10  }
0x35: {  	s10 =	sld [smem:$0x3FB9];
	_ =	sdelay $0x3  }
0x36: {  	p1 =	seq.s32 s10, $0x1;
	s10 =	sld [smem:$0x3FBA];
	_ =	sdelay $0x3  }
0x37: {  	[smem:$0x3FBA] =	sst s10  }
0x38: {  	s10 =	sld [smem:$0x3FBB]  }
0x39: {  	_ = 	snop;
	(pc) =	sbr.ind lr, $3  }
0x3a: {  	_ = 	snop  }
0x3b: {  	_ = 	snop  }
0x3c: {  	p2 =	seq.s32 s10, $0x1;
	s10 =	sld [smem:$0x3FBA]  }
0x3d: {  	_ =	shalt  }
0x3e: {  	_ =	shalt  }
0x3f: {  	_ =	shalt  }
0x40: {  	_ =	shalt  }
0x41: {  	_ =	shalt  }
0x42: {  	_ =	shalt  }
0x43: {  	_ =	shalt  }
0x44: {  	_ =	shalt  }
0x45: {  	_ =	shalt  }
0x46: {  	_ =	shalt  }
0x47: {  	_ =	shalt  }
0x48: {  	_ =	shalt  }
0x49: {  	_ =	shalt  }
0x4a: {  	_ =	shalt  }
0x4b: {  	_ =	shalt  }
0x4c: {  	_ =	shalt  }
0x4d: {  	_ =	shalt  }
0x4e: {  	_ =	shalt  }
0x4f: {  	_ =	shalt  }
0x50: {  	_ =	shalt  }
0x51: {  	_ =	shalt  }
0x52: {  	_ =	shalt  }
0x53: {  	_ =	shalt  }
0x54: {  	_ =	shalt  }
0x55: {  	_ =	shalt  }
0x56: {  	_ =	shalt  }
0x57: {  	_ =	shalt  }
0x58: {  	_ =	shalt  }
0x59: {  	_ =	shalt  }
0x5a: {  	_ =	shalt  }
0x5b: {  	_ =	shalt  }
0x5c: {  	_ =	shalt  }
0x5d: {  	_ =	shalt  }
0x5e: {  	_ =	shalt  }
0x5f: {  	_ =	shalt  }
0x60: {  	_ =	shalt  }
0x61: {  	_ =	shalt  }
0x62: {  	_ =	shalt  }
0x63: {  	_ =	shalt  }
0x64: {  	_ =	shalt  }
0x65: {  	_ =	shalt  }
0x66: {  	_ =	shalt  }
0x67: {  	_ =	shalt  }
0x68: {  	_ =	shalt  }
0x69: {  	_ =	shalt  }
0x6a: {  	_ =	shalt  }
0x6b: {  	_ =	shalt  }
0x6c: {  	_ =	shalt  }
0x6d: {  	_ =	shalt  }
0x6e: {  	_ =	shalt  }
0x6f: {  	_ =	shalt  }
0x70: {  	_ =	shalt  }
0x71: {  	_ =	shalt  }
0x72: {  	_ =	shalt  }
0x73: {  	_ =	shalt  }
0x74: {  	_ =	shalt  }
0x75: {  	_ =	shalt  }
0x76: {  	_ =	shalt  }
0x77: {  	_ =	shalt  }
0x78: {  	_ =	shalt  }
0x79: {  	_ =	shalt  }
0x7a: {  	_ =	shalt  }
0x7b: {  	_ =	shalt  }
0x7c: {  	_ =	shalt  }
0x7d: {  	_ =	shalt  }
0x7e: {  	_ =	shalt  }
0x7f: {  	_ =	shalt  }
0x80: {  	_ =	shalt  }
0x81: {  	_ =	shalt  }
0x82: {  	_ =	shalt  }
0x83: {  	_ =	shalt  }
0x84: {  	_ =	shalt  }
0x85: {  	_ =	shalt  }
0x86: {  	_ =	shalt  }
0x87: {  	_ =	shalt  }
.Lfunc_end0:
.L_simem_size_0:
called_computation_lowered:
.L_overlay_start_0:
0x88: {  	s2 =	sld [smem:$0x3FD9]  }
0x89: {  	s3 =	sld [smem:$0x3FFE];
	_ =	sdelay $0x1  }
0x8a: {  	s1 =	srdreg.scid  }
0x8b: {  	s0 =	sand.u32 $0x1, s1  }
0x8c: {  	s16 =	sshll.u32 s0, $0xA;
	s2 =	sadd.s32 s3, s2  }
0x8d: {  	s2 =	sadd.s32 s2, s16  }
0x8e: {  	[smem:$0x3FC6] =	sst s2  }
0x8f: {  	_ = 	snop  }
0x90: {  	(tm) =	ssettm $0x1  }
0x91: {  	s17 =	sld [smem:$0x3FFB];
	_ =	sdelay $0x3  }
0x92: {  	_ =	strace s17  }
0x93: {  	s2 =	sld [smem:$0x3FFC];
	_ =	sdelay $0x3  }
0x94: {  	_ =	strace s2  }
0x95: {  	s2 =	sld [smem:$0x3FFD];
	_ =	sdelay $0x3  }
0x96: {  	_ =	strace s2  }
0x97: {  	_ =	strace $0x8FFFFFFF  }
0x98: {  	s18 =	sld [smem:$0x3FDB];
	_ =	sdelay $0x1  }
0x99: {  	s19 =	simm.s32 $_scs_section_size  }
0x9a: {  	s4 =	simm.s32 $_size__tile_overlayer_lowered;
	s5 =	simm.s32 $_tile_overlayer_lowered  }
0x9b: {  	s22 =	simm.s32 $0x1BFF;
	s21 =	sshll.u32 s5, $0x1;
	s2 =	sadd.s32 s19, s18  }
0x9c: {  	s6 =	simm.s32 $0x0;
	s20 =	sshll.u32 s4, $0x1;
	s4 =	sadd.s32 s21, s2  }
0x9d: {  	[timem:s6], [sflag:s22] =	dma.local [hbm:s4], s20  }
0x9e: {  	_ =	swait.ge [sflag:s22], s20  }
0x9f: {  	s3 =	ssub.s32 $0x0, s20;
	[sflag:s22] =	ssyncset.done $0x0  }
0xa0: {  	[sflag:s22] =	ssyncadd.s32 s3;
	_ =	sdelay $0x1  }
0xa1: {  	s23 =	simm.s32 $0x1B8B  }
0xa2: {  	_ =	swait.ge [sflag:s23], $0x1  }
0xa3: {  	[sflag:s23] =	ssyncset.done $0x0  }
0xa4: {  	s25 =	simm.s32 $0x1B8E;
	s24 =	sld [smem:$0x3FFE];
	[sflag:s23] =	ssyncadd.s32 $0xFFFFFFFF  }
0xa5: {  	s26 =	simm.s32 $execute0_lowered;
	[smem:$0x3FD2] =	sst s25  }
0xa6: {  	s4 =	sshll.u32 s26, $0x1;
	_ =	strace $0x80000046;
	[dreg:$0x1] =	wrdreg $0xFFFFFFFF  }
0xa7: {  	s28 =	simm.s32 $_size_execute0_lowered;
	s2 =	sadd.s32 s2, s4;
	[dreg:$0x0] =	wrdreg $0x0  }
0xa8: {  	s4 =	sshll.u32 s28, $0x1;
	[dreg:$0x2] =	wrdreg s2  }
0xa9: {  	[dreg:$0x3] =	wrdreg s4  }
0xaa: {  	[dreg:$0x4] =	wrdreg $0xC0  }
0xab: {  	_ =	task [dreg:s6], $0x5FFFF  }
0xac: {  	[dreg:$0x1] =	wrdreg $0xFFFFFFFF  }
0xad: {  	[dreg:$0x0] =	wrdreg $0x60  }
0xae: {  	[dreg:$0x2] =	wrdreg s24  }
0xaf: {  	[dreg:$0x3] =	wrdreg $0x9  }
0xb0: {  	_ =	task.clear_ibuf [dreg:s6], $0x4FFFF;
	_ =	strace $0x90000046  }
0xb1: {  	s29 =	simm.s32 $0x9;
	_ =	strace $0x80000048  }
0xb2: {  	_ =	swait.ge [sflag:s29], $0x1  }
0xb3: {  	[sflag:s29] =	ssyncadd.s32 $0xFFFFFFFF  }
0xb4: {  	_ =	strace $0x90000048  }
0xb5: {  	_ =	sfence  }
0xb6: {  	s30 =	sld [smem:$0x0];
	_ =	sdelay $0x2  }
0xb7: {  	s31 =	sshll.u32 s1, $0xD;
	s1 =	sshrl.u32 s1, $0x2  }
0xb8: {  	s3 =	sand.u32 $0x4000, s31;
	s1 =	sadd.s32 s1, s30  }
0xb9: {  	s0 =	sor.u32 s3, s0;
	s1 =	sshll.u32 s1, $0x11  }
0xba: {  	s0 =	sor.u32 s1, s0  }
0xbb: {  	s0 =	sadd.s32 $0x8F2B, s0  }
0xbc: {  	[sflag:s0] =	ssyncadd.remote.s32 $0x1  }
0xbd: {  	_ =	sfence.sel $0xFFFF  }
0xbe: {  	[dreg:$0x0] =	wrdreg $0xFFFFFFFF;
	(pc) =	sbr.abs _section_cstart, $3  }
0xbf: {  	[dreg:$0x1] =	wrdreg $0xFFFFFFFF  }
0xc0: {  	_ =	task.clear_ibuf [dreg:s6], $0x2FFFF;
	_ =	strace $0x9FFFFFFF  }
0xc1: {  	(tm) =	ssettm $0x7FFFFFFF  }
tec
execute0_lowered:
.L_overlay_start_1:
0x0: {  	(tag) =	ssettag $0x1  }
0x1: {  	s1 =	srdreg.scid  }
0x2: {  	s0 =	stileid.u32;
	s6 =	rddreg [dreg:$0x0];
	s9 =	simm.s32 $0x400  }
0x3: {  	s10 =	simm.s32 $0x300;
	s11 =	simm.s32 $0x1;
	s12 =	simm.s32 $0x180  }
0x4: {  	s13 =	simm.s32 $0x4980;
	s14 =	simm.s32 $0x0;
	s4 =	sshrl.u32 s0, $0x2  }
0x5: {  	s3 =	sand.u32 $0x1, s1;
	s29 =	sshll.u32 s0, $0x8;
	s5 =	smul.u32 $0xC00, s4  }
0x6: {  	s2 =	sshll.u32 s3, $0x7;
	s1 =	sand.u32 $0x300, s29;
	s8 =	smul.u32 $0x1800, s4  }
0x7: {  	s4 =	sshll.u32 s4, $0xA;
	s3 =	ssub.s32 $0x2, s3;
	s7 =	sor.u32 s2, s1  }
0x8: {  	s1 =	rddreg [dreg:$0x1];
	s2 =	simm.s32 $0x0;
	s31 =	sshrl.u32 s3, $0x1  }
0x9: {  	s5 =	sor.u32 s5, s7;
	[smem:$0x7FF] =	sst s2;
	s8 =	sor.u32 s8, s7  }
0xa: {  	s4 =	sor.u32 s4, s7;
	s5 =	sshrl.u32 s5, $0x3;
	_ =	strace $0x80000047  }
0xb: {  	s30 =	sshrl.u32 s8, $0x3;
	s4 =	sshrl.u32 s4, $0x3;
	s8 =	ssub.s32 s3, s31  }
0xc: {  	s5 =	sadd.s32 s5, s6;
	s7 =	sadd.s32 s30, s6;
	s6 =	sadd.s32 s4, s6  }
0xd: {  	s3 =	sadd.s32 $0x3800, s7;
	s4 =	sadd.s32 $0x1400, s5;
	s5 =	sadd.s32 $0x2600, s5  }
0xe: {  	s6 =	sadd.s32 $0x4400, s6;
	s7 =	smax.u32 s8, $0x1;
	s8 =	simm.s32 $0x80  }
.LBB2_1:
0xf: {  	[tilespmem:s10], [sflag:$0x1] =	stream.strided.gather [hbm4b:s3+s8], $0x300, s9, s8, $0x38;
	[tilespmem:$0x4A00] =	vst v63  }
0x10: {  	_ =	swait.ge [sflag:s11], $0x300  }
0x11: {  	[sflag:s11] =	ssyncset.done $0x0  }
0x12: {  	s15 =	simm.s32 $0x304;
	[sflag:s11] =	ssyncadd.s32 $0xFFFFFD00  }
0x13: {  	v0 =	vld [tilespmem:s15+$0xFFFFFFFC];
	_ =	sdelay $0x4  }
0x14: {  	(v2sf) =	vpush v0, $0x0;
	_ =	sdelay $0x1  }
0x15: {  	(v2sf) =	vpush v0, $0x1;
	_ =	sdelay $0xc  }
0x16: {  	s16 =	spop (v2sf)  }
0x17: {  	s17 =	smul.f32 s16, s16  }
0x18: {  	s18 =	spop (v2sf);
	s16 =	smul.f32 $-2.000000000e+00, s16  }
0x19: {  	s20 =	smul.f32 s18, s18  }
0x1a: {  	s18 =	smul.f32 $-2.000000000e+00, s18  }
0x1b: {  	s19 =	simm.s32 $0x620;
	v0 =	vmov s16;
	s17 =	sadd.f32 s20, s17  }
0x1c: {  	s20 =	simm.s32 $0x1CA0;
	[tilespmem:s19+$0xFFFFFFE0] =	vst v0;
	v0 =	vmov s18  }
0x1d: {  	s16 =	simm.s32 $0x3320;
	[tilespmem:s20+$0xFFFFFFE0] =	vst v0;
	v1 =	vmov s17  }
0x1e: {  	[tilespmem:s16+$0xFFFFFFE0] =	vst v1  }
0x1f: {  	v0 =	vld [tilespmem:s15+$0xFFFFFFFE];
	_ =	sdelay $0x4  }
0x20: {  	(v2sf) =	vpush v0, $0x0;
	_ =	sdelay $0x1  }
0x21: {  	(v2sf) =	vpush v0, $0x1;
	_ =	sdelay $0xc  }
0x22: {  	s30 =	spop (v2sf)  }
0x23: {  	s31 =	smul.f32 $-2.000000000e+00, s30  }
0x24: {  	s22 =	simm.s32 $0x3360;
	s21 =	spop (v2sf);
	s26 =	smul.f32 s30, s30  }
0x25: {  	s23 =	simm.s32 $0x30C;
	s18 =	simm.s32 $0x620;
	s25 =	smul.f32 s21, s21  }
0x26: {  	s17 =	simm.s32 $0x1CA0;
	s24 =	smul.f32 $-2.000000000e+00, s21;
	s21 =	simm.s32 $0x0;
	v0 =	vmov s31  }
.LBB2_2:
0x27: {  	s21 =	sadd.s32 $0x4, s21;
	s19 =	sadd.s32 $0x40, s19;
	s20 =	sadd.s32 $0x40, s20  }
0x28: {  	p0 =	slt.u32 s21, $0x164;
	s25 =	sadd.f32 s25, s26  }
0x29: {  	[tilespmem:s18+$0xFFFFFFF0] =	vst v0;
	v0 =	vmov s24  }
0x2a: {  	[tilespmem:s17+$0xFFFFFFF0] =	vst v0;
	v0 =	vmov s25  }
0x2b: {  	[tilespmem:s16+$0xFFFFFFF0] =	vst v0  }
0x2c: {  	v0 =	vld [tilespmem:s15+$0x0];
	_ =	sdelay $0x4  }
0x2d: {  	(v2sf) =	vpush v0, $0x0  }
0x2e: {  	(v2sf) =	vpush v0, $0x1;
	_ =	sdelay $0xd  }
0x2f: {  	s24 =	spop (v2sf)  }
0x30: {  	s25 =	smul.f32 $-2.000000000e+00, s24;
	s26 =	spop (v2sf)  }
0x31: {  	s24 =	smul.f32 s24, s24  }
0x32: {  	v0 =	vmov s25;
	s25 =	smul.f32 s26, s26  }
0x33: {  	s26 =	smul.f32 $-2.000000000e+00, s26;
	[tilespmem:s18+$0x0] =	vst v0  }
0x34: {  	s24 =	sadd.f32 s25, s24  }
0x35: {  	v0 =	vmov s26  }
0x36: {  	[tilespmem:s17+$0x0] =	vst v0;
	v0 =	vmov s24  }
0x37: {  	[tilespmem:s16+$0x0] =	vst v0  }
0x38: {  	v0 =	vld [tilespmem:s15+$0x2];
	s15 =	smov.u32 s23;
	_ =	sdelay $0x4  }
0x39: {  	(v2sf) =	vpush v0, $0x0  }
0x3a: {  	(v2sf) =	vpush v0, $0x1;
	_ =	sdelay $0xd  }
0x3b: {  	s24 =	spop (v2sf)  }
0x3c: {  	s25 =	smul.f32 s24, s24;
	s26 =	spop (v2sf)  }
0x3d: {  	s28 =	smul.f32 s26, s26  }
0x3e: {  	s24 =	smul.f32 $-2.000000000e+00, s24  }
0x3f: {  	s26 =	smul.f32 $-2.000000000e+00, s26;
	s25 =	sadd.f32 s28, s25  }
0x40: {  	v0 =	vmov s24  }
0x41: {  	[tilespmem:s18+$0x10] =	vst v0;
	v0 =	vmov s26;
	v1 =	vmov s25;
	s18 =	smov.u32 s19  }
0x42: {  	[tilespmem:s17+$0x10] =	vst v0;
	s17 =	smov.u32 s20  }
0x43: {  	[tilespmem:s16+$0x10] =	vst v1;
	s16 =	smov.u32 s22  }
0x44: {  	v0 =	vld [tilespmem:s23+$0xFFFFFFFC];
	_ =	sdelay $0x4  }
0x45: {  	(v2sf) =	vpush v0, $0x0  }
0x46: {  	(v2sf) =	vpush v0, $0x1;
	_ =	sdelay $0xd  }
0x47: {  	s24 =	spop (v2sf)  }
0x48: {  	s25 =	smul.f32 s24, s24;
	s26 =	spop (v2sf)  }
0x49: {  	s28 =	smul.f32 s26, s26  }
0x4a: {  	s24 =	smul.f32 $-2.000000000e+00, s24  }
0x4b: {  	s26 =	smul.f32 $-2.000000000e+00, s26;
	s25 =	sadd.f32 s28, s25  }
0x4c: {  	v0 =	vmov s24  }
0x4d: {  	[tilespmem:s19+$0xFFFFFFE0] =	vst v0;
	v0 =	vmov s26;
	v1 =	vmov s25  }
0x4e: {  	[tilespmem:s20+$0xFFFFFFE0] =	vst v0  }
0x4f: {  	[tilespmem:s22+$0xFFFFFFE0] =	vst v1  }
0x50: {  	v0 =	vld [tilespmem:s23+$0xFFFFFFFE];
	_ =	sdelay $0x4  }
0x51: {  	(v2sf) =	vpush v0, $0x0  }
0x52: {  	(v2sf) =	vpush v0, $0x1;
	_ =	sdelay $0xd  }
.Ltmp0:
0x53: {  	s26 =	spop (v2sf);
	(pc) =	sbr.rel @p0 .LBB2_2-.Ltmp0, $4  }
0x54: {  	s24 =	smul.f32 $-2.000000000e+00, s26;
	s28 =	spop (v2sf)  }
0x55: {  	s25 =	smul.f32 s28, s28  }
0x56: {  	v0 =	vmov s24;
	s24 =	smul.f32 $-2.000000000e+00, s28  }
0x57: {  	s22 =	sadd.s32 $0x40, s22;
	s23 =	sadd.s32 $0x8, s23;
	s26 =	smul.f32 s26, s26  }
0x58: {  	_ = 	snop  }
0x59: {  	s19 =	sadd.f32 s25, s26  }
0x5a: {  	[tilespmem:s18+$0xFFFFFFF0] =	vst v0;
	v49 =	vmov s24  }
0x5b: {  	[tilespmem:s17+$0xFFFFFFF0] =	vst v49;
	v50 =	vmov s19  }
0x5c: {  	[tilespmem:s16+$0xFFFFFFF0] =	vst v50  }
0x5d: {  	v0 =	vld [tilespmem:s15+$0x0];
	_ =	sdelay $0x4  }
0x5e: {  	(v2sf) =	vpush v0, $0x0;
	_ =	sdelay $0x1  }
0x5f: {  	(v2sf) =	vpush v0, $0x1;
	_ =	sdelay $0xc  }
0x60: {  	s25 =	spop (v2sf)  }
0x61: {  	s20 =	smul.f32 $-2.000000000e+00, s25  }
0x62: {  	s21 =	spop (v2sf);
	s19 =	smul.f32 s25, s25  }
0x63: {  	s22 =	smul.f32 s21, s21  }
0x64: {  	s21 =	smul.f32 $-2.000000000e+00, s21  }
0x65: {  	v51 =	vmov s20;
	s19 =	sadd.f32 s22, s19  }
0x66: {  	[tilespmem:s18+$0x0] =	vst v51;
	v52 =	vmov s21  }
0x67: {  	[tilespmem:s17+$0x0] =	vst v52;
	v53 =	vmov s19  }
0x68: {  	[tilespmem:s16+$0x0] =	vst v53  }
0x69: {  	v0 =	vld [tilespmem:s15+$0x2];
	_ =	sdelay $0x4  }
0x6a: {  	(v2sf) =	vpush v0, $0x0;
	_ =	sdelay $0x1  }
0x6b: {  	(v2sf) =	vpush v0, $0x1;
	_ =	sdelay $0xc  }
0x6c: {  	s26 =	spop (v2sf)  }
0x6d: {  	s28 =	smul.f32 s26, s26  }
0x6e: {  	s29 =	spop (v2sf);
	s15 =	smul.f32 $-2.000000000e+00, s26  }
0x6f: {  	s30 =	smul.f32 s29, s29  }
0x70: {  	s20 =	smul.f32 $-2.000000000e+00, s29  }
0x71: {  	v54 =	vmov s15;
	s19 =	sadd.f32 s30, s28  }
0x72: {  	[tilespmem:s18+$0x10] =	vst v54;
	v55 =	vmov s20  }
0x73: {  	[tilespmem:s17+$0x10] =	vst v55;
	v1 =	vmov s19  }
0x74: {  	[tilespmem:s16+$0x10] =	vst v1  }
0x75: {  	[tilespmem:s2], [sflag:$0x1] =	stream.strided.gather [hbm4b:s4+s8], $0x180, s9, s8, $0x38;
	[tilespmem:$0x4A00] =	vst v63  }
0x76: {  	_ =	swait.ge [sflag:s11], $0x180  }
0x77: {  	[sflag:s11] =	ssyncset.done $0x0  }
0x78: {  	[sflag:s11] =	ssyncadd.s32 $0xFFFFFE80  }
0x79: {  	[tilespmem:s12], [sflag:$0x1] =	stream.strided.gather [hbm4b:s5+s8], $0x180, s9, s8, $0x38;
	[tilespmem:$0x4A00] =	vst v63  }
0x7a: {  	_ =	swait.ge [sflag:s11], $0x180  }
0x7b: {  	[sflag:s11] =	ssyncset.done $0x0  }
0x7c: {  	[sflag:s11] =	ssyncadd.s32 $0xFFFFFE80  }
0x7d: {  	v56 =	vld [tilespmem:$0x0]  }
0x7e: {  	v55 =	vld [tilespmem:$0x10]  }
0x7f: {  	v54 =	vld [tilespmem:$0x20]  }
0x80: {  	v40 =	vld [tilespmem:$0x30]  }
0x81: {  	s15 =	simm.s32 $0x630;
	v5 =	vld [tilespmem:$0x40]  }
0x82: {  	v8 =	vld [tilespmem:s15+$0x20]  }
0x83: {  	v6 =	vld [tilespmem:$0x50]  }
0x84: {  	v3 =	vld [tilespmem:$0x60]  }
0x85: {  	v2 =	vld [tilespmem:$0x70]  }
0x86: {  	v9 =	vld [tilespmem:s15+$0x10]  }
0x87: {  	v10 =	vmul.f32 v8, v56  }
0x88: {  	v11 =	vmul.f32 v8, v55;
	v12 =	vmul.f32 v8, v54  }
0x89: {  	v13 =	vmul.f32 v8, v40;
	v14 =	vmul.f32 v8, v5  }
0x8a: {  	v17 =	vld [tilespmem:s15+$0x0];
	v15 =	vmul.f32 v8, v6;
	v16 =	vmul.f32 v8, v3  }
0x8b: {  	s16 =	simm.s32 $0x3330;
	v8 =	vmul.f32 v8, v2;
	v18 =	vmul.f32 v9, v56  }
0x8c: {  	v27 =	vld [tilespmem:s16+$0x20];
	v19 =	vmul.f32 v9, v55;
	v20 =	vmul.f32 v9, v54  }
0x8d: {  	v21 =	vmul.f32 v9, v40;
	v22 =	vmul.f32 v9, v5  }
0x8e: {  	v23 =	vmul.f32 v9, v6;
	v25 =	vmul.f32 v9, v3  }
0x8f: {  	v24 =	vld [tilespmem:s15+$0xFFFFFFF0];
	v9 =	vmul.f32 v9, v2;
	v26 =	vmul.f32 v17, v56  }
0x90: {  	v35 =	vld [tilespmem:s16+$0x10];
	v28 =	vmul.f32 v17, v55;
	v29 =	vmul.f32 v17, v54  }
0x91: {  	v30 =	vmul.f32 v17, v40;
	v31 =	vmul.f32 v17, v5;
	v37 =	vadd.f32 v27, v10  }
0x92: {  	v32 =	vmul.f32 v17, v6;
	v38 =	vadd.f32 v27, v11;
	v0 =	vadd.f32 v27, v12  }
0x93: {  	v33 =	vmul.f32 v17, v3;
	v46 =	vadd.f32 v27, v13;
	v41 =	vadd.f32 v27, v14  }
0x94: {  	v45 =	vld [tilespmem:s16+$0xFFFFFFF0];
	v34 =	vmul.f32 v24, v56;
	v42 =	vadd.f32 v27, v15;
	v39 =	vadd.f32 v27, v16  }
0x95: {  	v36 =	vmul.f32 v24, v55;
	v27 =	vadd.f32 v27, v8;
	v18 =	vadd.f32 v35, v18  }
0x96: {  	v43 =	vmul.f32 v24, v3;
	v19 =	vadd.f32 v35, v19;
	v20 =	vadd.f32 v35, v20  }
0x97: {  	v12 =	vmul.f32 v24, v40;
	v21 =	vadd.f32 v35, v21;
	v22 =	vadd.f32 v35, v22  }
0x98: {  	v11 =	vld [tilespmem:s15+$0xFFFFFFE0];
	v15 =	vmul.f32 v24, v6;
	v23 =	vadd.f32 v35, v23;
	v47 =	vadd.f32 v35, v25  }
0x99: {  	v10 =	vmul.f32 v24, v54;
	v14 =	vld [tilespmem:s16+$0x0];
	v53 =	vadd.f32 v35, v9;
	v4 =	vadd.f32 v45, v12  }
0x9a: {  	v13 =	vmul.f32 v24, v5;
	v34 =	vadd.f32 v45, v34;
	v8 =	vadd.f32 v45, v15  }
0x9b: {  	v24 =	vmul.f32 v24, v2;
	v36 =	vadd.f32 v45, v36;
	v7 =	vadd.f32 v45, v10;
	[tilespmem:$0x1FF40] =	vst v4  }
0x9c: {  	v17 =	vmul.f32 v17, v2;
	v4 =	vadd.f32 v45, v13;
	[tilespmem:$0x1FF50] =	vst v8;
	v8 =	vadd.f32 v45, v43  }
0x9d: {  	v51 =	vld [tilespmem:s16+$0xFFFFFFE0];
	v45 =	vadd.f32 v45, v24;
	v44 =	vmul.f32 v11, v56;
	v25 =	vmul.f32 v11, v55  }
0x9e: {  	v35 =	vadd.f32 v14, v26;
	v48 =	vadd.f32 v14, v28;
	v26 =	vmul.f32 v11, v54  }
0x9f: {  	v49 =	vadd.f32 v14, v29;
	v30 =	vadd.f32 v14, v30;
	v28 =	vld [tilespmem:s15+$0xFFFFFFD0];
	v29 =	vmul.f32 v11, v40  }
0xa0: {  	v57 =	vld [tilespmem:s16+$0xFFFFFFD0];
	v31 =	vadd.f32 v14, v31;
	v32 =	vadd.f32 v14, v32;
	v50 =	vmul.f32 v11, v5  }
0xa1: {  	s31 =	simm.s32 $0x1CB0;
	v9 =	vld [tilespmem:$0x180];
	v33 =	vadd.f32 v14, v33;
	v1 =	vadd.f32 v14, v17;
	v14 =	vmul.f32 v11, v6  }
0xa2: {  	v16 =	vld [tilespmem:s31+$0x10];
	v52 =	vmul.f32 v11, v3;
	v44 =	vadd.f32 v51, v44;
	v15 =	vadd.f32 v51, v25  }
0xa3: {  	v10 =	vld [tilespmem:$0x190];
	v12 =	vmul.f32 v11, v2;
	v60 =	vadd.f32 v51, v26;
	v61 =	vadd.f32 v51, v29  }
0xa4: {  	[tilespmem:$0x1FEC0] =	vst v56;
	v25 =	vld [tilespmem:s31+$0x20];
	v50 =	vadd.f32 v51, v50;
	v62 =	vadd.f32 v51, v14;
	v13 =	vmul.f32 v28, v56  }
0xa5: {  	[tilespmem:$0x1FF00] =	vst v5;
	v11 =	vld [tilespmem:$0x1A0];
	v52 =	vadd.f32 v51, v52;
	v24 =	vmul.f32 v28, v55;
	v59 =	vmul.f32 v28, v54  }
0xa6: {  	v58 =	vadd.f32 v51, v12;
	[tilespmem:$0x1FF60] =	vst v15;
	v15 =	vld [tilespmem:$0x1C0];
	v26 =	vmul.f32 v28, v40;
	v14 =	vmul.f32 v28, v5  }
0xa7: {  	[tilespmem:$0x1FF10] =	vst v6;
	v29 =	vmul.f32 v28, v6;
	v6 =	vld [tilespmem:$0x1E0];
	v5 =	vadd.f32 v57, v13;
	v43 =	vadd.f32 v57, v24  }
0xa8: {  	[tilespmem:$0x1FEE0] =	vst v54;
	v54 =	vld [tilespmem:$0x1B0];
	v51 =	vadd.f32 v57, v26;
	v24 =	vmul.f32 v28, v3;
	v26 =	vmul.f32 v28, v2  }
0xa9: {  	[tilespmem:$0x1FED0] =	vst v55;
	v12 =	vld [tilespmem:$0x1D0];
	v59 =	vadd.f32 v57, v59;
	v28 =	vmul.f32 v25, v9;
	v56 =	vadd.f32 v57, v29  }
0xaa: {  	[tilespmem:$0x1FEF0] =	vst v40;
	v13 =	vld [tilespmem:$0x1F0];
	v40 =	vadd.f32 v57, v24;
	v24 =	vmul.f32 v25, v10;
	v55 =	vadd.f32 v57, v26  }
0xab: {  	[tilespmem:$0x1FFD0] =	vst v56;
	v56 =	vadd.f32 v37, v28;
	v26 =	vmul.f32 v25, v11;
	v28 =	vmul.f32 v25, v15  }
0xac: {  	[tilespmem:$0x1FF20] =	vst v3;
	v63 =	vadd.f32 v57, v14;
	v57 =	vmul.f32 v16, v15;
	v29 =	vmul.f32 v25, v6  }
0xad: {  	[tilespmem:$0x1FF30] =	vst v2;
	v37 =	vld [tilespmem:s31+$0x0];
	v3 =	vadd.f32 v38, v24;
	v24 =	vmul.f32 v25, v54;
	v2 =	vadd.f32 v0, v26  }
0xae: {  	v26 =	vmul.f32 v25, v12;
	v41 =	vadd.f32 v41, v28;
	v28 =	vmul.f32 v16, v9  }
0xaf: {  	v22 =	vadd.f32 v22, v57;
	v46 =	vadd.f32 v46, v24;
	v24 =	vmul.f32 v25, v13  }
0xb0: {  	v25 =	vadd.f32 v39, v29;
	v29 =	vmul.f32 v16, v11;
	v18 =	vadd.f32 v18, v28  }
0xb1: {  	v38 =	vld [tilespmem:s31+$0xFFFFFFF0];
	v28 =	vmul.f32 v16, v54;
	v24 =	vadd.f32 v27, v24;
	v27 =	vmul.f32 v16, v10  }
0xb2: {  	v26 =	vadd.f32 v42, v26;
	v0 =	vmul.f32 v37, v10;
	v57 =	vmul.f32 v37, v13  }
0xb3: {  	v20 =	vadd.f32 v20, v29;
	v19 =	vadd.f32 v19, v27;
	v27 =	vmul.f32 v16, v12  }
0xb4: {  	v21 =	vadd.f32 v21, v28;
	v28 =	vmul.f32 v16, v6;
	v39 =	vadd.f32 v48, v0  }
0xb5: {  	v16 =	vmul.f32 v16, v13;
	v29 =	vadd.f32 v23, v27;
	v23 =	vmul.f32 v37, v9  }
0xb6: {  	v0 =	vmul.f32 v38, v9;
	v27 =	vadd.f32 v47, v28;
	v47 =	vmul.f32 v37, v11  }
0xb7: {  	v28 =	vadd.f32 v53, v16;
	v17 =	vadd.f32 v35, v23;
	v23 =	vmul.f32 v37, v54  }
0xb8: {  	v53 =	vmul.f32 v37, v6;
	v42 =	vadd.f32 v49, v47;
	v49 =	vmul.f32 v37, v15  }
0xb9: {  	v23 =	vadd.f32 v30, v23;
	v30 =	vmul.f32 v37, v12;
	v37 =	vmul.f32 v38, v11  }
0xba: {  	v48 =	vadd.f32 v31, v49  }
0xbb: {  	v49 =	vadd.f32 v34, v0;
	v0 =	vadd.f32 v7, v37;
	v37 =	vld [tilespmem:$0x1FF40];
	_ =	sdelay $0x2  }
0xbc: {  	v30 =	vadd.f32 v32, v30;
	v32 =	vadd.f32 v1, v57;
	v57 =	vmul.f32 v38, v54;
	_ =	sdelay $0x1  }
0xbd: {  	v7 =	vadd.f32 v37, v57;
	v57 =	vld [tilespmem:$0x1FF50];
	_ =	sdelay $0x1  }
0xbe: {  	v14 =	vld [tilespmem:s31+$0xFFFFFFE0];
	v16 =	vmul.f32 v38, v10  }
0xbf: {  	v34 =	vmul.f32 v38, v12  }
0xc0: {  	v47 =	vadd.f32 v33, v53;
	v53 =	vadd.f32 v36, v16;
	v16 =	vmul.f32 v38, v15  }
0xc1: {  	v35 =	vmul.f32 v38, v13;
	v33 =	vadd.f32 v57, v34;
	v57 =	vld [tilespmem:$0x1FF60]  }
0xc2: {  	v36 =	vmul.f32 v38, v6;
	v4 =	vadd.f32 v4, v16;
	v16 =	vld [tilespmem:s31+$0xFFFFFFD0]  }
0xc3: {  	v35 =	vadd.f32 v45, v35;
	v45 =	vmul.f32 v14, v15;
	v1 =	vmul.f32 v14, v9  }
0xc4: {  	v38 =	vmul.f32 v14, v11;
	v37 =	vmul.f32 v14, v10  }
0xc5: {  	v45 =	vadd.f32 v50, v45;
	v34 =	vadd.f32 v8, v36;
	v36 =	vmul.f32 v14, v54  }
0xc6: {  	v44 =	vadd.f32 v44, v1;
	v1 =	vadd.f32 v57, v37;
	v57 =	vmul.f32 v14, v12  }
0xc7: {  	v60 =	vadd.f32 v60, v38;
	v38 =	vmul.f32 v16, v9;
	v61 =	vadd.f32 v61, v36  }
0xc8: {  	v37 =	vmul.f32 v14, v6;
	v36 =	vadd.f32 v62, v57;
	v57 =	vmul.f32 v16, v10  }
0xc9: {  	v62 =	vadd.f32 v5, v38;
	v38 =	vmul.f32 v14, v13;
	v5 =	vmul.f32 v16, v11  }
0xca: {  	v37 =	vadd.f32 v52, v37;
	v52 =	vimm.f32 $+Inf;
	v43 =	vadd.f32 v43, v57  }
0xcb: {  	v57 =	vmul.f32 v16, v54;
	v38 =	vadd.f32 v58, v38;
	v8 =	vadd.f32 v59, v5  }
0xcc: {  	[tilespmem:$0x1FFA0] =	vst v54;
	v5 =	vmin.f32 v52, v62;
	v54 =	vmul.f32 v16, v15;
	v43 =	vmin.f32 v52, v43  }
0xcd: {  	v62 =	vmul.f32 v16, v12;
	v44 =	vmin.f32 v5, v44;
	v43 =	vmin.f32 v43, v1  }
0xce: {  	v63 =	vadd.f32 v63, v54;
	v54 =	vmul.f32 v16, v6;
	v43 =	vmin.f32 v43, v53;
	v53 =	vld [tilespmem:$0x1FFD0]  }
0xcf: {  	v50 =	vadd.f32 v51, v57;
	v44 =	vmin.f32 v44, v49;
	v16 =	vmul.f32 v16, v13  }
0xd0: {  	v59 =	vmin.f32 v52, v8;
	v17 =	vmin.f32 v44, v17;
	v57 =	vadd.f32 v40, v54  }
0xd1: {  	v17 =	vmin.f32 v17, v18;
	v58 =	vadd.f32 v55, v16;
	v63 =	vmin.f32 v52, v63  }
0xd2: {  	v16 =	vmin.f32 v59, v60;
	v39 =	vmin.f32 v43, v39;
	v14 =	vmin.f32 v17, v56  }
0xd3: {  	[tilespmem:$0x1FF70] =	vst v9;
	v19 =	vmin.f32 v39, v19;
	v49 =	vadd.f32 v53, v62;
	v62 =	vmin.f32 v52, v50  }
0xd4: {  	[tilespmem:$0x1FFF0] =	vst v13;
	v16 =	vmin.f32 v16, v0;
	v13 =	vmin.f32 v19, v3;
	v19 =	vmin.f32 v62, v61  }
0xd5: {  	[tilespmem:$0x1FF80] =	vst v10;
	v44 =	vmin.f32 v63, v45;
	v16 =	vmin.f32 v16, v42;
	v19 =	vmin.f32 v19, v7  }
0xd6: {  	[tilespmem:$0x1FF90] =	vst v11;
	v44 =	vmin.f32 v44, v4;
	v16 =	vmin.f32 v16, v20;
	v19 =	vmin.f32 v19, v23  }
0xd7: {  	[tilespmem:$0x1FFC0] =	vst v12;
	v10 =	vmin.f32 v16, v2;
	v23 =	vmin.f32 v44, v48;
	v19 =	vmin.f32 v19, v21  }
0xd8: {  	[tilespmem:$0x1FFB0] =	vst v15;
	v21 =	vmin.f32 v23, v22;
	v22 =	vmin.f32 v52, v57;
	v23 =	vmin.f32 v52, v58  }
0xd9: {  	s18 =	simm.s32 $0x1D10;
	s17 =	simm.s32 $0x0;
	[tilespmem:$0x1FFE0] =	vst v6;
	v9 =	vmin.f32 v19, v46;
	v11 =	vmin.f32 v21, v41;
	v21 =	vmin.f32 v52, v49  }
.LBB2_4:
0xda: {  	v39 =	vld [tilespmem:s18+$0x20]  }
0xdb: {  	v5 =	vld [tilespmem:$0x1FF70]  }
0xdc: {  	v7 =	vld [tilespmem:$0x1FF80]  }
0xdd: {  	v16 =	vld [tilespmem:$0x1FF90]  }
0xde: {  	v17 =	vld [tilespmem:$0x1FFA0]  }
0xdf: {  	v31 =	vld [tilespmem:$0x1FFE0]  }
0xe0: {  	v49 =	vld [tilespmem:s18+$0xFFFFFFF0]  }
0xe1: {  	v21 =	vmin.f32 v21, v36;
	s15 =	sadd.s32 $0x60, s15;
	v3 =	vld [tilespmem:$0x1FEF0]  }
0xe2: {  	v22 =	vmin.f32 v22, v37;
	v23 =	vmin.f32 v23, v38;
	v21 =	vmin.f32 v21, v33;
	v2 =	vld [tilespmem:s15+$0xFFFFFFF0]  }
0xe3: {  	v22 =	vmin.f32 v22, v34;
	v23 =	vmin.f32 v23, v35;
	v21 =	vmin.f32 v21, v30;
	v30 =	vld [tilespmem:s18+$0x10]  }
0xe4: {  	v22 =	vmin.f32 v22, v47;
	v23 =	vmin.f32 v23, v32;
	v21 =	vmin.f32 v21, v29  }
0xe5: {  	[tilespmem:$0x1FE40] =	vst v9;
	v15 =	vld [tilespmem:$0x1FEC0];
	v22 =	vmin.f32 v22, v27;
	v42 =	vmul.f32 v39, v5;
	v43 =	vmul.f32 v39, v7  }
0xe6: {  	[tilespmem:$0x1FDB0] =	vst v14;
	v47 =	vld [tilespmem:s18+$0x0];
	v23 =	vmin.f32 v23, v28;
	v44 =	vmul.f32 v39, v16;
	v45 =	vmul.f32 v39, v17  }
0xe7: {  	[tilespmem:$0x1FDC0] =	vst v13;
	v50 =	vld [tilespmem:s15+$0x20];
	v0 =	vmin.f32 v21, v26;
	v52 =	vmul.f32 v39, v31;
	v33 =	vmul.f32 v49, v5  }
0xe8: {  	[tilespmem:$0x1FE50] =	vst v11;
	v28 =	vld [tilespmem:$0x1FF00];
	v40 =	vmin.f32 v22, v25;
	v48 =	vmul.f32 v2, v3;
	v53 =	vmul.f32 v30, v5  }
0xe9: {  	v41 =	vmin.f32 v23, v24;
	v21 =	vld [tilespmem:$0x1FFB0];
	[tilespmem:$0x1FEA0] =	vst v40;
	v55 =	vmul.f32 v30, v7;
	v56 =	vmul.f32 v30, v16  }
0xea: {  	v24 =	vld [tilespmem:$0x1FFC0];
	[tilespmem:$0x1FEB0] =	vst v41;
	v57 =	vmul.f32 v30, v17;
	v59 =	vmul.f32 v30, v31  }
0xeb: {  	v25 =	vld [tilespmem:$0x1FFF0];
	[tilespmem:$0x1FC00] =	vst v42;
	v60 =	vmul.f32 v47, v5;
	v62 =	vmul.f32 v47, v7  }
0xec: {  	[tilespmem:$0x1FC10] =	vst v43;
	v63 =	vmul.f32 v47, v16;
	v4 =	vmul.f32 v47, v17  }
0xed: {  	v1 =	vld [tilespmem:$0x1FEE0];
	[tilespmem:$0x1FC70] =	vst v52;
	v19 =	vmul.f32 v47, v31;
	v52 =	vmul.f32 v50, v15  }
0xee: {  	v27 =	vld [tilespmem:$0x1FF20];
	v43 =	vmul.f32 v2, v15;
	v35 =	vmul.f32 v2, v28;
	[tilespmem:$0x1FC90] =	vst v53  }
0xef: {  	v26 =	vld [tilespmem:$0x1FF30];
	v46 =	vmul.f32 v39, v21;
	v51 =	vmul.f32 v39, v24;
	[tilespmem:$0x1FCA0] =	vst v55  }
0xf0: {  	v54 =	vmul.f32 v39, v25;
	v29 =	vmul.f32 v30, v21;
	[tilespmem:$0x1FD40] =	vst v4;
	v4 =	vld [tilespmem:$0x1FED0]  }
0xf1: {  	[tilespmem:$0x1FCB0] =	vst v56;
	v58 =	vmul.f32 v30, v24;
	v61 =	vmul.f32 v30, v25;
	v39 =	vld [tilespmem:$0x1FF10]  }
0xf2: {  	[tilespmem:$0x1FCE0] =	vst v59;
	v6 =	vmul.f32 v47, v21;
	v18 =	vmul.f32 v47, v24;
	v59 =	vld [tilespmem:s15+$0x0]  }
0xf3: {  	v32 =	vmul.f32 v47, v25;
	v55 =	vmul.f32 v50, v3;
	[tilespmem:$0x1FC50] =	vst v46  }
0xf4: {  	v56 =	vmul.f32 v50, v28;
	[tilespmem:$0x1FC80] =	vst v54;
	v54 =	vmul.f32 v50, v1  }
0xf5: {  	[tilespmem:$0x1FCD0] =	vst v58;
	v58 =	vmul.f32 v50, v27;
	v46 =	vmul.f32 v2, v1  }
0xf6: {  	[tilespmem:$0x1FCC0] =	vst v57;
	v47 =	vld [tilespmem:s15+$0xFFFFFFE0];
	v53 =	vmul.f32 v50, v4;
	v57 =	vmul.f32 v50, v39  }
0xf7: {  	s16 =	sadd.s32 $0x60, s16;
	[tilespmem:$0x1FC60] =	vst v51;
	v51 =	vld [tilespmem:s15+$0x10];
	v50 =	vmul.f32 v50, v26;
	v11 =	vmul.f32 v59, v15  }
0xf8: {  	[tilespmem:$0x1FD50] =	vst v6;
	v6 =	vld [tilespmem:s16+$0x20];
	v12 =	vmul.f32 v59, v4;
	v40 =	vmul.f32 v59, v1  }
0xf9: {  	[tilespmem:$0x1FC30] =	vst v44;
	v13 =	vmul.f32 v59, v3;
	v14 =	vmul.f32 v59, v28  }
0xfa: {  	[tilespmem:$0x1FC40] =	vst v45;
	v41 =	vmul.f32 v59, v39;
	v42 =	vmul.f32 v59, v27  }
0xfb: {  	[tilespmem:$0x1FD70] =	vst v19;
	v59 =	vmul.f32 v59, v26;
	v44 =	vmul.f32 v2, v4  }
0xfc: {  	v19 =	vld [tilespmem:s16+$0x0];
	[tilespmem:$0x1FD60] =	vst v18;
	v18 =	vmul.f32 v2, v39;
	v20 =	vmul.f32 v47, v15  }
0xfd: {  	[tilespmem:$0x1FD00] =	vst v60;
	v60 =	vmul.f32 v51, v15;
	v36 =	vadd.f32 v6, v52;
	v9 =	vadd.f32 v6, v53  }
0xfe: {  	[tilespmem:$0x1FCF0] =	vst v61;
	v61 =	vmul.f32 v51, v4;
	v37 =	vadd.f32 v6, v54;
	v55 =	vadd.f32 v6, v55  }
0xff: {  	[tilespmem:$0x1FD20] =	vst v62;
	v62 =	vmul.f32 v51, v1;
	v38 =	vadd.f32 v6, v56;
	v57 =	vadd.f32 v6, v57  }
0x100: {  	v45 =	vld [tilespmem:s16+$0x10];
	[tilespmem:$0x1FD30] =	vst v63;
	v63 =	vmul.f32 v51, v3;
	v58 =	vadd.f32 v6, v58;
	v23 =	vadd.f32 v6, v50  }
0x101: {  	[tilespmem:$0x1FE90] =	vst v0;
	v0 =	vmul.f32 v51, v28;
	v34 =	vadd.f32 v19, v11;
	v54 =	vadd.f32 v19, v12  }
0x102: {  	[tilespmem:$0x1FD80] =	vst v32;
	v8 =	vmul.f32 v51, v39;
	v40 =	vadd.f32 v19, v40;
	v32 =	vadd.f32 v19, v13  }
0x103: {  	[tilespmem:$0x1FE30] =	vst v10;
	v10 =	vmul.f32 v51, v27;
	v30 =	vadd.f32 v19, v14;
	v41 =	vadd.f32 v19, v41  }
0x104: {  	v51 =	vmul.f32 v51, v26;
	v13 =	vld [tilespmem:s16+$0xFFFFFFE0];
	v42 =	vadd.f32 v19, v42;
	v19 =	vadd.f32 v19, v59  }
0x105: {  	v50 =	vmul.f32 v2, v27;
	v60 =	vadd.f32 v45, v60;
	v61 =	vadd.f32 v45, v61  }
0x106: {  	v11 =	vmul.f32 v47, v3;
	[tilespmem:$0x1FC20] =	vst v9;
	v62 =	vadd.f32 v45, v62;
	v63 =	vadd.f32 v45, v63;
	v9 =	vld [tilespmem:s16+$0xFFFFFFF0]  }
0x107: {  	v56 =	vadd.f32 v45, v0;
	v22 =	vadd.f32 v45, v8;
	v8 =	vmul.f32 v47, v4  }
0x108: {  	v6 =	vadd.f32 v45, v10;
	v45 =	vadd.f32 v45, v51;
	v51 =	vmul.f32 v47, v1  }
0x109: {  	v2 =	vmul.f32 v2, v26;
	v10 =	vld [tilespmem:s15+$0xFFFFFFD0];
	v20 =	vadd.f32 v13, v20;
	v8 =	vadd.f32 v13, v8  }
0x10a: {  	v12 =	vmul.f32 v47, v28;
	v51 =	vadd.f32 v13, v51;
	v11 =	vadd.f32 v13, v11  }
0x10b: {  	v14 =	vmul.f32 v47, v39;
	v43 =	vadd.f32 v9, v43;
	v44 =	vadd.f32 v9, v44  }
0x10c: {  	v59 =	vmul.f32 v47, v27;
	[tilespmem:$0x1FD10] =	vst v34;
	v0 =	vld [tilespmem:s16+$0xFFFFFFD0];
	v34 =	vadd.f32 v9, v46;
	v48 =	vadd.f32 v9, v48  }
0x10d: {  	[tilespmem:$0x1FD90] =	vst v33;
	v47 =	vmul.f32 v47, v26;
	v33 =	vadd.f32 v9, v35;
	v18 =	vadd.f32 v9, v18  }
0x10e: {  	v50 =	vadd.f32 v9, v50;
	v35 =	vadd.f32 v9, v2;
	v9 =	vmul.f32 v10, v1  }
0x10f: {  	v12 =	vadd.f32 v13, v12;
	v1 =	vmul.f32 v10, v39;
	v39 =	vmul.f32 v10, v27  }
0x110: {  	v14 =	vadd.f32 v13, v14;
	v59 =	vadd.f32 v13, v59  }
0x111: {  	v13 =	vadd.f32 v13, v47;
	v47 =	vadd.f32 v0, v39;
	v39 =	vld [tilespmem:$0x1FC00]  }
0x112: {  	v46 =	vld [tilespmem:$0x1FC10]  }
0x113: {  	v52 =	vadd.f32 v0, v9;
	v9 =	vld [tilespmem:$0x1FC20]  }
0x114: {  	v3 =	vmul.f32 v10, v3  }
0x115: {  	[tilespmem:$0x1FDF0] =	vst v47;
	v47 =	vld [tilespmem:$0x1FC30]  }
0x116: {  	v53 =	vadd.f32 v0, v3;
	v3 =	vadd.f32 v36, v39;
	_ =	sdelay $0x1  }
0x117: {  	[tilespmem:$0x1FE10] =	vst v3;
	v3 =	vadd.f32 v9, v46;
	_ =	sdelay $0x1  }
0x118: {  	[tilespmem:$0x1FE20] =	vst v3;
	v3 =	vadd.f32 v37, v47;
	v37 =	vld [tilespmem:$0x1FC40];
	_ =	sdelay $0x1  }
0x119: {  	v2 =	vmul.f32 v10, v28  }
0x11a: {  	v39 =	vld [tilespmem:$0x1FC50]  }
0x11b: {  	v15 =	vmul.f32 v10, v15;
	v4 =	vmul.f32 v10, v4;
	[tilespmem:$0x1FDA0] =	vst v13;
	v13 =	vld [tilespmem:$0x1FC90];
	v2 =	vadd.f32 v0, v2  }
0x11c: {  	v10 =	vmul.f32 v10, v26;
	v1 =	vadd.f32 v0, v1;
	[tilespmem:$0x1FE60] =	vst v3;
	v3 =	vadd.f32 v55, v37;
	v55 =	vld [tilespmem:$0x1FC80]  }
0x11d: {  	v15 =	vadd.f32 v0, v15;
	v4 =	vadd.f32 v0, v4;
	[tilespmem:$0x1FDD0] =	vst v2  }
0x11e: {  	v0 =	vadd.f32 v0, v10;
	v10 =	vmul.f32 v49, v16;
	[tilespmem:$0x1FDE0] =	vst v1;
	v2 =	vmul.f32 v49, v7  }
0x11f: {  	v1 =	vmul.f32 v49, v17;
	v36 =	vmul.f32 v49, v21;
	[tilespmem:$0x1FE70] =	vst v3;
	v3 =	vadd.f32 v38, v39  }
0x120: {  	v37 =	vmul.f32 v49, v24;
	v38 =	vmul.f32 v49, v31  }
0x121: {  	[tilespmem:$0x1FE80] =	vst v3;
	v3 =	vadd.f32 v23, v55;
	v23 =	vmul.f32 v49, v25;
	v49 =	vadd.f32 v60, v13;
	v13 =	vld [tilespmem:$0x1FCA0];
	_ =	sdelay $0x4  }
0x122: {  	v60 =	vadd.f32 v61, v13;
	v13 =	vld [tilespmem:$0x1FCB0];
	_ =	sdelay $0x1  }
0x123: {  	v47 =	vld [tilespmem:$0x1FC70];
	_ =	sdelay $0x2  }
0x124: {  	v62 =	vadd.f32 v62, v13;
	v13 =	vld [tilespmem:$0x1FCC0];
	_ =	sdelay $0x1  }
0x125: {  	v9 =	vadd.f32 v58, v47;
	v47 =	vld [tilespmem:$0x1FD20];
	_ =	sdelay $0x1  }
0x126: {  	v27 =	vld [tilespmem:$0x1FD30]  }
0x127: {  	v58 =	vadd.f32 v63, v13;
	v13 =	vld [tilespmem:$0x1FCD0]  }
0x128: {  	v46 =	vld [tilespmem:$0x1FC60]  }
0x129: {  	v26 =	vadd.f32 v54, v47;
	v47 =	vld [tilespmem:$0x1FD70];
	_ =	sdelay $0x1  }
0x12a: {  	v40 =	vadd.f32 v40, v27;
	v27 =	vld [tilespmem:$0x1FD40]  }
0x12b: {  	v56 =	vadd.f32 v56, v29;
	v29 =	vadd.f32 v22, v13;
	v13 =	vld [tilespmem:$0x1FCE0]  }
0x12c: {  	v39 =	vadd.f32 v57, v46;
	v57 =	vld [tilespmem:$0x1FCF0]  }
0x12d: {  	v47 =	vadd.f32 v42, v47;
	v42 =	vld [tilespmem:$0x1FD80]  }
0x12e: {  	[tilespmem:$0x1FE00] =	vst v0;
	v0 =	vld [tilespmem:s18+$0xFFFFFFE0]  }
0x12f: {  	v63 =	vld [tilespmem:$0x1FD00]  }
0x130: {  	v46 =	vadd.f32 v6, v13;
	v13 =	vld [tilespmem:$0x1FD10]  }
0x131: {  	v28 =	vadd.f32 v45, v57;
	v45 =	vld [tilespmem:s18+$0xFFFFFFD0]  }
0x132: {  	v27 =	vadd.f32 v32, v27;
	v32 =	vadd.f32 v19, v42;
	v42 =	vld [tilespmem:$0x1FD90]  }
0x133: {  	v10 =	vadd.f32 v34, v10  }
0x134: {  	v1 =	vadd.f32 v48, v1;
	v34 =	vadd.f32 v50, v38;
	v55 =	vmul.f32 v0, v7  }
0x135: {  	v54 =	vmul.f32 v0, v24;
	v61 =	vmul.f32 v0, v5;
	v13 =	vadd.f32 v13, v63;
	v63 =	vld [tilespmem:$0x1FD50]  }
0x136: {  	v35 =	vadd.f32 v35, v23;
	v48 =	vmul.f32 v45, v16;
	v50 =	vmul.f32 v45, v17  }
0x137: {  	v23 =	vmul.f32 v45, v21;
	v19 =	vadd.f32 v43, v42;
	v43 =	vmul.f32 v45, v7  }
0x138: {  	v20 =	vadd.f32 v20, v61;
	v61 =	vmul.f32 v45, v24;
	v42 =	vmul.f32 v45, v5  }
0x139: {  	v7 =	vadd.f32 v33, v36;
	v4 =	vadd.f32 v4, v43;
	v43 =	vld [tilespmem:$0x1FDB0];
	v6 =	vmul.f32 v0, v21  }
0x13a: {  	v36 =	vadd.f32 v14, v54;
	v14 =	vmul.f32 v45, v31;
	v63 =	vadd.f32 v30, v63;
	v30 =	vld [tilespmem:$0x1FD60]  }
0x13b: {  	v6 =	vadd.f32 v12, v6;
	v12 =	vadd.f32 v15, v42;
	v15 =	vmul.f32 v45, v25;
	v45 =	vld [tilespmem:$0x1FDC0]  }
0x13c: {  	v42 =	vld [tilespmem:$0x1FDA0];
	_ =	sdelay $0x1  }
0x13d: {  	v57 =	vmul.f32 v0, v17;
	v8 =	vadd.f32 v8, v55;
	v55 =	vld [tilespmem:$0x1FE50];
	v22 =	vmul.f32 v0, v16  }
0x13e: {  	v54 =	vld [tilespmem:$0x1FE40];
	v30 =	vadd.f32 v41, v30;
	v41 =	vmul.f32 v0, v31;
	v0 =	vmul.f32 v0, v25  }
0x13f: {  	v22 =	vadd.f32 v51, v22;
	v51 =	vld [tilespmem:$0x1FDE0];
	v4 =	vmin.f32 v45, v4;
	v25 =	vmovc v9;
	v9 =	vadd.f32 v52, v48  }
0x140: {  	v48 =	vadd.f32 v53, v50;
	v50 =	vld [tilespmem:$0x1FDD0];
	v38 =	vadd.f32 v42, v0;
	v0 =	vmin.f32 v43, v12  }
0x141: {  	v4 =	vmin.f32 v4, v8;
	v8 =	vld [tilespmem:$0x1FDF0];
	v0 =	vmin.f32 v0, v20  }
0x142: {  	v2 =	vadd.f32 v44, v2;
	v52 =	vld [tilespmem:$0x1FE20];
	v0 =	vmin.f32 v0, v19  }
0x143: {  	v0 =	vmin.f32 v0, v13;
	v13 =	vld [tilespmem:$0x1FE10]  }
0x144: {  	v11 =	vadd.f32 v11, v57;
	v2 =	vmin.f32 v4, v2;
	v53 =	vld [tilespmem:$0x1FE30]  }
0x145: {  	v33 =	vadd.f32 v18, v37;
	v2 =	vmin.f32 v2, v26;
	v5 =	vadd.f32 v50, v23  }
0x146: {  	v4 =	vadd.f32 v51, v61;
	v2 =	vmin.f32 v2, v60;
	v8 =	vadd.f32 v8, v14  }
0x147: {  	v24 =	vmovc v3;
	v61 =	vld [tilespmem:$0x1FE90];
	v37 =	vadd.f32 v59, v41;
	v0 =	vmin.f32 v0, v49;
	v3 =	vmin.f32 v55, v5  }
0x148: {  	v60 =	vld [tilespmem:$0x1FE80];
	v14 =	vmin.f32 v0, v13;
	v13 =	vmin.f32 v2, v52;
	v2 =	vmin.f32 v54, v48  }
0x149: {  	v12 =	vld [tilespmem:$0x1FE00];
	v3 =	vmin.f32 v3, v6;
	v0 =	vmin.f32 v53, v9;
	v2 =	vmin.f32 v2, v11  }
0x14a: {  	v59 =	vld [tilespmem:$0x1FE70];
	v57 =	vmin.f32 v3, v7;
	v0 =	vmin.f32 v0, v22;
	v1 =	vmin.f32 v2, v1  }
0x14b: {  	v0 =	vmin.f32 v0, v10;
	v2 =	vmin.f32 v57, v63;
	v63 =	vld [tilespmem:$0x1FEB0];
	v1 =	vmin.f32 v1, v27  }
0x14c: {  	s17 =	sadd.s32 $0x6, s17;
	v0 =	vmin.f32 v0, v40;
	v1 =	vmin.f32 v1, v58;
	v58 =	vld [tilespmem:$0x1FE60]  }
0x14d: {  	p0 =	slt.u32 s17, $0x162;
	v0 =	vmin.f32 v0, v62;
	v62 =	vld [tilespmem:$0x1FEA0]  }
.Ltmp1:
0x14e: {  	_ = 	snop;
	(pc) =	sbr.rel @p0 .LBB2_4-.Ltmp1, $4  }
0x14f: {  	_ = 	snop  }
0x150: {  	v12 =	vadd.f32 v12, v15;
	v2 =	vmin.f32 v2, v56  }
0x151: {  	v26 =	vmovc v39;
	v21 =	vmin.f32 v61, v4;
	v11 =	vmin.f32 v2, v60;
	v9 =	vmin.f32 v1, v59  }
0x152: {  	s18 =	sadd.s32 $0x60, s18;
	v27 =	vmovc v46;
	v23 =	vmin.f32 v63, v12;
	v10 =	vmin.f32 v0, v58;
	v22 =	vmin.f32 v62, v8  }
0x153: {  	v3 =	vld [tilespmem:$0x1FEC0]  }
0x154: {  	v4 =	vld [tilespmem:$0x1FF70]  }
0x155: {  	v5 =	vld [tilespmem:$0x1FED0]  }
0x156: {  	v6 =	vld [tilespmem:$0x1FF80]  }
0x157: {  	v49 =	vld [tilespmem:$0x1FEE0]  }
0x158: {  	v7 =	vld [tilespmem:$0x1FF90]  }
0x159: {  	v50 =	vld [tilespmem:$0x1FEF0]  }
0x15a: {  	v8 =	vld [tilespmem:$0x1FFA0]  }
0x15b: {  	v0 =	vmin.f32 v21, v36;
	v1 =	vmin.f32 v22, v37;
	v51 =	vld [tilespmem:$0x1FF00]  }
0x15c: {  	v2 =	vmin.f32 v23, v38;
	v52 =	vld [tilespmem:$0x1FFB0];
	v0 =	vmin.f32 v0, v33;
	v1 =	vmin.f32 v1, v34  }
0x15d: {  	v53 =	vld [tilespmem:$0x1FF10];
	v2 =	vmin.f32 v2, v35;
	v0 =	vmin.f32 v0, v30;
	v1 =	vmin.f32 v1, v47  }
0x15e: {  	v54 =	vld [tilespmem:$0x1FFC0];
	v2 =	vmin.f32 v2, v32;
	v3 =	vmul.f32 v3, v3;
	v4 =	vmul.f32 v4, v4  }
0x15f: {  	v56 =	vld [tilespmem:$0x1FF20];
	v0 =	vmin.f32 v0, v29;
	v5 =	vmul.f32 v5, v5;
	v6 =	vmul.f32 v6, v6  }
0x160: {  	v57 =	vld [tilespmem:$0x1FFE0];
	v7 =	vmul.f32 v7, v7;
	v3 =	vadd.f32 v4, v3;
	v4 =	vmul.f32 v49, v49  }
0x161: {  	v59 =	vld [tilespmem:$0x1FF30];
	v8 =	vmul.f32 v8, v8;
	v5 =	vadd.f32 v6, v5;
	v6 =	vmul.f32 v50, v50  }
0x162: {  	v60 =	vld [tilespmem:$0x1FFF0];
	v1 =	vmin.f32 v1, v27;
	v3 =	vadd.f32 v14, v3;
	v4 =	vadd.f32 v7, v4  }
0x163: {  	v2 =	vmin.f32 v2, v28;
	v5 =	vadd.f32 v13, v5;
	v6 =	vadd.f32 v8, v6  }
0x164: {  	v7 =	vmul.f32 v51, v51;
	v8 =	vmul.f32 v52, v52;
	v4 =	vadd.f32 v10, v4  }
0x165: {  	v6 =	vadd.f32 v9, v6;
	v9 =	vmul.f32 v53, v53;
	v10 =	vmul.f32 v54, v54  }
0x166: {  	[tilespmem:$0x4980] =	vst v3;
	v55 =	vadd.f32 v8, v7;
	v7 =	vmul.f32 v56, v56;
	v8 =	vmul.f32 v57, v57  }
0x167: {  	[tilespmem:$0x4990] =	vst v5;
	v58 =	vadd.f32 v10, v9;
	v9 =	vmul.f32 v59, v59;
	v10 =	vmul.f32 v60, v60  }
0x168: {  	v0 =	vmin.f32 v0, v26;
	[tilespmem:$0x49A0] =	vst v4;
	v3 =	vadd.f32 v11, v55;
	v61 =	vadd.f32 v8, v7  }
0x169: {  	v1 =	vmin.f32 v1, v25;
	[tilespmem:$0x49B0] =	vst v6;
	v0 =	vadd.f32 v0, v58;
	v62 =	vadd.f32 v10, v9  }
0x16a: {  	v2 =	vmin.f32 v2, v24;
	[tilespmem:$0x49C0] =	vst v3;
	v1 =	vadd.f32 v1, v61  }
0x16b: {  	s14 =	sadd.s32 $0x1, s14;
	[tilespmem:$0x49D0] =	vst v0;
	v63 =	vadd.f32 v2, v62  }
0x16c: {  	p0 =	sne.s32 s14, s7;
	[tilespmem:$0x49E0] =	vst v1  }
.Ltmp2:
0x16d: {  	[tilespmem:$0x49F0] =	vst v63;
	(pc) =	sbr.rel @p0 .LBB2_1-.Ltmp2, $4  }
0x16e: {  	[hbm4b:s6+s2] =	stream.linear.scatter [tilespmem:s13], [sflag:$0x1], $0x80, $0x38;
	[tilespmem:$0x4A00] =	vst v63  }
0x16f: {  	_ =	swait.ge [sflag:s11], $0x80  }
0x170: {  	[sflag:s11] =	ssyncset.done $0x0  }
0x171: {  	[sflag:s11] =	ssyncadd.s32 $0xFFFFFF80  }
0x172: {  	_ =	sfence.sel $0x180000  }
0x173: {  	[bflag:$0x0] =	sbarrier.arrive $0xFFFF  }
0x174: {  	p0 =	sne.s32 s0, $0x0;
	_ =	strace $0x90000047  }
0x175: {  	s0 =	sadd.s32 @!p0 $0x100000, s1;
	[bflag:$0x2] =	sbarrier.arrive $0xFFFF  }
0x176: {  	[sflag:s0] =	ssyncadd.tile.s32 @!p0 $0x1;
	_ =	shalt  }
.Lfunc_end2:
_tile_overlayer_lowered:
.L_overlay_start_2:
0x177: {  	(tag) =	ssettag $0x2  }
0x178: {  	s0 =	rddreg [dreg:$0x0];
	s2 =	stileid.u32  }
0x179: {  	s1 =	rddreg [dreg:$0x1];
	p0 =	sne.s32 s2, $0x0  }
0x17a: {  	s3 =	rddreg [dreg:$0x2];
	[bflag:$0x3] =	sbarrier.arrive $0xFFFF;
	s2 =	simm.s32 @!p0 $0x1C01  }
0x17b: {  	[timem:s3], [sflag:s2] =	dma.local @!p0 [hbm:s0], s1  }
0x17c: {  	s0 =	simm.s32 @!p0 $0x1  }
0x17d: {  	_ =	swait.ge @!p0 [sflag:s0], s1  }
0x17e: {  	s1 =	ssub.s32 @!p0 $0x0, s1;
	[sflag:s0] =	ssyncset.done @!p0 $0x0  }
0x17f: {  	[sflag:s0] =	ssyncadd.s32 @!p0 s1  }
0x180: {  	[bflag:$0x3] =	sbarrier.arrive $0xFFFF  }
0x181: {  	_ =	shalt  }

</sc_bundles>
